<compile_context>
chip_gen: v7x
topology: tpu7x:2x2x1
jax: 0.10.2.dev20260603
libtpu: 0.0.44.dev20260713+nightly
codegen_flags: <defaults>
</compile_context>

<pallas_src>
import jax
import jax.numpy as jnp
from jax import lax
from jax.experimental import pallas as pl
from jax.experimental.pallas import tpu as pltpu
from jax.experimental.pallas import tpu_sc as plsc

N = 100000
C = 128
S = 512
NW = 32
CHUNK = 3136
NCH = CHUNK // 16
TROWS_A = 224
TILES_A = CHUNK // TROWS_A
TROWS_B = 376
XROWS = 384
SEG_W = S // NW
NEG = -1e30

_mesh = plsc.VectorSubcoreMesh(core_axis_name="c", subcore_axis_name="s")
_params = pltpu.CompilerParams(needs_layout_passes=False)


def _worker_id():
    return lax.axis_index("s") * 2 + lax.axis_index("c")


def _sget(ref, i):
    return ref[pl.ds(i, 16)][0]


def _sc_a_body(x_hbm, w_hbm, b_hbm, scores_hbm, mw_hbm, lw_hbm, cw_hbm,
               xb0, xb1, wv, batg, sc, sc2, m2, l2, c2, bp, m1, l1, c1,
               sem0, sem1):
    wid = _worker_id()
    lo = wid * CHUNK
    base = pl.multiple_of(jnp.minimum(lo, N - CHUNK), 8)
    lo_local = lo - base
    lanes = lax.iota(jnp.int32, 16)

    pltpu.sync_copy(b_hbm.at[pl.ds(base, CHUNK)], batg.at[pl.ds(16, CHUNK)])
    pltpu.sync_copy(w_hbm, wv)

    neg16 = jnp.full((16,), NEG, jnp.float32)
    zero16 = jnp.zeros((16,), jnp.float32)

    def init_body(k, _):
        m2[pl.ds(16 * k, 16)] = neg16
        l2[pl.ds(16 * k, 16)] = zero16
        c2[pl.ds(16 * k, 16)] = zero16
        return 0
    lax.fori_loop(0, S, init_body, 0)

    wvs = [wv[pl.ds(16 * k, 16)] for k in range(8)]
    bufs = (xb0, xb1)
    sems = (sem0, sem1)
    hs = [None, None]
    hs[0] = pltpu.async_copy(x_hbm.at[pl.ds(base, TROWS_A)], xb0, sem0)
    for t in range(TILES_A):
        xb = bufs[t % 2]
        if t + 1 < TILES_A:
            hs[(t + 1) % 2] = pltpu.async_copy(
                x_hbm.at[pl.ds(base + (t + 1) * TROWS_A, TROWS_A)],
                bufs[(t + 1) % 2], sems[(t + 1) % 2])
        hs[t % 2].wait()

        def row_body(r, _):
            acc = xb[r, pl.ds(0, 16)] * wvs[0]
            for k in range(1, 8):
                acc = acc + xb[r, pl.ds(16 * k, 16)] * wvs[k]
            sc2[pl.ds(16 * r, 16)] = plsc.cumsum(acc)
            return 0
        lax.fori_loop(0, TROWS_A, row_body, 0)

        def cg_body(g, _):
            v = plsc.load_gather(sc2, [(g * 16 + lanes) * 16 + 15])
            sc[pl.ds(t * TROWS_A + g * 16, 16)] = v
            return 0
        lax.fori_loop(0, TROWS_A // 16, cg_body, 0)

    pltpu.sync_copy(sc, scores_hbm.at[pl.ds(base, CHUNK)])

    def bd_body(i, cursor):
        pos = 16 * i + lanes
        ids = plsc.load_gather(batg, [pos + 16])
        prev = plsc.load_gather(batg, [pos + 15])
        ne = ids != prev
        first = pos == lo_local
        valid = pos >= lo_local
        bmask = valid & (ne | first)
        inc = plsc.cumsum(bmask.astype(jnp.int32))
        tgt = cursor + inc - 1
        plsc.store_scatter(bp, [tgt], pos, mask=bmask)
        return cursor + jnp.sum(bmask.astype(jnp.int32))
    nruns = lax.fori_loop(0, NCH, bd_body, jnp.int32(0))
    plsc.store_scatter(bp, [jnp.full((16,), nruns, jnp.int32)],
                       jnp.full((16,), CHUNK, jnp.int32),
                       mask=lanes == 0)

    def run_body(r, _):
        p0 = _sget(bp, r)
        p1 = _sget(bp, r + 1)
        seg = _sget(batg, p0 + 16)
        g0 = p0 // 16
        g1 = (p1 + 15) // 16

        def mx_body(g, mv):
            v = sc[pl.ds(16 * g, 16)]
            p = 16 * g + lanes
            msk = (p >= p0) & (p < p1)
            return jnp.maximum(mv, jnp.where(msk, v, NEG))
        mv = lax.fori_loop(g0, g1, mx_body, jnp.full((16,), NEG, jnp.float32))
        msp = jnp.broadcast_to(jnp.max(mv), (16,))

        def sm_body(g, sv):
            v = sc[pl.ds(16 * g, 16)]
            p = 16 * g + lanes
            msk = (p >= p0) & (p < p1)
            return sv + jnp.where(msk, jnp.exp(v - msp), 0.0)
        sv = lax.fori_loop(g0, g1, sm_body, jnp.zeros((16,), jnp.float32))
        ssum = jnp.sum(sv)

        m2[pl.ds(seg * 16, 16)] = msp
        l2[pl.ds(seg * 16, 16)] = jnp.broadcast_to(ssum, (16,))
        c2[pl.ds(seg * 16, 16)] = jnp.broadcast_to(
            (p1 - p0).astype(jnp.float32), (16,))
        return 0
    lax.fori_loop(0, nruns, run_body, 0)

    def cpk_body(k, _):
        rows = (16 * k + lanes) * 16
        m1[pl.ds(16 * k, 16)] = plsc.load_gather(m2, [rows])
        l1[pl.ds(16 * k, 16)] = plsc.load_gather(l2, [rows])
        c1[pl.ds(16 * k, 16)] = plsc.load_gather(c2, [rows])
        return 0
    lax.fori_loop(0, S // 16, cpk_body, 0)

    off = pl.multiple_of(wid * S, 8)
    pltpu.sync_copy(m1, mw_hbm.at[pl.ds(off, S)])
    pltpu.sync_copy(l1, lw_hbm.at[pl.ds(off, S)])
    pltpu.sync_copy(c1, cw_hbm.at[pl.ds(off, S)])


def _sc_b_body(x_hbm, b_hbm, scores_hbm, mw_hbm, lw_hbm, cw_hbm,
               attn_hbm, ro_hbm,
               mslab, lslab, cslab, mg, li, offs,
               bat, scb, attnb, xb, batb3, scb3, eb, stage,
               semb0, semb1, semb2):
    wid = _worker_id()
    lanes = lax.iota(jnp.int32, 16)

    h1 = pltpu.async_copy(mw_hbm, mslab, semb0)
    h2 = pltpu.async_copy(lw_hbm, lslab, semb1)
    h3 = pltpu.async_copy(cw_hbm, cslab, semb2)
    h1.wait()
    h2.wait()
    h3.wait()

    def comb_body(k, carry):
        m = jnp.full((16,), NEG, jnp.float32)
        for w in range(NW):
            m = jnp.maximum(m, mslab[pl.ds(w * S + 16 * k, 16)])
        l = jnp.zeros((16,), jnp.float32)
        for w in range(NW):
            l = l + (lslab[pl.ds(w * S + 16 * k, 16)]
                     * jnp.exp(mslab[pl.ds(w * S + 16 * k, 16)] - m))
        cnt = jnp.zeros((16,), jnp.float32)
        for w in range(NW):
            cnt = cnt + cslab[pl.ds(w * S + 16 * k, 16)]
        mg[pl.ds(16 * k, 16)] = m
        li[pl.ds(16 * k, 16)] = jnp.where(l > 0.0, 1.0 / l, 0.0)
        cs = plsc.cumsum(cnt)
        excl = cs - cnt + jnp.broadcast_to(carry, (16,))
        offs[pl.ds(16 * k, 16)] = excl.astype(jnp.int32)
        return carry + jnp.sum(cnt)
    total = lax.fori_loop(0, S // 16, comb_body, jnp.float32(0.0))
    plsc.store_scatter(offs, [jnp.full((16,), S, jnp.int32)],
                       jnp.broadcast_to(total.astype(jnp.int32), (16,)),
                       mask=lanes == 0)

    lo = wid * CHUNK
    base = pl.multiple_of(jnp.minimum(lo, N - CHUNK), 8)
    h1 = pltpu.async_copy(b_hbm.at[pl.ds(base, CHUNK)], bat, semb0)
    h2 = pltpu.async_copy(scores_hbm.at[pl.ds(base, CHUNK)], scb, semb1)
    h1.wait()
    h2.wait()

    def at_body(i, _):
        b = bat[pl.ds(16 * i, 16)]
        s = scb[pl.ds(16 * i, 16)]
        m = plsc.load_gather(mg, [b])
        v = plsc.load_gather(li, [b])
        attnb[pl.ds(16 * i, 16)] = jnp.exp(s - m) * v
        return 0
    lax.fori_loop(0, NCH, at_body, 0)
    pltpu.sync_copy(attnb, attn_hbm.at[pl.ds(base, CHUNK)])

    s0 = wid * SEG_W
    zero16 = jnp.zeros((16,), jnp.float32)
    zacc = tuple(jnp.zeros((16,), jnp.float32) for _ in range(8))

    def seg_body(si, _):
        seg = s0 + si
        r0 = _sget(offs, seg)
        r1 = _sget(offs, seg + 1)
        nt = (r1 - r0 + TROWS_B - 1) // TROWS_B

        def t_body(t, accs):
            tstart = r0 + t * TROWS_B
            tsc = pl.multiple_of(
                jnp.minimum((tstart // 8) * 8, N - XROWS), 8)
            sh = tstart - tsc
            g1 = pltpu.async_copy(x_hbm.at[pl.ds(tsc, XROWS)], xb, semb0)
            g2 = pltpu.async_copy(b_hbm.at[pl.ds(tsc, XROWS)],
                                  batb3.at[pl.ds(0, XROWS)], semb1)
            g3 = pltpu.async_copy(scores_hbm.at[pl.ds(tsc, XROWS)],
                                  scb3.at[pl.ds(0, XROWS)], semb2)
            g1.wait()
            g2.wait()
            g3.wait()

            def e_body(k, _):
                b = jnp.clip(batb3[pl.ds(16 * k, 16)], 0, S - 1)
                s = scb3[pl.ds(16 * k, 16)]
                m = plsc.load_gather(mg, [b])
                v = plsc.load_gather(li, [b])
                eb[pl.ds(16 * k, 16)] = jnp.exp(s - m) * v
                return 0
            lax.fori_loop(0, (XROWS + 15) // 16, e_body, 0)

            nrows = jnp.minimum(TROWS_B, r1 - tstart)

            def r_body(rr, a):
                xr = rr + sh
                e = jnp.broadcast_to(_sget(eb, xr), (16,))
                return tuple(a[k] + e * xb[xr, pl.ds(16 * k, 16)]
                             for k in range(8))
            return lax.fori_loop(0, nrows, r_body, accs)

        accs = lax.fori_loop(0, nt, t_body, zacc)
        for k in range(8):
            stage[si, pl.ds(16 * k, 16)] = accs[k]
        return 0
    lax.fori_loop(0, SEG_W, seg_body, 0)

    pltpu.sync_copy(stage, ro_hbm.at[pl.ds(pl.multiple_of(s0, 8), SEG_W)])


_sc_a = pl.kernel(
    _sc_a_body,
    out_type=[
        jax.ShapeDtypeStruct((N,), jnp.float32),
        jax.ShapeDtypeStruct((NW * S,), jnp.float32),
        jax.ShapeDtypeStruct((NW * S,), jnp.float32),
        jax.ShapeDtypeStruct((NW * S,), jnp.float32),
    ],
    mesh=_mesh,
    scratch_types=[
        pltpu.VMEM((TROWS_A, C), jnp.float32),
        pltpu.VMEM((TROWS_A, C), jnp.float32),
        pltpu.VMEM((C,), jnp.float32),
        pltpu.VMEM((CHUNK + 32,), jnp.int32),
        pltpu.VMEM((CHUNK,), jnp.float32),
        pltpu.VMEM((TROWS_A * 16,), jnp.float32),
        pltpu.VMEM((S * 16,), jnp.float32),
        pltpu.VMEM((S * 16,), jnp.float32),
        pltpu.VMEM((S * 16,), jnp.float32),
        pltpu.VMEM((S + 32,), jnp.int32),
        pltpu.VMEM((S,), jnp.float32),
        pltpu.VMEM((S,), jnp.float32),
        pltpu.VMEM((S,), jnp.float32),
        pltpu.SemaphoreType.DMA,
        pltpu.SemaphoreType.DMA,
    ],
    compiler_params=_params,
)

_sc_b = pl.kernel(
    _sc_b_body,
    out_type=[
        jax.ShapeDtypeStruct((N,), jnp.float32),
        jax.ShapeDtypeStruct((S, C), jnp.float32),
    ],
    mesh=_mesh,
    scratch_types=[
        pltpu.VMEM((NW * S,), jnp.float32),
        pltpu.VMEM((NW * S,), jnp.float32),
        pltpu.VMEM((NW * S,), jnp.float32),
        pltpu.VMEM((S,), jnp.float32),
        pltpu.VMEM((S + 16,), jnp.float32),
        pltpu.VMEM((S + 16,), jnp.int32),
        pltpu.VMEM((CHUNK,), jnp.int32),
        pltpu.VMEM((CHUNK,), jnp.float32),
        pltpu.VMEM((CHUNK,), jnp.float32),
        pltpu.VMEM((XROWS, C), jnp.float32),
        pltpu.VMEM((XROWS + 16,), jnp.int32),
        pltpu.VMEM((XROWS + 16,), jnp.float32),
        pltpu.VMEM((XROWS + 16,), jnp.float32),
        pltpu.VMEM((SEG_W, C), jnp.float32),
        pltpu.SemaphoreType.DMA,
        pltpu.SemaphoreType.DMA,
        pltpu.SemaphoreType.DMA,
    ],
    compiler_params=_params,
)


def kernel(x, W_a, batch):
    b32 = batch.astype(jnp.int32)
    w1 = W_a.reshape(C)
    scores, mw, lw, cw = _sc_a(x, w1, b32)
    attn, ro = _sc_b(x, b32, scores, mw, lw, cw)
    return ro, attn

# --- scband reference (transcript-rebuilt; emitter-appended) ---
"""Pipeline reference for scband-location-based-attention-readout-53798760350122 (READ-ONLY COPY).

The authoritative reference and input builder live on the scoring server;
editing this copy changes nothing except your own understanding.
"""

import jax, jax.numpy as jnp
import numpy as np

NUM_SEGMENTS = 512
IN_CHANNELS = 128
N_NODES = 100000

def setup_inputs(seed: int = 0) -> dict:
    key = jax.random.key(seed)
    k1, k2, k3 = jax.random.split(key, 3)
    x = jax.random.normal(k1, (N_NODES, IN_CHANNELS), dtype=jnp.float32)
    batch = jnp.sort(jax.random.randint(k2, (N_NODES,), 0, NUM_SEGMENTS, dtype=jnp.int64))
    # xavier_uniform for W_a of shape (in_channels, 1)
    bound = float(np.sqrt(6.0 / (IN_CHANNELS + 1)))
    W_a = jax.random.uniform(k3, (IN_CHANNELS, 1), minval=-bound, maxval=bound, dtype=jnp.float32)
    return {"x": x, "W_a": W_a, "batch": batch}

def reference(x, W_a, batch):
    # importance score per node
    importance_score = jnp.matmul(x, W_a).squeeze(-1)  # [N]
    # scatter_softmax over segments
    seg_max = jax.ops.segment_max(importance_score, batch, num_segments=NUM_SEGMENTS)
    shifted = importance_score - seg_max[batch]
    exp_score = jnp.exp(shifted)
    seg_sum = jax.ops.segment_sum(exp_score, batch, num_segments=NUM_SEGMENTS)
    attn_score = exp_score / seg_sum[batch]
    # weighted sum readout per segment
    x_weighted = x * attn_score[:, None]
    readout = jax.ops.segment_sum(x_weighted, batch, num_segments=NUM_SEGMENTS)
    return (readout, attn_score)

if __name__ == "__main__":
    import jax
    _d = setup_inputs()
    print(jax.jit(kernel)(*tuple(_d.values())))

</pallas_src>

<mosaic_0001>
#map = affine_map<(d0, d1) -> (0, 0)>
#map1 = affine_map<(d0, d1) -> (0)>
module attributes {stable_mosaic.version = 14 : i64} {
  func.func @_sc_a_body(%arg0: i32, %arg1: i32, %arg2: memref<100000x128xf32, #tpu.memory_space<hbm>>, %arg3: memref<128xf32, #tpu.memory_space<hbm>>, %arg4: memref<100000xi32, #tpu.memory_space<hbm>>, %arg5: memref<100000xf32, #tpu.memory_space<hbm>>, %arg6: memref<16384xf32, #tpu.memory_space<hbm>>, %arg7: memref<16384xf32, #tpu.memory_space<hbm>>, %arg8: memref<16384xf32, #tpu.memory_space<hbm>>, %arg9: memref<224x128xf32, #tpu.memory_space<vmem>>, %arg10: memref<224x128xf32, #tpu.memory_space<vmem>>, %arg11: memref<128xf32, #tpu.memory_space<vmem>>, %arg12: memref<3168xi32, #tpu.memory_space<vmem>>, %arg13: memref<3136xf32, #tpu.memory_space<vmem>>, %arg14: memref<3584xf32, #tpu.memory_space<vmem>>, %arg15: memref<8192xf32, #tpu.memory_space<vmem>>, %arg16: memref<8192xf32, #tpu.memory_space<vmem>>, %arg17: memref<8192xf32, #tpu.memory_space<vmem>>, %arg18: memref<544xi32, #tpu.memory_space<vmem>>, %arg19: memref<512xf32, #tpu.memory_space<vmem>>, %arg20: memref<512xf32, #tpu.memory_space<vmem>>, %arg21: memref<512xf32, #tpu.memory_space<vmem>>, %arg22: memref<!tpu.dma_semaphore, #tpu.memory_space<semaphore_mem>>, %arg23: memref<!tpu.dma_semaphore, #tpu.memory_space<semaphore_mem>>) attributes {dimension_semantics = [#tpu.dimension_semantics<core_parallel>, #tpu.dimension_semantics<subcore_parallel>], iteration_bounds = array<i64: 2, 16>, scalar_prefetch = 0 : i64, scratch_operands = 15 : i64, tpu.core_type = #tpu.core_type<sc_vector_subcore>, window_params = [{transform_indices = #map}, {transform_indices = #map1}, {transform_indices = #map1}, {transform_indices = #map1}, {transform_indices = #map1}, {transform_indices = #map1}, {transform_indices = #map1}]} {
    %mul3A = arith.constant 2 : i32
    %mul3A_0 = arith.muli %arg1, %mul3A : i32
    %add3A = arith.addi %mul3A_0, %arg0 : i32
    %mul3A_1 = arith.constant 3136 : i32
    %mul3A_2 = arith.muli %add3A, %mul3A_1 : i32
    %min3A = arith.constant 96864 : i32
    %min3A_3 = arith.minsi %mul3A_2, %min3A : i32
    %multiple_of3A = tpu.assume_multiple %min3A_3, 8 : i32
    %sub3A = arith.subi %mul3A_2, %multiple_of3A : i32
    %iota3A = tpu.iota {dimensions = array<i32: 0>} : vector<16xi32>
    "tpu.region"() ({
      %run_scoped3A = tpu.sem_alloc : memref<!tpu.dma_semaphore, #tpu.memory_space<semaphore_mem>>
      %dma_start3A_393 = arith.constant 16 : i32
      %dma_start3A_394 = tpu.memref_slice %arg12[%dma_start3A_393] : memref<3168xi32, #tpu.memory_space<vmem>> -> memref<3136xi32, #tpu.memory_space<vmem>>
      %dma_start3A_395 = tpu.memref_slice %arg4[%multiple_of3A] : memref<100000xi32, #tpu.memory_space<hbm>> -> memref<3136xi32, #tpu.memory_space<hbm>>
      %dma_start3A_396 = arith.constant 16 : i32
      %dma_start3A_397 = tpu.memref_slice %arg12[%dma_start3A_396] : memref<3168xi32, #tpu.memory_space<vmem>> -> memref<3136xi32, #tpu.memory_space<vmem>>
      %dma_start3A_398 = tpu.memref_slice %arg4[%multiple_of3A] : memref<100000xi32, #tpu.memory_space<hbm>> -> memref<3136xi32, #tpu.memory_space<hbm>>
      tpu.enqueue_dma source(%dma_start3A_398 : memref<3136xi32, #tpu.memory_space<hbm>>) target(%dma_start3A_397 : memref<3136xi32, #tpu.memory_space<vmem>>) target_semaphore(%run_scoped3A : memref<!tpu.dma_semaphore, #tpu.memory_space<semaphore_mem>>)
      %dma_wait3A_399 = arith.constant 16 : i32
      %dma_wait3A_400 = tpu.memref_slice %arg12[%dma_wait3A_399] : memref<3168xi32, #tpu.memory_space<vmem>> -> memref<3136xi32, #tpu.memory_space<vmem>>
      %dma_wait3A_401 = tpu.memref_slice %arg4[%multiple_of3A] : memref<100000xi32, #tpu.memory_space<hbm>> -> memref<3136xi32, #tpu.memory_space<hbm>>
      %dma_wait3A_402 = arith.constant 16 : i32
      %dma_wait3A_403 = tpu.memref_slice %arg12[%dma_wait3A_402] : memref<3168xi32, #tpu.memory_space<vmem>> -> memref<3136xi32, #tpu.memory_space<vmem>>
      %dma_wait3A_404 = tpu.memref_slice %arg4[%multiple_of3A] : memref<100000xi32, #tpu.memory_space<hbm>> -> memref<3136xi32, #tpu.memory_space<hbm>>
      tpu.wait_dma2 semaphore(%run_scoped3A : memref<!tpu.dma_semaphore, #tpu.memory_space<semaphore_mem>>) src(%dma_wait3A_404 : memref<3136xi32, #tpu.memory_space<hbm>>) dst(%dma_wait3A_403 : memref<3136xi32, #tpu.memory_space<vmem>>)
      tpu.yield
    }) : () -> ()
    "tpu.region"() ({
      %run_scoped3A = tpu.sem_alloc : memref<!tpu.dma_semaphore, #tpu.memory_space<semaphore_mem>>
      tpu.enqueue_dma source(%arg3 : memref<128xf32, #tpu.memory_space<hbm>>) target(%arg11 : memref<128xf32, #tpu.memory_space<vmem>>) target_semaphore(%run_scoped3A : memref<!tpu.dma_semaphore, #tpu.memory_space<semaphore_mem>>)
      tpu.wait_dma2 semaphore(%run_scoped3A : memref<!tpu.dma_semaphore, #tpu.memory_space<semaphore_mem>>) src(%arg3 : memref<128xf32, #tpu.memory_space<hbm>>) dst(%arg11 : memref<128xf32, #tpu.memory_space<vmem>>)
      tpu.yield
    }) : () -> ()
    %broadcast_in_dim3A = arith.constant -1.000000e+30 : f32
    %broadcast_in_dim3A_4 = vector.broadcast %broadcast_in_dim3A : f32 to vector<16xf32>
    %broadcast_in_dim3A_5 = arith.constant 0.000000e+00 : f32
    %broadcast_in_dim3A_6 = vector.broadcast %broadcast_in_dim3A_5 : f32 to vector<16xf32>
    %scan3A = arith.constant 0 : i32
    %scan3A_7 = arith.constant 0 : i32
    %scan3A_8 = arith.constant 512 : i32
    %scan3A_9 = arith.addi %scan3A_7, %scan3A_8 : i32
    %scan3A_10 = arith.constant 1 : i32
    %scan3A_11 = scf.for %scan3A_393 = %scan3A_7 to %scan3A_9 step %scan3A_10 iter_args(%scan3A_394 = %scan3A) -> (i32)  : i32 {
      %mul3A_395 = arith.constant 16 : i32
      %mul3A_396 = arith.muli %mul3A_395, %scan3A_393 : i32
      %swap3A = arith.index_cast %mul3A_396 : i32 to index
      %swap3A_397 = tpu.vector_load %arg15[%swap3A] {strides = array<i32>} : memref<8192xf32, #tpu.memory_space<vmem>>, vector<16xf32>,
      tpu.vector_store %arg15[%swap3A], %broadcast_in_dim3A_4 {strides = array<i32>} : memref<8192xf32, #tpu.memory_space<vmem>>, vector<16xf32>,
      %mul3A_398 = arith.constant 16 : i32
      %mul3A_399 = arith.muli %mul3A_398, %scan3A_393 : i32
      %swap3A_400 = arith.index_cast %mul3A_399 : i32 to index
      %swap3A_401 = tpu.vector_load %arg16[%swap3A_400] {strides = array<i32>} : memref<8192xf32, #tpu.memory_space<vmem>>, vector<16xf32>,
      tpu.vector_store %arg16[%swap3A_400], %broadcast_in_dim3A_6 {strides = array<i32>} : memref<8192xf32, #tpu.memory_space<vmem>>, vector<16xf32>,
      %mul3A_402 = arith.constant 16 : i32
      %mul3A_403 = arith.muli %mul3A_402, %scan3A_393 : i32
      %swap3A_404 = arith.index_cast %mul3A_403 : i32 to index
      %swap3A_405 = tpu.vector_load %arg17[%swap3A_404] {strides = array<i32>} : memref<8192xf32, #tpu.memory_space<vmem>>, vector<16xf32>,
      tpu.vector_store %arg17[%swap3A_404], %broadcast_in_dim3A_6 {strides = array<i32>} : memref<8192xf32, #tpu.memory_space<vmem>>, vector<16xf32>,
      %scan3A_406 = arith.constant 0 : i32
      scf.yield %scan3A_406 : i32
    }
    %scan3A_12 = arith.constant 512 : i32
    %get3A = arith.constant 0 : index
    %get3A_13 = tpu.vector_load %arg11[%get3A] {strides = array<i32>} : memref<128xf32, #tpu.memory_space<vmem>>, vector<16xf32>,
    %get3A_14 = arith.constant 16 : index
    %get3A_15 = tpu.vector_load %arg11[%get3A_14] {strides = array<i32>} : memref<128xf32, #tpu.memory_space<vmem>>, vector<16xf32>,
    %get3A_16 = arith.constant 32 : index
    %get3A_17 = tpu.vector_load %arg11[%get3A_16] {strides = array<i32>} : memref<128xf32, #tpu.memory_space<vmem>>, vector<16xf32>,
    %get3A_18 = arith.constant 48 : index
    %get3A_19 = tpu.vector_load %arg11[%get3A_18] {strides = array<i32>} : memref<128xf32, #tpu.memory_space<vmem>>, vector<16xf32>,
    %get3A_20 = arith.constant 64 : index
    %get3A_21 = tpu.vector_load %arg11[%get3A_20] {strides = array<i32>} : memref<128xf32, #tpu.memory_space<vmem>>, vector<16xf32>,
    %get3A_22 = arith.constant 80 : index
    %get3A_23 = tpu.vector_load %arg11[%get3A_22] {strides = array<i32>} : memref<128xf32, #tpu.memory_space<vmem>>, vector<16xf32>,
    %get3A_24 = arith.constant 96 : index
    %get3A_25 = tpu.vector_load %arg11[%get3A_24] {strides = array<i32>} : memref<128xf32, #tpu.memory_space<vmem>>, vector<16xf32>,
    %get3A_26 = arith.constant 112 : index
    %get3A_27 = tpu.vector_load %arg11[%get3A_26] {strides = array<i32>} : memref<128xf32, #tpu.memory_space<vmem>>, vector<16xf32>,
    %dma_start3A = arith.constant 0 : i32
    %dma_start3A_28 = tpu.memref_slice %arg2[%multiple_of3A, %dma_start3A] : memref<100000x128xf32, #tpu.memory_space<hbm>> -> memref<224x128xf32, #tpu.memory_space<hbm>>
    %dma_start3A_29 = arith.constant 0 : i32
    %dma_start3A_30 = tpu.memref_slice %arg2[%multiple_of3A, %dma_start3A_29] : memref<100000x128xf32, #tpu.memory_space<hbm>> -> memref<224x128xf32, #tpu.memory_space<hbm>>
    tpu.enqueue_dma source(%dma_start3A_30 : memref<224x128xf32, #tpu.memory_space<hbm>>) target(%arg9 : memref<224x128xf32, #tpu.memory_space<vmem>>) target_semaphore(%arg22 : memref<!tpu.dma_semaphore, #tpu.memory_space<semaphore_mem>>)
    %add3A_31 = arith.constant 224 : i32
    %add3A_32 = arith.addi %multiple_of3A, %add3A_31 : i32
    %dma_start3A_33 = arith.constant 0 : i32
    %dma_start3A_34 = tpu.memref_slice %arg2[%add3A_32, %dma_start3A_33] : memref<100000x128xf32, #tpu.memory_space<hbm>> -> memref<224x128xf32, #tpu.memory_space<hbm>>
    %dma_start3A_35 = arith.constant 0 : i32
    %dma_start3A_36 = tpu.memref_slice %arg2[%add3A_32, %dma_start3A_35] : memref<100000x128xf32, #tpu.memory_space<hbm>> -> memref<224x128xf32, #tpu.memory_space<hbm>>
    tpu.enqueue_dma source(%dma_start3A_36 : memref<224x128xf32, #tpu.memory_space<hbm>>) target(%arg10 : memref<224x128xf32, #tpu.memory_space<vmem>>) target_semaphore(%arg23 : memref<!tpu.dma_semaphore, #tpu.memory_space<semaphore_mem>>)
    %dma_wait3A = arith.constant 0 : i32
    %dma_wait3A_37 = tpu.memref_slice %arg2[%multiple_of3A, %dma_wait3A] : memref<100000x128xf32, #tpu.memory_space<hbm>> -> memref<224x128xf32, #tpu.memory_space<hbm>>
    %dma_wait3A_38 = arith.constant 0 : i32
    %dma_wait3A_39 = tpu.memref_slice %arg2[%multiple_of3A, %dma_wait3A_38] : memref<100000x128xf32, #tpu.memory_space<hbm>> -> memref<224x128xf32, #tpu.memory_space<hbm>>
    tpu.wait_dma2 semaphore(%arg22 : memref<!tpu.dma_semaphore, #tpu.memory_space<semaphore_mem>>) src(%dma_wait3A_39 : memref<224x128xf32, #tpu.memory_space<hbm>>) dst(%arg9 : memref<224x128xf32, #tpu.memory_space<vmem>>)
    %scan3A_40 = arith.constant 0 : i32
    %scan3A_41 = arith.constant 0 : i32
    %scan3A_42 = arith.constant 224 : i32
    %scan3A_43 = arith.addi %scan3A_41, %scan3A_42 : i32
    %scan3A_44 = arith.constant 1 : i32
    %scan3A_45 = scf.for %scan3A_393 = %scan3A_41 to %scan3A_43 step %scan3A_44 iter_args(%scan3A_394 = %scan3A_40) -> (i32)  : i32 {
      %get3A_395 = arith.index_cast %scan3A_393 : i32 to index
      %get3A_396 = arith.constant 0 : index
      %get3A_397 = tpu.vector_load %arg9[%get3A_395, %get3A_396] {strides = array<i32>} : memref<224x128xf32, #tpu.memory_space<vmem>>, vector<16xf32>,
      %mul3A_398 = arith.mulf %get3A_397, %get3A_13 : vector<16xf32>
      %get3A_399 = arith.index_cast %scan3A_393 : i32 to index
      %get3A_400 = arith.constant 16 : index
      %get3A_401 = tpu.vector_load %arg9[%get3A_399, %get3A_400] {strides = array<i32>} : memref<224x128xf32, #tpu.memory_space<vmem>>, vector<16xf32>,
      %mul3A_402 = arith.mulf %get3A_401, %get3A_15 : vector<16xf32>
      %add3A_403 = arith.addf %mul3A_398, %mul3A_402 : vector<16xf32>
      %get3A_404 = arith.index_cast %scan3A_393 : i32 to index
      %get3A_405 = arith.constant 32 : index
      %get3A_406 = tpu.vector_load %arg9[%get3A_404, %get3A_405] {strides = array<i32>} : memref<224x128xf32, #tpu.memory_space<vmem>>, vector<16xf32>,
      %mul3A_407 = arith.mulf %get3A_406, %get3A_17 : vector<16xf32>
      %add3A_408 = arith.addf %add3A_403, %mul3A_407 : vector<16xf32>
      %get3A_409 = arith.index_cast %scan3A_393 : i32 to index
      %get3A_410 = arith.constant 48 : index
      %get3A_411 = tpu.vector_load %arg9[%get3A_409, %get3A_410] {strides = array<i32>} : memref<224x128xf32, #tpu.memory_space<vmem>>, vector<16xf32>,
      %mul3A_412 = arith.mulf %get3A_411, %get3A_19 : vector<16xf32>
      %add3A_413 = arith.addf %add3A_408, %mul3A_412 : vector<16xf32>
      %get3A_414 = arith.index_cast %scan3A_393 : i32 to index
      %get3A_415 = arith.constant 64 : index
      %get3A_416 = tpu.vector_load %arg9[%get3A_414, %get3A_415] {strides = array<i32>} : memref<224x128xf32, #tpu.memory_space<vmem>>, vector<16xf32>,
      %mul3A_417 = arith.mulf %get3A_416, %get3A_21 : vector<16xf32>
      %add3A_418 = arith.addf %add3A_413, %mul3A_417 : vector<16xf32>
      %get3A_419 = arith.index_cast %scan3A_393 : i32 to index
      %get3A_420 = arith.constant 80 : index
      %get3A_421 = tpu.vector_load %arg9[%get3A_419, %get3A_420] {strides = array<i32>} : memref<224x128xf32, #tpu.memory_space<vmem>>, vector<16xf32>,
      %mul3A_422 = arith.mulf %get3A_421, %get3A_23 : vector<16xf32>
      %add3A_423 = arith.addf %add3A_418, %mul3A_422 : vector<16xf32>
      %get3A_424 = arith.index_cast %scan3A_393 : i32 to index
      %get3A_425 = arith.constant 96 : index
      %get3A_426 = tpu.vector_load %arg9[%get3A_424, %get3A_425] {strides = array<i32>} : memref<224x128xf32, #tpu.memory_space<vmem>>, vector<16xf32>,
      %mul3A_427 = arith.mulf %get3A_426, %get3A_25 : vector<16xf32>
      %add3A_428 = arith.addf %add3A_423, %mul3A_427 : vector<16xf32>
      %get3A_429 = arith.index_cast %scan3A_393 : i32 to index
      %get3A_430 = arith.constant 112 : index
      %get3A_431 = tpu.vector_load %arg9[%get3A_429, %get3A_430] {strides = array<i32>} : memref<224x128xf32, #tpu.memory_space<vmem>>, vector<16xf32>,
      %mul3A_432 = arith.mulf %get3A_431, %get3A_27 : vector<16xf32>
      %add3A_433 = arith.addf %add3A_428, %mul3A_432 : vector<16xf32>
      %broadcast_in_dim3A_434 = arith.constant true
      %broadcast_in_dim3A_435 = vector.broadcast %broadcast_in_dim3A_434 : i1 to vector<16xi1>
      %masked_cumsum3A = tpu.scan <sum>, %add3A_433 masked %broadcast_in_dim3A_435 : vector<16xf32>, vector<16xi1> -> vector<16xf32>
      %mul3A_436 = arith.constant 16 : i32
      %mul3A_437 = arith.muli %mul3A_436, %scan3A_393 : i32
      %swap3A = arith.index_cast %mul3A_437 : i32 to index
      %swap3A_438 = tpu.vector_load %arg14[%swap3A] {strides = array<i32>} : memref<3584xf32, #tpu.memory_space<vmem>>, vector<16xf32>,
      tpu.vector_store %arg14[%swap3A], %masked_cumsum3A {strides = array<i32>} : memref<3584xf32, #tpu.memory_space<vmem>>, vector<16xf32>,
      %scan3A_439 = arith.constant 0 : i32
      scf.yield %scan3A_439 : i32
    }
    %scan3A_46 = arith.constant 224 : i32
    %scan3A_47 = arith.constant 0 : i32
    %scan3A_48 = arith.constant 0 : i32
    %scan3A_49 = arith.constant 14 : i32
    %scan3A_50 = arith.addi %scan3A_48, %scan3A_49 : i32
    %scan3A_51 = arith.constant 1 : i32
    %scan3A_52 = scf.for %scan3A_393 = %scan3A_48 to %scan3A_50 step %scan3A_51 iter_args(%scan3A_394 = %scan3A_47) -> (i32)  : i32 {
      %mul3A_395 = arith.constant 16 : i32
      %mul3A_396 = arith.muli %scan3A_393, %mul3A_395 : i32
      %add3A_397 = vector.broadcast %mul3A_396 : i32 to vector<16xi32>
      %add3A_398 = arith.addi %add3A_397, %iota3A : vector<16xi32>
      %mul3A_399 = arith.constant 16 : i32
      %mul3A_400 = vector.broadcast %mul3A_399 : i32 to vector<16xi32>
      %mul3A_401 = arith.muli %add3A_398, %mul3A_400 : vector<16xi32>
      %add3A_402 = arith.constant 15 : i32
      %add3A_403 = vector.broadcast %add3A_402 : i32 to vector<16xi32>
      %add3A_404 = arith.addi %mul3A_401, %add3A_403 : vector<16xi32>
      %gather3A = tpu.vector_load_idx %arg14[%add3A_404] : memref<3584xf32, #tpu.memory_space<vmem>>[vector<16xi32>], vector<16xf32>,
      %mul3A_405 = arith.constant 16 : i32
      %mul3A_406 = arith.muli %scan3A_393, %mul3A_405 : i32
      %add3A_407 = arith.constant 0 : i32
      %add3A_408 = arith.addi %add3A_407, %mul3A_406 : i32
      %swap3A = arith.index_cast %add3A_408 : i32 to index
      %swap3A_409 = tpu.vector_load %arg13[%swap3A] {strides = array<i32>} : memref<3136xf32, #tpu.memory_space<vmem>>, vector<16xf32>,
      tpu.vector_store %arg13[%swap3A], %gather3A {strides = array<i32>} : memref<3136xf32, #tpu.memory_space<vmem>>, vector<16xf32>,
      %scan3A_410 = arith.constant 0 : i32
      scf.yield %scan3A_410 : i32
    }
    %scan3A_53 = arith.constant 14 : i32
    %add3A_54 = arith.constant 448 : i32
    %add3A_55 = arith.addi %multiple_of3A, %add3A_54 : i32
    %dma_start3A_56 = arith.constant 0 : i32
    %dma_start3A_57 = tpu.memref_slice %arg2[%add3A_55, %dma_start3A_56] : memref<100000x128xf32, #tpu.memory_space<hbm>> -> memref<224x128xf32, #tpu.memory_space<hbm>>
    %dma_start3A_58 = arith.constant 0 : i32
    %dma_start3A_59 = tpu.memref_slice %arg2[%add3A_55, %dma_start3A_58] : memref<100000x128xf32, #tpu.memory_space<hbm>> -> memref<224x128xf32, #tpu.memory_space<hbm>>
    tpu.enqueue_dma source(%dma_start3A_59 : memref<224x128xf32, #tpu.memory_space<hbm>>) target(%arg9 : memref<224x128xf32, #tpu.memory_space<vmem>>) target_semaphore(%arg22 : memref<!tpu.dma_semaphore, #tpu.memory_space<semaphore_mem>>)
    %dma_wait3A_60 = arith.constant 0 : i32
    %dma_wait3A_61 = tpu.memref_slice %arg2[%add3A_32, %dma_wait3A_60] : memref<100000x128xf32, #tpu.memory_space<hbm>> -> memref<224x128xf32, #tpu.memory_space<hbm>>
    %dma_wait3A_62 = arith.constant 0 : i32
    %dma_wait3A_63 = tpu.memref_slice %arg2[%add3A_32, %dma_wait3A_62] : memref<100000x128xf32, #tpu.memory_space<hbm>> -> memref<224x128xf32, #tpu.memory_space<hbm>>
    tpu.wait_dma2 semaphore(%arg23 : memref<!tpu.dma_semaphore, #tpu.memory_space<semaphore_mem>>) src(%dma_wait3A_63 : memref<224x128xf32, #tpu.memory_space<hbm>>) dst(%arg10 : memref<224x128xf32, #tpu.memory_space<vmem>>)
    %scan3A_64 = arith.constant 0 : i32
    %scan3A_65 = arith.constant 0 : i32
    %scan3A_66 = arith.constant 224 : i32
    %scan3A_67 = arith.addi %scan3A_65, %scan3A_66 : i32
    %scan3A_68 = arith.constant 1 : i32
    %scan3A_69 = scf.for %scan3A_393 = %scan3A_65 to %scan3A_67 step %scan3A_68 iter_args(%scan3A_394 = %scan3A_64) -> (i32)  : i32 {
      %get3A_395 = arith.index_cast %scan3A_393 : i32 to index
      %get3A_396 = arith.constant 0 : index
      %get3A_397 = tpu.vector_load %arg10[%get3A_395, %get3A_396] {strides = array<i32>} : memref<224x128xf32, #tpu.memory_space<vmem>>, vector<16xf32>,
      %mul3A_398 = arith.mulf %get3A_397, %get3A_13 : vector<16xf32>
      %get3A_399 = arith.index_cast %scan3A_393 : i32 to index
      %get3A_400 = arith.constant 16 : index
      %get3A_401 = tpu.vector_load %arg10[%get3A_399, %get3A_400] {strides = array<i32>} : memref<224x128xf32, #tpu.memory_space<vmem>>, vector<16xf32>,
      %mul3A_402 = arith.mulf %get3A_401, %get3A_15 : vector<16xf32>
      %add3A_403 = arith.addf %mul3A_398, %mul3A_402 : vector<16xf32>
      %get3A_404 = arith.index_cast %scan3A_393 : i32 to index
      %get3A_405 = arith.constant 32 : index
      %get3A_406 = tpu.vector_load %arg10[%get3A_404, %get3A_405] {strides = array<i32>} : memref<224x128xf32, #tpu.memory_space<vmem>>, vector<16xf32>,
      %mul3A_407 = arith.mulf %get3A_406, %get3A_17 : vector<16xf32>
      %add3A_408 = arith.addf %add3A_403, %mul3A_407 : vector<16xf32>
      %get3A_409 = arith.index_cast %scan3A_393 : i32 to index
      %get3A_410 = arith.constant 48 : index
      %get3A_411 = tpu.vector_load %arg10[%get3A_409, %get3A_410] {strides = array<i32>} : memref<224x128xf32, #tpu.memory_space<vmem>>, vector<16xf32>,
      %mul3A_412 = arith.mulf %get3A_411, %get3A_19 : vector<16xf32>
      %add3A_413 = arith.addf %add3A_408, %mul3A_412 : vector<16xf32>
      %get3A_414 = arith.index_cast %scan3A_393 : i32 to index
      %get3A_415 = arith.constant 64 : index
      %get3A_416 = tpu.vector_load %arg10[%get3A_414, %get3A_415] {strides = array<i32>} : memref<224x128xf32, #tpu.memory_space<vmem>>, vector<16xf32>,
      %mul3A_417 = arith.mulf %get3A_416, %get3A_21 : vector<16xf32>
      %add3A_418 = arith.addf %add3A_413, %mul3A_417 : vector<16xf32>
      %get3A_419 = arith.index_cast %scan3A_393 : i32 to index
      %get3A_420 = arith.constant 80 : index
      %get3A_421 = tpu.vector_load %arg10[%get3A_419, %get3A_420] {strides = array<i32>} : memref<224x128xf32, #tpu.memory_space<vmem>>, vector<16xf32>,
      %mul3A_422 = arith.mulf %get3A_421, %get3A_23 : vector<16xf32>
      %add3A_423 = arith.addf %add3A_418, %mul3A_422 : vector<16xf32>
      %get3A_424 = arith.index_cast %scan3A_393 : i32 to index
      %get3A_425 = arith.constant 96 : index
      %get3A_426 = tpu.vector_load %arg10[%get3A_424, %get3A_425] {strides = array<i32>} : memref<224x128xf32, #tpu.memory_space<vmem>>, vector<16xf32>,
      %mul3A_427 = arith.mulf %get3A_426, %get3A_25 : vector<16xf32>
      %add3A_428 = arith.addf %add3A_423, %mul3A_427 : vector<16xf32>
      %get3A_429 = arith.index_cast %scan3A_393 : i32 to index
      %get3A_430 = arith.constant 112 : index
      %get3A_431 = tpu.vector_load %arg10[%get3A_429, %get3A_430] {strides = array<i32>} : memref<224x128xf32, #tpu.memory_space<vmem>>, vector<16xf32>,
      %mul3A_432 = arith.mulf %get3A_431, %get3A_27 : vector<16xf32>
      %add3A_433 = arith.addf %add3A_428, %mul3A_432 : vector<16xf32>
      %broadcast_in_dim3A_434 = arith.constant true
      %broadcast_in_dim3A_435 = vector.broadcast %broadcast_in_dim3A_434 : i1 to vector<16xi1>
      %masked_cumsum3A = tpu.scan <sum>, %add3A_433 masked %broadcast_in_dim3A_435 : vector<16xf32>, vector<16xi1> -> vector<16xf32>
      %mul3A_436 = arith.constant 16 : i32
      %mul3A_437 = arith.muli %mul3A_436, %scan3A_393 : i32
      %swap3A = arith.index_cast %mul3A_437 : i32 to index
      %swap3A_438 = tpu.vector_load %arg14[%swap3A] {strides = array<i32>} : memref<3584xf32, #tpu.memory_space<vmem>>, vector<16xf32>,
      tpu.vector_store %arg14[%swap3A], %masked_cumsum3A {strides = array<i32>} : memref<3584xf32, #tpu.memory_space<vmem>>, vector<16xf32>,
      %scan3A_439 = arith.constant 0 : i32
      scf.yield %scan3A_439 : i32
    }
    %scan3A_70 = arith.constant 224 : i32
    %scan3A_71 = arith.constant 0 : i32
    %scan3A_72 = arith.constant 0 : i32
    %scan3A_73 = arith.constant 14 : i32
    %scan3A_74 = arith.addi %scan3A_72, %scan3A_73 : i32
    %scan3A_75 = arith.constant 1 : i32
    %scan3A_76 = scf.for %scan3A_393 = %scan3A_72 to %scan3A_74 step %scan3A_75 iter_args(%scan3A_394 = %scan3A_71) -> (i32)  : i32 {
      %mul3A_395 = arith.constant 16 : i32
      %mul3A_396 = arith.muli %scan3A_393, %mul3A_395 : i32
      %add3A_397 = vector.broadcast %mul3A_396 : i32 to vector<16xi32>
      %add3A_398 = arith.addi %add3A_397, %iota3A : vector<16xi32>
      %mul3A_399 = arith.constant 16 : i32
      %mul3A_400 = vector.broadcast %mul3A_399 : i32 to vector<16xi32>
      %mul3A_401 = arith.muli %add3A_398, %mul3A_400 : vector<16xi32>
      %add3A_402 = arith.constant 15 : i32
      %add3A_403 = vector.broadcast %add3A_402 : i32 to vector<16xi32>
      %add3A_404 = arith.addi %mul3A_401, %add3A_403 : vector<16xi32>
      %gather3A = tpu.vector_load_idx %arg14[%add3A_404] : memref<3584xf32, #tpu.memory_space<vmem>>[vector<16xi32>], vector<16xf32>,
      %mul3A_405 = arith.constant 16 : i32
      %mul3A_406 = arith.muli %scan3A_393, %mul3A_405 : i32
      %add3A_407 = arith.constant 224 : i32
      %add3A_408 = arith.addi %add3A_407, %mul3A_406 : i32
      %swap3A = arith.index_cast %add3A_408 : i32 to index
      %swap3A_409 = tpu.vector_load %arg13[%swap3A] {strides = array<i32>} : memref<3136xf32, #tpu.memory_space<vmem>>, vector<16xf32>,
      tpu.vector_store %arg13[%swap3A], %gather3A {strides = array<i32>} : memref<3136xf32, #tpu.memory_space<vmem>>, vector<16xf32>,
      %scan3A_410 = arith.constant 0 : i32
      scf.yield %scan3A_410 : i32
    }
    %scan3A_77 = arith.constant 14 : i32
    %add3A_78 = arith.constant 672 : i32
    %add3A_79 = arith.addi %multiple_of3A, %add3A_78 : i32
    %dma_start3A_80 = arith.constant 0 : i32
    %dma_start3A_81 = tpu.memref_slice %arg2[%add3A_79, %dma_start3A_80] : memref<100000x128xf32, #tpu.memory_space<hbm>> -> memref<224x128xf32, #tpu.memory_space<hbm>>
    %dma_start3A_82 = arith.constant 0 : i32
    %dma_start3A_83 = tpu.memref_slice %arg2[%add3A_79, %dma_start3A_82] : memref<100000x128xf32, #tpu.memory_space<hbm>> -> memref<224x128xf32, #tpu.memory_space<hbm>>
    tpu.enqueue_dma source(%dma_start3A_83 : memref<224x128xf32, #tpu.memory_space<hbm>>) target(%arg10 : memref<224x128xf32, #tpu.memory_space<vmem>>) target_semaphore(%arg23 : memref<!tpu.dma_semaphore, #tpu.memory_space<semaphore_mem>>)
    %dma_wait3A_84 = arith.constant 0 : i32
    %dma_wait3A_85 = tpu.memref_slice %arg2[%add3A_55, %dma_wait3A_84] : memref<100000x128xf32, #tpu.memory_space<hbm>> -> memref<224x128xf32, #tpu.memory_space<hbm>>
    %dma_wait3A_86 = arith.constant 0 : i32
    %dma_wait3A_87 = tpu.memref_slice %arg2[%add3A_55, %dma_wait3A_86] : memref<100000x128xf32, #tpu.memory_space<hbm>> -> memref<224x128xf32, #tpu.memory_space<hbm>>
    tpu.wait_dma2 semaphore(%arg22 : memref<!tpu.dma_semaphore, #tpu.memory_space<semaphore_mem>>) src(%dma_wait3A_87 : memref<224x128xf32, #tpu.memory_space<hbm>>) dst(%arg9 : memref<224x128xf32, #tpu.memory_space<vmem>>)
    %scan3A_88 = arith.constant 0 : i32
    %scan3A_89 = arith.constant 0 : i32
    %scan3A_90 = arith.constant 224 : i32
    %scan3A_91 = arith.addi %scan3A_89, %scan3A_90 : i32
    %scan3A_92 = arith.constant 1 : i32
    %scan3A_93 = scf.for %scan3A_393 = %scan3A_89 to %scan3A_91 step %scan3A_92 iter_args(%scan3A_394 = %scan3A_88) -> (i32)  : i32 {
      %get3A_395 = arith.index_cast %scan3A_393 : i32 to index
      %get3A_396 = arith.constant 0 : index
      %get3A_397 = tpu.vector_load %arg9[%get3A_395, %get3A_396] {strides = array<i32>} : memref<224x128xf32, #tpu.memory_space<vmem>>, vector<16xf32>,
      %mul3A_398 = arith.mulf %get3A_397, %get3A_13 : vector<16xf32>
      %get3A_399 = arith.index_cast %scan3A_393 : i32 to index
      %get3A_400 = arith.constant 16 : index
      %get3A_401 = tpu.vector_load %arg9[%get3A_399, %get3A_400] {strides = array<i32>} : memref<224x128xf32, #tpu.memory_space<vmem>>, vector<16xf32>,
      %mul3A_402 = arith.mulf %get3A_401, %get3A_15 : vector<16xf32>
      %add3A_403 = arith.addf %mul3A_398, %mul3A_402 : vector<16xf32>
      %get3A_404 = arith.index_cast %scan3A_393 : i32 to index
      %get3A_405 = arith.constant 32 : index
      %get3A_406 = tpu.vector_load %arg9[%get3A_404, %get3A_405] {strides = array<i32>} : memref<224x128xf32, #tpu.memory_space<vmem>>, vector<16xf32>,
      %mul3A_407 = arith.mulf %get3A_406, %get3A_17 : vector<16xf32>
      %add3A_408 = arith.addf %add3A_403, %mul3A_407 : vector<16xf32>
      %get3A_409 = arith.index_cast %scan3A_393 : i32 to index
      %get3A_410 = arith.constant 48 : index
      %get3A_411 = tpu.vector_load %arg9[%get3A_409, %get3A_410] {strides = array<i32>} : memref<224x128xf32, #tpu.memory_space<vmem>>, vector<16xf32>,
      %mul3A_412 = arith.mulf %get3A_411, %get3A_19 : vector<16xf32>
      %add3A_413 = arith.addf %add3A_408, %mul3A_412 : vector<16xf32>
      %get3A_414 = arith.index_cast %scan3A_393 : i32 to index
      %get3A_415 = arith.constant 64 : index
      %get3A_416 = tpu.vector_load %arg9[%get3A_414, %get3A_415] {strides = array<i32>} : memref<224x128xf32, #tpu.memory_space<vmem>>, vector<16xf32>,
      %mul3A_417 = arith.mulf %get3A_416, %get3A_21 : vector<16xf32>
      %add3A_418 = arith.addf %add3A_413, %mul3A_417 : vector<16xf32>
      %get3A_419 = arith.index_cast %scan3A_393 : i32 to index
      %get3A_420 = arith.constant 80 : index
      %get3A_421 = tpu.vector_load %arg9[%get3A_419, %get3A_420] {strides = array<i32>} : memref<224x128xf32, #tpu.memory_space<vmem>>, vector<16xf32>,
      %mul3A_422 = arith.mulf %get3A_421, %get3A_23 : vector<16xf32>
      %add3A_423 = arith.addf %add3A_418, %mul3A_422 : vector<16xf32>
      %get3A_424 = arith.index_cast %scan3A_393 : i32 to index
      %get3A_425 = arith.constant 96 : index
      %get3A_426 = tpu.vector_load %arg9[%get3A_424, %get3A_425] {strides = array<i32>} : memref<224x128xf32, #tpu.memory_space<vmem>>, vector<16xf32>,
      %mul3A_427 = arith.mulf %get3A_426, %get3A_25 : vector<16xf32>
      %add3A_428 = arith.addf %add3A_423, %mul3A_427 : vector<16xf32>
      %get3A_429 = arith.index_cast %scan3A_393 : i32 to index
      %get3A_430 = arith.constant 112 : index
      %get3A_431 = tpu.vector_load %arg9[%get3A_429, %get3A_430] {strides = array<i32>} : memref<224x128xf32, #tpu.memory_space<vmem>>, vector<16xf32>,
      %mul3A_432 = arith.mulf %get3A_431, %get3A_27 : vector<16xf32>
      %add3A_433 = arith.addf %add3A_428, %mul3A_432 : vector<16xf32>
      %broadcast_in_dim3A_434 = arith.constant true
      %broadcast_in_dim3A_435 = vector.broadcast %broadcast_in_dim3A_434 : i1 to vector<16xi1>
      %masked_cumsum3A = tpu.scan <sum>, %add3A_433 masked %broadcast_in_dim3A_435 : vector<16xf32>, vector<16xi1> -> vector<16xf32>
      %mul3A_436 = arith.constant 16 : i32
      %mul3A_437 = arith.muli %mul3A_436, %scan3A_393 : i32
      %swap3A = arith.index_cast %mul3A_437 : i32 to index
      %swap3A_438 = tpu.vector_load %arg14[%swap3A] {strides = array<i32>} : memref<3584xf32, #tpu.memory_space<vmem>>, vector<16xf32>,
      tpu.vector_store %arg14[%swap3A], %masked_cumsum3A {strides = array<i32>} : memref<3584xf32, #tpu.memory_space<vmem>>, vector<16xf32>,
      %scan3A_439 = arith.constant 0 : i32
      scf.yield %scan3A_439 : i32
    }
    %scan3A_94 = arith.constant 224 : i32
    %scan3A_95 = arith.constant 0 : i32
    %scan3A_96 = arith.constant 0 : i32
    %scan3A_97 = arith.constant 14 : i32
    %scan3A_98 = arith.addi %scan3A_96, %scan3A_97 : i32
    %scan3A_99 = arith.constant 1 : i32
    %scan3A_100 = scf.for %scan3A_393 = %scan3A_96 to %scan3A_98 step %scan3A_99 iter_args(%scan3A_394 = %scan3A_95) -> (i32)  : i32 {
      %mul3A_395 = arith.constant 16 : i32
      %mul3A_396 = arith.muli %scan3A_393, %mul3A_395 : i32
      %add3A_397 = vector.broadcast %mul3A_396 : i32 to vector<16xi32>
      %add3A_398 = arith.addi %add3A_397, %iota3A : vector<16xi32>
      %mul3A_399 = arith.constant 16 : i32
      %mul3A_400 = vector.broadcast %mul3A_399 : i32 to vector<16xi32>
      %mul3A_401 = arith.muli %add3A_398, %mul3A_400 : vector<16xi32>
      %add3A_402 = arith.constant 15 : i32
      %add3A_403 = vector.broadcast %add3A_402 : i32 to vector<16xi32>
      %add3A_404 = arith.addi %mul3A_401, %add3A_403 : vector<16xi32>
      %gather3A = tpu.vector_load_idx %arg14[%add3A_404] : memref<3584xf32, #tpu.memory_space<vmem>>[vector<16xi32>], vector<16xf32>,
      %mul3A_405 = arith.constant 16 : i32
      %mul3A_406 = arith.muli %scan3A_393, %mul3A_405 : i32
      %add3A_407 = arith.constant 448 : i32
      %add3A_408 = arith.addi %add3A_407, %mul3A_406 : i32
      %swap3A = arith.index_cast %add3A_408 : i32 to index
      %swap3A_409 = tpu.vector_load %arg13[%swap3A] {strides = array<i32>} : memref<3136xf32, #tpu.memory_space<vmem>>, vector<16xf32>,
      tpu.vector_store %arg13[%swap3A], %gather3A {strides = array<i32>} : memref<3136xf32, #tpu.memory_space<vmem>>, vector<16xf32>,
      %scan3A_410 = arith.constant 0 : i32
      scf.yield %scan3A_410 : i32
    }
    %scan3A_101 = arith.constant 14 : i32
    %add3A_102 = arith.constant 896 : i32
    %add3A_103 = arith.addi %multiple_of3A, %add3A_102 : i32
    %dma_start3A_104 = arith.constant 0 : i32
    %dma_start3A_105 = tpu.memref_slice %arg2[%add3A_103, %dma_start3A_104] : memref<100000x128xf32, #tpu.memory_space<hbm>> -> memref<224x128xf32, #tpu.memory_space<hbm>>
    %dma_start3A_106 = arith.constant 0 : i32
    %dma_start3A_107 = tpu.memref_slice %arg2[%add3A_103, %dma_start3A_106] : memref<100000x128xf32, #tpu.memory_space<hbm>> -> memref<224x128xf32, #tpu.memory_space<hbm>>
    tpu.enqueue_dma source(%dma_start3A_107 : memref<224x128xf32, #tpu.memory_space<hbm>>) target(%arg9 : memref<224x128xf32, #tpu.memory_space<vmem>>) target_semaphore(%arg22 : memref<!tpu.dma_semaphore, #tpu.memory_space<semaphore_mem>>)
    %dma_wait3A_108 = arith.constant 0 : i32
    %dma_wait3A_109 = tpu.memref_slice %arg2[%add3A_79, %dma_wait3A_108] : memref<100000x128xf32, #tpu.memory_space<hbm>> -> memref<224x128xf32, #tpu.memory_space<hbm>>
    %dma_wait3A_110 = arith.constant 0 : i32
    %dma_wait3A_111 = tpu.memref_slice %arg2[%add3A_79, %dma_wait3A_110] : memref<100000x128xf32, #tpu.memory_space<hbm>> -> memref<224x128xf32, #tpu.memory_space<hbm>>
    tpu.wait_dma2 semaphore(%arg23 : memref<!tpu.dma_semaphore, #tpu.memory_space<semaphore_mem>>) src(%dma_wait3A_111 : memref<224x128xf32, #tpu.memory_space<hbm>>) dst(%arg10 : memref<224x128xf32, #tpu.memory_space<vmem>>)
    %scan3A_112 = arith.constant 0 : i32
    %scan3A_113 = arith.constant 0 : i32
    %scan3A_114 = arith.constant 224 : i32
    %scan3A_115 = arith.addi %scan3A_113, %scan3A_114 : i32
    %scan3A_116 = arith.constant 1 : i32
    %scan3A_117 = scf.for %scan3A_393 = %scan3A_113 to %scan3A_115 step %scan3A_116 iter_args(%scan3A_394 = %scan3A_112) -> (i32)  : i32 {
      %get3A_395 = arith.index_cast %scan3A_393 : i32 to index
      %get3A_396 = arith.constant 0 : index
      %get3A_397 = tpu.vector_load %arg10[%get3A_395, %get3A_396] {strides = array<i32>} : memref<224x128xf32, #tpu.memory_space<vmem>>, vector<16xf32>,
      %mul3A_398 = arith.mulf %get3A_397, %get3A_13 : vector<16xf32>
      %get3A_399 = arith.index_cast %scan3A_393 : i32 to index
      %get3A_400 = arith.constant 16 : index
      %get3A_401 = tpu.vector_load %arg10[%get3A_399, %get3A_400] {strides = array<i32>} : memref<224x128xf32, #tpu.memory_space<vmem>>, vector<16xf32>,
      %mul3A_402 = arith.mulf %get3A_401, %get3A_15 : vector<16xf32>
      %add3A_403 = arith.addf %mul3A_398, %mul3A_402 : vector<16xf32>
      %get3A_404 = arith.index_cast %scan3A_393 : i32 to index
      %get3A_405 = arith.constant 32 : index
      %get3A_406 = tpu.vector_load %arg10[%get3A_404, %get3A_405] {strides = array<i32>} : memref<224x128xf32, #tpu.memory_space<vmem>>, vector<16xf32>,
      %mul3A_407 = arith.mulf %get3A_406, %get3A_17 : vector<16xf32>
      %add3A_408 = arith.addf %add3A_403, %mul3A_407 : vector<16xf32>
      %get3A_409 = arith.index_cast %scan3A_393 : i32 to index
      %get3A_410 = arith.constant 48 : index
      %get3A_411 = tpu.vector_load %arg10[%get3A_409, %get3A_410] {strides = array<i32>} : memref<224x128xf32, #tpu.memory_space<vmem>>, vector<16xf32>,
      %mul3A_412 = arith.mulf %get3A_411, %get3A_19 : vector<16xf32>
      %add3A_413 = arith.addf %add3A_408, %mul3A_412 : vector<16xf32>
      %get3A_414 = arith.index_cast %scan3A_393 : i32 to index
      %get3A_415 = arith.constant 64 : index
      %get3A_416 = tpu.vector_load %arg10[%get3A_414, %get3A_415] {strides = array<i32>} : memref<224x128xf32, #tpu.memory_space<vmem>>, vector<16xf32>,
      %mul3A_417 = arith.mulf %get3A_416, %get3A_21 : vector<16xf32>
      %add3A_418 = arith.addf %add3A_413, %mul3A_417 : vector<16xf32>
      %get3A_419 = arith.index_cast %scan3A_393 : i32 to index
      %get3A_420 = arith.constant 80 : index
      %get3A_421 = tpu.vector_load %arg10[%get3A_419, %get3A_420] {strides = array<i32>} : memref<224x128xf32, #tpu.memory_space<vmem>>, vector<16xf32>,
      %mul3A_422 = arith.mulf %get3A_421, %get3A_23 : vector<16xf32>
      %add3A_423 = arith.addf %add3A_418, %mul3A_422 : vector<16xf32>
      %get3A_424 = arith.index_cast %scan3A_393 : i32 to index
      %get3A_425 = arith.constant 96 : index
      %get3A_426 = tpu.vector_load %arg10[%get3A_424, %get3A_425] {strides = array<i32>} : memref<224x128xf32, #tpu.memory_space<vmem>>, vector<16xf32>,
      %mul3A_427 = arith.mulf %get3A_426, %get3A_25 : vector<16xf32>
      %add3A_428 = arith.addf %add3A_423, %mul3A_427 : vector<16xf32>
      %get3A_429 = arith.index_cast %scan3A_393 : i32 to index
      %get3A_430 = arith.constant 112 : index
      %get3A_431 = tpu.vector_load %arg10[%get3A_429, %get3A_430] {strides = array<i32>} : memref<224x128xf32, #tpu.memory_space<vmem>>, vector<16xf32>,
      %mul3A_432 = arith.mulf %get3A_431, %get3A_27 : vector<16xf32>
      %add3A_433 = arith.addf %add3A_428, %mul3A_432 : vector<16xf32>
      %broadcast_in_dim3A_434 = arith.constant true
      %broadcast_in_dim3A_435 = vector.broadcast %broadcast_in_dim3A_434 : i1 to vector<16xi1>
      %masked_cumsum3A = tpu.scan <sum>, %add3A_433 masked %broadcast_in_dim3A_435 : vector<16xf32>, vector<16xi1> -> vector<16xf32>
      %mul3A_436 = arith.constant 16 : i32
      %mul3A_437 = arith.muli %mul3A_436, %scan3A_393 : i32
      %swap3A = arith.index_cast %mul3A_437 : i32 to index
      %swap3A_438 = tpu.vector_load %arg14[%swap3A] {strides = array<i32>} : memref<3584xf32, #tpu.memory_space<vmem>>, vector<16xf32>,
      tpu.vector_store %arg14[%swap3A], %masked_cumsum3A {strides = array<i32>} : memref<3584xf32, #tpu.memory_space<vmem>>, vector<16xf32>,
      %scan3A_439 = arith.constant 0 : i32
      scf.yield %scan3A_439 : i32
    }
    %scan3A_118 = arith.constant 224 : i32
    %scan3A_119 = arith.constant 0 : i32
    %scan3A_120 = arith.constant 0 : i32
    %scan3A_121 = arith.constant 14 : i32
    %scan3A_122 = arith.addi %scan3A_120, %scan3A_121 : i32
    %scan3A_123 = arith.constant 1 : i32
    %scan3A_124 = scf.for %scan3A_393 = %scan3A_120 to %scan3A_122 step %scan3A_123 iter_args(%scan3A_394 = %scan3A_119) -> (i32)  : i32 {
      %mul3A_395 = arith.constant 16 : i32
      %mul3A_396 = arith.muli %scan3A_393, %mul3A_395 : i32
      %add3A_397 = vector.broadcast %mul3A_396 : i32 to vector<16xi32>
      %add3A_398 = arith.addi %add3A_397, %iota3A : vector<16xi32>
      %mul3A_399 = arith.constant 16 : i32
      %mul3A_400 = vector.broadcast %mul3A_399 : i32 to vector<16xi32>
      %mul3A_401 = arith.muli %add3A_398, %mul3A_400 : vector<16xi32>
      %add3A_402 = arith.constant 15 : i32
      %add3A_403 = vector.broadcast %add3A_402 : i32 to vector<16xi32>
      %add3A_404 = arith.addi %mul3A_401, %add3A_403 : vector<16xi32>
      %gather3A = tpu.vector_load_idx %arg14[%add3A_404] : memref<3584xf32, #tpu.memory_space<vmem>>[vector<16xi32>], vector<16xf32>,
      %mul3A_405 = arith.constant 16 : i32
      %mul3A_406 = arith.muli %scan3A_393, %mul3A_405 : i32
      %add3A_407 = arith.constant 672 : i32
      %add3A_408 = arith.addi %add3A_407, %mul3A_406 : i32
      %swap3A = arith.index_cast %add3A_408 : i32 to index
      %swap3A_409 = tpu.vector_load %arg13[%swap3A] {strides = array<i32>} : memref<3136xf32, #tpu.memory_space<vmem>>, vector<16xf32>,
      tpu.vector_store %arg13[%swap3A], %gather3A {strides = array<i32>} : memref<3136xf32, #tpu.memory_space<vmem>>, vector<16xf32>,
      %scan3A_410 = arith.constant 0 : i32
      scf.yield %scan3A_410 : i32
    }
    %scan3A_125 = arith.constant 14 : i32
    %add3A_126 = arith.constant 1120 : i32
    %add3A_127 = arith.addi %multiple_of3A, %add3A_126 : i32
    %dma_start3A_128 = arith.constant 0 : i32
    %dma_start3A_129 = tpu.memref_slice %arg2[%add3A_127, %dma_start3A_128] : memref<100000x128xf32, #tpu.memory_space<hbm>> -> memref<224x128xf32, #tpu.memory_space<hbm>>
    %dma_start3A_130 = arith.constant 0 : i32
    %dma_start3A_131 = tpu.memref_slice %arg2[%add3A_127, %dma_start3A_130] : memref<100000x128xf32, #tpu.memory_space<hbm>> -> memref<224x128xf32, #tpu.memory_space<hbm>>
    tpu.enqueue_dma source(%dma_start3A_131 : memref<224x128xf32, #tpu.memory_space<hbm>>) target(%arg10 : memref<224x128xf32, #tpu.memory_space<vmem>>) target_semaphore(%arg23 : memref<!tpu.dma_semaphore, #tpu.memory_space<semaphore_mem>>)
    %dma_wait3A_132 = arith.constant 0 : i32
    %dma_wait3A_133 = tpu.memref_slice %arg2[%add3A_103, %dma_wait3A_132] : memref<100000x128xf32, #tpu.memory_space<hbm>> -> memref<224x128xf32, #tpu.memory_space<hbm>>
    %dma_wait3A_134 = arith.constant 0 : i32
    %dma_wait3A_135 = tpu.memref_slice %arg2[%add3A_103, %dma_wait3A_134] : memref<100000x128xf32, #tpu.memory_space<hbm>> -> memref<224x128xf32, #tpu.memory_space<hbm>>
    tpu.wait_dma2 semaphore(%arg22 : memref<!tpu.dma_semaphore, #tpu.memory_space<semaphore_mem>>) src(%dma_wait3A_135 : memref<224x128xf32, #tpu.memory_space<hbm>>) dst(%arg9 : memref<224x128xf32, #tpu.memory_space<vmem>>)
    %scan3A_136 = arith.constant 0 : i32
    %scan3A_137 = arith.constant 0 : i32
    %scan3A_138 = arith.constant 224 : i32
    %scan3A_139 = arith.addi %scan3A_137, %scan3A_138 : i32
    %scan3A_140 = arith.constant 1 : i32
    %scan3A_141 = scf.for %scan3A_393 = %scan3A_137 to %scan3A_139 step %scan3A_140 iter_args(%scan3A_394 = %scan3A_136) -> (i32)  : i32 {
      %get3A_395 = arith.index_cast %scan3A_393 : i32 to index
      %get3A_396 = arith.constant 0 : index
      %get3A_397 = tpu.vector_load %arg9[%get3A_395, %get3A_396] {strides = array<i32>} : memref<224x128xf32, #tpu.memory_space<vmem>>, vector<16xf32>,
      %mul3A_398 = arith.mulf %get3A_397, %get3A_13 : vector<16xf32>
      %get3A_399 = arith.index_cast %scan3A_393 : i32 to index
      %get3A_400 = arith.constant 16 : index
      %get3A_401 = tpu.vector_load %arg9[%get3A_399, %get3A_400] {strides = array<i32>} : memref<224x128xf32, #tpu.memory_space<vmem>>, vector<16xf32>,
      %mul3A_402 = arith.mulf %get3A_401, %get3A_15 : vector<16xf32>
      %add3A_403 = arith.addf %mul3A_398, %mul3A_402 : vector<16xf32>
      %get3A_404 = arith.index_cast %scan3A_393 : i32 to index
      %get3A_405 = arith.constant 32 : index
      %get3A_406 = tpu.vector_load %arg9[%get3A_404, %get3A_405] {strides = array<i32>} : memref<224x128xf32, #tpu.memory_space<vmem>>, vector<16xf32>,
      %mul3A_407 = arith.mulf %get3A_406, %get3A_17 : vector<16xf32>
      %add3A_408 = arith.addf %add3A_403, %mul3A_407 : vector<16xf32>
      %get3A_409 = arith.index_cast %scan3A_393 : i32 to index
      %get3A_410 = arith.constant 48 : index
      %get3A_411 = tpu.vector_load %arg9[%get3A_409, %get3A_410] {strides = array<i32>} : memref<224x128xf32, #tpu.memory_space<vmem>>, vector<16xf32>,
      %mul3A_412 = arith.mulf %get3A_411, %get3A_19 : vector<16xf32>
      %add3A_413 = arith.addf %add3A_408, %mul3A_412 : vector<16xf32>
      %get3A_414 = arith.index_cast %scan3A_393 : i32 to index
      %get3A_415 = arith.constant 64 : index
      %get3A_416 = tpu.vector_load %arg9[%get3A_414, %get3A_415] {strides = array<i32>} : memref<224x128xf32, #tpu.memory_space<vmem>>, vector<16xf32>,
      %mul3A_417 = arith.mulf %get3A_416, %get3A_21 : vector<16xf32>
      %add3A_418 = arith.addf %add3A_413, %mul3A_417 : vector<16xf32>
      %get3A_419 = arith.index_cast %scan3A_393 : i32 to index
      %get3A_420 = arith.constant 80 : index
      %get3A_421 = tpu.vector_load %arg9[%get3A_419, %get3A_420] {strides = array<i32>} : memref<224x128xf32, #tpu.memory_space<vmem>>, vector<16xf32>,
      %mul3A_422 = arith.mulf %get3A_421, %get3A_23 : vector<16xf32>
      %add3A_423 = arith.addf %add3A_418, %mul3A_422 : vector<16xf32>
      %get3A_424 = arith.index_cast %scan3A_393 : i32 to index
      %get3A_425 = arith.constant 96 : index
      %get3A_426 = tpu.vector_load %arg9[%get3A_424, %get3A_425] {strides = array<i32>} : memref<224x128xf32, #tpu.memory_space<vmem>>, vector<16xf32>,
      %mul3A_427 = arith.mulf %get3A_426, %get3A_25 : vector<16xf32>
      %add3A_428 = arith.addf %add3A_423, %mul3A_427 : vector<16xf32>
      %get3A_429 = arith.index_cast %scan3A_393 : i32 to index
      %get3A_430 = arith.constant 112 : index
      %get3A_431 = tpu.vector_load %arg9[%get3A_429, %get3A_430] {strides = array<i32>} : memref<224x128xf32, #tpu.memory_space<vmem>>, vector<16xf32>,
      %mul3A_432 = arith.mulf %get3A_431, %get3A_27 : vector<16xf32>
      %add3A_433 = arith.addf %add3A_428, %mul3A_432 : vector<16xf32>
      %broadcast_in_dim3A_434 = arith.constant true
      %broadcast_in_dim3A_435 = vector.broadcast %broadcast_in_dim3A_434 : i1 to vector<16xi1>
      %masked_cumsum3A = tpu.scan <sum>, %add3A_433 masked %broadcast_in_dim3A_435 : vector<16xf32>, vector<16xi1> -> vector<16xf32>
      %mul3A_436 = arith.constant 16 : i32
      %mul3A_437 = arith.muli %mul3A_436, %scan3A_393 : i32
      %swap3A = arith.index_cast %mul3A_437 : i32 to index
      %swap3A_438 = tpu.vector_load %arg14[%swap3A] {strides = array<i32>} : memref<3584xf32, #tpu.memory_space<vmem>>, vector<16xf32>,
      tpu.vector_store %arg14[%swap3A], %masked_cumsum3A {strides = array<i32>} : memref<3584xf32, #tpu.memory_space<vmem>>, vector<16xf32>,
      %scan3A_439 = arith.constant 0 : i32
      scf.yield %scan3A_439 : i32
    }
    %scan3A_142 = arith.constant 224 : i32
    %scan3A_143 = arith.constant 0 : i32
    %scan3A_144 = arith.constant 0 : i32
    %scan3A_145 = arith.constant 14 : i32
    %scan3A_146 = arith.addi %scan3A_144, %scan3A_145 : i32
    %scan3A_147 = arith.constant 1 : i32
    %scan3A_148 = scf.for %scan3A_393 = %scan3A_144 to %scan3A_146 step %scan3A_147 iter_args(%scan3A_394 = %scan3A_143) -> (i32)  : i32 {
      %mul3A_395 = arith.constant 16 : i32
      %mul3A_396 = arith.muli %scan3A_393, %mul3A_395 : i32
      %add3A_397 = vector.broadcast %mul3A_396 : i32 to vector<16xi32>
      %add3A_398 = arith.addi %add3A_397, %iota3A : vector<16xi32>
      %mul3A_399 = arith.constant 16 : i32
      %mul3A_400 = vector.broadcast %mul3A_399 : i32 to vector<16xi32>
      %mul3A_401 = arith.muli %add3A_398, %mul3A_400 : vector<16xi32>
      %add3A_402 = arith.constant 15 : i32
      %add3A_403 = vector.broadcast %add3A_402 : i32 to vector<16xi32>
      %add3A_404 = arith.addi %mul3A_401, %add3A_403 : vector<16xi32>
      %gather3A = tpu.vector_load_idx %arg14[%add3A_404] : memref<3584xf32, #tpu.memory_space<vmem>>[vector<16xi32>], vector<16xf32>,
      %mul3A_405 = arith.constant 16 : i32
      %mul3A_406 = arith.muli %scan3A_393, %mul3A_405 : i32
      %add3A_407 = arith.constant 896 : i32
      %add3A_408 = arith.addi %add3A_407, %mul3A_406 : i32
      %swap3A = arith.index_cast %add3A_408 : i32 to index
      %swap3A_409 = tpu.vector_load %arg13[%swap3A] {strides = array<i32>} : memref<3136xf32, #tpu.memory_space<vmem>>, vector<16xf32>,
      tpu.vector_store %arg13[%swap3A], %gather3A {strides = array<i32>} : memref<3136xf32, #tpu.memory_space<vmem>>, vector<16xf32>,
      %scan3A_410 = arith.constant 0 : i32
      scf.yield %scan3A_410 : i32
    }
    %scan3A_149 = arith.constant 14 : i32
    %add3A_150 = arith.constant 1344 : i32
    %add3A_151 = arith.addi %multiple_of3A, %add3A_150 : i32
    %dma_start3A_152 = arith.constant 0 : i32
    %dma_start3A_153 = tpu.memref_slice %arg2[%add3A_151, %dma_start3A_152] : memref<100000x128xf32, #tpu.memory_space<hbm>> -> memref<224x128xf32, #tpu.memory_space<hbm>>
    %dma_start3A_154 = arith.constant 0 : i32
    %dma_start3A_155 = tpu.memref_slice %arg2[%add3A_151, %dma_start3A_154] : memref<100000x128xf32, #tpu.memory_space<hbm>> -> memref<224x128xf32, #tpu.memory_space<hbm>>
    tpu.enqueue_dma source(%dma_start3A_155 : memref<224x128xf32, #tpu.memory_space<hbm>>) target(%arg9 : memref<224x128xf32, #tpu.memory_space<vmem>>) target_semaphore(%arg22 : memref<!tpu.dma_semaphore, #tpu.memory_space<semaphore_mem>>)
    %dma_wait3A_156 = arith.constant 0 : i32
    %dma_wait3A_157 = tpu.memref_slice %arg2[%add3A_127, %dma_wait3A_156] : memref<100000x128xf32, #tpu.memory_space<hbm>> -> memref<224x128xf32, #tpu.memory_space<hbm>>
    %dma_wait3A_158 = arith.constant 0 : i32
    %dma_wait3A_159 = tpu.memref_slice %arg2[%add3A_127, %dma_wait3A_158] : memref<100000x128xf32, #tpu.memory_space<hbm>> -> memref<224x128xf32, #tpu.memory_space<hbm>>
    tpu.wait_dma2 semaphore(%arg23 : memref<!tpu.dma_semaphore, #tpu.memory_space<semaphore_mem>>) src(%dma_wait3A_159 : memref<224x128xf32, #tpu.memory_space<hbm>>) dst(%arg10 : memref<224x128xf32, #tpu.memory_space<vmem>>)
    %scan3A_160 = arith.constant 0 : i32
    %scan3A_161 = arith.constant 0 : i32
    %scan3A_162 = arith.constant 224 : i32
    %scan3A_163 = arith.addi %scan3A_161, %scan3A_162 : i32
    %scan3A_164 = arith.constant 1 : i32
    %scan3A_165 = scf.for %scan3A_393 = %scan3A_161 to %scan3A_163 step %scan3A_164 iter_args(%scan3A_394 = %scan3A_160) -> (i32)  : i32 {
      %get3A_395 = arith.index_cast %scan3A_393 : i32 to index
      %get3A_396 = arith.constant 0 : index
      %get3A_397 = tpu.vector_load %arg10[%get3A_395, %get3A_396] {strides = array<i32>} : memref<224x128xf32, #tpu.memory_space<vmem>>, vector<16xf32>,
      %mul3A_398 = arith.mulf %get3A_397, %get3A_13 : vector<16xf32>
      %get3A_399 = arith.index_cast %scan3A_393 : i32 to index
      %get3A_400 = arith.constant 16 : index
      %get3A_401 = tpu.vector_load %arg10[%get3A_399, %get3A_400] {strides = array<i32>} : memref<224x128xf32, #tpu.memory_space<vmem>>, vector<16xf32>,
      %mul3A_402 = arith.mulf %get3A_401, %get3A_15 : vector<16xf32>
      %add3A_403 = arith.addf %mul3A_398, %mul3A_402 : vector<16xf32>
      %get3A_404 = arith.index_cast %scan3A_393 : i32 to index
      %get3A_405 = arith.constant 32 : index
      %get3A_406 = tpu.vector_load %arg10[%get3A_404, %get3A_405] {strides = array<i32>} : memref<224x128xf32, #tpu.memory_space<vmem>>, vector<16xf32>,
      %mul3A_407 = arith.mulf %get3A_406, %get3A_17 : vector<16xf32>
      %add3A_408 = arith.addf %add3A_403, %mul3A_407 : vector<16xf32>
      %get3A_409 = arith.index_cast %scan3A_393 : i32 to index
      %get3A_410 = arith.constant 48 : index
      %get3A_411 = tpu.vector_load %arg10[%get3A_409, %get3A_410] {strides = array<i32>} : memref<224x128xf32, #tpu.memory_space<vmem>>, vector<16xf32>,
      %mul3A_412 = arith.mulf %get3A_411, %get3A_19 : vector<16xf32>
      %add3A_413 = arith.addf %add3A_408, %mul3A_412 : vector<16xf32>
      %get3A_414 = arith.index_cast %scan3A_393 : i32 to index
      %get3A_415 = arith.constant 64 : index
      %get3A_416 = tpu.vector_load %arg10[%get3A_414, %get3A_415] {strides = array<i32>} : memref<224x128xf32, #tpu.memory_space<vmem>>, vector<16xf32>,
      %mul3A_417 = arith.mulf %get3A_416, %get3A_21 : vector<16xf32>
      %add3A_418 = arith.addf %add3A_413, %mul3A_417 : vector<16xf32>
      %get3A_419 = arith.index_cast %scan3A_393 : i32 to index
      %get3A_420 = arith.constant 80 : index
      %get3A_421 = tpu.vector_load %arg10[%get3A_419, %get3A_420] {strides = array<i32>} : memref<224x128xf32, #tpu.memory_space<vmem>>, vector<16xf32>,
      %mul3A_422 = arith.mulf %get3A_421, %get3A_23 : vector<16xf32>
      %add3A_423 = arith.addf %add3A_418, %mul3A_422 : vector<16xf32>
      %get3A_424 = arith.index_cast %scan3A_393 : i32 to index
      %get3A_425 = arith.constant 96 : index
      %get3A_426 = tpu.vector_load %arg10[%get3A_424, %get3A_425] {strides = array<i32>} : memref<224x128xf32, #tpu.memory_space<vmem>>, vector<16xf32>,
      %mul3A_427 = arith.mulf %get3A_426, %get3A_25 : vector<16xf32>
      %add3A_428 = arith.addf %add3A_423, %mul3A_427 : vector<16xf32>
      %get3A_429 = arith.index_cast %scan3A_393 : i32 to index
      %get3A_430 = arith.constant 112 : index
      %get3A_431 = tpu.vector_load %arg10[%get3A_429, %get3A_430] {strides = array<i32>} : memref<224x128xf32, #tpu.memory_space<vmem>>, vector<16xf32>,
      %mul3A_432 = arith.mulf %get3A_431, %get3A_27 : vector<16xf32>
      %add3A_433 = arith.addf %add3A_428, %mul3A_432 : vector<16xf32>
      %broadcast_in_dim3A_434 = arith.constant true
      %broadcast_in_dim3A_435 = vector.broadcast %broadcast_in_dim3A_434 : i1 to vector<16xi1>
      %masked_cumsum3A = tpu.scan <sum>, %add3A_433 masked %broadcast_in_dim3A_435 : vector<16xf32>, vector<16xi1> -> vector<16xf32>
      %mul3A_436 = arith.constant 16 : i32
      %mul3A_437 = arith.muli %mul3A_436, %scan3A_393 : i32
      %swap3A = arith.index_cast %mul3A_437 : i32 to index
      %swap3A_438 = tpu.vector_load %arg14[%swap3A] {strides = array<i32>} : memref<3584xf32, #tpu.memory_space<vmem>>, vector<16xf32>,
      tpu.vector_store %arg14[%swap3A], %masked_cumsum3A {strides = array<i32>} : memref<3584xf32, #tpu.memory_space<vmem>>, vector<16xf32>,
      %scan3A_439 = arith.constant 0 : i32
      scf.yield %scan3A_439 : i32
    }
    %scan3A_166 = arith.constant 224 : i32
    %scan3A_167 = arith.constant 0 : i32
    %scan3A_168 = arith.constant 0 : i32
    %scan3A_169 = arith.constant 14 : i32
    %scan3A_170 = arith.addi %scan3A_168, %scan3A_169 : i32
    %scan3A_171 = arith.constant 1 : i32
    %scan3A_172 = scf.for %scan3A_393 = %scan3A_168 to %scan3A_170 step %scan3A_171 iter_args(%scan3A_394 = %scan3A_167) -> (i32)  : i32 {
      %mul3A_395 = arith.constant 16 : i32
      %mul3A_396 = arith.muli %scan3A_393, %mul3A_395 : i32
      %add3A_397 = vector.broadcast %mul3A_396 : i32 to vector<16xi32>
      %add3A_398 = arith.addi %add3A_397, %iota3A : vector<16xi32>
      %mul3A_399 = arith.constant 16 : i32
      %mul3A_400 = vector.broadcast %mul3A_399 : i32 to vector<16xi32>
      %mul3A_401 = arith.muli %add3A_398, %mul3A_400 : vector<16xi32>
      %add3A_402 = arith.constant 15 : i32
      %add3A_403 = vector.broadcast %add3A_402 : i32 to vector<16xi32>
      %add3A_404 = arith.addi %mul3A_401, %add3A_403 : vector<16xi32>
      %gather3A = tpu.vector_load_idx %arg14[%add3A_404] : memref<3584xf32, #tpu.memory_space<vmem>>[vector<16xi32>], vector<16xf32>,
      %mul3A_405 = arith.constant 16 : i32
      %mul3A_406 = arith.muli %scan3A_393, %mul3A_405 : i32
      %add3A_407 = arith.constant 1120 : i32
      %add3A_408 = arith.addi %add3A_407, %mul3A_406 : i32
      %swap3A = arith.index_cast %add3A_408 : i32 to index
      %swap3A_409 = tpu.vector_load %arg13[%swap3A] {strides = array<i32>} : memref<3136xf32, #tpu.memory_space<vmem>>, vector<16xf32>,
      tpu.vector_store %arg13[%swap3A], %gather3A {strides = array<i32>} : memref<3136xf32, #tpu.memory_space<vmem>>, vector<16xf32>,
      %scan3A_410 = arith.constant 0 : i32
      scf.yield %scan3A_410 : i32
    }
    %scan3A_173 = arith.constant 14 : i32
    %add3A_174 = arith.constant 1568 : i32
    %add3A_175 = arith.addi %multiple_of3A, %add3A_174 : i32
    %dma_start3A_176 = arith.constant 0 : i32
    %dma_start3A_177 = tpu.memref_slice %arg2[%add3A_175, %dma_start3A_176] : memref<100000x128xf32, #tpu.memory_space<hbm>> -> memref<224x128xf32, #tpu.memory_space<hbm>>
    %dma_start3A_178 = arith.constant 0 : i32
    %dma_start3A_179 = tpu.memref_slice %arg2[%add3A_175, %dma_start3A_178] : memref<100000x128xf32, #tpu.memory_space<hbm>> -> memref<224x128xf32, #tpu.memory_space<hbm>>
    tpu.enqueue_dma source(%dma_start3A_179 : memref<224x128xf32, #tpu.memory_space<hbm>>) target(%arg10 : memref<224x128xf32, #tpu.memory_space<vmem>>) target_semaphore(%arg23 : memref<!tpu.dma_semaphore, #tpu.memory_space<semaphore_mem>>)
    %dma_wait3A_180 = arith.constant 0 : i32
    %dma_wait3A_181 = tpu.memref_slice %arg2[%add3A_151, %dma_wait3A_180] : memref<100000x128xf32, #tpu.memory_space<hbm>> -> memref<224x128xf32, #tpu.memory_space<hbm>>
    %dma_wait3A_182 = arith.constant 0 : i32
    %dma_wait3A_183 = tpu.memref_slice %arg2[%add3A_151, %dma_wait3A_182] : memref<100000x128xf32, #tpu.memory_space<hbm>> -> memref<224x128xf32, #tpu.memory_space<hbm>>
    tpu.wait_dma2 semaphore(%arg22 : memref<!tpu.dma_semaphore, #tpu.memory_space<semaphore_mem>>) src(%dma_wait3A_183 : memref<224x128xf32, #tpu.memory_space<hbm>>) dst(%arg9 : memref<224x128xf32, #tpu.memory_space<vmem>>)
    %scan3A_184 = arith.constant 0 : i32
    %scan3A_185 = arith.constant 0 : i32
    %scan3A_186 = arith.constant 224 : i32
    %scan3A_187 = arith.addi %scan3A_185, %scan3A_186 : i32
    %scan3A_188 = arith.constant 1 : i32
    %scan3A_189 = scf.for %scan3A_393 = %scan3A_185 to %scan3A_187 step %scan3A_188 iter_args(%scan3A_394 = %scan3A_184) -> (i32)  : i32 {
      %get3A_395 = arith.index_cast %scan3A_393 : i32 to index
      %get3A_396 = arith.constant 0 : index
      %get3A_397 = tpu.vector_load %arg9[%get3A_395, %get3A_396] {strides = array<i32>} : memref<224x128xf32, #tpu.memory_space<vmem>>, vector<16xf32>,
      %mul3A_398 = arith.mulf %get3A_397, %get3A_13 : vector<16xf32>
      %get3A_399 = arith.index_cast %scan3A_393 : i32 to index
      %get3A_400 = arith.constant 16 : index
      %get3A_401 = tpu.vector_load %arg9[%get3A_399, %get3A_400] {strides = array<i32>} : memref<224x128xf32, #tpu.memory_space<vmem>>, vector<16xf32>,
      %mul3A_402 = arith.mulf %get3A_401, %get3A_15 : vector<16xf32>
      %add3A_403 = arith.addf %mul3A_398, %mul3A_402 : vector<16xf32>
      %get3A_404 = arith.index_cast %scan3A_393 : i32 to index
      %get3A_405 = arith.constant 32 : index
      %get3A_406 = tpu.vector_load %arg9[%get3A_404, %get3A_405] {strides = array<i32>} : memref<224x128xf32, #tpu.memory_space<vmem>>, vector<16xf32>,
      %mul3A_407 = arith.mulf %get3A_406, %get3A_17 : vector<16xf32>
      %add3A_408 = arith.addf %add3A_403, %mul3A_407 : vector<16xf32>
      %get3A_409 = arith.index_cast %scan3A_393 : i32 to index
      %get3A_410 = arith.constant 48 : index
      %get3A_411 = tpu.vector_load %arg9[%get3A_409, %get3A_410] {strides = array<i32>} : memref<224x128xf32, #tpu.memory_space<vmem>>, vector<16xf32>,
      %mul3A_412 = arith.mulf %get3A_411, %get3A_19 : vector<16xf32>
      %add3A_413 = arith.addf %add3A_408, %mul3A_412 : vector<16xf32>
      %get3A_414 = arith.index_cast %scan3A_393 : i32 to index
      %get3A_415 = arith.constant 64 : index
      %get3A_416 = tpu.vector_load %arg9[%get3A_414, %get3A_415] {strides = array<i32>} : memref<224x128xf32, #tpu.memory_space<vmem>>, vector<16xf32>,
      %mul3A_417 = arith.mulf %get3A_416, %get3A_21 : vector<16xf32>
      %add3A_418 = arith.addf %add3A_413, %mul3A_417 : vector<16xf32>
      %get3A_419 = arith.index_cast %scan3A_393 : i32 to index
      %get3A_420 = arith.constant 80 : index
      %get3A_421 = tpu.vector_load %arg9[%get3A_419, %get3A_420] {strides = array<i32>} : memref<224x128xf32, #tpu.memory_space<vmem>>, vector<16xf32>,
      %mul3A_422 = arith.mulf %get3A_421, %get3A_23 : vector<16xf32>
      %add3A_423 = arith.addf %add3A_418, %mul3A_422 : vector<16xf32>
      %get3A_424 = arith.index_cast %scan3A_393 : i32 to index
      %get3A_425 = arith.constant 96 : index
      %get3A_426 = tpu.vector_load %arg9[%get3A_424, %get3A_425] {strides = array<i32>} : memref<224x128xf32, #tpu.memory_space<vmem>>, vector<16xf32>,
      %mul3A_427 = arith.mulf %get3A_426, %get3A_25 : vector<16xf32>
      %add3A_428 = arith.addf %add3A_423, %mul3A_427 : vector<16xf32>
      %get3A_429 = arith.index_cast %scan3A_393 : i32 to index
      %get3A_430 = arith.constant 112 : index
      %get3A_431 = tpu.vector_load %arg9[%get3A_429, %get3A_430] {strides = array<i32>} : memref<224x128xf32, #tpu.memory_space<vmem>>, vector<16xf32>,
      %mul3A_432 = arith.mulf %get3A_431, %get3A_27 : vector<16xf32>
      %add3A_433 = arith.addf %add3A_428, %mul3A_432 : vector<16xf32>
      %broadcast_in_dim3A_434 = arith.constant true
      %broadcast_in_dim3A_435 = vector.broadcast %broadcast_in_dim3A_434 : i1 to vector<16xi1>
      %masked_cumsum3A = tpu.scan <sum>, %add3A_433 masked %broadcast_in_dim3A_435 : vector<16xf32>, vector<16xi1> -> vector<16xf32>
      %mul3A_436 = arith.constant 16 : i32
      %mul3A_437 = arith.muli %mul3A_436, %scan3A_393 : i32
      %swap3A = arith.index_cast %mul3A_437 : i32 to index
      %swap3A_438 = tpu.vector_load %arg14[%swap3A] {strides = array<i32>} : memref<3584xf32, #tpu.memory_space<vmem>>, vector<16xf32>,
      tpu.vector_store %arg14[%swap3A], %masked_cumsum3A {strides = array<i32>} : memref<3584xf32, #tpu.memory_space<vmem>>, vector<16xf32>,
      %scan3A_439 = arith.constant 0 : i32
      scf.yield %scan3A_439 : i32
    }
    %scan3A_190 = arith.constant 224 : i32
    %scan3A_191 = arith.constant 0 : i32
    %scan3A_192 = arith.constant 0 : i32
    %scan3A_193 = arith.constant 14 : i32
    %scan3A_194 = arith.addi %scan3A_192, %scan3A_193 : i32
    %scan3A_195 = arith.constant 1 : i32
    %scan3A_196 = scf.for %scan3A_393 = %scan3A_192 to %scan3A_194 step %scan3A_195 iter_args(%scan3A_394 = %scan3A_191) -> (i32)  : i32 {
      %mul3A_395 = arith.constant 16 : i32
      %mul3A_396 = arith.muli %scan3A_393, %mul3A_395 : i32
      %add3A_397 = vector.broadcast %mul3A_396 : i32 to vector<16xi32>
      %add3A_398 = arith.addi %add3A_397, %iota3A : vector<16xi32>
      %mul3A_399 = arith.constant 16 : i32
      %mul3A_400 = vector.broadcast %mul3A_399 : i32 to vector<16xi32>
      %mul3A_401 = arith.muli %add3A_398, %mul3A_400 : vector<16xi32>
      %add3A_402 = arith.constant 15 : i32
      %add3A_403 = vector.broadcast %add3A_402 : i32 to vector<16xi32>
      %add3A_404 = arith.addi %mul3A_401, %add3A_403 : vector<16xi32>
      %gather3A = tpu.vector_load_idx %arg14[%add3A_404] : memref<3584xf32, #tpu.memory_space<vmem>>[vector<16xi32>], vector<16xf32>,
      %mul3A_405 = arith.constant 16 : i32
      %mul3A_406 = arith.muli %scan3A_393, %mul3A_405 : i32
      %add3A_407 = arith.constant 1344 : i32
      %add3A_408 = arith.addi %add3A_407, %mul3A_406 : i32
      %swap3A = arith.index_cast %add3A_408 : i32 to index
      %swap3A_409 = tpu.vector_load %arg13[%swap3A] {strides = array<i32>} : memref<3136xf32, #tpu.memory_space<vmem>>, vector<16xf32>,
      tpu.vector_store %arg13[%swap3A], %gather3A {strides = array<i32>} : memref<3136xf32, #tpu.memory_space<vmem>>, vector<16xf32>,
      %scan3A_410 = arith.constant 0 : i32
      scf.yield %scan3A_410 : i32
    }
    %scan3A_197 = arith.constant 14 : i32
    %add3A_198 = arith.constant 1792 : i32
    %add3A_199 = arith.addi %multiple_of3A, %add3A_198 : i32
    %dma_start3A_200 = arith.constant 0 : i32
    %dma_start3A_201 = tpu.memref_slice %arg2[%add3A_199, %dma_start3A_200] : memref<100000x128xf32, #tpu.memory_space<hbm>> -> memref<224x128xf32, #tpu.memory_space<hbm>>
    %dma_start3A_202 = arith.constant 0 : i32
    %dma_start3A_203 = tpu.memref_slice %arg2[%add3A_199, %dma_start3A_202] : memref<100000x128xf32, #tpu.memory_space<hbm>> -> memref<224x128xf32, #tpu.memory_space<hbm>>
    tpu.enqueue_dma source(%dma_start3A_203 : memref<224x128xf32, #tpu.memory_space<hbm>>) target(%arg9 : memref<224x128xf32, #tpu.memory_space<vmem>>) target_semaphore(%arg22 : memref<!tpu.dma_semaphore, #tpu.memory_space<semaphore_mem>>)
    %dma_wait3A_204 = arith.constant 0 : i32
    %dma_wait3A_205 = tpu.memref_slice %arg2[%add3A_175, %dma_wait3A_204] : memref<100000x128xf32, #tpu.memory_space<hbm>> -> memref<224x128xf32, #tpu.memory_space<hbm>>
    %dma_wait3A_206 = arith.constant 0 : i32
    %dma_wait3A_207 = tpu.memref_slice %arg2[%add3A_175, %dma_wait3A_206] : memref<100000x128xf32, #tpu.memory_space<hbm>> -> memref<224x128xf32, #tpu.memory_space<hbm>>
    tpu.wait_dma2 semaphore(%arg23 : memref<!tpu.dma_semaphore, #tpu.memory_space<semaphore_mem>>) src(%dma_wait3A_207 : memref<224x128xf32, #tpu.memory_space<hbm>>) dst(%arg10 : memref<224x128xf32, #tpu.memory_space<vmem>>)
    %scan3A_208 = arith.constant 0 : i32
    %scan3A_209 = arith.constant 0 : i32
    %scan3A_210 = arith.constant 224 : i32
    %scan3A_211 = arith.addi %scan3A_209, %scan3A_210 : i32
    %scan3A_212 = arith.constant 1 : i32
    %scan3A_213 = scf.for %scan3A_393 = %scan3A_209 to %scan3A_211 step %scan3A_212 iter_args(%scan3A_394 = %scan3A_208) -> (i32)  : i32 {
      %get3A_395 = arith.index_cast %scan3A_393 : i32 to index
      %get3A_396 = arith.constant 0 : index
      %get3A_397 = tpu.vector_load %arg10[%get3A_395, %get3A_396] {strides = array<i32>} : memref<224x128xf32, #tpu.memory_space<vmem>>, vector<16xf32>,
      %mul3A_398 = arith.mulf %get3A_397, %get3A_13 : vector<16xf32>
      %get3A_399 = arith.index_cast %scan3A_393 : i32 to index
      %get3A_400 = arith.constant 16 : index
      %get3A_401 = tpu.vector_load %arg10[%get3A_399, %get3A_400] {strides = array<i32>} : memref<224x128xf32, #tpu.memory_space<vmem>>, vector<16xf32>,
      %mul3A_402 = arith.mulf %get3A_401, %get3A_15 : vector<16xf32>
      %add3A_403 = arith.addf %mul3A_398, %mul3A_402 : vector<16xf32>
      %get3A_404 = arith.index_cast %scan3A_393 : i32 to index
      %get3A_405 = arith.constant 32 : index
      %get3A_406 = tpu.vector_load %arg10[%get3A_404, %get3A_405] {strides = array<i32>} : memref<224x128xf32, #tpu.memory_space<vmem>>, vector<16xf32>,
      %mul3A_407 = arith.mulf %get3A_406, %get3A_17 : vector<16xf32>
      %add3A_408 = arith.addf %add3A_403, %mul3A_407 : vector<16xf32>
      %get3A_409 = arith.index_cast %scan3A_393 : i32 to index
      %get3A_410 = arith.constant 48 : index
      %get3A_411 = tpu.vector_load %arg10[%get3A_409, %get3A_410] {strides = array<i32>} : memref<224x128xf32, #tpu.memory_space<vmem>>, vector<16xf32>,
      %mul3A_412 = arith.mulf %get3A_411, %get3A_19 : vector<16xf32>
      %add3A_413 = arith.addf %add3A_408, %mul3A_412 : vector<16xf32>
      %get3A_414 = arith.index_cast %scan3A_393 : i32 to index
      %get3A_415 = arith.constant 64 : index
      %get3A_416 = tpu.vector_load %arg10[%get3A_414, %get3A_415] {strides = array<i32>} : memref<224x128xf32, #tpu.memory_space<vmem>>, vector<16xf32>,
      %mul3A_417 = arith.mulf %get3A_416, %get3A_21 : vector<16xf32>
      %add3A_418 = arith.addf %add3A_413, %mul3A_417 : vector<16xf32>
      %get3A_419 = arith.index_cast %scan3A_393 : i32 to index
      %get3A_420 = arith.constant 80 : index
      %get3A_421 = tpu.vector_load %arg10[%get3A_419, %get3A_420] {strides = array<i32>} : memref<224x128xf32, #tpu.memory_space<vmem>>, vector<16xf32>,
      %mul3A_422 = arith.mulf %get3A_421, %get3A_23 : vector<16xf32>
      %add3A_423 = arith.addf %add3A_418, %mul3A_422 : vector<16xf32>
      %get3A_424 = arith.index_cast %scan3A_393 : i32 to index
      %get3A_425 = arith.constant 96 : index
      %get3A_426 = tpu.vector_load %arg10[%get3A_424, %get3A_425] {strides = array<i32>} : memref<224x128xf32, #tpu.memory_space<vmem>>, vector<16xf32>,
      %mul3A_427 = arith.mulf %get3A_426, %get3A_25 : vector<16xf32>
      %add3A_428 = arith.addf %add3A_423, %mul3A_427 : vector<16xf32>
      %get3A_429 = arith.index_cast %scan3A_393 : i32 to index
      %get3A_430 = arith.constant 112 : index
      %get3A_431 = tpu.vector_load %arg10[%get3A_429, %get3A_430] {strides = array<i32>} : memref<224x128xf32, #tpu.memory_space<vmem>>, vector<16xf32>,
      %mul3A_432 = arith.mulf %get3A_431, %get3A_27 : vector<16xf32>
      %add3A_433 = arith.addf %add3A_428, %mul3A_432 : vector<16xf32>
      %broadcast_in_dim3A_434 = arith.constant true
      %broadcast_in_dim3A_435 = vector.broadcast %broadcast_in_dim3A_434 : i1 to vector<16xi1>
      %masked_cumsum3A = tpu.scan <sum>, %add3A_433 masked %broadcast_in_dim3A_435 : vector<16xf32>, vector<16xi1> -> vector<16xf32>
      %mul3A_436 = arith.constant 16 : i32
      %mul3A_437 = arith.muli %mul3A_436, %scan3A_393 : i32
      %swap3A = arith.index_cast %mul3A_437 : i32 to index
      %swap3A_438 = tpu.vector_load %arg14[%swap3A] {strides = array<i32>} : memref<3584xf32, #tpu.memory_space<vmem>>, vector<16xf32>,
      tpu.vector_store %arg14[%swap3A], %masked_cumsum3A {strides = array<i32>} : memref<3584xf32, #tpu.memory_space<vmem>>, vector<16xf32>,
      %scan3A_439 = arith.constant 0 : i32
      scf.yield %scan3A_439 : i32
    }
    %scan3A_214 = arith.constant 224 : i32
    %scan3A_215 = arith.constant 0 : i32
    %scan3A_216 = arith.constant 0 : i32
    %scan3A_217 = arith.constant 14 : i32
    %scan3A_218 = arith.addi %scan3A_216, %scan3A_217 : i32
    %scan3A_219 = arith.constant 1 : i32
    %scan3A_220 = scf.for %scan3A_393 = %scan3A_216 to %scan3A_218 step %scan3A_219 iter_args(%scan3A_394 = %scan3A_215) -> (i32)  : i32 {
      %mul3A_395 = arith.constant 16 : i32
      %mul3A_396 = arith.muli %scan3A_393, %mul3A_395 : i32
      %add3A_397 = vector.broadcast %mul3A_396 : i32 to vector<16xi32>
      %add3A_398 = arith.addi %add3A_397, %iota3A : vector<16xi32>
      %mul3A_399 = arith.constant 16 : i32
      %mul3A_400 = vector.broadcast %mul3A_399 : i32 to vector<16xi32>
      %mul3A_401 = arith.muli %add3A_398, %mul3A_400 : vector<16xi32>
      %add3A_402 = arith.constant 15 : i32
      %add3A_403 = vector.broadcast %add3A_402 : i32 to vector<16xi32>
      %add3A_404 = arith.addi %mul3A_401, %add3A_403 : vector<16xi32>
      %gather3A = tpu.vector_load_idx %arg14[%add3A_404] : memref<3584xf32, #tpu.memory_space<vmem>>[vector<16xi32>], vector<16xf32>,
      %mul3A_405 = arith.constant 16 : i32
      %mul3A_406 = arith.muli %scan3A_393, %mul3A_405 : i32
      %add3A_407 = arith.constant 1568 : i32
      %add3A_408 = arith.addi %add3A_407, %mul3A_406 : i32
      %swap3A = arith.index_cast %add3A_408 : i32 to index
      %swap3A_409 = tpu.vector_load %arg13[%swap3A] {strides = array<i32>} : memref<3136xf32, #tpu.memory_space<vmem>>, vector<16xf32>,
      tpu.vector_store %arg13[%swap3A], %gather3A {strides = array<i32>} : memref<3136xf32, #tpu.memory_space<vmem>>, vector<16xf32>,
      %scan3A_410 = arith.constant 0 : i32
      scf.yield %scan3A_410 : i32
    }
    %scan3A_221 = arith.constant 14 : i32
    %add3A_222 = arith.constant 2016 : i32
    %add3A_223 = arith.addi %multiple_of3A, %add3A_222 : i32
    %dma_start3A_224 = arith.constant 0 : i32
    %dma_start3A_225 = tpu.memref_slice %arg2[%add3A_223, %dma_start3A_224] : memref<100000x128xf32, #tpu.memory_space<hbm>> -> memref<224x128xf32, #tpu.memory_space<hbm>>
    %dma_start3A_226 = arith.constant 0 : i32
    %dma_start3A_227 = tpu.memref_slice %arg2[%add3A_223, %dma_start3A_226] : memref<100000x128xf32, #tpu.memory_space<hbm>> -> memref<224x128xf32, #tpu.memory_space<hbm>>
    tpu.enqueue_dma source(%dma_start3A_227 : memref<224x128xf32, #tpu.memory_space<hbm>>) target(%arg10 : memref<224x128xf32, #tpu.memory_space<vmem>>) target_semaphore(%arg23 : memref<!tpu.dma_semaphore, #tpu.memory_space<semaphore_mem>>)
    %dma_wait3A_228 = arith.constant 0 : i32
    %dma_wait3A_229 = tpu.memref_slice %arg2[%add3A_199, %dma_wait3A_228] : memref<100000x128xf32, #tpu.memory_space<hbm>> -> memref<224x128xf32, #tpu.memory_space<hbm>>
    %dma_wait3A_230 = arith.constant 0 : i32
    %dma_wait3A_231 = tpu.memref_slice %arg2[%add3A_199, %dma_wait3A_230] : memref<100000x128xf32, #tpu.memory_space<hbm>> -> memref<224x128xf32, #tpu.memory_space<hbm>>
    tpu.wait_dma2 semaphore(%arg22 : memref<!tpu.dma_semaphore, #tpu.memory_space<semaphore_mem>>) src(%dma_wait3A_231 : memref<224x128xf32, #tpu.memory_space<hbm>>) dst(%arg9 : memref<224x128xf32, #tpu.memory_space<vmem>>)
    %scan3A_232 = arith.constant 0 : i32
    %scan3A_233 = arith.constant 0 : i32
    %scan3A_234 = arith.constant 224 : i32
    %scan3A_235 = arith.addi %scan3A_233, %scan3A_234 : i32
    %scan3A_236 = arith.constant 1 : i32
    %scan3A_237 = scf.for %scan3A_393 = %scan3A_233 to %scan3A_235 step %scan3A_236 iter_args(%scan3A_394 = %scan3A_232) -> (i32)  : i32 {
      %get3A_395 = arith.index_cast %scan3A_393 : i32 to index
      %get3A_396 = arith.constant 0 : index
      %get3A_397 = tpu.vector_load %arg9[%get3A_395, %get3A_396] {strides = array<i32>} : memref<224x128xf32, #tpu.memory_space<vmem>>, vector<16xf32>,
      %mul3A_398 = arith.mulf %get3A_397, %get3A_13 : vector<16xf32>
      %get3A_399 = arith.index_cast %scan3A_393 : i32 to index
      %get3A_400 = arith.constant 16 : index
      %get3A_401 = tpu.vector_load %arg9[%get3A_399, %get3A_400] {strides = array<i32>} : memref<224x128xf32, #tpu.memory_space<vmem>>, vector<16xf32>,
      %mul3A_402 = arith.mulf %get3A_401, %get3A_15 : vector<16xf32>
      %add3A_403 = arith.addf %mul3A_398, %mul3A_402 : vector<16xf32>
      %get3A_404 = arith.index_cast %scan3A_393 : i32 to index
      %get3A_405 = arith.constant 32 : index
      %get3A_406 = tpu.vector_load %arg9[%get3A_404, %get3A_405] {strides = array<i32>} : memref<224x128xf32, #tpu.memory_space<vmem>>, vector<16xf32>,
      %mul3A_407 = arith.mulf %get3A_406, %get3A_17 : vector<16xf32>
      %add3A_408 = arith.addf %add3A_403, %mul3A_407 : vector<16xf32>
      %get3A_409 = arith.index_cast %scan3A_393 : i32 to index
      %get3A_410 = arith.constant 48 : index
      %get3A_411 = tpu.vector_load %arg9[%get3A_409, %get3A_410] {strides = array<i32>} : memref<224x128xf32, #tpu.memory_space<vmem>>, vector<16xf32>,
      %mul3A_412 = arith.mulf %get3A_411, %get3A_19 : vector<16xf32>
      %add3A_413 = arith.addf %add3A_408, %mul3A_412 : vector<16xf32>
      %get3A_414 = arith.index_cast %scan3A_393 : i32 to index
      %get3A_415 = arith.constant 64 : index
      %get3A_416 = tpu.vector_load %arg9[%get3A_414, %get3A_415] {strides = array<i32>} : memref<224x128xf32, #tpu.memory_space<vmem>>, vector<16xf32>,
      %mul3A_417 = arith.mulf %get3A_416, %get3A_21 : vector<16xf32>
      %add3A_418 = arith.addf %add3A_413, %mul3A_417 : vector<16xf32>
      %get3A_419 = arith.index_cast %scan3A_393 : i32 to index
      %get3A_420 = arith.constant 80 : index
      %get3A_421 = tpu.vector_load %arg9[%get3A_419, %get3A_420] {strides = array<i32>} : memref<224x128xf32, #tpu.memory_space<vmem>>, vector<16xf32>,
      %mul3A_422 = arith.mulf %get3A_421, %get3A_23 : vector<16xf32>
      %add3A_423 = arith.addf %add3A_418, %mul3A_422 : vector<16xf32>
      %get3A_424 = arith.index_cast %scan3A_393 : i32 to index
      %get3A_425 = arith.constant 96 : index
      %get3A_426 = tpu.vector_load %arg9[%get3A_424, %get3A_425] {strides = array<i32>} : memref<224x128xf32, #tpu.memory_space<vmem>>, vector<16xf32>,
      %mul3A_427 = arith.mulf %get3A_426, %get3A_25 : vector<16xf32>
      %add3A_428 = arith.addf %add3A_423, %mul3A_427 : vector<16xf32>
      %get3A_429 = arith.index_cast %scan3A_393 : i32 to index
      %get3A_430 = arith.constant 112 : index
      %get3A_431 = tpu.vector_load %arg9[%get3A_429, %get3A_430] {strides = array<i32>} : memref<224x128xf32, #tpu.memory_space<vmem>>, vector<16xf32>,
      %mul3A_432 = arith.mulf %get3A_431, %get3A_27 : vector<16xf32>
      %add3A_433 = arith.addf %add3A_428, %mul3A_432 : vector<16xf32>
      %broadcast_in_dim3A_434 = arith.constant true
      %broadcast_in_dim3A_435 = vector.broadcast %broadcast_in_dim3A_434 : i1 to vector<16xi1>
      %masked_cumsum3A = tpu.scan <sum>, %add3A_433 masked %broadcast_in_dim3A_435 : vector<16xf32>, vector<16xi1> -> vector<16xf32>
      %mul3A_436 = arith.constant 16 : i32
      %mul3A_437 = arith.muli %mul3A_436, %scan3A_393 : i32
      %swap3A = arith.index_cast %mul3A_437 : i32 to index
      %swap3A_438 = tpu.vector_load %arg14[%swap3A] {strides = array<i32>} : memref<3584xf32, #tpu.memory_space<vmem>>, vector<16xf32>,
      tpu.vector_store %arg14[%swap3A], %masked_cumsum3A {strides = array<i32>} : memref<3584xf32, #tpu.memory_space<vmem>>, vector<16xf32>,
      %scan3A_439 = arith.constant 0 : i32
      scf.yield %scan3A_439 : i32
    }
    %scan3A_238 = arith.constant 224 : i32
    %scan3A_239 = arith.constant 0 : i32
    %scan3A_240 = arith.constant 0 : i32
    %scan3A_241 = arith.constant 14 : i32
    %scan3A_242 = arith.addi %scan3A_240, %scan3A_241 : i32
    %scan3A_243 = arith.constant 1 : i32
    %scan3A_244 = scf.for %scan3A_393 = %scan3A_240 to %scan3A_242 step %scan3A_243 iter_args(%scan3A_394 = %scan3A_239) -> (i32)  : i32 {
      %mul3A_395 = arith.constant 16 : i32
      %mul3A_396 = arith.muli %scan3A_393, %mul3A_395 : i32
      %add3A_397 = vector.broadcast %mul3A_396 : i32 to vector<16xi32>
      %add3A_398 = arith.addi %add3A_397, %iota3A : vector<16xi32>
      %mul3A_399 = arith.constant 16 : i32
      %mul3A_400 = vector.broadcast %mul3A_399 : i32 to vector<16xi32>
      %mul3A_401 = arith.muli %add3A_398, %mul3A_400 : vector<16xi32>
      %add3A_402 = arith.constant 15 : i32
      %add3A_403 = vector.broadcast %add3A_402 : i32 to vector<16xi32>
      %add3A_404 = arith.addi %mul3A_401, %add3A_403 : vector<16xi32>
      %gather3A = tpu.vector_load_idx %arg14[%add3A_404] : memref<3584xf32, #tpu.memory_space<vmem>>[vector<16xi32>], vector<16xf32>,
      %mul3A_405 = arith.constant 16 : i32
      %mul3A_406 = arith.muli %scan3A_393, %mul3A_405 : i32
      %add3A_407 = arith.constant 1792 : i32
      %add3A_408 = arith.addi %add3A_407, %mul3A_406 : i32
      %swap3A = arith.index_cast %add3A_408 : i32 to index
      %swap3A_409 = tpu.vector_load %arg13[%swap3A] {strides = array<i32>} : memref<3136xf32, #tpu.memory_space<vmem>>, vector<16xf32>,
      tpu.vector_store %arg13[%swap3A], %gather3A {strides = array<i32>} : memref<3136xf32, #tpu.memory_space<vmem>>, vector<16xf32>,
      %scan3A_410 = arith.constant 0 : i32
      scf.yield %scan3A_410 : i32
    }
    %scan3A_245 = arith.constant 14 : i32
    %add3A_246 = arith.constant 2240 : i32
    %add3A_247 = arith.addi %multiple_of3A, %add3A_246 : i32
    %dma_start3A_248 = arith.constant 0 : i32
    %dma_start3A_249 = tpu.memref_slice %arg2[%add3A_247, %dma_start3A_248] : memref<100000x128xf32, #tpu.memory_space<hbm>> -> memref<224x128xf32, #tpu.memory_space<hbm>>
    %dma_start3A_250 = arith.constant 0 : i32
    %dma_start3A_251 = tpu.memref_slice %arg2[%add3A_247, %dma_start3A_250] : memref<100000x128xf32, #tpu.memory_space<hbm>> -> memref<224x128xf32, #tpu.memory_space<hbm>>
    tpu.enqueue_dma source(%dma_start3A_251 : memref<224x128xf32, #tpu.memory_space<hbm>>) target(%arg9 : memref<224x128xf32, #tpu.memory_space<vmem>>) target_semaphore(%arg22 : memref<!tpu.dma_semaphore, #tpu.memory_space<semaphore_mem>>)
    %dma_wait3A_252 = arith.constant 0 : i32
    %dma_wait3A_253 = tpu.memref_slice %arg2[%add3A_223, %dma_wait3A_252] : memref<100000x128xf32, #tpu.memory_space<hbm>> -> memref<224x128xf32, #tpu.memory_space<hbm>>
    %dma_wait3A_254 = arith.constant 0 : i32
    %dma_wait3A_255 = tpu.memref_slice %arg2[%add3A_223, %dma_wait3A_254] : memref<100000x128xf32, #tpu.memory_space<hbm>> -> memref<224x128xf32, #tpu.memory_space<hbm>>
    tpu.wait_dma2 semaphore(%arg23 : memref<!tpu.dma_semaphore, #tpu.memory_space<semaphore_mem>>) src(%dma_wait3A_255 : memref<224x128xf32, #tpu.memory_space<hbm>>) dst(%arg10 : memref<224x128xf32, #tpu.memory_space<vmem>>)
    %scan3A_256 = arith.constant 0 : i32
    %scan3A_257 = arith.constant 0 : i32
    %scan3A_258 = arith.constant 224 : i32
    %scan3A_259 = arith.addi %scan3A_257, %scan3A_258 : i32
    %scan3A_260 = arith.constant 1 : i32
    %scan3A_261 = scf.for %scan3A_393 = %scan3A_257 to %scan3A_259 step %scan3A_260 iter_args(%scan3A_394 = %scan3A_256) -> (i32)  : i32 {
      %get3A_395 = arith.index_cast %scan3A_393 : i32 to index
      %get3A_396 = arith.constant 0 : index
      %get3A_397 = tpu.vector_load %arg10[%get3A_395, %get3A_396] {strides = array<i32>} : memref<224x128xf32, #tpu.memory_space<vmem>>, vector<16xf32>,
      %mul3A_398 = arith.mulf %get3A_397, %get3A_13 : vector<16xf32>
      %get3A_399 = arith.index_cast %scan3A_393 : i32 to index
      %get3A_400 = arith.constant 16 : index
      %get3A_401 = tpu.vector_load %arg10[%get3A_399, %get3A_400] {strides = array<i32>} : memref<224x128xf32, #tpu.memory_space<vmem>>, vector<16xf32>,
      %mul3A_402 = arith.mulf %get3A_401, %get3A_15 : vector<16xf32>
      %add3A_403 = arith.addf %mul3A_398, %mul3A_402 : vector<16xf32>
      %get3A_404 = arith.index_cast %scan3A_393 : i32 to index
      %get3A_405 = arith.constant 32 : index
      %get3A_406 = tpu.vector_load %arg10[%get3A_404, %get3A_405] {strides = array<i32>} : memref<224x128xf32, #tpu.memory_space<vmem>>, vector<16xf32>,
      %mul3A_407 = arith.mulf %get3A_406, %get3A_17 : vector<16xf32>
      %add3A_408 = arith.addf %add3A_403, %mul3A_407 : vector<16xf32>
      %get3A_409 = arith.index_cast %scan3A_393 : i32 to index
      %get3A_410 = arith.constant 48 : index
      %get3A_411 = tpu.vector_load %arg10[%get3A_409, %get3A_410] {strides = array<i32>} : memref<224x128xf32, #tpu.memory_space<vmem>>, vector<16xf32>,
      %mul3A_412 = arith.mulf %get3A_411, %get3A_19 : vector<16xf32>
      %add3A_413 = arith.addf %add3A_408, %mul3A_412 : vector<16xf32>
      %get3A_414 = arith.index_cast %scan3A_393 : i32 to index
      %get3A_415 = arith.constant 64 : index
      %get3A_416 = tpu.vector_load %arg10[%get3A_414, %get3A_415] {strides = array<i32>} : memref<224x128xf32, #tpu.memory_space<vmem>>, vector<16xf32>,
      %mul3A_417 = arith.mulf %get3A_416, %get3A_21 : vector<16xf32>
      %add3A_418 = arith.addf %add3A_413, %mul3A_417 : vector<16xf32>
      %get3A_419 = arith.index_cast %scan3A_393 : i32 to index
      %get3A_420 = arith.constant 80 : index
      %get3A_421 = tpu.vector_load %arg10[%get3A_419, %get3A_420] {strides = array<i32>} : memref<224x128xf32, #tpu.memory_space<vmem>>, vector<16xf32>,
      %mul3A_422 = arith.mulf %get3A_421, %get3A_23 : vector<16xf32>
      %add3A_423 = arith.addf %add3A_418, %mul3A_422 : vector<16xf32>
      %get3A_424 = arith.index_cast %scan3A_393 : i32 to index
      %get3A_425 = arith.constant 96 : index
      %get3A_426 = tpu.vector_load %arg10[%get3A_424, %get3A_425] {strides = array<i32>} : memref<224x128xf32, #tpu.memory_space<vmem>>, vector<16xf32>,
      %mul3A_427 = arith.mulf %get3A_426, %get3A_25 : vector<16xf32>
      %add3A_428 = arith.addf %add3A_423, %mul3A_427 : vector<16xf32>
      %get3A_429 = arith.index_cast %scan3A_393 : i32 to index
      %get3A_430 = arith.constant 112 : index
      %get3A_431 = tpu.vector_load %arg10[%get3A_429, %get3A_430] {strides = array<i32>} : memref<224x128xf32, #tpu.memory_space<vmem>>, vector<16xf32>,
      %mul3A_432 = arith.mulf %get3A_431, %get3A_27 : vector<16xf32>
      %add3A_433 = arith.addf %add3A_428, %mul3A_432 : vector<16xf32>
      %broadcast_in_dim3A_434 = arith.constant true
      %broadcast_in_dim3A_435 = vector.broadcast %broadcast_in_dim3A_434 : i1 to vector<16xi1>
      %masked_cumsum3A = tpu.scan <sum>, %add3A_433 masked %broadcast_in_dim3A_435 : vector<16xf32>, vector<16xi1> -> vector<16xf32>
      %mul3A_436 = arith.constant 16 : i32
      %mul3A_437 = arith.muli %mul3A_436, %scan3A_393 : i32
      %swap3A = arith.index_cast %mul3A_437 : i32 to index
      %swap3A_438 = tpu.vector_load %arg14[%swap3A] {strides = array<i32>} : memref<3584xf32, #tpu.memory_space<vmem>>, vector<16xf32>,
      tpu.vector_store %arg14[%swap3A], %masked_cumsum3A {strides = array<i32>} : memref<3584xf32, #tpu.memory_space<vmem>>, vector<16xf32>,
      %scan3A_439 = arith.constant 0 : i32
      scf.yield %scan3A_439 : i32
    }
    %scan3A_262 = arith.constant 224 : i32
    %scan3A_263 = arith.constant 0 : i32
    %scan3A_264 = arith.constant 0 : i32
    %scan3A_265 = arith.constant 14 : i32
    %scan3A_266 = arith.addi %scan3A_264, %scan3A_265 : i32
    %scan3A_267 = arith.constant 1 : i32
    %scan3A_268 = scf.for %scan3A_393 = %scan3A_264 to %scan3A_266 step %scan3A_267 iter_args(%scan3A_394 = %scan3A_263) -> (i32)  : i32 {
      %mul3A_395 = arith.constant 16 : i32
      %mul3A_396 = arith.muli %scan3A_393, %mul3A_395 : i32
      %add3A_397 = vector.broadcast %mul3A_396 : i32 to vector<16xi32>
      %add3A_398 = arith.addi %add3A_397, %iota3A : vector<16xi32>
      %mul3A_399 = arith.constant 16 : i32
      %mul3A_400 = vector.broadcast %mul3A_399 : i32 to vector<16xi32>
      %mul3A_401 = arith.muli %add3A_398, %mul3A_400 : vector<16xi32>
      %add3A_402 = arith.constant 15 : i32
      %add3A_403 = vector.broadcast %add3A_402 : i32 to vector<16xi32>
      %add3A_404 = arith.addi %mul3A_401, %add3A_403 : vector<16xi32>
      %gather3A = tpu.vector_load_idx %arg14[%add3A_404] : memref<3584xf32, #tpu.memory_space<vmem>>[vector<16xi32>], vector<16xf32>,
      %mul3A_405 = arith.constant 16 : i32
      %mul3A_406 = arith.muli %scan3A_393, %mul3A_405 : i32
      %add3A_407 = arith.constant 2016 : i32
      %add3A_408 = arith.addi %add3A_407, %mul3A_406 : i32
      %swap3A = arith.index_cast %add3A_408 : i32 to index
      %swap3A_409 = tpu.vector_load %arg13[%swap3A] {strides = array<i32>} : memref<3136xf32, #tpu.memory_space<vmem>>, vector<16xf32>,
      tpu.vector_store %arg13[%swap3A], %gather3A {strides = array<i32>} : memref<3136xf32, #tpu.memory_space<vmem>>, vector<16xf32>,
      %scan3A_410 = arith.constant 0 : i32
      scf.yield %scan3A_410 : i32
    }
    %scan3A_269 = arith.constant 14 : i32
    %add3A_270 = arith.constant 2464 : i32
    %add3A_271 = arith.addi %multiple_of3A, %add3A_270 : i32
    %dma_start3A_272 = arith.constant 0 : i32
    %dma_start3A_273 = tpu.memref_slice %arg2[%add3A_271, %dma_start3A_272] : memref<100000x128xf32, #tpu.memory_space<hbm>> -> memref<224x128xf32, #tpu.memory_space<hbm>>
    %dma_start3A_274 = arith.constant 0 : i32
    %dma_start3A_275 = tpu.memref_slice %arg2[%add3A_271, %dma_start3A_274] : memref<100000x128xf32, #tpu.memory_space<hbm>> -> memref<224x128xf32, #tpu.memory_space<hbm>>
    tpu.enqueue_dma source(%dma_start3A_275 : memref<224x128xf32, #tpu.memory_space<hbm>>) target(%arg10 : memref<224x128xf32, #tpu.memory_space<vmem>>) target_semaphore(%arg23 : memref<!tpu.dma_semaphore, #tpu.memory_space<semaphore_mem>>)
    %dma_wait3A_276 = arith.constant 0 : i32
    %dma_wait3A_277 = tpu.memref_slice %arg2[%add3A_247, %dma_wait3A_276] : memref<100000x128xf32, #tpu.memory_space<hbm>> -> memref<224x128xf32, #tpu.memory_space<hbm>>
    %dma_wait3A_278 = arith.constant 0 : i32
    %dma_wait3A_279 = tpu.memref_slice %arg2[%add3A_247, %dma_wait3A_278] : memref<100000x128xf32, #tpu.memory_space<hbm>> -> memref<224x128xf32, #tpu.memory_space<hbm>>
    tpu.wait_dma2 semaphore(%arg22 : memref<!tpu.dma_semaphore, #tpu.memory_space<semaphore_mem>>) src(%dma_wait3A_279 : memref<224x128xf32, #tpu.memory_space<hbm>>) dst(%arg9 : memref<224x128xf32, #tpu.memory_space<vmem>>)
    %scan3A_280 = arith.constant 0 : i32
    %scan3A_281 = arith.constant 0 : i32
    %scan3A_282 = arith.constant 224 : i32
    %scan3A_283 = arith.addi %scan3A_281, %scan3A_282 : i32
    %scan3A_284 = arith.constant 1 : i32
    %scan3A_285 = scf.for %scan3A_393 = %scan3A_281 to %scan3A_283 step %scan3A_284 iter_args(%scan3A_394 = %scan3A_280) -> (i32)  : i32 {
      %get3A_395 = arith.index_cast %scan3A_393 : i32 to index
      %get3A_396 = arith.constant 0 : index
      %get3A_397 = tpu.vector_load %arg9[%get3A_395, %get3A_396] {strides = array<i32>} : memref<224x128xf32, #tpu.memory_space<vmem>>, vector<16xf32>,
      %mul3A_398 = arith.mulf %get3A_397, %get3A_13 : vector<16xf32>
      %get3A_399 = arith.index_cast %scan3A_393 : i32 to index
      %get3A_400 = arith.constant 16 : index
      %get3A_401 = tpu.vector_load %arg9[%get3A_399, %get3A_400] {strides = array<i32>} : memref<224x128xf32, #tpu.memory_space<vmem>>, vector<16xf32>,
      %mul3A_402 = arith.mulf %get3A_401, %get3A_15 : vector<16xf32>
      %add3A_403 = arith.addf %mul3A_398, %mul3A_402 : vector<16xf32>
      %get3A_404 = arith.index_cast %scan3A_393 : i32 to index
      %get3A_405 = arith.constant 32 : index
      %get3A_406 = tpu.vector_load %arg9[%get3A_404, %get3A_405] {strides = array<i32>} : memref<224x128xf32, #tpu.memory_space<vmem>>, vector<16xf32>,
      %mul3A_407 = arith.mulf %get3A_406, %get3A_17 : vector<16xf32>
      %add3A_408 = arith.addf %add3A_403, %mul3A_407 : vector<16xf32>
      %get3A_409 = arith.index_cast %scan3A_393 : i32 to index
      %get3A_410 = arith.constant 48 : index
      %get3A_411 = tpu.vector_load %arg9[%get3A_409, %get3A_410] {strides = array<i32>} : memref<224x128xf32, #tpu.memory_space<vmem>>, vector<16xf32>,
      %mul3A_412 = arith.mulf %get3A_411, %get3A_19 : vector<16xf32>
      %add3A_413 = arith.addf %add3A_408, %mul3A_412 : vector<16xf32>
      %get3A_414 = arith.index_cast %scan3A_393 : i32 to index
      %get3A_415 = arith.constant 64 : index
      %get3A_416 = tpu.vector_load %arg9[%get3A_414, %get3A_415] {strides = array<i32>} : memref<224x128xf32, #tpu.memory_space<vmem>>, vector<16xf32>,
      %mul3A_417 = arith.mulf %get3A_416, %get3A_21 : vector<16xf32>
      %add3A_418 = arith.addf %add3A_413, %mul3A_417 : vector<16xf32>
      %get3A_419 = arith.index_cast %scan3A_393 : i32 to index
      %get3A_420 = arith.constant 80 : index
      %get3A_421 = tpu.vector_load %arg9[%get3A_419, %get3A_420] {strides = array<i32>} : memref<224x128xf32, #tpu.memory_space<vmem>>, vector<16xf32>,
      %mul3A_422 = arith.mulf %get3A_421, %get3A_23 : vector<16xf32>
      %add3A_423 = arith.addf %add3A_418, %mul3A_422 : vector<16xf32>
      %get3A_424 = arith.index_cast %scan3A_393 : i32 to index
      %get3A_425 = arith.constant 96 : index
      %get3A_426 = tpu.vector_load %arg9[%get3A_424, %get3A_425] {strides = array<i32>} : memref<224x128xf32, #tpu.memory_space<vmem>>, vector<16xf32>,
      %mul3A_427 = arith.mulf %get3A_426, %get3A_25 : vector<16xf32>
      %add3A_428 = arith.addf %add3A_423, %mul3A_427 : vector<16xf32>
      %get3A_429 = arith.index_cast %scan3A_393 : i32 to index
      %get3A_430 = arith.constant 112 : index
      %get3A_431 = tpu.vector_load %arg9[%get3A_429, %get3A_430] {strides = array<i32>} : memref<224x128xf32, #tpu.memory_space<vmem>>, vector<16xf32>,
      %mul3A_432 = arith.mulf %get3A_431, %get3A_27 : vector<16xf32>
      %add3A_433 = arith.addf %add3A_428, %mul3A_432 : vector<16xf32>
      %broadcast_in_dim3A_434 = arith.constant true
      %broadcast_in_dim3A_435 = vector.broadcast %broadcast_in_dim3A_434 : i1 to vector<16xi1>
      %masked_cumsum3A = tpu.scan <sum>, %add3A_433 masked %broadcast_in_dim3A_435 : vector<16xf32>, vector<16xi1> -> vector<16xf32>
      %mul3A_436 = arith.constant 16 : i32
      %mul3A_437 = arith.muli %mul3A_436, %scan3A_393 : i32
      %swap3A = arith.index_cast %mul3A_437 : i32 to index
      %swap3A_438 = tpu.vector_load %arg14[%swap3A] {strides = array<i32>} : memref<3584xf32, #tpu.memory_space<vmem>>, vector<16xf32>,
      tpu.vector_store %arg14[%swap3A], %masked_cumsum3A {strides = array<i32>} : memref<3584xf32, #tpu.memory_space<vmem>>, vector<16xf32>,
      %scan3A_439 = arith.constant 0 : i32
      scf.yield %scan3A_439 : i32
    }
    %scan3A_286 = arith.constant 224 : i32
    %scan3A_287 = arith.constant 0 : i32
    %scan3A_288 = arith.constant 0 : i32
    %scan3A_289 = arith.constant 14 : i32
    %scan3A_290 = arith.addi %scan3A_288, %scan3A_289 : i32
    %scan3A_291 = arith.constant 1 : i32
    %scan3A_292 = scf.for %scan3A_393 = %scan3A_288 to %scan3A_290 step %scan3A_291 iter_args(%scan3A_394 = %scan3A_287) -> (i32)  : i32 {
      %mul3A_395 = arith.constant 16 : i32
      %mul3A_396 = arith.muli %scan3A_393, %mul3A_395 : i32
      %add3A_397 = vector.broadcast %mul3A_396 : i32 to vector<16xi32>
      %add3A_398 = arith.addi %add3A_397, %iota3A : vector<16xi32>
      %mul3A_399 = arith.constant 16 : i32
      %mul3A_400 = vector.broadcast %mul3A_399 : i32 to vector<16xi32>
      %mul3A_401 = arith.muli %add3A_398, %mul3A_400 : vector<16xi32>
      %add3A_402 = arith.constant 15 : i32
      %add3A_403 = vector.broadcast %add3A_402 : i32 to vector<16xi32>
      %add3A_404 = arith.addi %mul3A_401, %add3A_403 : vector<16xi32>
      %gather3A = tpu.vector_load_idx %arg14[%add3A_404] : memref<3584xf32, #tpu.memory_space<vmem>>[vector<16xi32>], vector<16xf32>,
      %mul3A_405 = arith.constant 16 : i32
      %mul3A_406 = arith.muli %scan3A_393, %mul3A_405 : i32
      %add3A_407 = arith.constant 2240 : i32
      %add3A_408 = arith.addi %add3A_407, %mul3A_406 : i32
      %swap3A = arith.index_cast %add3A_408 : i32 to index
      %swap3A_409 = tpu.vector_load %arg13[%swap3A] {strides = array<i32>} : memref<3136xf32, #tpu.memory_space<vmem>>, vector<16xf32>,
      tpu.vector_store %arg13[%swap3A], %gather3A {strides = array<i32>} : memref<3136xf32, #tpu.memory_space<vmem>>, vector<16xf32>,
      %scan3A_410 = arith.constant 0 : i32
      scf.yield %scan3A_410 : i32
    }
    %scan3A_293 = arith.constant 14 : i32
    %add3A_294 = arith.constant 2688 : i32
    %add3A_295 = arith.addi %multiple_of3A, %add3A_294 : i32
    %dma_start3A_296 = arith.constant 0 : i32
    %dma_start3A_297 = tpu.memref_slice %arg2[%add3A_295, %dma_start3A_296] : memref<100000x128xf32, #tpu.memory_space<hbm>> -> memref<224x128xf32, #tpu.memory_space<hbm>>
    %dma_start3A_298 = arith.constant 0 : i32
    %dma_start3A_299 = tpu.memref_slice %arg2[%add3A_295, %dma_start3A_298] : memref<100000x128xf32, #tpu.memory_space<hbm>> -> memref<224x128xf32, #tpu.memory_space<hbm>>
    tpu.enqueue_dma source(%dma_start3A_299 : memref<224x128xf32, #tpu.memory_space<hbm>>) target(%arg9 : memref<224x128xf32, #tpu.memory_space<vmem>>) target_semaphore(%arg22 : memref<!tpu.dma_semaphore, #tpu.memory_space<semaphore_mem>>)
    %dma_wait3A_300 = arith.constant 0 : i32
    %dma_wait3A_301 = tpu.memref_slice %arg2[%add3A_271, %dma_wait3A_300] : memref<100000x128xf32, #tpu.memory_space<hbm>> -> memref<224x128xf32, #tpu.memory_space<hbm>>
    %dma_wait3A_302 = arith.constant 0 : i32
    %dma_wait3A_303 = tpu.memref_slice %arg2[%add3A_271, %dma_wait3A_302] : memref<100000x128xf32, #tpu.memory_space<hbm>> -> memref<224x128xf32, #tpu.memory_space<hbm>>
    tpu.wait_dma2 semaphore(%arg23 : memref<!tpu.dma_semaphore, #tpu.memory_space<semaphore_mem>>) src(%dma_wait3A_303 : memref<224x128xf32, #tpu.memory_space<hbm>>) dst(%arg10 : memref<224x128xf32, #tpu.memory_space<vmem>>)
    %scan3A_304 = arith.constant 0 : i32
    %scan3A_305 = arith.constant 0 : i32
    %scan3A_306 = arith.constant 224 : i32
    %scan3A_307 = arith.addi %scan3A_305, %scan3A_306 : i32
    %scan3A_308 = arith.constant 1 : i32
    %scan3A_309 = scf.for %scan3A_393 = %scan3A_305 to %scan3A_307 step %scan3A_308 iter_args(%scan3A_394 = %scan3A_304) -> (i32)  : i32 {
      %get3A_395 = arith.index_cast %scan3A_393 : i32 to index
      %get3A_396 = arith.constant 0 : index
      %get3A_397 = tpu.vector_load %arg10[%get3A_395, %get3A_396] {strides = array<i32>} : memref<224x128xf32, #tpu.memory_space<vmem>>, vector<16xf32>,
      %mul3A_398 = arith.mulf %get3A_397, %get3A_13 : vector<16xf32>
      %get3A_399 = arith.index_cast %scan3A_393 : i32 to index
      %get3A_400 = arith.constant 16 : index
      %get3A_401 = tpu.vector_load %arg10[%get3A_399, %get3A_400] {strides = array<i32>} : memref<224x128xf32, #tpu.memory_space<vmem>>, vector<16xf32>,
      %mul3A_402 = arith.mulf %get3A_401, %get3A_15 : vector<16xf32>
      %add3A_403 = arith.addf %mul3A_398, %mul3A_402 : vector<16xf32>
      %get3A_404 = arith.index_cast %scan3A_393 : i32 to index
      %get3A_405 = arith.constant 32 : index
      %get3A_406 = tpu.vector_load %arg10[%get3A_404, %get3A_405] {strides = array<i32>} : memref<224x128xf32, #tpu.memory_space<vmem>>, vector<16xf32>,
      %mul3A_407 = arith.mulf %get3A_406, %get3A_17 : vector<16xf32>
      %add3A_408 = arith.addf %add3A_403, %mul3A_407 : vector<16xf32>
      %get3A_409 = arith.index_cast %scan3A_393 : i32 to index
      %get3A_410 = arith.constant 48 : index
      %get3A_411 = tpu.vector_load %arg10[%get3A_409, %get3A_410] {strides = array<i32>} : memref<224x128xf32, #tpu.memory_space<vmem>>, vector<16xf32>,
      %mul3A_412 = arith.mulf %get3A_411, %get3A_19 : vector<16xf32>
      %add3A_413 = arith.addf %add3A_408, %mul3A_412 : vector<16xf32>
      %get3A_414 = arith.index_cast %scan3A_393 : i32 to index
      %get3A_415 = arith.constant 64 : index
      %get3A_416 = tpu.vector_load %arg10[%get3A_414, %get3A_415] {strides = array<i32>} : memref<224x128xf32, #tpu.memory_space<vmem>>, vector<16xf32>,
      %mul3A_417 = arith.mulf %get3A_416, %get3A_21 : vector<16xf32>
      %add3A_418 = arith.addf %add3A_413, %mul3A_417 : vector<16xf32>
      %get3A_419 = arith.index_cast %scan3A_393 : i32 to index
      %get3A_420 = arith.constant 80 : index
      %get3A_421 = tpu.vector_load %arg10[%get3A_419, %get3A_420] {strides = array<i32>} : memref<224x128xf32, #tpu.memory_space<vmem>>, vector<16xf32>,
      %mul3A_422 = arith.mulf %get3A_421, %get3A_23 : vector<16xf32>
      %add3A_423 = arith.addf %add3A_418, %mul3A_422 : vector<16xf32>
      %get3A_424 = arith.index_cast %scan3A_393 : i32 to index
      %get3A_425 = arith.constant 96 : index
      %get3A_426 = tpu.vector_load %arg10[%get3A_424, %get3A_425] {strides = array<i32>} : memref<224x128xf32, #tpu.memory_space<vmem>>, vector<16xf32>,
      %mul3A_427 = arith.mulf %get3A_426, %get3A_25 : vector<16xf32>
      %add3A_428 = arith.addf %add3A_423, %mul3A_427 : vector<16xf32>
      %get3A_429 = arith.index_cast %scan3A_393 : i32 to index
      %get3A_430 = arith.constant 112 : index
      %get3A_431 = tpu.vector_load %arg10[%get3A_429, %get3A_430] {strides = array<i32>} : memref<224x128xf32, #tpu.memory_space<vmem>>, vector<16xf32>,
      %mul3A_432 = arith.mulf %get3A_431, %get3A_27 : vector<16xf32>
      %add3A_433 = arith.addf %add3A_428, %mul3A_432 : vector<16xf32>
      %broadcast_in_dim3A_434 = arith.constant true
      %broadcast_in_dim3A_435 = vector.broadcast %broadcast_in_dim3A_434 : i1 to vector<16xi1>
      %masked_cumsum3A = tpu.scan <sum>, %add3A_433 masked %broadcast_in_dim3A_435 : vector<16xf32>, vector<16xi1> -> vector<16xf32>
      %mul3A_436 = arith.constant 16 : i32
      %mul3A_437 = arith.muli %mul3A_436, %scan3A_393 : i32
      %swap3A = arith.index_cast %mul3A_437 : i32 to index
      %swap3A_438 = tpu.vector_load %arg14[%swap3A] {strides = array<i32>} : memref<3584xf32, #tpu.memory_space<vmem>>, vector<16xf32>,
      tpu.vector_store %arg14[%swap3A], %masked_cumsum3A {strides = array<i32>} : memref<3584xf32, #tpu.memory_space<vmem>>, vector<16xf32>,
      %scan3A_439 = arith.constant 0 : i32
      scf.yield %scan3A_439 : i32
    }
    %scan3A_310 = arith.constant 224 : i32
    %scan3A_311 = arith.constant 0 : i32
    %scan3A_312 = arith.constant 0 : i32
    %scan3A_313 = arith.constant 14 : i32
    %scan3A_314 = arith.addi %scan3A_312, %scan3A_313 : i32
    %scan3A_315 = arith.constant 1 : i32
    %scan3A_316 = scf.for %scan3A_393 = %scan3A_312 to %scan3A_314 step %scan3A_315 iter_args(%scan3A_394 = %scan3A_311) -> (i32)  : i32 {
      %mul3A_395 = arith.constant 16 : i32
      %mul3A_396 = arith.muli %scan3A_393, %mul3A_395 : i32
      %add3A_397 = vector.broadcast %mul3A_396 : i32 to vector<16xi32>
      %add3A_398 = arith.addi %add3A_397, %iota3A : vector<16xi32>
      %mul3A_399 = arith.constant 16 : i32
      %mul3A_400 = vector.broadcast %mul3A_399 : i32 to vector<16xi32>
      %mul3A_401 = arith.muli %add3A_398, %mul3A_400 : vector<16xi32>
      %add3A_402 = arith.constant 15 : i32
      %add3A_403 = vector.broadcast %add3A_402 : i32 to vector<16xi32>
      %add3A_404 = arith.addi %mul3A_401, %add3A_403 : vector<16xi32>
      %gather3A = tpu.vector_load_idx %arg14[%add3A_404] : memref<3584xf32, #tpu.memory_space<vmem>>[vector<16xi32>], vector<16xf32>,
      %mul3A_405 = arith.constant 16 : i32
      %mul3A_406 = arith.muli %scan3A_393, %mul3A_405 : i32
      %add3A_407 = arith.constant 2464 : i32
      %add3A_408 = arith.addi %add3A_407, %mul3A_406 : i32
      %swap3A = arith.index_cast %add3A_408 : i32 to index
      %swap3A_409 = tpu.vector_load %arg13[%swap3A] {strides = array<i32>} : memref<3136xf32, #tpu.memory_space<vmem>>, vector<16xf32>,
      tpu.vector_store %arg13[%swap3A], %gather3A {strides = array<i32>} : memref<3136xf32, #tpu.memory_space<vmem>>, vector<16xf32>,
      %scan3A_410 = arith.constant 0 : i32
      scf.yield %scan3A_410 : i32
    }
    %scan3A_317 = arith.constant 14 : i32
    %add3A_318 = arith.constant 2912 : i32
    %add3A_319 = arith.addi %multiple_of3A, %add3A_318 : i32
    %dma_start3A_320 = arith.constant 0 : i32
    %dma_start3A_321 = tpu.memref_slice %arg2[%add3A_319, %dma_start3A_320] : memref<100000x128xf32, #tpu.memory_space<hbm>> -> memref<224x128xf32, #tpu.memory_space<hbm>>
    %dma_start3A_322 = arith.constant 0 : i32
    %dma_start3A_323 = tpu.memref_slice %arg2[%add3A_319, %dma_start3A_322] : memref<100000x128xf32, #tpu.memory_space<hbm>> -> memref<224x128xf32, #tpu.memory_space<hbm>>
    tpu.enqueue_dma source(%dma_start3A_323 : memref<224x128xf32, #tpu.memory_space<hbm>>) target(%arg10 : memref<224x128xf32, #tpu.memory_space<vmem>>) target_semaphore(%arg23 : memref<!tpu.dma_semaphore, #tpu.memory_space<semaphore_mem>>)
    %dma_wait3A_324 = arith.constant 0 : i32
    %dma_wait3A_325 = tpu.memref_slice %arg2[%add3A_295, %dma_wait3A_324] : memref<100000x128xf32, #tpu.memory_space<hbm>> -> memref<224x128xf32, #tpu.memory_space<hbm>>
    %dma_wait3A_326 = arith.constant 0 : i32
    %dma_wait3A_327 = tpu.memref_slice %arg2[%add3A_295, %dma_wait3A_326] : memref<100000x128xf32, #tpu.memory_space<hbm>> -> memref<224x128xf32, #tpu.memory_space<hbm>>
    tpu.wait_dma2 semaphore(%arg22 : memref<!tpu.dma_semaphore, #tpu.memory_space<semaphore_mem>>) src(%dma_wait3A_327 : memref<224x128xf32, #tpu.memory_space<hbm>>) dst(%arg9 : memref<224x128xf32, #tpu.memory_space<vmem>>)
    %scan3A_328 = arith.constant 0 : i32
    %scan3A_329 = arith.constant 0 : i32
    %scan3A_330 = arith.constant 224 : i32
    %scan3A_331 = arith.addi %scan3A_329, %scan3A_330 : i32
    %scan3A_332 = arith.constant 1 : i32
    %scan3A_333 = scf.for %scan3A_393 = %scan3A_329 to %scan3A_331 step %scan3A_332 iter_args(%scan3A_394 = %scan3A_328) -> (i32)  : i32 {
      %get3A_395 = arith.index_cast %scan3A_393 : i32 to index
      %get3A_396 = arith.constant 0 : index
      %get3A_397 = tpu.vector_load %arg9[%get3A_395, %get3A_396] {strides = array<i32>} : memref<224x128xf32, #tpu.memory_space<vmem>>, vector<16xf32>,
      %mul3A_398 = arith.mulf %get3A_397, %get3A_13 : vector<16xf32>
      %get3A_399 = arith.index_cast %scan3A_393 : i32 to index
      %get3A_400 = arith.constant 16 : index
      %get3A_401 = tpu.vector_load %arg9[%get3A_399, %get3A_400] {strides = array<i32>} : memref<224x128xf32, #tpu.memory_space<vmem>>, vector<16xf32>,
      %mul3A_402 = arith.mulf %get3A_401, %get3A_15 : vector<16xf32>
      %add3A_403 = arith.addf %mul3A_398, %mul3A_402 : vector<16xf32>
      %get3A_404 = arith.index_cast %scan3A_393 : i32 to index
      %get3A_405 = arith.constant 32 : index
      %get3A_406 = tpu.vector_load %arg9[%get3A_404, %get3A_405] {strides = array<i32>} : memref<224x128xf32, #tpu.memory_space<vmem>>, vector<16xf32>,
      %mul3A_407 = arith.mulf %get3A_406, %get3A_17 : vector<16xf32>
      %add3A_408 = arith.addf %add3A_403, %mul3A_407 : vector<16xf32>
      %get3A_409 = arith.index_cast %scan3A_393 : i32 to index
      %get3A_410 = arith.constant 48 : index
      %get3A_411 = tpu.vector_load %arg9[%get3A_409, %get3A_410] {strides = array<i32>} : memref<224x128xf32, #tpu.memory_space<vmem>>, vector<16xf32>,
      %mul3A_412 = arith.mulf %get3A_411, %get3A_19 : vector<16xf32>
      %add3A_413 = arith.addf %add3A_408, %mul3A_412 : vector<16xf32>
      %get3A_414 = arith.index_cast %scan3A_393 : i32 to index
      %get3A_415 = arith.constant 64 : index
      %get3A_416 = tpu.vector_load %arg9[%get3A_414, %get3A_415] {strides = array<i32>} : memref<224x128xf32, #tpu.memory_space<vmem>>, vector<16xf32>,
      %mul3A_417 = arith.mulf %get3A_416, %get3A_21 : vector<16xf32>
      %add3A_418 = arith.addf %add3A_413, %mul3A_417 : vector<16xf32>
      %get3A_419 = arith.index_cast %scan3A_393 : i32 to index
      %get3A_420 = arith.constant 80 : index
      %get3A_421 = tpu.vector_load %arg9[%get3A_419, %get3A_420] {strides = array<i32>} : memref<224x128xf32, #tpu.memory_space<vmem>>, vector<16xf32>,
      %mul3A_422 = arith.mulf %get3A_421, %get3A_23 : vector<16xf32>
      %add3A_423 = arith.addf %add3A_418, %mul3A_422 : vector<16xf32>
      %get3A_424 = arith.index_cast %scan3A_393 : i32 to index
      %get3A_425 = arith.constant 96 : index
      %get3A_426 = tpu.vector_load %arg9[%get3A_424, %get3A_425] {strides = array<i32>} : memref<224x128xf32, #tpu.memory_space<vmem>>, vector<16xf32>,
      %mul3A_427 = arith.mulf %get3A_426, %get3A_25 : vector<16xf32>
      %add3A_428 = arith.addf %add3A_423, %mul3A_427 : vector<16xf32>
      %get3A_429 = arith.index_cast %scan3A_393 : i32 to index
      %get3A_430 = arith.constant 112 : index
      %get3A_431 = tpu.vector_load %arg9[%get3A_429, %get3A_430] {strides = array<i32>} : memref<224x128xf32, #tpu.memory_space<vmem>>, vector<16xf32>,
      %mul3A_432 = arith.mulf %get3A_431, %get3A_27 : vector<16xf32>
      %add3A_433 = arith.addf %add3A_428, %mul3A_432 : vector<16xf32>
      %broadcast_in_dim3A_434 = arith.constant true
      %broadcast_in_dim3A_435 = vector.broadcast %broadcast_in_dim3A_434 : i1 to vector<16xi1>
      %masked_cumsum3A = tpu.scan <sum>, %add3A_433 masked %broadcast_in_dim3A_435 : vector<16xf32>, vector<16xi1> -> vector<16xf32>
      %mul3A_436 = arith.constant 16 : i32
      %mul3A_437 = arith.muli %mul3A_436, %scan3A_393 : i32
      %swap3A = arith.index_cast %mul3A_437 : i32 to index
      %swap3A_438 = tpu.vector_load %arg14[%swap3A] {strides = array<i32>} : memref<3584xf32, #tpu.memory_space<vmem>>, vector<16xf32>,
      tpu.vector_store %arg14[%swap3A], %masked_cumsum3A {strides = array<i32>} : memref<3584xf32, #tpu.memory_space<vmem>>, vector<16xf32>,
      %scan3A_439 = arith.constant 0 : i32
      scf.yield %scan3A_439 : i32
    }
    %scan3A_334 = arith.constant 224 : i32
    %scan3A_335 = arith.constant 0 : i32
    %scan3A_336 = arith.constant 0 : i32
    %scan3A_337 = arith.constant 14 : i32
    %scan3A_338 = arith.addi %scan3A_336, %scan3A_337 : i32
    %scan3A_339 = arith.constant 1 : i32
    %scan3A_340 = scf.for %scan3A_393 = %scan3A_336 to %scan3A_338 step %scan3A_339 iter_args(%scan3A_394 = %scan3A_335) -> (i32)  : i32 {
      %mul3A_395 = arith.constant 16 : i32
      %mul3A_396 = arith.muli %scan3A_393, %mul3A_395 : i32
      %add3A_397 = vector.broadcast %mul3A_396 : i32 to vector<16xi32>
      %add3A_398 = arith.addi %add3A_397, %iota3A : vector<16xi32>
      %mul3A_399 = arith.constant 16 : i32
      %mul3A_400 = vector.broadcast %mul3A_399 : i32 to vector<16xi32>
      %mul3A_401 = arith.muli %add3A_398, %mul3A_400 : vector<16xi32>
      %add3A_402 = arith.constant 15 : i32
      %add3A_403 = vector.broadcast %add3A_402 : i32 to vector<16xi32>
      %add3A_404 = arith.addi %mul3A_401, %add3A_403 : vector<16xi32>
      %gather3A = tpu.vector_load_idx %arg14[%add3A_404] : memref<3584xf32, #tpu.memory_space<vmem>>[vector<16xi32>], vector<16xf32>,
      %mul3A_405 = arith.constant 16 : i32
      %mul3A_406 = arith.muli %scan3A_393, %mul3A_405 : i32
      %add3A_407 = arith.constant 2688 : i32
      %add3A_408 = arith.addi %add3A_407, %mul3A_406 : i32
      %swap3A = arith.index_cast %add3A_408 : i32 to index
      %swap3A_409 = tpu.vector_load %arg13[%swap3A] {strides = array<i32>} : memref<3136xf32, #tpu.memory_space<vmem>>, vector<16xf32>,
      tpu.vector_store %arg13[%swap3A], %gather3A {strides = array<i32>} : memref<3136xf32, #tpu.memory_space<vmem>>, vector<16xf32>,
      %scan3A_410 = arith.constant 0 : i32
      scf.yield %scan3A_410 : i32
    }
    %scan3A_341 = arith.constant 14 : i32
    %dma_wait3A_342 = arith.constant 0 : i32
    %dma_wait3A_343 = tpu.memref_slice %arg2[%add3A_319, %dma_wait3A_342] : memref<100000x128xf32, #tpu.memory_space<hbm>> -> memref<224x128xf32, #tpu.memory_space<hbm>>
    %dma_wait3A_344 = arith.constant 0 : i32
    %dma_wait3A_345 = tpu.memref_slice %arg2[%add3A_319, %dma_wait3A_344] : memref<100000x128xf32, #tpu.memory_space<hbm>> -> memref<224x128xf32, #tpu.memory_space<hbm>>
    tpu.wait_dma2 semaphore(%arg23 : memref<!tpu.dma_semaphore, #tpu.memory_space<semaphore_mem>>) src(%dma_wait3A_345 : memref<224x128xf32, #tpu.memory_space<hbm>>) dst(%arg10 : memref<224x128xf32, #tpu.memory_space<vmem>>)
    %scan3A_346 = arith.constant 0 : i32
    %scan3A_347 = arith.constant 0 : i32
    %scan3A_348 = arith.constant 224 : i32
    %scan3A_349 = arith.addi %scan3A_347, %scan3A_348 : i32
    %scan3A_350 = arith.constant 1 : i32
    %scan3A_351 = scf.for %scan3A_393 = %scan3A_347 to %scan3A_349 step %scan3A_350 iter_args(%scan3A_394 = %scan3A_346) -> (i32)  : i32 {
      %get3A_395 = arith.index_cast %scan3A_393 : i32 to index
      %get3A_396 = arith.constant 0 : index
      %get3A_397 = tpu.vector_load %arg10[%get3A_395, %get3A_396] {strides = array<i32>} : memref<224x128xf32, #tpu.memory_space<vmem>>, vector<16xf32>,
      %mul3A_398 = arith.mulf %get3A_397, %get3A_13 : vector<16xf32>
      %get3A_399 = arith.index_cast %scan3A_393 : i32 to index
      %get3A_400 = arith.constant 16 : index
      %get3A_401 = tpu.vector_load %arg10[%get3A_399, %get3A_400] {strides = array<i32>} : memref<224x128xf32, #tpu.memory_space<vmem>>, vector<16xf32>,
      %mul3A_402 = arith.mulf %get3A_401, %get3A_15 : vector<16xf32>
      %add3A_403 = arith.addf %mul3A_398, %mul3A_402 : vector<16xf32>
      %get3A_404 = arith.index_cast %scan3A_393 : i32 to index
      %get3A_405 = arith.constant 32 : index
      %get3A_406 = tpu.vector_load %arg10[%get3A_404, %get3A_405] {strides = array<i32>} : memref<224x128xf32, #tpu.memory_space<vmem>>, vector<16xf32>,
      %mul3A_407 = arith.mulf %get3A_406, %get3A_17 : vector<16xf32>
      %add3A_408 = arith.addf %add3A_403, %mul3A_407 : vector<16xf32>
      %get3A_409 = arith.index_cast %scan3A_393 : i32 to index
      %get3A_410 = arith.constant 48 : index
      %get3A_411 = tpu.vector_load %arg10[%get3A_409, %get3A_410] {strides = array<i32>} : memref<224x128xf32, #tpu.memory_space<vmem>>, vector<16xf32>,
      %mul3A_412 = arith.mulf %get3A_411, %get3A_19 : vector<16xf32>
      %add3A_413 = arith.addf %add3A_408, %mul3A_412 : vector<16xf32>
      %get3A_414 = arith.index_cast %scan3A_393 : i32 to index
      %get3A_415 = arith.constant 64 : index
      %get3A_416 = tpu.vector_load %arg10[%get3A_414, %get3A_415] {strides = array<i32>} : memref<224x128xf32, #tpu.memory_space<vmem>>, vector<16xf32>,
      %mul3A_417 = arith.mulf %get3A_416, %get3A_21 : vector<16xf32>
      %add3A_418 = arith.addf %add3A_413, %mul3A_417 : vector<16xf32>
      %get3A_419 = arith.index_cast %scan3A_393 : i32 to index
      %get3A_420 = arith.constant 80 : index
      %get3A_421 = tpu.vector_load %arg10[%get3A_419, %get3A_420] {strides = array<i32>} : memref<224x128xf32, #tpu.memory_space<vmem>>, vector<16xf32>,
      %mul3A_422 = arith.mulf %get3A_421, %get3A_23 : vector<16xf32>
      %add3A_423 = arith.addf %add3A_418, %mul3A_422 : vector<16xf32>
      %get3A_424 = arith.index_cast %scan3A_393 : i32 to index
      %get3A_425 = arith.constant 96 : index
      %get3A_426 = tpu.vector_load %arg10[%get3A_424, %get3A_425] {strides = array<i32>} : memref<224x128xf32, #tpu.memory_space<vmem>>, vector<16xf32>,
      %mul3A_427 = arith.mulf %get3A_426, %get3A_25 : vector<16xf32>
      %add3A_428 = arith.addf %add3A_423, %mul3A_427 : vector<16xf32>
      %get3A_429 = arith.index_cast %scan3A_393 : i32 to index
      %get3A_430 = arith.constant 112 : index
      %get3A_431 = tpu.vector_load %arg10[%get3A_429, %get3A_430] {strides = array<i32>} : memref<224x128xf32, #tpu.memory_space<vmem>>, vector<16xf32>,
      %mul3A_432 = arith.mulf %get3A_431, %get3A_27 : vector<16xf32>
      %add3A_433 = arith.addf %add3A_428, %mul3A_432 : vector<16xf32>
      %broadcast_in_dim3A_434 = arith.constant true
      %broadcast_in_dim3A_435 = vector.broadcast %broadcast_in_dim3A_434 : i1 to vector<16xi1>
      %masked_cumsum3A = tpu.scan <sum>, %add3A_433 masked %broadcast_in_dim3A_435 : vector<16xf32>, vector<16xi1> -> vector<16xf32>
      %mul3A_436 = arith.constant 16 : i32
      %mul3A_437 = arith.muli %mul3A_436, %scan3A_393 : i32
      %swap3A = arith.index_cast %mul3A_437 : i32 to index
      %swap3A_438 = tpu.vector_load %arg14[%swap3A] {strides = array<i32>} : memref<3584xf32, #tpu.memory_space<vmem>>, vector<16xf32>,
      tpu.vector_store %arg14[%swap3A], %masked_cumsum3A {strides = array<i32>} : memref<3584xf32, #tpu.memory_space<vmem>>, vector<16xf32>,
      %scan3A_439 = arith.constant 0 : i32
      scf.yield %scan3A_439 : i32
    }
    %scan3A_352 = arith.constant 224 : i32
    %scan3A_353 = arith.constant 0 : i32
    %scan3A_354 = arith.constant 0 : i32
    %scan3A_355 = arith.constant 14 : i32
    %scan3A_356 = arith.addi %scan3A_354, %scan3A_355 : i32
    %scan3A_357 = arith.constant 1 : i32
    %scan3A_358 = scf.for %scan3A_393 = %scan3A_354 to %scan3A_356 step %scan3A_357 iter_args(%scan3A_394 = %scan3A_353) -> (i32)  : i32 {
      %mul3A_395 = arith.constant 16 : i32
      %mul3A_396 = arith.muli %scan3A_393, %mul3A_395 : i32
      %add3A_397 = vector.broadcast %mul3A_396 : i32 to vector<16xi32>
      %add3A_398 = arith.addi %add3A_397, %iota3A : vector<16xi32>
      %mul3A_399 = arith.constant 16 : i32
      %mul3A_400 = vector.broadcast %mul3A_399 : i32 to vector<16xi32>
      %mul3A_401 = arith.muli %add3A_398, %mul3A_400 : vector<16xi32>
      %add3A_402 = arith.constant 15 : i32
      %add3A_403 = vector.broadcast %add3A_402 : i32 to vector<16xi32>
      %add3A_404 = arith.addi %mul3A_401, %add3A_403 : vector<16xi32>
      %gather3A = tpu.vector_load_idx %arg14[%add3A_404] : memref<3584xf32, #tpu.memory_space<vmem>>[vector<16xi32>], vector<16xf32>,
      %mul3A_405 = arith.constant 16 : i32
      %mul3A_406 = arith.muli %scan3A_393, %mul3A_405 : i32
      %add3A_407 = arith.constant 2912 : i32
      %add3A_408 = arith.addi %add3A_407, %mul3A_406 : i32
      %swap3A = arith.index_cast %add3A_408 : i32 to index
      %swap3A_409 = tpu.vector_load %arg13[%swap3A] {strides = array<i32>} : memref<3136xf32, #tpu.memory_space<vmem>>, vector<16xf32>,
      tpu.vector_store %arg13[%swap3A], %gather3A {strides = array<i32>} : memref<3136xf32, #tpu.memory_space<vmem>>, vector<16xf32>,
      %scan3A_410 = arith.constant 0 : i32
      scf.yield %scan3A_410 : i32
    }
    %scan3A_359 = arith.constant 14 : i32
    "tpu.region"() ({
      %run_scoped3A = tpu.sem_alloc : memref<!tpu.dma_semaphore, #tpu.memory_space<semaphore_mem>>
      %dma_start3A_393 = tpu.memref_slice %arg5[%multiple_of3A] : memref<100000xf32, #tpu.memory_space<hbm>> -> memref<3136xf32, #tpu.memory_space<hbm>>
      %dma_start3A_394 = tpu.memref_slice %arg5[%multiple_of3A] : memref<100000xf32, #tpu.memory_space<hbm>> -> memref<3136xf32, #tpu.memory_space<hbm>>
      tpu.enqueue_dma source(%arg13 : memref<3136xf32, #tpu.memory_space<vmem>>) target(%dma_start3A_394 : memref<3136xf32, #tpu.memory_space<hbm>>) target_semaphore(%run_scoped3A : memref<!tpu.dma_semaphore, #tpu.memory_space<semaphore_mem>>)
      %dma_wait3A_395 = tpu.memref_slice %arg5[%multiple_of3A] : memref<100000xf32, #tpu.memory_space<hbm>> -> memref<3136xf32, #tpu.memory_space<hbm>>
      %dma_wait3A_396 = tpu.memref_slice %arg5[%multiple_of3A] : memref<100000xf32, #tpu.memory_space<hbm>> -> memref<3136xf32, #tpu.memory_space<hbm>>
      tpu.wait_dma2 semaphore(%run_scoped3A : memref<!tpu.dma_semaphore, #tpu.memory_space<semaphore_mem>>) src(%arg13 : memref<3136xf32, #tpu.memory_space<vmem>>) dst(%dma_wait3A_396 : memref<3136xf32, #tpu.memory_space<hbm>>)
      tpu.yield
    }) : () -> ()
    %scan3A_360 = arith.constant 0 : i32
    %scan3A_361 = arith.constant 0 : i32
    %scan3A_362 = arith.constant 196 : i32
    %scan3A_363 = arith.addi %scan3A_361, %scan3A_362 : i32
    %scan3A_364 = arith.constant 1 : i32
    %scan3A_365 = scf.for %scan3A_393 = %scan3A_361 to %scan3A_363 step %scan3A_364 iter_args(%scan3A_394 = %scan3A_360) -> (i32)  : i32 {
      %mul3A_395 = arith.constant 16 : i32
      %mul3A_396 = arith.muli %mul3A_395, %scan3A_393 : i32
      %add3A_397 = vector.broadcast %mul3A_396 : i32 to vector<16xi32>
      %add3A_398 = arith.addi %add3A_397, %iota3A : vector<16xi32>
      %add3A_399 = arith.constant 16 : i32
      %add3A_400 = vector.broadcast %add3A_399 : i32 to vector<16xi32>
      %add3A_401 = arith.addi %add3A_398, %add3A_400 : vector<16xi32>
      %gather3A = tpu.vector_load_idx %arg12[%add3A_401] : memref<3168xi32, #tpu.memory_space<vmem>>[vector<16xi32>], vector<16xi32>,
      %add3A_402 = arith.constant 15 : i32
      %add3A_403 = vector.broadcast %add3A_402 : i32 to vector<16xi32>
      %add3A_404 = arith.addi %add3A_398, %add3A_403 : vector<16xi32>
      %gather3A_405 = tpu.vector_load_idx %arg12[%add3A_404] : memref<3168xi32, #tpu.memory_space<vmem>>[vector<16xi32>], vector<16xi32>,
      %ne3A = arith.cmpi ne, %gather3A, %gather3A_405 : vector<16xi32>
      %eq3A_406 = vector.broadcast %sub3A : i32 to vector<16xi32>
      %eq3A_407 = arith.cmpi eq, %add3A_398, %eq3A_406 : vector<16xi32>
      %ge3A = vector.broadcast %sub3A : i32 to vector<16xi32>
      %ge3A_408 = arith.cmpi sge, %add3A_398, %ge3A : vector<16xi32>
      %or3A = arith.ori %ne3A, %eq3A_407 : vector<16xi1>
      %and3A = arith.andi %ge3A_408, %or3A : vector<16xi1>
      %convert_element_type3A = arith.extui %and3A : vector<16xi1> to vector<16xi32>
      %broadcast_in_dim3A_409 = arith.constant true
      %broadcast_in_dim3A_410 = vector.broadcast %broadcast_in_dim3A_409 : i1 to vector<16xi1>
      %masked_cumsum3A = tpu.scan <sum>, %convert_element_type3A masked %broadcast_in_dim3A_410 : vector<16xi32>, vector<16xi1> -> vector<16xi32>
      %add3A_411 = vector.broadcast %scan3A_394 : i32 to vector<16xi32>
      %add3A_412 = arith.addi %add3A_411, %masked_cumsum3A : vector<16xi32>
      %sub3A_413 = arith.constant 1 : i32
      %sub3A_414 = vector.broadcast %sub3A_413 : i32 to vector<16xi32>
      %sub3A_415 = arith.subi %add3A_412, %sub3A_414 : vector<16xi32>
      tpu.vector_store_idx %arg18[%sub3A_415], %add3A_398 masked %and3A : memref<544xi32, #tpu.memory_space<vmem>>[vector<16xi32>], vector<16xi32>, vector<16xi1>
      %convert_element_type3A_416 = arith.extui %and3A : vector<16xi1> to vector<16xi32>
      %reduce_sum3A = arith.constant true
      %reduce_sum3A_417 = vector.broadcast %reduce_sum3A : i1 to vector<16xi1>
      %reduce_sum3A_418 = tpu.scan <sum>, %convert_element_type3A_416 masked %reduce_sum3A_417 : vector<16xi32>, vector<16xi1> -> vector<16xi32>
      %reduce_sum3A_419 = vector.extract %reduce_sum3A_418[15] : i32 from vector<16xi32>
      %add3A_420 = arith.addi %scan3A_394, %reduce_sum3A_419 : i32
      scf.yield %add3A_420 : i32
    }
    %scan3A_366 = arith.constant 196 : i32
    %broadcast_in_dim3A_367 = vector.broadcast %scan3A_365 : i32 to vector<16xi32>
    %broadcast_in_dim3A_368 = arith.constant 3136 : i32
    %broadcast_in_dim3A_369 = vector.broadcast %broadcast_in_dim3A_368 : i32 to vector<16xi32>
    %eq3A = arith.constant 0 : i32
    %eq3A_370 = vector.broadcast %eq3A : i32 to vector<16xi32>
    %eq3A_371 = arith.cmpi eq, %iota3A, %eq3A_370 : vector<16xi32>
    tpu.vector_store_idx %arg18[%broadcast_in_dim3A_367], %broadcast_in_dim3A_369 masked %eq3A_371 : memref<544xi32, #tpu.memory_space<vmem>>[vector<16xi32>], vector<16xi32>, vector<16xi1>
    %while3A = arith.constant 0 : i32
    %while3A_372 = arith.constant 0 : i32
    %while3A_373 = arith.subi %scan3A_365, %while3A : i32
    %while3A_374 = arith.addi %while3A, %while3A_373 : i32
    %while3A_375 = arith.constant 1 : i32
    %while3A_376 = arith.divsi %while3A_373, %while3A_375 : i32
    %while3A_377 = arith.muli %while3A_376, %while3A_375 : i32
    %while3A_378 = arith.addi %while3A, %while3A_377 : i32
    %while3A_379 = arith.constant 1 : i32
    %while3A_380 = scf.for %while3A_393 = %while3A to %while3A_378 step %while3A_379 iter_args(%while3A_394 = %while3A_372) -> (i32)  : i32 {
      %get3A_395 = arith.index_cast %while3A_393 : i32 to index
      %get3A_396 = tpu.vector_load %arg18[%get3A_395] {strides = array<i32>} : memref<544xi32, #tpu.memory_space<vmem>>, vector<16xi32>,
      %slice3A = vector.extract_strided_slice %get3A_396 {offsets = [0], sizes = [1], strides = [1]} : vector<16xi32> to vector<1xi32>
      %squeeze3A = vector.extract %slice3A[0] : i32 from vector<1xi32>
      %add3A_397 = arith.constant 1 : i32
      %add3A_398 = arith.addi %while3A_393, %add3A_397 : i32
      %get3A_399 = arith.index_cast %add3A_398 : i32 to index
      %get3A_400 = tpu.vector_load %arg18[%get3A_399] {strides = array<i32>} : memref<544xi32, #tpu.memory_space<vmem>>, vector<16xi32>,
      %slice3A_401 = vector.extract_strided_slice %get3A_400 {offsets = [0], sizes = [1], strides = [1]} : vector<16xi32> to vector<1xi32>
      %squeeze3A_402 = vector.extract %slice3A_401[0] : i32 from vector<1xi32>
      %add3A_403 = arith.constant 16 : i32
      %add3A_404 = arith.addi %squeeze3A, %add3A_403 : i32
      %get3A_405 = arith.index_cast %add3A_404 : i32 to index
      %get3A_406 = tpu.vector_load %arg12[%get3A_405] {strides = array<i32>} : memref<3168xi32, #tpu.memory_space<vmem>>, vector<16xi32>,
      %slice3A_407 = vector.extract_strided_slice %get3A_406 {offsets = [0], sizes = [1], strides = [1]} : vector<16xi32> to vector<1xi32>
      %squeeze3A_408 = vector.extract %slice3A_407[0] : i32 from vector<1xi32>
      %jit3A = arith.constant 16 : i32
      %div3A = arith.divsi %squeeze3A, %jit3A : i32
      %sign3A = arith.constant 0 : i32
      %sign3A_409 = arith.cmpi sgt, %squeeze3A, %sign3A : i32
      %sign3A_410 = arith.extui %sign3A_409 : i1 to i32
      %sign3A_411 = arith.constant 0 : i32
      %sign3A_412 = arith.cmpi slt, %squeeze3A, %sign3A_411 : i32
      %sign3A_413 = arith.extui %sign3A_412 : i1 to i32
      %sign3A_414 = arith.subi %sign3A_410, %sign3A_413 : i32
      %sign3A_415 = arith.constant 0 : i32
      %sign3A_416 = arith.cmpi sgt, %jit3A, %sign3A_415 : i32
      %sign3A_417 = arith.extui %sign3A_416 : i1 to i32
      %sign3A_418 = arith.constant 0 : i32
      %sign3A_419 = arith.cmpi slt, %jit3A, %sign3A_418 : i32
      %sign3A_420 = arith.extui %sign3A_419 : i1 to i32
      %sign3A_421 = arith.subi %sign3A_417, %sign3A_420 : i32
      %ne3A = arith.cmpi ne, %sign3A_414, %sign3A_421 : i32
      %rem3A = arith.remsi %squeeze3A, %jit3A : i32
      %ne3A_422 = arith.constant 0 : i32
      %ne3A_423 = arith.cmpi ne, %rem3A, %ne3A_422 : i32
      %and3A = arith.andi %ne3A, %ne3A_423 : i1
      %sub3A_424 = arith.constant 1 : i32
      %sub3A_425 = arith.subi %div3A, %sub3A_424 : i32
      %select_n3A = arith.select %and3A, %sub3A_425, %div3A : i32
      %add3A_426 = arith.constant 15 : i32
      %add3A_427 = arith.addi %squeeze3A_402, %add3A_426 : i32
      %jit3A_428 = arith.constant 16 : i32
      %div3A_429 = arith.divsi %add3A_427, %jit3A_428 : i32
      %sign3A_430 = arith.constant 0 : i32
      %sign3A_431 = arith.cmpi sgt, %add3A_427, %sign3A_430 : i32
      %sign3A_432 = arith.extui %sign3A_431 : i1 to i32
      %sign3A_433 = arith.constant 0 : i32
      %sign3A_434 = arith.cmpi slt, %add3A_427, %sign3A_433 : i32
      %sign3A_435 = arith.extui %sign3A_434 : i1 to i32
      %sign3A_436 = arith.subi %sign3A_432, %sign3A_435 : i32
      %sign3A_437 = arith.constant 0 : i32
      %sign3A_438 = arith.cmpi sgt, %jit3A_428, %sign3A_437 : i32
      %sign3A_439 = arith.extui %sign3A_438 : i1 to i32
      %sign3A_440 = arith.constant 0 : i32
      %sign3A_441 = arith.cmpi slt, %jit3A_428, %sign3A_440 : i32
      %sign3A_442 = arith.extui %sign3A_441 : i1 to i32
      %sign3A_443 = arith.subi %sign3A_439, %sign3A_442 : i32
      %ne3A_444 = arith.cmpi ne, %sign3A_436, %sign3A_443 : i32
      %rem3A_445 = arith.remsi %add3A_427, %jit3A_428 : i32
      %ne3A_446 = arith.constant 0 : i32
      %ne3A_447 = arith.cmpi ne, %rem3A_445, %ne3A_446 : i32
      %and3A_448 = arith.andi %ne3A_444, %ne3A_447 : i1
      %sub3A_449 = arith.constant 1 : i32
      %sub3A_450 = arith.subi %div3A_429, %sub3A_449 : i32
      %select_n3A_451 = arith.select %and3A_448, %sub3A_450, %div3A_429 : i32
      %broadcast_in_dim3A_452 = arith.constant -1.000000e+30 : f32
      %broadcast_in_dim3A_453 = vector.broadcast %broadcast_in_dim3A_452 : f32 to vector<16xf32>
      %while3A_454 = arith.subi %select_n3A_451, %select_n3A : i32
      %while3A_455 = arith.addi %select_n3A, %while3A_454 : i32
      %while3A_456 = arith.constant 1 : i32
      %while3A_457 = arith.divsi %while3A_454, %while3A_456 : i32
      %while3A_458 = arith.muli %while3A_457, %while3A_456 : i32
      %while3A_459 = arith.addi %select_n3A, %while3A_458 : i32
      %while3A_460 = arith.constant 1 : i32
      %while3A_461 = scf.for %while3A_498 = %select_n3A to %while3A_459 step %while3A_460 iter_args(%while3A_499 = %broadcast_in_dim3A_453) -> (vector<16xf32>)  : i32 {
        %mul3A_500 = arith.constant 16 : i32
        %mul3A_501 = arith.muli %mul3A_500, %while3A_498 : i32
        %get3A_502 = arith.index_cast %mul3A_501 : i32 to index
        %get3A_503 = tpu.vector_load %arg13[%get3A_502] {strides = array<i32>} : memref<3136xf32, #tpu.memory_space<vmem>>, vector<16xf32>,
        %mul3A_504 = arith.constant 16 : i32
        %mul3A_505 = arith.muli %mul3A_504, %while3A_498 : i32
        %add3A_506 = vector.broadcast %mul3A_505 : i32 to vector<16xi32>
        %add3A_507 = arith.addi %add3A_506, %iota3A : vector<16xi32>
        %ge3A = vector.broadcast %squeeze3A : i32 to vector<16xi32>
        %ge3A_508 = arith.cmpi sge, %add3A_507, %ge3A : vector<16xi32>
        %lt3A = vector.broadcast %squeeze3A_402 : i32 to vector<16xi32>
        %lt3A_509 = arith.cmpi slt, %add3A_507, %lt3A : vector<16xi32>
        %and3A_510 = arith.andi %ge3A_508, %lt3A_509 : vector<16xi1>
        %jit3A_511 = arith.constant -1.000000e+30 : f32
        %broadcast_in_dim3A_512 = vector.broadcast %jit3A_511 : f32 to vector<16xf32>
        %select_n3A_513 = arith.select %and3A_510, %get3A_503, %broadcast_in_dim3A_512 : vector<16xi1>, vector<16xf32>
        %max3A = arith.maximumf %while3A_499, %select_n3A_513 : vector<16xf32>
        scf.yield %max3A : vector<16xf32>
      }
      %while3A_462 = arith.constant 1 : i32
      %while3A_463 = scf.for %while3A_498 = %while3A_459 to %while3A_455 step %while3A_462 iter_args(%while3A_499 = %while3A_461) -> (vector<16xf32>)  : i32 {
        %mul3A_500 = arith.constant 16 : i32
        %mul3A_501 = arith.muli %mul3A_500, %while3A_498 : i32
        %get3A_502 = arith.index_cast %mul3A_501 : i32 to index
        %get3A_503 = tpu.vector_load %arg13[%get3A_502] {strides = array<i32>} : memref<3136xf32, #tpu.memory_space<vmem>>, vector<16xf32>,
        %mul3A_504 = arith.constant 16 : i32
        %mul3A_505 = arith.muli %mul3A_504, %while3A_498 : i32
        %add3A_506 = vector.broadcast %mul3A_505 : i32 to vector<16xi32>
        %add3A_507 = arith.addi %add3A_506, %iota3A : vector<16xi32>
        %ge3A = vector.broadcast %squeeze3A : i32 to vector<16xi32>
        %ge3A_508 = arith.cmpi sge, %add3A_507, %ge3A : vector<16xi32>
        %lt3A = vector.broadcast %squeeze3A_402 : i32 to vector<16xi32>
        %lt3A_509 = arith.cmpi slt, %add3A_507, %lt3A : vector<16xi32>
        %and3A_510 = arith.andi %ge3A_508, %lt3A_509 : vector<16xi1>
        %jit3A_511 = arith.constant -1.000000e+30 : f32
        %broadcast_in_dim3A_512 = vector.broadcast %jit3A_511 : f32 to vector<16xf32>
        %select_n3A_513 = arith.select %and3A_510, %get3A_503, %broadcast_in_dim3A_512 : vector<16xi1>, vector<16xf32>
        %max3A = arith.maximumf %while3A_499, %select_n3A_513 : vector<16xf32>
        scf.yield %max3A : vector<16xf32>
      }
      %reduce_max3A = arith.constant true
      %reduce_max3A_464 = vector.broadcast %reduce_max3A : i1 to vector<16xi1>
      %reduce_max3A_465 = tpu.scan <max>, %while3A_463 masked %reduce_max3A_464 : vector<16xf32>, vector<16xi1> -> vector<16xf32>
      %reduce_max3A_466 = vector.extract %reduce_max3A_465[15] : f32 from vector<16xf32>
      %broadcast_in_dim3A_467 = vector.broadcast %reduce_max3A_466 : f32 to vector<16xf32>
      %broadcast_in_dim3A_468 = arith.constant 0.000000e+00 : f32
      %broadcast_in_dim3A_469 = vector.broadcast %broadcast_in_dim3A_468 : f32 to vector<16xf32>
      %while3A_470 = arith.subi %select_n3A_451, %select_n3A : i32
      %while3A_471 = arith.addi %select_n3A, %while3A_470 : i32
      %while3A_472 = arith.constant 1 : i32
      %while3A_473 = arith.divsi %while3A_470, %while3A_472 : i32
      %while3A_474 = arith.muli %while3A_473, %while3A_472 : i32
      %while3A_475 = arith.addi %select_n3A, %while3A_474 : i32
      %while3A_476 = arith.constant 1 : i32
      %while3A_477 = scf.for %while3A_498 = %select_n3A to %while3A_475 step %while3A_476 iter_args(%while3A_499 = %broadcast_in_dim3A_469) -> (vector<16xf32>)  : i32 {
        %mul3A_500 = arith.constant 16 : i32
        %mul3A_501 = arith.muli %mul3A_500, %while3A_498 : i32
        %get3A_502 = arith.index_cast %mul3A_501 : i32 to index
        %get3A_503 = tpu.vector_load %arg13[%get3A_502] {strides = array<i32>} : memref<3136xf32, #tpu.memory_space<vmem>>, vector<16xf32>,
        %mul3A_504 = arith.constant 16 : i32
        %mul3A_505 = arith.muli %mul3A_504, %while3A_498 : i32
        %add3A_506 = vector.broadcast %mul3A_505 : i32 to vector<16xi32>
        %add3A_507 = arith.addi %add3A_506, %iota3A : vector<16xi32>
        %ge3A = vector.broadcast %squeeze3A : i32 to vector<16xi32>
        %ge3A_508 = arith.cmpi sge, %add3A_507, %ge3A : vector<16xi32>
        %lt3A = vector.broadcast %squeeze3A_402 : i32 to vector<16xi32>
        %lt3A_509 = arith.cmpi slt, %add3A_507, %lt3A : vector<16xi32>
        %and3A_510 = arith.andi %ge3A_508, %lt3A_509 : vector<16xi1>
        %sub3A_511 = arith.subf %get3A_503, %broadcast_in_dim3A_467 : vector<16xf32>
        %exp3A = math.exp %sub3A_511 : vector<16xf32>
        %jit3A_512 = arith.constant 0.000000e+00 : f32
        %broadcast_in_dim3A_513 = vector.broadcast %jit3A_512 : f32 to vector<16xf32>
        %select_n3A_514 = arith.select %and3A_510, %exp3A, %broadcast_in_dim3A_513 : vector<16xi1>, vector<16xf32>
        %add3A_515 = arith.addf %while3A_499, %select_n3A_514 : vector<16xf32>
        scf.yield %add3A_515 : vector<16xf32>
      }
      %while3A_478 = arith.constant 1 : i32
      %while3A_479 = scf.for %while3A_498 = %while3A_475 to %while3A_471 step %while3A_478 iter_args(%while3A_499 = %while3A_477) -> (vector<16xf32>)  : i32 {
        %mul3A_500 = arith.constant 16 : i32
        %mul3A_501 = arith.muli %mul3A_500, %while3A_498 : i32
        %get3A_502 = arith.index_cast %mul3A_501 : i32 to index
        %get3A_503 = tpu.vector_load %arg13[%get3A_502] {strides = array<i32>} : memref<3136xf32, #tpu.memory_space<vmem>>, vector<16xf32>,
        %mul3A_504 = arith.constant 16 : i32
        %mul3A_505 = arith.muli %mul3A_504, %while3A_498 : i32
        %add3A_506 = vector.broadcast %mul3A_505 : i32 to vector<16xi32>
        %add3A_507 = arith.addi %add3A_506, %iota3A : vector<16xi32>
        %ge3A = vector.broadcast %squeeze3A : i32 to vector<16xi32>
        %ge3A_508 = arith.cmpi sge, %add3A_507, %ge3A : vector<16xi32>
        %lt3A = vector.broadcast %squeeze3A_402 : i32 to vector<16xi32>
        %lt3A_509 = arith.cmpi slt, %add3A_507, %lt3A : vector<16xi32>
        %and3A_510 = arith.andi %ge3A_508, %lt3A_509 : vector<16xi1>
        %sub3A_511 = arith.subf %get3A_503, %broadcast_in_dim3A_467 : vector<16xf32>
        %exp3A = math.exp %sub3A_511 : vector<16xf32>
        %jit3A_512 = arith.constant 0.000000e+00 : f32
        %broadcast_in_dim3A_513 = vector.broadcast %jit3A_512 : f32 to vector<16xf32>
        %select_n3A_514 = arith.select %and3A_510, %exp3A, %broadcast_in_dim3A_513 : vector<16xi1>, vector<16xf32>
        %add3A_515 = arith.addf %while3A_499, %select_n3A_514 : vector<16xf32>
        scf.yield %add3A_515 : vector<16xf32>
      }
      %reduce_sum3A = arith.constant true
      %reduce_sum3A_480 = vector.broadcast %reduce_sum3A : i1 to vector<16xi1>
      %reduce_sum3A_481 = tpu.scan <sum>, %while3A_479 masked %reduce_sum3A_480 : vector<16xf32>, vector<16xi1> -> vector<16xf32>
      %reduce_sum3A_482 = vector.extract %reduce_sum3A_481[15] : f32 from vector<16xf32>
      %mul3A_483 = arith.constant 16 : i32
      %mul3A_484 = arith.muli %squeeze3A_408, %mul3A_483 : i32
      %swap3A = arith.index_cast %mul3A_484 : i32 to index
      %swap3A_485 = tpu.vector_load %arg15[%swap3A] {strides = array<i32>} : memref<8192xf32, #tpu.memory_space<vmem>>, vector<16xf32>,
      tpu.vector_store %arg15[%swap3A], %broadcast_in_dim3A_467 {strides = array<i32>} : memref<8192xf32, #tpu.memory_space<vmem>>, vector<16xf32>,
      %broadcast_in_dim3A_486 = vector.broadcast %reduce_sum3A_482 : f32 to vector<16xf32>
      %mul3A_487 = arith.constant 16 : i32
      %mul3A_488 = arith.muli %squeeze3A_408, %mul3A_487 : i32
      %swap3A_489 = arith.index_cast %mul3A_488 : i32 to index
      %swap3A_490 = tpu.vector_load %arg16[%swap3A_489] {strides = array<i32>} : memref<8192xf32, #tpu.memory_space<vmem>>, vector<16xf32>,
      tpu.vector_store %arg16[%swap3A_489], %broadcast_in_dim3A_486 {strides = array<i32>} : memref<8192xf32, #tpu.memory_space<vmem>>, vector<16xf32>,
      %sub3A_491 = arith.subi %squeeze3A_402, %squeeze3A : i32
      %convert_element_type3A = arith.sitofp %sub3A_491 : i32 to f32
      %broadcast_in_dim3A_492 = vector.broadcast %convert_element_type3A : f32 to vector<16xf32>
      %mul3A_493 = arith.constant 16 : i32
      %mul3A_494 = arith.muli %squeeze3A_408, %mul3A_493 : i32
      %swap3A_495 = arith.index_cast %mul3A_494 : i32 to index
      %swap3A_496 = tpu.vector_load %arg17[%swap3A_495] {strides = array<i32>} : memref<8192xf32, #tpu.memory_space<vmem>>, vector<16xf32>,
      tpu.vector_store %arg17[%swap3A_495], %broadcast_in_dim3A_492 {strides = array<i32>} : memref<8192xf32, #tpu.memory_space<vmem>>, vector<16xf32>,
      %while3A_497 = arith.constant 0 : i32
      scf.yield %while3A_497 : i32
    }
    %while3A_381 = arith.constant 1 : i32
    %while3A_382 = scf.for %while3A_393 = %while3A_378 to %while3A_374 step %while3A_381 iter_args(%while3A_394 = %while3A_380) -> (i32)  : i32 {
      %get3A_395 = arith.index_cast %while3A_393 : i32 to index
      %get3A_396 = tpu.vector_load %arg18[%get3A_395] {strides = array<i32>} : memref<544xi32, #tpu.memory_space<vmem>>, vector<16xi32>,
      %slice3A = vector.extract_strided_slice %get3A_396 {offsets = [0], sizes = [1], strides = [1]} : vector<16xi32> to vector<1xi32>
      %squeeze3A = vector.extract %slice3A[0] : i32 from vector<1xi32>
      %add3A_397 = arith.constant 1 : i32
      %add3A_398 = arith.addi %while3A_393, %add3A_397 : i32
      %get3A_399 = arith.index_cast %add3A_398 : i32 to index
      %get3A_400 = tpu.vector_load %arg18[%get3A_399] {strides = array<i32>} : memref<544xi32, #tpu.memory_space<vmem>>, vector<16xi32>,
      %slice3A_401 = vector.extract_strided_slice %get3A_400 {offsets = [0], sizes = [1], strides = [1]} : vector<16xi32> to vector<1xi32>
      %squeeze3A_402 = vector.extract %slice3A_401[0] : i32 from vector<1xi32>
      %add3A_403 = arith.constant 16 : i32
      %add3A_404 = arith.addi %squeeze3A, %add3A_403 : i32
      %get3A_405 = arith.index_cast %add3A_404 : i32 to index
      %get3A_406 = tpu.vector_load %arg12[%get3A_405] {strides = array<i32>} : memref<3168xi32, #tpu.memory_space<vmem>>, vector<16xi32>,
      %slice3A_407 = vector.extract_strided_slice %get3A_406 {offsets = [0], sizes = [1], strides = [1]} : vector<16xi32> to vector<1xi32>
      %squeeze3A_408 = vector.extract %slice3A_407[0] : i32 from vector<1xi32>
      %jit3A = arith.constant 16 : i32
      %div3A = arith.divsi %squeeze3A, %jit3A : i32
      %sign3A = arith.constant 0 : i32
      %sign3A_409 = arith.cmpi sgt, %squeeze3A, %sign3A : i32
      %sign3A_410 = arith.extui %sign3A_409 : i1 to i32
      %sign3A_411 = arith.constant 0 : i32
      %sign3A_412 = arith.cmpi slt, %squeeze3A, %sign3A_411 : i32
      %sign3A_413 = arith.extui %sign3A_412 : i1 to i32
      %sign3A_414 = arith.subi %sign3A_410, %sign3A_413 : i32
      %sign3A_415 = arith.constant 0 : i32
      %sign3A_416 = arith.cmpi sgt, %jit3A, %sign3A_415 : i32
      %sign3A_417 = arith.extui %sign3A_416 : i1 to i32
      %sign3A_418 = arith.constant 0 : i32
      %sign3A_419 = arith.cmpi slt, %jit3A, %sign3A_418 : i32
      %sign3A_420 = arith.extui %sign3A_419 : i1 to i32
      %sign3A_421 = arith.subi %sign3A_417, %sign3A_420 : i32
      %ne3A = arith.cmpi ne, %sign3A_414, %sign3A_421 : i32
      %rem3A = arith.remsi %squeeze3A, %jit3A : i32
      %ne3A_422 = arith.constant 0 : i32
      %ne3A_423 = arith.cmpi ne, %rem3A, %ne3A_422 : i32
      %and3A = arith.andi %ne3A, %ne3A_423 : i1
      %sub3A_424 = arith.constant 1 : i32
      %sub3A_425 = arith.subi %div3A, %sub3A_424 : i32
      %select_n3A = arith.select %and3A, %sub3A_425, %div3A : i32
      %add3A_426 = arith.constant 15 : i32
      %add3A_427 = arith.addi %squeeze3A_402, %add3A_426 : i32
      %jit3A_428 = arith.constant 16 : i32
      %div3A_429 = arith.divsi %add3A_427, %jit3A_428 : i32
      %sign3A_430 = arith.constant 0 : i32
      %sign3A_431 = arith.cmpi sgt, %add3A_427, %sign3A_430 : i32
      %sign3A_432 = arith.extui %sign3A_431 : i1 to i32
      %sign3A_433 = arith.constant 0 : i32
      %sign3A_434 = arith.cmpi slt, %add3A_427, %sign3A_433 : i32
      %sign3A_435 = arith.extui %sign3A_434 : i1 to i32
      %sign3A_436 = arith.subi %sign3A_432, %sign3A_435 : i32
      %sign3A_437 = arith.constant 0 : i32
      %sign3A_438 = arith.cmpi sgt, %jit3A_428, %sign3A_437 : i32
      %sign3A_439 = arith.extui %sign3A_438 : i1 to i32
      %sign3A_440 = arith.constant 0 : i32
      %sign3A_441 = arith.cmpi slt, %jit3A_428, %sign3A_440 : i32
      %sign3A_442 = arith.extui %sign3A_441 : i1 to i32
      %sign3A_443 = arith.subi %sign3A_439, %sign3A_442 : i32
      %ne3A_444 = arith.cmpi ne, %sign3A_436, %sign3A_443 : i32
      %rem3A_445 = arith.remsi %add3A_427, %jit3A_428 : i32
      %ne3A_446 = arith.constant 0 : i32
      %ne3A_447 = arith.cmpi ne, %rem3A_445, %ne3A_446 : i32
      %and3A_448 = arith.andi %ne3A_444, %ne3A_447 : i1
      %sub3A_449 = arith.constant 1 : i32
      %sub3A_450 = arith.subi %div3A_429, %sub3A_449 : i32
      %select_n3A_451 = arith.select %and3A_448, %sub3A_450, %div3A_429 : i32
      %broadcast_in_dim3A_452 = arith.constant -1.000000e+30 : f32
      %broadcast_in_dim3A_453 = vector.broadcast %broadcast_in_dim3A_452 : f32 to vector<16xf32>
      %while3A_454 = arith.subi %select_n3A_451, %select_n3A : i32
      %while3A_455 = arith.addi %select_n3A, %while3A_454 : i32
      %while3A_456 = arith.constant 1 : i32
      %while3A_457 = arith.divsi %while3A_454, %while3A_456 : i32
      %while3A_458 = arith.muli %while3A_457, %while3A_456 : i32
      %while3A_459 = arith.addi %select_n3A, %while3A_458 : i32
      %while3A_460 = arith.constant 1 : i32
      %while3A_461 = scf.for %while3A_498 = %select_n3A to %while3A_459 step %while3A_460 iter_args(%while3A_499 = %broadcast_in_dim3A_453) -> (vector<16xf32>)  : i32 {
        %mul3A_500 = arith.constant 16 : i32
        %mul3A_501 = arith.muli %mul3A_500, %while3A_498 : i32
        %get3A_502 = arith.index_cast %mul3A_501 : i32 to index
        %get3A_503 = tpu.vector_load %arg13[%get3A_502] {strides = array<i32>} : memref<3136xf32, #tpu.memory_space<vmem>>, vector<16xf32>,
        %mul3A_504 = arith.constant 16 : i32
        %mul3A_505 = arith.muli %mul3A_504, %while3A_498 : i32
        %add3A_506 = vector.broadcast %mul3A_505 : i32 to vector<16xi32>
        %add3A_507 = arith.addi %add3A_506, %iota3A : vector<16xi32>
        %ge3A = vector.broadcast %squeeze3A : i32 to vector<16xi32>
        %ge3A_508 = arith.cmpi sge, %add3A_507, %ge3A : vector<16xi32>
        %lt3A = vector.broadcast %squeeze3A_402 : i32 to vector<16xi32>
        %lt3A_509 = arith.cmpi slt, %add3A_507, %lt3A : vector<16xi32>
        %and3A_510 = arith.andi %ge3A_508, %lt3A_509 : vector<16xi1>
        %jit3A_511 = arith.constant -1.000000e+30 : f32
        %broadcast_in_dim3A_512 = vector.broadcast %jit3A_511 : f32 to vector<16xf32>
        %select_n3A_513 = arith.select %and3A_510, %get3A_503, %broadcast_in_dim3A_512 : vector<16xi1>, vector<16xf32>
        %max3A = arith.maximumf %while3A_499, %select_n3A_513 : vector<16xf32>
        scf.yield %max3A : vector<16xf32>
      }
      %while3A_462 = arith.constant 1 : i32
      %while3A_463 = scf.for %while3A_498 = %while3A_459 to %while3A_455 step %while3A_462 iter_args(%while3A_499 = %while3A_461) -> (vector<16xf32>)  : i32 {
        %mul3A_500 = arith.constant 16 : i32
        %mul3A_501 = arith.muli %mul3A_500, %while3A_498 : i32
        %get3A_502 = arith.index_cast %mul3A_501 : i32 to index
        %get3A_503 = tpu.vector_load %arg13[%get3A_502] {strides = array<i32>} : memref<3136xf32, #tpu.memory_space<vmem>>, vector<16xf32>,
        %mul3A_504 = arith.constant 16 : i32
        %mul3A_505 = arith.muli %mul3A_504, %while3A_498 : i32
        %add3A_506 = vector.broadcast %mul3A_505 : i32 to vector<16xi32>
        %add3A_507 = arith.addi %add3A_506, %iota3A : vector<16xi32>
        %ge3A = vector.broadcast %squeeze3A : i32 to vector<16xi32>
        %ge3A_508 = arith.cmpi sge, %add3A_507, %ge3A : vector<16xi32>
        %lt3A = vector.broadcast %squeeze3A_402 : i32 to vector<16xi32>
        %lt3A_509 = arith.cmpi slt, %add3A_507, %lt3A : vector<16xi32>
        %and3A_510 = arith.andi %ge3A_508, %lt3A_509 : vector<16xi1>
        %jit3A_511 = arith.constant -1.000000e+30 : f32
        %broadcast_in_dim3A_512 = vector.broadcast %jit3A_511 : f32 to vector<16xf32>
        %select_n3A_513 = arith.select %and3A_510, %get3A_503, %broadcast_in_dim3A_512 : vector<16xi1>, vector<16xf32>
        %max3A = arith.maximumf %while3A_499, %select_n3A_513 : vector<16xf32>
        scf.yield %max3A : vector<16xf32>
      }
      %reduce_max3A = arith.constant true
      %reduce_max3A_464 = vector.broadcast %reduce_max3A : i1 to vector<16xi1>
      %reduce_max3A_465 = tpu.scan <max>, %while3A_463 masked %reduce_max3A_464 : vector<16xf32>, vector<16xi1> -> vector<16xf32>
      %reduce_max3A_466 = vector.extract %reduce_max3A_465[15] : f32 from vector<16xf32>
      %broadcast_in_dim3A_467 = vector.broadcast %reduce_max3A_466 : f32 to vector<16xf32>
      %broadcast_in_dim3A_468 = arith.constant 0.000000e+00 : f32
      %broadcast_in_dim3A_469 = vector.broadcast %broadcast_in_dim3A_468 : f32 to vector<16xf32>
      %while3A_470 = arith.subi %select_n3A_451, %select_n3A : i32
      %while3A_471 = arith.addi %select_n3A, %while3A_470 : i32
      %while3A_472 = arith.constant 1 : i32
      %while3A_473 = arith.divsi %while3A_470, %while3A_472 : i32
      %while3A_474 = arith.muli %while3A_473, %while3A_472 : i32
      %while3A_475 = arith.addi %select_n3A, %while3A_474 : i32
      %while3A_476 = arith.constant 1 : i32
      %while3A_477 = scf.for %while3A_498 = %select_n3A to %while3A_475 step %while3A_476 iter_args(%while3A_499 = %broadcast_in_dim3A_469) -> (vector<16xf32>)  : i32 {
        %mul3A_500 = arith.constant 16 : i32
        %mul3A_501 = arith.muli %mul3A_500, %while3A_498 : i32
        %get3A_502 = arith.index_cast %mul3A_501 : i32 to index
        %get3A_503 = tpu.vector_load %arg13[%get3A_502] {strides = array<i32>} : memref<3136xf32, #tpu.memory_space<vmem>>, vector<16xf32>,
        %mul3A_504 = arith.constant 16 : i32
        %mul3A_505 = arith.muli %mul3A_504, %while3A_498 : i32
        %add3A_506 = vector.broadcast %mul3A_505 : i32 to vector<16xi32>
        %add3A_507 = arith.addi %add3A_506, %iota3A : vector<16xi32>
        %ge3A = vector.broadcast %squeeze3A : i32 to vector<16xi32>
        %ge3A_508 = arith.cmpi sge, %add3A_507, %ge3A : vector<16xi32>
        %lt3A = vector.broadcast %squeeze3A_402 : i32 to vector<16xi32>
        %lt3A_509 = arith.cmpi slt, %add3A_507, %lt3A : vector<16xi32>
        %and3A_510 = arith.andi %ge3A_508, %lt3A_509 : vector<16xi1>
        %sub3A_511 = arith.subf %get3A_503, %broadcast_in_dim3A_467 : vector<16xf32>
        %exp3A = math.exp %sub3A_511 : vector<16xf32>
        %jit3A_512 = arith.constant 0.000000e+00 : f32
        %broadcast_in_dim3A_513 = vector.broadcast %jit3A_512 : f32 to vector<16xf32>
        %select_n3A_514 = arith.select %and3A_510, %exp3A, %broadcast_in_dim3A_513 : vector<16xi1>, vector<16xf32>
        %add3A_515 = arith.addf %while3A_499, %select_n3A_514 : vector<16xf32>
        scf.yield %add3A_515 : vector<16xf32>
      }
      %while3A_478 = arith.constant 1 : i32
      %while3A_479 = scf.for %while3A_498 = %while3A_475 to %while3A_471 step %while3A_478 iter_args(%while3A_499 = %while3A_477) -> (vector<16xf32>)  : i32 {
        %mul3A_500 = arith.constant 16 : i32
        %mul3A_501 = arith.muli %mul3A_500, %while3A_498 : i32
        %get3A_502 = arith.index_cast %mul3A_501 : i32 to index
        %get3A_503 = tpu.vector_load %arg13[%get3A_502] {strides = array<i32>} : memref<3136xf32, #tpu.memory_space<vmem>>, vector<16xf32>,
        %mul3A_504 = arith.constant 16 : i32
        %mul3A_505 = arith.muli %mul3A_504, %while3A_498 : i32
        %add3A_506 = vector.broadcast %mul3A_505 : i32 to vector<16xi32>
        %add3A_507 = arith.addi %add3A_506, %iota3A : vector<16xi32>
        %ge3A = vector.broadcast %squeeze3A : i32 to vector<16xi32>
        %ge3A_508 = arith.cmpi sge, %add3A_507, %ge3A : vector<16xi32>
        %lt3A = vector.broadcast %squeeze3A_402 : i32 to vector<16xi32>
        %lt3A_509 = arith.cmpi slt, %add3A_507, %lt3A : vector<16xi32>
        %and3A_510 = arith.andi %ge3A_508, %lt3A_509 : vector<16xi1>
        %sub3A_511 = arith.subf %get3A_503, %broadcast_in_dim3A_467 : vector<16xf32>
        %exp3A = math.exp %sub3A_511 : vector<16xf32>
        %jit3A_512 = arith.constant 0.000000e+00 : f32
        %broadcast_in_dim3A_513 = vector.broadcast %jit3A_512 : f32 to vector<16xf32>
        %select_n3A_514 = arith.select %and3A_510, %exp3A, %broadcast_in_dim3A_513 : vector<16xi1>, vector<16xf32>
        %add3A_515 = arith.addf %while3A_499, %select_n3A_514 : vector<16xf32>
        scf.yield %add3A_515 : vector<16xf32>
      }
      %reduce_sum3A = arith.constant true
      %reduce_sum3A_480 = vector.broadcast %reduce_sum3A : i1 to vector<16xi1>
      %reduce_sum3A_481 = tpu.scan <sum>, %while3A_479 masked %reduce_sum3A_480 : vector<16xf32>, vector<16xi1> -> vector<16xf32>
      %reduce_sum3A_482 = vector.extract %reduce_sum3A_481[15] : f32 from vector<16xf32>
      %mul3A_483 = arith.constant 16 : i32
      %mul3A_484 = arith.muli %squeeze3A_408, %mul3A_483 : i32
      %swap3A = arith.index_cast %mul3A_484 : i32 to index
      %swap3A_485 = tpu.vector_load %arg15[%swap3A] {strides = array<i32>} : memref<8192xf32, #tpu.memory_space<vmem>>, vector<16xf32>,
      tpu.vector_store %arg15[%swap3A], %broadcast_in_dim3A_467 {strides = array<i32>} : memref<8192xf32, #tpu.memory_space<vmem>>, vector<16xf32>,
      %broadcast_in_dim3A_486 = vector.broadcast %reduce_sum3A_482 : f32 to vector<16xf32>
      %mul3A_487 = arith.constant 16 : i32
      %mul3A_488 = arith.muli %squeeze3A_408, %mul3A_487 : i32
      %swap3A_489 = arith.index_cast %mul3A_488 : i32 to index
      %swap3A_490 = tpu.vector_load %arg16[%swap3A_489] {strides = array<i32>} : memref<8192xf32, #tpu.memory_space<vmem>>, vector<16xf32>,
      tpu.vector_store %arg16[%swap3A_489], %broadcast_in_dim3A_486 {strides = array<i32>} : memref<8192xf32, #tpu.memory_space<vmem>>, vector<16xf32>,
      %sub3A_491 = arith.subi %squeeze3A_402, %squeeze3A : i32
      %convert_element_type3A = arith.sitofp %sub3A_491 : i32 to f32
      %broadcast_in_dim3A_492 = vector.broadcast %convert_element_type3A : f32 to vector<16xf32>
      %mul3A_493 = arith.constant 16 : i32
      %mul3A_494 = arith.muli %squeeze3A_408, %mul3A_493 : i32
      %swap3A_495 = arith.index_cast %mul3A_494 : i32 to index
      %swap3A_496 = tpu.vector_load %arg17[%swap3A_495] {strides = array<i32>} : memref<8192xf32, #tpu.memory_space<vmem>>, vector<16xf32>,
      tpu.vector_store %arg17[%swap3A_495], %broadcast_in_dim3A_492 {strides = array<i32>} : memref<8192xf32, #tpu.memory_space<vmem>>, vector<16xf32>,
      %while3A_497 = arith.constant 0 : i32
      scf.yield %while3A_497 : i32
    }
    %scan3A_383 = arith.constant 0 : i32
    %scan3A_384 = arith.constant 0 : i32
    %scan3A_385 = arith.constant 32 : i32
    %scan3A_386 = arith.addi %scan3A_384, %scan3A_385 : i32
    %scan3A_387 = arith.constant 1 : i32
    %scan3A_388 = scf.for %scan3A_393 = %scan3A_384 to %scan3A_386 step %scan3A_387 iter_args(%scan3A_394 = %scan3A_383) -> (i32)  : i32 {
      %mul3A_395 = arith.constant 16 : i32
      %mul3A_396 = arith.muli %mul3A_395, %scan3A_393 : i32
      %add3A_397 = vector.broadcast %mul3A_396 : i32 to vector<16xi32>
      %add3A_398 = arith.addi %add3A_397, %iota3A : vector<16xi32>
      %mul3A_399 = arith.constant 16 : i32
      %mul3A_400 = vector.broadcast %mul3A_399 : i32 to vector<16xi32>
      %mul3A_401 = arith.muli %add3A_398, %mul3A_400 : vector<16xi32>
      %gather3A = tpu.vector_load_idx %arg15[%mul3A_401] : memref<8192xf32, #tpu.memory_space<vmem>>[vector<16xi32>], vector<16xf32>,
      %mul3A_402 = arith.constant 16 : i32
      %mul3A_403 = arith.muli %mul3A_402, %scan3A_393 : i32
      %swap3A = arith.index_cast %mul3A_403 : i32 to index
      %swap3A_404 = tpu.vector_load %arg19[%swap3A] {strides = array<i32>} : memref<512xf32, #tpu.memory_space<vmem>>, vector<16xf32>,
      tpu.vector_store %arg19[%swap3A], %gather3A {strides = array<i32>} : memref<512xf32, #tpu.memory_space<vmem>>, vector<16xf32>,
      %gather3A_405 = tpu.vector_load_idx %arg16[%mul3A_401] : memref<8192xf32, #tpu.memory_space<vmem>>[vector<16xi32>], vector<16xf32>,
      %mul3A_406 = arith.constant 16 : i32
      %mul3A_407 = arith.muli %mul3A_406, %scan3A_393 : i32
      %swap3A_408 = arith.index_cast %mul3A_407 : i32 to index
      %swap3A_409 = tpu.vector_load %arg20[%swap3A_408] {strides = array<i32>} : memref<512xf32, #tpu.memory_space<vmem>>, vector<16xf32>,
      tpu.vector_store %arg20[%swap3A_408], %gather3A_405 {strides = array<i32>} : memref<512xf32, #tpu.memory_space<vmem>>, vector<16xf32>,
      %gather3A_410 = tpu.vector_load_idx %arg17[%mul3A_401] : memref<8192xf32, #tpu.memory_space<vmem>>[vector<16xi32>], vector<16xf32>,
      %mul3A_411 = arith.constant 16 : i32
      %mul3A_412 = arith.muli %mul3A_411, %scan3A_393 : i32
      %swap3A_413 = arith.index_cast %mul3A_412 : i32 to index
      %swap3A_414 = tpu.vector_load %arg21[%swap3A_413] {strides = array<i32>} : memref<512xf32, #tpu.memory_space<vmem>>, vector<16xf32>,
      tpu.vector_store %arg21[%swap3A_413], %gather3A_410 {strides = array<i32>} : memref<512xf32, #tpu.memory_space<vmem>>, vector<16xf32>,
      %scan3A_415 = arith.constant 0 : i32
      scf.yield %scan3A_415 : i32
    }
    %scan3A_389 = arith.constant 32 : i32
    %mul3A_390 = arith.constant 512 : i32
    %mul3A_391 = arith.muli %add3A, %mul3A_390 : i32
    %multiple_of3A_392 = tpu.assume_multiple %mul3A_391, 8 : i32
    "tpu.region"() ({
      %run_scoped3A = tpu.sem_alloc : memref<!tpu.dma_semaphore, #tpu.memory_space<semaphore_mem>>
      %dma_start3A_393 = tpu.memref_slice %arg6[%multiple_of3A_392] : memref<16384xf32, #tpu.memory_space<hbm>> -> memref<512xf32, #tpu.memory_space<hbm>>
      %dma_start3A_394 = tpu.memref_slice %arg6[%multiple_of3A_392] : memref<16384xf32, #tpu.memory_space<hbm>> -> memref<512xf32, #tpu.memory_space<hbm>>
      tpu.enqueue_dma source(%arg19 : memref<512xf32, #tpu.memory_space<vmem>>) target(%dma_start3A_394 : memref<512xf32, #tpu.memory_space<hbm>>) target_semaphore(%run_scoped3A : memref<!tpu.dma_semaphore, #tpu.memory_space<semaphore_mem>>)
      %dma_wait3A_395 = tpu.memref_slice %arg6[%multiple_of3A_392] : memref<16384xf32, #tpu.memory_space<hbm>> -> memref<512xf32, #tpu.memory_space<hbm>>
      %dma_wait3A_396 = tpu.memref_slice %arg6[%multiple_of3A_392] : memref<16384xf32, #tpu.memory_space<hbm>> -> memref<512xf32, #tpu.memory_space<hbm>>
      tpu.wait_dma2 semaphore(%run_scoped3A : memref<!tpu.dma_semaphore, #tpu.memory_space<semaphore_mem>>) src(%arg19 : memref<512xf32, #tpu.memory_space<vmem>>) dst(%dma_wait3A_396 : memref<512xf32, #tpu.memory_space<hbm>>)
      tpu.yield
    }) : () -> ()
    "tpu.region"() ({
      %run_scoped3A = tpu.sem_alloc : memref<!tpu.dma_semaphore, #tpu.memory_space<semaphore_mem>>
      %dma_start3A_393 = tpu.memref_slice %arg7[%multiple_of3A_392] : memref<16384xf32, #tpu.memory_space<hbm>> -> memref<512xf32, #tpu.memory_space<hbm>>
      %dma_start3A_394 = tpu.memref_slice %arg7[%multiple_of3A_392] : memref<16384xf32, #tpu.memory_space<hbm>> -> memref<512xf32, #tpu.memory_space<hbm>>
      tpu.enqueue_dma source(%arg20 : memref<512xf32, #tpu.memory_space<vmem>>) target(%dma_start3A_394 : memref<512xf32, #tpu.memory_space<hbm>>) target_semaphore(%run_scoped3A : memref<!tpu.dma_semaphore, #tpu.memory_space<semaphore_mem>>)
      %dma_wait3A_395 = tpu.memref_slice %arg7[%multiple_of3A_392] : memref<16384xf32, #tpu.memory_space<hbm>> -> memref<512xf32, #tpu.memory_space<hbm>>
      %dma_wait3A_396 = tpu.memref_slice %arg7[%multiple_of3A_392] : memref<16384xf32, #tpu.memory_space<hbm>> -> memref<512xf32, #tpu.memory_space<hbm>>
      tpu.wait_dma2 semaphore(%run_scoped3A : memref<!tpu.dma_semaphore, #tpu.memory_space<semaphore_mem>>) src(%arg20 : memref<512xf32, #tpu.memory_space<vmem>>) dst(%dma_wait3A_396 : memref<512xf32, #tpu.memory_space<hbm>>)
      tpu.yield
    }) : () -> ()
    "tpu.region"() ({
      %run_scoped3A = tpu.sem_alloc : memref<!tpu.dma_semaphore, #tpu.memory_space<semaphore_mem>>
      %dma_start3A_393 = tpu.memref_slice %arg8[%multiple_of3A_392] : memref<16384xf32, #tpu.memory_space<hbm>> -> memref<512xf32, #tpu.memory_space<hbm>>
      %dma_start3A_394 = tpu.memref_slice %arg8[%multiple_of3A_392] : memref<16384xf32, #tpu.memory_space<hbm>> -> memref<512xf32, #tpu.memory_space<hbm>>
      tpu.enqueue_dma source(%arg21 : memref<512xf32, #tpu.memory_space<vmem>>) target(%dma_start3A_394 : memref<512xf32, #tpu.memory_space<hbm>>) target_semaphore(%run_scoped3A : memref<!tpu.dma_semaphore, #tpu.memory_space<semaphore_mem>>)
      %dma_wait3A_395 = tpu.memref_slice %arg8[%multiple_of3A_392] : memref<16384xf32, #tpu.memory_space<hbm>> -> memref<512xf32, #tpu.memory_space<hbm>>
      %dma_wait3A_396 = tpu.memref_slice %arg8[%multiple_of3A_392] : memref<16384xf32, #tpu.memory_space<hbm>> -> memref<512xf32, #tpu.memory_space<hbm>>
      tpu.wait_dma2 semaphore(%run_scoped3A : memref<!tpu.dma_semaphore, #tpu.memory_space<semaphore_mem>>) src(%arg21 : memref<512xf32, #tpu.memory_space<vmem>>) dst(%dma_wait3A_396 : memref<512xf32, #tpu.memory_space<hbm>>)
      tpu.yield
    }) : () -> ()
    return
  }
}

#map = affine_map<(d0, d1) -> (0, 0)>
#map1 = affine_map<(d0, d1) -> (0)>
module attributes {stable_mosaic.version = 14 : i64} {
  func.func @_sc_b_body(%arg0: i32, %arg1: i32, %arg2: memref<100000x128xf32, #tpu.memory_space<hbm>>, %arg3: memref<100000xi32, #tpu.memory_space<hbm>>, %arg4: memref<100000xf32, #tpu.memory_space<hbm>>, %arg5: memref<16384xf32, #tpu.memory_space<hbm>>, %arg6: memref<16384xf32, #tpu.memory_space<hbm>>, %arg7: memref<16384xf32, #tpu.memory_space<hbm>>, %arg8: memref<100000xf32, #tpu.memory_space<hbm>>, %arg9: memref<512x128xf32, #tpu.memory_space<hbm>>, %arg10: memref<16384xf32, #tpu.memory_space<vmem>>, %arg11: memref<16384xf32, #tpu.memory_space<vmem>>, %arg12: memref<16384xf32, #tpu.memory_space<vmem>>, %arg13: memref<512xf32, #tpu.memory_space<vmem>>, %arg14: memref<528xf32, #tpu.memory_space<vmem>>, %arg15: memref<528xi32, #tpu.memory_space<vmem>>, %arg16: memref<3136xi32, #tpu.memory_space<vmem>>, %arg17: memref<3136xf32, #tpu.memory_space<vmem>>, %arg18: memref<3136xf32, #tpu.memory_space<vmem>>, %arg19: memref<384x128xf32, #tpu.memory_space<vmem>>, %arg20: memref<400xi32, #tpu.memory_space<vmem>>, %arg21: memref<400xf32, #tpu.memory_space<vmem>>, %arg22: memref<400xf32, #tpu.memory_space<vmem>>, %arg23: memref<16x128xf32, #tpu.memory_space<vmem>>, %arg24: memref<!tpu.dma_semaphore, #tpu.memory_space<semaphore_mem>>, %arg25: memref<!tpu.dma_semaphore, #tpu.memory_space<semaphore_mem>>, %arg26: memref<!tpu.dma_semaphore, #tpu.memory_space<semaphore_mem>>) attributes {dimension_semantics = [#tpu.dimension_semantics<core_parallel>, #tpu.dimension_semantics<subcore_parallel>], iteration_bounds = array<i64: 2, 16>, scalar_prefetch = 0 : i64, scratch_operands = 17 : i64, tpu.core_type = #tpu.core_type<sc_vector_subcore>, window_params = [{transform_indices = #map}, {transform_indices = #map1}, {transform_indices = #map1}, {transform_indices = #map1}, {transform_indices = #map1}, {transform_indices = #map1}, {transform_indices = #map1}, {transform_indices = #map}]} {
    %mul3A = arith.constant 2 : i32
    %mul3A_0 = arith.muli %arg1, %mul3A : i32
    %add3A = arith.addi %mul3A_0, %arg0 : i32
    %iota3A = tpu.iota {dimensions = array<i32: 0>} : vector<16xi32>
    tpu.enqueue_dma source(%arg5 : memref<16384xf32, #tpu.memory_space<hbm>>) target(%arg10 : memref<16384xf32, #tpu.memory_space<vmem>>) target_semaphore(%arg24 : memref<!tpu.dma_semaphore, #tpu.memory_space<semaphore_mem>>)
    tpu.enqueue_dma source(%arg6 : memref<16384xf32, #tpu.memory_space<hbm>>) target(%arg11 : memref<16384xf32, #tpu.memory_space<vmem>>) target_semaphore(%arg25 : memref<!tpu.dma_semaphore, #tpu.memory_space<semaphore_mem>>)
    tpu.enqueue_dma source(%arg7 : memref<16384xf32, #tpu.memory_space<hbm>>) target(%arg12 : memref<16384xf32, #tpu.memory_space<vmem>>) target_semaphore(%arg26 : memref<!tpu.dma_semaphore, #tpu.memory_space<semaphore_mem>>)
    tpu.wait_dma2 semaphore(%arg24 : memref<!tpu.dma_semaphore, #tpu.memory_space<semaphore_mem>>) src(%arg5 : memref<16384xf32, #tpu.memory_space<hbm>>) dst(%arg10 : memref<16384xf32, #tpu.memory_space<vmem>>)
    tpu.wait_dma2 semaphore(%arg25 : memref<!tpu.dma_semaphore, #tpu.memory_space<semaphore_mem>>) src(%arg6 : memref<16384xf32, #tpu.memory_space<hbm>>) dst(%arg11 : memref<16384xf32, #tpu.memory_space<vmem>>)
    tpu.wait_dma2 semaphore(%arg26 : memref<!tpu.dma_semaphore, #tpu.memory_space<semaphore_mem>>) src(%arg7 : memref<16384xf32, #tpu.memory_space<hbm>>) dst(%arg12 : memref<16384xf32, #tpu.memory_space<vmem>>)
    %scan3A = arith.constant 0.000000e+00 : f32
    %scan3A_1 = arith.constant 0 : i32
    %scan3A_2 = arith.constant 32 : i32
    %scan3A_3 = arith.addi %scan3A_1, %scan3A_2 : i32
    %scan3A_4 = arith.constant 1 : i32
    %scan3A_5 = scf.for %scan3A_55 = %scan3A_1 to %scan3A_3 step %scan3A_4 iter_args(%scan3A_56 = %scan3A) -> (f32)  : i32 {
      %broadcast_in_dim3A_57 = arith.constant -1.000000e+30 : f32
      %broadcast_in_dim3A_58 = vector.broadcast %broadcast_in_dim3A_57 : f32 to vector<16xf32>
      %mul3A_59 = arith.constant 16 : i32
      %mul3A_60 = arith.muli %mul3A_59, %scan3A_55 : i32
      %add3A_61 = arith.constant 0 : i32
      %add3A_62 = arith.addi %add3A_61, %mul3A_60 : i32
      %get3A = arith.index_cast %add3A_62 : i32 to index
      %get3A_63 = tpu.vector_load %arg10[%get3A] {strides = array<i32>} : memref<16384xf32, #tpu.memory_space<vmem>>, vector<16xf32>,
      %max3A = arith.maximumf %broadcast_in_dim3A_58, %get3A_63 : vector<16xf32>
      %mul3A_64 = arith.constant 16 : i32
      %mul3A_65 = arith.muli %mul3A_64, %scan3A_55 : i32
      %add3A_66 = arith.constant 512 : i32
      %add3A_67 = arith.addi %add3A_66, %mul3A_65 : i32
      %get3A_68 = arith.index_cast %add3A_67 : i32 to index
      %get3A_69 = tpu.vector_load %arg10[%get3A_68] {strides = array<i32>} : memref<16384xf32, #tpu.memory_space<vmem>>, vector<16xf32>,
      %max3A_70 = arith.maximumf %max3A, %get3A_69 : vector<16xf32>
      %mul3A_71 = arith.constant 16 : i32
      %mul3A_72 = arith.muli %mul3A_71, %scan3A_55 : i32
      %add3A_73 = arith.constant 1024 : i32
      %add3A_74 = arith.addi %add3A_73, %mul3A_72 : i32
      %get3A_75 = arith.index_cast %add3A_74 : i32 to index
      %get3A_76 = tpu.vector_load %arg10[%get3A_75] {strides = array<i32>} : memref<16384xf32, #tpu.memory_space<vmem>>, vector<16xf32>,
      %max3A_77 = arith.maximumf %max3A_70, %get3A_76 : vector<16xf32>
      %mul3A_78 = arith.constant 16 : i32
      %mul3A_79 = arith.muli %mul3A_78, %scan3A_55 : i32
      %add3A_80 = arith.constant 1536 : i32
      %add3A_81 = arith.addi %add3A_80, %mul3A_79 : i32
      %get3A_82 = arith.index_cast %add3A_81 : i32 to index
      %get3A_83 = tpu.vector_load %arg10[%get3A_82] {strides = array<i32>} : memref<16384xf32, #tpu.memory_space<vmem>>, vector<16xf32>,
      %max3A_84 = arith.maximumf %max3A_77, %get3A_83 : vector<16xf32>
      %mul3A_85 = arith.constant 16 : i32
      %mul3A_86 = arith.muli %mul3A_85, %scan3A_55 : i32
      %add3A_87 = arith.constant 2048 : i32
      %add3A_88 = arith.addi %add3A_87, %mul3A_86 : i32
      %get3A_89 = arith.index_cast %add3A_88 : i32 to index
      %get3A_90 = tpu.vector_load %arg10[%get3A_89] {strides = array<i32>} : memref<16384xf32, #tpu.memory_space<vmem>>, vector<16xf32>,
      %max3A_91 = arith.maximumf %max3A_84, %get3A_90 : vector<16xf32>
      %mul3A_92 = arith.constant 16 : i32
      %mul3A_93 = arith.muli %mul3A_92, %scan3A_55 : i32
      %add3A_94 = arith.constant 2560 : i32
      %add3A_95 = arith.addi %add3A_94, %mul3A_93 : i32
      %get3A_96 = arith.index_cast %add3A_95 : i32 to index
      %get3A_97 = tpu.vector_load %arg10[%get3A_96] {strides = array<i32>} : memref<16384xf32, #tpu.memory_space<vmem>>, vector<16xf32>,
      %max3A_98 = arith.maximumf %max3A_91, %get3A_97 : vector<16xf32>
      %mul3A_99 = arith.constant 16 : i32
      %mul3A_100 = arith.muli %mul3A_99, %scan3A_55 : i32
      %add3A_101 = arith.constant 3072 : i32
      %add3A_102 = arith.addi %add3A_101, %mul3A_100 : i32
      %get3A_103 = arith.index_cast %add3A_102 : i32 to index
      %get3A_104 = tpu.vector_load %arg10[%get3A_103] {strides = array<i32>} : memref<16384xf32, #tpu.memory_space<vmem>>, vector<16xf32>,
      %max3A_105 = arith.maximumf %max3A_98, %get3A_104 : vector<16xf32>
      %mul3A_106 = arith.constant 16 : i32
      %mul3A_107 = arith.muli %mul3A_106, %scan3A_55 : i32
      %add3A_108 = arith.constant 3584 : i32
      %add3A_109 = arith.addi %add3A_108, %mul3A_107 : i32
      %get3A_110 = arith.index_cast %add3A_109 : i32 to index
      %get3A_111 = tpu.vector_load %arg10[%get3A_110] {strides = array<i32>} : memref<16384xf32, #tpu.memory_space<vmem>>, vector<16xf32>,
      %max3A_112 = arith.maximumf %max3A_105, %get3A_111 : vector<16xf32>
      %mul3A_113 = arith.constant 16 : i32
      %mul3A_114 = arith.muli %mul3A_113, %scan3A_55 : i32
      %add3A_115 = arith.constant 4096 : i32
      %add3A_116 = arith.addi %add3A_115, %mul3A_114 : i32
      %get3A_117 = arith.index_cast %add3A_116 : i32 to index
      %get3A_118 = tpu.vector_load %arg10[%get3A_117] {strides = array<i32>} : memref<16384xf32, #tpu.memory_space<vmem>>, vector<16xf32>,
      %max3A_119 = arith.maximumf %max3A_112, %get3A_118 : vector<16xf32>
      %mul3A_120 = arith.constant 16 : i32
      %mul3A_121 = arith.muli %mul3A_120, %scan3A_55 : i32
      %add3A_122 = arith.constant 4608 : i32
      %add3A_123 = arith.addi %add3A_122, %mul3A_121 : i32
      %get3A_124 = arith.index_cast %add3A_123 : i32 to index
      %get3A_125 = tpu.vector_load %arg10[%get3A_124] {strides = array<i32>} : memref<16384xf32, #tpu.memory_space<vmem>>, vector<16xf32>,
      %max3A_126 = arith.maximumf %max3A_119, %get3A_125 : vector<16xf32>
      %mul3A_127 = arith.constant 16 : i32
      %mul3A_128 = arith.muli %mul3A_127, %scan3A_55 : i32
      %add3A_129 = arith.constant 5120 : i32
      %add3A_130 = arith.addi %add3A_129, %mul3A_128 : i32
      %get3A_131 = arith.index_cast %add3A_130 : i32 to index
      %get3A_132 = tpu.vector_load %arg10[%get3A_131] {strides = array<i32>} : memref<16384xf32, #tpu.memory_space<vmem>>, vector<16xf32>,
      %max3A_133 = arith.maximumf %max3A_126, %get3A_132 : vector<16xf32>
      %mul3A_134 = arith.constant 16 : i32
      %mul3A_135 = arith.muli %mul3A_134, %scan3A_55 : i32
      %add3A_136 = arith.constant 5632 : i32
      %add3A_137 = arith.addi %add3A_136, %mul3A_135 : i32
      %get3A_138 = arith.index_cast %add3A_137 : i32 to index
      %get3A_139 = tpu.vector_load %arg10[%get3A_138] {strides = array<i32>} : memref<16384xf32, #tpu.memory_space<vmem>>, vector<16xf32>,
      %max3A_140 = arith.maximumf %max3A_133, %get3A_139 : vector<16xf32>
      %mul3A_141 = arith.constant 16 : i32
      %mul3A_142 = arith.muli %mul3A_141, %scan3A_55 : i32
      %add3A_143 = arith.constant 6144 : i32
      %add3A_144 = arith.addi %add3A_143, %mul3A_142 : i32
      %get3A_145 = arith.index_cast %add3A_144 : i32 to index
      %get3A_146 = tpu.vector_load %arg10[%get3A_145] {strides = array<i32>} : memref<16384xf32, #tpu.memory_space<vmem>>, vector<16xf32>,
      %max3A_147 = arith.maximumf %max3A_140, %get3A_146 : vector<16xf32>
      %mul3A_148 = arith.constant 16 : i32
      %mul3A_149 = arith.muli %mul3A_148, %scan3A_55 : i32
      %add3A_150 = arith.constant 6656 : i32
      %add3A_151 = arith.addi %add3A_150, %mul3A_149 : i32
      %get3A_152 = arith.index_cast %add3A_151 : i32 to index
      %get3A_153 = tpu.vector_load %arg10[%get3A_152] {strides = array<i32>} : memref<16384xf32, #tpu.memory_space<vmem>>, vector<16xf32>,
      %max3A_154 = arith.maximumf %max3A_147, %get3A_153 : vector<16xf32>
      %mul3A_155 = arith.constant 16 : i32
      %mul3A_156 = arith.muli %mul3A_155, %scan3A_55 : i32
      %add3A_157 = arith.constant 7168 : i32
      %add3A_158 = arith.addi %add3A_157, %mul3A_156 : i32
      %get3A_159 = arith.index_cast %add3A_158 : i32 to index
      %get3A_160 = tpu.vector_load %arg10[%get3A_159] {strides = array<i32>} : memref<16384xf32, #tpu.memory_space<vmem>>, vector<16xf32>,
      %max3A_161 = arith.maximumf %max3A_154, %get3A_160 : vector<16xf32>
      %mul3A_162 = arith.constant 16 : i32
      %mul3A_163 = arith.muli %mul3A_162, %scan3A_55 : i32
      %add3A_164 = arith.constant 7680 : i32
      %add3A_165 = arith.addi %add3A_164, %mul3A_163 : i32
      %get3A_166 = arith.index_cast %add3A_165 : i32 to index
      %get3A_167 = tpu.vector_load %arg10[%get3A_166] {strides = array<i32>} : memref<16384xf32, #tpu.memory_space<vmem>>, vector<16xf32>,
      %max3A_168 = arith.maximumf %max3A_161, %get3A_167 : vector<16xf32>
      %mul3A_169 = arith.constant 16 : i32
      %mul3A_170 = arith.muli %mul3A_169, %scan3A_55 : i32
      %add3A_171 = arith.constant 8192 : i32
      %add3A_172 = arith.addi %add3A_171, %mul3A_170 : i32
      %get3A_173 = arith.index_cast %add3A_172 : i32 to index
      %get3A_174 = tpu.vector_load %arg10[%get3A_173] {strides = array<i32>} : memref<16384xf32, #tpu.memory_space<vmem>>, vector<16xf32>,
      %max3A_175 = arith.maximumf %max3A_168, %get3A_174 : vector<16xf32>
      %mul3A_176 = arith.constant 16 : i32
      %mul3A_177 = arith.muli %mul3A_176, %scan3A_55 : i32
      %add3A_178 = arith.constant 8704 : i32
      %add3A_179 = arith.addi %add3A_178, %mul3A_177 : i32
      %get3A_180 = arith.index_cast %add3A_179 : i32 to index
      %get3A_181 = tpu.vector_load %arg10[%get3A_180] {strides = array<i32>} : memref<16384xf32, #tpu.memory_space<vmem>>, vector<16xf32>,
      %max3A_182 = arith.maximumf %max3A_175, %get3A_181 : vector<16xf32>
      %mul3A_183 = arith.constant 16 : i32
      %mul3A_184 = arith.muli %mul3A_183, %scan3A_55 : i32
      %add3A_185 = arith.constant 9216 : i32
      %add3A_186 = arith.addi %add3A_185, %mul3A_184 : i32
      %get3A_187 = arith.index_cast %add3A_186 : i32 to index
      %get3A_188 = tpu.vector_load %arg10[%get3A_187] {strides = array<i32>} : memref<16384xf32, #tpu.memory_space<vmem>>, vector<16xf32>,
      %max3A_189 = arith.maximumf %max3A_182, %get3A_188 : vector<16xf32>
      %mul3A_190 = arith.constant 16 : i32
      %mul3A_191 = arith.muli %mul3A_190, %scan3A_55 : i32
      %add3A_192 = arith.constant 9728 : i32
      %add3A_193 = arith.addi %add3A_192, %mul3A_191 : i32
      %get3A_194 = arith.index_cast %add3A_193 : i32 to index
      %get3A_195 = tpu.vector_load %arg10[%get3A_194] {strides = array<i32>} : memref<16384xf32, #tpu.memory_space<vmem>>, vector<16xf32>,
      %max3A_196 = arith.maximumf %max3A_189, %get3A_195 : vector<16xf32>
      %mul3A_197 = arith.constant 16 : i32
      %mul3A_198 = arith.muli %mul3A_197, %scan3A_55 : i32
      %add3A_199 = arith.constant 10240 : i32
      %add3A_200 = arith.addi %add3A_199, %mul3A_198 : i32
      %get3A_201 = arith.index_cast %add3A_200 : i32 to index
      %get3A_202 = tpu.vector_load %arg10[%get3A_201] {strides = array<i32>} : memref<16384xf32, #tpu.memory_space<vmem>>, vector<16xf32>,
      %max3A_203 = arith.maximumf %max3A_196, %get3A_202 : vector<16xf32>
      %mul3A_204 = arith.constant 16 : i32
      %mul3A_205 = arith.muli %mul3A_204, %scan3A_55 : i32
      %add3A_206 = arith.constant 10752 : i32
      %add3A_207 = arith.addi %add3A_206, %mul3A_205 : i32
      %get3A_208 = arith.index_cast %add3A_207 : i32 to index
      %get3A_209 = tpu.vector_load %arg10[%get3A_208] {strides = array<i32>} : memref<16384xf32, #tpu.memory_space<vmem>>, vector<16xf32>,
      %max3A_210 = arith.maximumf %max3A_203, %get3A_209 : vector<16xf32>
      %mul3A_211 = arith.constant 16 : i32
      %mul3A_212 = arith.muli %mul3A_211, %scan3A_55 : i32
      %add3A_213 = arith.constant 11264 : i32
      %add3A_214 = arith.addi %add3A_213, %mul3A_212 : i32
      %get3A_215 = arith.index_cast %add3A_214 : i32 to index
      %get3A_216 = tpu.vector_load %arg10[%get3A_215] {strides = array<i32>} : memref<16384xf32, #tpu.memory_space<vmem>>, vector<16xf32>,
      %max3A_217 = arith.maximumf %max3A_210, %get3A_216 : vector<16xf32>
      %mul3A_218 = arith.constant 16 : i32
      %mul3A_219 = arith.muli %mul3A_218, %scan3A_55 : i32
      %add3A_220 = arith.constant 11776 : i32
      %add3A_221 = arith.addi %add3A_220, %mul3A_219 : i32
      %get3A_222 = arith.index_cast %add3A_221 : i32 to index
      %get3A_223 = tpu.vector_load %arg10[%get3A_222] {strides = array<i32>} : memref<16384xf32, #tpu.memory_space<vmem>>, vector<16xf32>,
      %max3A_224 = arith.maximumf %max3A_217, %get3A_223 : vector<16xf32>
      %mul3A_225 = arith.constant 16 : i32
      %mul3A_226 = arith.muli %mul3A_225, %scan3A_55 : i32
      %add3A_227 = arith.constant 12288 : i32
      %add3A_228 = arith.addi %add3A_227, %mul3A_226 : i32
      %get3A_229 = arith.index_cast %add3A_228 : i32 to index
      %get3A_230 = tpu.vector_load %arg10[%get3A_229] {strides = array<i32>} : memref<16384xf32, #tpu.memory_space<vmem>>, vector<16xf32>,
      %max3A_231 = arith.maximumf %max3A_224, %get3A_230 : vector<16xf32>
      %mul3A_232 = arith.constant 16 : i32
      %mul3A_233 = arith.muli %mul3A_232, %scan3A_55 : i32
      %add3A_234 = arith.constant 12800 : i32
      %add3A_235 = arith.addi %add3A_234, %mul3A_233 : i32
      %get3A_236 = arith.index_cast %add3A_235 : i32 to index
      %get3A_237 = tpu.vector_load %arg10[%get3A_236] {strides = array<i32>} : memref<16384xf32, #tpu.memory_space<vmem>>, vector<16xf32>,
      %max3A_238 = arith.maximumf %max3A_231, %get3A_237 : vector<16xf32>
      %mul3A_239 = arith.constant 16 : i32
      %mul3A_240 = arith.muli %mul3A_239, %scan3A_55 : i32
      %add3A_241 = arith.constant 13312 : i32
      %add3A_242 = arith.addi %add3A_241, %mul3A_240 : i32
      %get3A_243 = arith.index_cast %add3A_242 : i32 to index
      %get3A_244 = tpu.vector_load %arg10[%get3A_243] {strides = array<i32>} : memref<16384xf32, #tpu.memory_space<vmem>>, vector<16xf32>,
      %max3A_245 = arith.maximumf %max3A_238, %get3A_244 : vector<16xf32>
      %mul3A_246 = arith.constant 16 : i32
      %mul3A_247 = arith.muli %mul3A_246, %scan3A_55 : i32
      %add3A_248 = arith.constant 13824 : i32
      %add3A_249 = arith.addi %add3A_248, %mul3A_247 : i32
      %get3A_250 = arith.index_cast %add3A_249 : i32 to index
      %get3A_251 = tpu.vector_load %arg10[%get3A_250] {strides = array<i32>} : memref<16384xf32, #tpu.memory_space<vmem>>, vector<16xf32>,
      %max3A_252 = arith.maximumf %max3A_245, %get3A_251 : vector<16xf32>
      %mul3A_253 = arith.constant 16 : i32
      %mul3A_254 = arith.muli %mul3A_253, %scan3A_55 : i32
      %add3A_255 = arith.constant 14336 : i32
      %add3A_256 = arith.addi %add3A_255, %mul3A_254 : i32
      %get3A_257 = arith.index_cast %add3A_256 : i32 to index
      %get3A_258 = tpu.vector_load %arg10[%get3A_257] {strides = array<i32>} : memref<16384xf32, #tpu.memory_space<vmem>>, vector<16xf32>,
      %max3A_259 = arith.maximumf %max3A_252, %get3A_258 : vector<16xf32>
      %mul3A_260 = arith.constant 16 : i32
      %mul3A_261 = arith.muli %mul3A_260, %scan3A_55 : i32
      %add3A_262 = arith.constant 14848 : i32
      %add3A_263 = arith.addi %add3A_262, %mul3A_261 : i32
      %get3A_264 = arith.index_cast %add3A_263 : i32 to index
      %get3A_265 = tpu.vector_load %arg10[%get3A_264] {strides = array<i32>} : memref<16384xf32, #tpu.memory_space<vmem>>, vector<16xf32>,
      %max3A_266 = arith.maximumf %max3A_259, %get3A_265 : vector<16xf32>
      %mul3A_267 = arith.constant 16 : i32
      %mul3A_268 = arith.muli %mul3A_267, %scan3A_55 : i32
      %add3A_269 = arith.constant 15360 : i32
      %add3A_270 = arith.addi %add3A_269, %mul3A_268 : i32
      %get3A_271 = arith.index_cast %add3A_270 : i32 to index
      %get3A_272 = tpu.vector_load %arg10[%get3A_271] {strides = array<i32>} : memref<16384xf32, #tpu.memory_space<vmem>>, vector<16xf32>,
      %max3A_273 = arith.maximumf %max3A_266, %get3A_272 : vector<16xf32>
      %mul3A_274 = arith.constant 16 : i32
      %mul3A_275 = arith.muli %mul3A_274, %scan3A_55 : i32
      %add3A_276 = arith.constant 15872 : i32
      %add3A_277 = arith.addi %add3A_276, %mul3A_275 : i32
      %get3A_278 = arith.index_cast %add3A_277 : i32 to index
      %get3A_279 = tpu.vector_load %arg10[%get3A_278] {strides = array<i32>} : memref<16384xf32, #tpu.memory_space<vmem>>, vector<16xf32>,
      %max3A_280 = arith.maximumf %max3A_273, %get3A_279 : vector<16xf32>
      %broadcast_in_dim3A_281 = arith.constant 0.000000e+00 : f32
      %broadcast_in_dim3A_282 = vector.broadcast %broadcast_in_dim3A_281 : f32 to vector<16xf32>
      %mul3A_283 = arith.constant 16 : i32
      %mul3A_284 = arith.muli %mul3A_283, %scan3A_55 : i32
      %add3A_285 = arith.constant 0 : i32
      %add3A_286 = arith.addi %add3A_285, %mul3A_284 : i32
      %get3A_287 = arith.index_cast %add3A_286 : i32 to index
      %get3A_288 = tpu.vector_load %arg11[%get3A_287] {strides = array<i32>} : memref<16384xf32, #tpu.memory_space<vmem>>, vector<16xf32>,
      %mul3A_289 = arith.constant 16 : i32
      %mul3A_290 = arith.muli %mul3A_289, %scan3A_55 : i32
      %add3A_291 = arith.constant 0 : i32
      %add3A_292 = arith.addi %add3A_291, %mul3A_290 : i32
      %get3A_293 = arith.index_cast %add3A_292 : i32 to index
      %get3A_294 = tpu.vector_load %arg10[%get3A_293] {strides = array<i32>} : memref<16384xf32, #tpu.memory_space<vmem>>, vector<16xf32>,
      %sub3A = arith.subf %get3A_294, %max3A_280 : vector<16xf32>
      %exp3A = math.exp %sub3A : vector<16xf32>
      %mul3A_295 = arith.mulf %get3A_288, %exp3A : vector<16xf32>
      %add3A_296 = arith.addf %broadcast_in_dim3A_282, %mul3A_295 : vector<16xf32>
      %mul3A_297 = arith.constant 16 : i32
      %mul3A_298 = arith.muli %mul3A_297, %scan3A_55 : i32
      %add3A_299 = arith.constant 512 : i32
      %add3A_300 = arith.addi %add3A_299, %mul3A_298 : i32
      %get3A_301 = arith.index_cast %add3A_300 : i32 to index
      %get3A_302 = tpu.vector_load %arg11[%get3A_301] {strides = array<i32>} : memref<16384xf32, #tpu.memory_space<vmem>>, vector<16xf32>,
      %mul3A_303 = arith.constant 16 : i32
      %mul3A_304 = arith.muli %mul3A_303, %scan3A_55 : i32
      %add3A_305 = arith.constant 512 : i32
      %add3A_306 = arith.addi %add3A_305, %mul3A_304 : i32
      %get3A_307 = arith.index_cast %add3A_306 : i32 to index
      %get3A_308 = tpu.vector_load %arg10[%get3A_307] {strides = array<i32>} : memref<16384xf32, #tpu.memory_space<vmem>>, vector<16xf32>,
      %sub3A_309 = arith.subf %get3A_308, %max3A_280 : vector<16xf32>
      %exp3A_310 = math.exp %sub3A_309 : vector<16xf32>
      %mul3A_311 = arith.mulf %get3A_302, %exp3A_310 : vector<16xf32>
      %add3A_312 = arith.addf %add3A_296, %mul3A_311 : vector<16xf32>
      %mul3A_313 = arith.constant 16 : i32
      %mul3A_314 = arith.muli %mul3A_313, %scan3A_55 : i32
      %add3A_315 = arith.constant 1024 : i32
      %add3A_316 = arith.addi %add3A_315, %mul3A_314 : i32
      %get3A_317 = arith.index_cast %add3A_316 : i32 to index
      %get3A_318 = tpu.vector_load %arg11[%get3A_317] {strides = array<i32>} : memref<16384xf32, #tpu.memory_space<vmem>>, vector<16xf32>,
      %mul3A_319 = arith.constant 16 : i32
      %mul3A_320 = arith.muli %mul3A_319, %scan3A_55 : i32
      %add3A_321 = arith.constant 1024 : i32
      %add3A_322 = arith.addi %add3A_321, %mul3A_320 : i32
      %get3A_323 = arith.index_cast %add3A_322 : i32 to index
      %get3A_324 = tpu.vector_load %arg10[%get3A_323] {strides = array<i32>} : memref<16384xf32, #tpu.memory_space<vmem>>, vector<16xf32>,
      %sub3A_325 = arith.subf %get3A_324, %max3A_280 : vector<16xf32>
      %exp3A_326 = math.exp %sub3A_325 : vector<16xf32>
      %mul3A_327 = arith.mulf %get3A_318, %exp3A_326 : vector<16xf32>
      %add3A_328 = arith.addf %add3A_312, %mul3A_327 : vector<16xf32>
      %mul3A_329 = arith.constant 16 : i32
      %mul3A_330 = arith.muli %mul3A_329, %scan3A_55 : i32
      %add3A_331 = arith.constant 1536 : i32
      %add3A_332 = arith.addi %add3A_331, %mul3A_330 : i32
      %get3A_333 = arith.index_cast %add3A_332 : i32 to index
      %get3A_334 = tpu.vector_load %arg11[%get3A_333] {strides = array<i32>} : memref<16384xf32, #tpu.memory_space<vmem>>, vector<16xf32>,
      %mul3A_335 = arith.constant 16 : i32
      %mul3A_336 = arith.muli %mul3A_335, %scan3A_55 : i32
      %add3A_337 = arith.constant 1536 : i32
      %add3A_338 = arith.addi %add3A_337, %mul3A_336 : i32
      %get3A_339 = arith.index_cast %add3A_338 : i32 to index
      %get3A_340 = tpu.vector_load %arg10[%get3A_339] {strides = array<i32>} : memref<16384xf32, #tpu.memory_space<vmem>>, vector<16xf32>,
      %sub3A_341 = arith.subf %get3A_340, %max3A_280 : vector<16xf32>
      %exp3A_342 = math.exp %sub3A_341 : vector<16xf32>
      %mul3A_343 = arith.mulf %get3A_334, %exp3A_342 : vector<16xf32>
      %add3A_344 = arith.addf %add3A_328, %mul3A_343 : vector<16xf32>
      %mul3A_345 = arith.constant 16 : i32
      %mul3A_346 = arith.muli %mul3A_345, %scan3A_55 : i32
      %add3A_347 = arith.constant 2048 : i32
      %add3A_348 = arith.addi %add3A_347, %mul3A_346 : i32
      %get3A_349 = arith.index_cast %add3A_348 : i32 to index
      %get3A_350 = tpu.vector_load %arg11[%get3A_349] {strides = array<i32>} : memref<16384xf32, #tpu.memory_space<vmem>>, vector<16xf32>,
      %mul3A_351 = arith.constant 16 : i32
      %mul3A_352 = arith.muli %mul3A_351, %scan3A_55 : i32
      %add3A_353 = arith.constant 2048 : i32
      %add3A_354 = arith.addi %add3A_353, %mul3A_352 : i32
      %get3A_355 = arith.index_cast %add3A_354 : i32 to index
      %get3A_356 = tpu.vector_load %arg10[%get3A_355] {strides = array<i32>} : memref<16384xf32, #tpu.memory_space<vmem>>, vector<16xf32>,
      %sub3A_357 = arith.subf %get3A_356, %max3A_280 : vector<16xf32>
      %exp3A_358 = math.exp %sub3A_357 : vector<16xf32>
      %mul3A_359 = arith.mulf %get3A_350, %exp3A_358 : vector<16xf32>
      %add3A_360 = arith.addf %add3A_344, %mul3A_359 : vector<16xf32>
      %mul3A_361 = arith.constant 16 : i32
      %mul3A_362 = arith.muli %mul3A_361, %scan3A_55 : i32
      %add3A_363 = arith.constant 2560 : i32
      %add3A_364 = arith.addi %add3A_363, %mul3A_362 : i32
      %get3A_365 = arith.index_cast %add3A_364 : i32 to index
      %get3A_366 = tpu.vector_load %arg11[%get3A_365] {strides = array<i32>} : memref<16384xf32, #tpu.memory_space<vmem>>, vector<16xf32>,
      %mul3A_367 = arith.constant 16 : i32
      %mul3A_368 = arith.muli %mul3A_367, %scan3A_55 : i32
      %add3A_369 = arith.constant 2560 : i32
      %add3A_370 = arith.addi %add3A_369, %mul3A_368 : i32
      %get3A_371 = arith.index_cast %add3A_370 : i32 to index
      %get3A_372 = tpu.vector_load %arg10[%get3A_371] {strides = array<i32>} : memref<16384xf32, #tpu.memory_space<vmem>>, vector<16xf32>,
      %sub3A_373 = arith.subf %get3A_372, %max3A_280 : vector<16xf32>
      %exp3A_374 = math.exp %sub3A_373 : vector<16xf32>
      %mul3A_375 = arith.mulf %get3A_366, %exp3A_374 : vector<16xf32>
      %add3A_376 = arith.addf %add3A_360, %mul3A_375 : vector<16xf32>
      %mul3A_377 = arith.constant 16 : i32
      %mul3A_378 = arith.muli %mul3A_377, %scan3A_55 : i32
      %add3A_379 = arith.constant 3072 : i32
      %add3A_380 = arith.addi %add3A_379, %mul3A_378 : i32
      %get3A_381 = arith.index_cast %add3A_380 : i32 to index
      %get3A_382 = tpu.vector_load %arg11[%get3A_381] {strides = array<i32>} : memref<16384xf32, #tpu.memory_space<vmem>>, vector<16xf32>,
      %mul3A_383 = arith.constant 16 : i32
      %mul3A_384 = arith.muli %mul3A_383, %scan3A_55 : i32
      %add3A_385 = arith.constant 3072 : i32
      %add3A_386 = arith.addi %add3A_385, %mul3A_384 : i32
      %get3A_387 = arith.index_cast %add3A_386 : i32 to index
      %get3A_388 = tpu.vector_load %arg10[%get3A_387] {strides = array<i32>} : memref<16384xf32, #tpu.memory_space<vmem>>, vector<16xf32>,
      %sub3A_389 = arith.subf %get3A_388, %max3A_280 : vector<16xf32>
      %exp3A_390 = math.exp %sub3A_389 : vector<16xf32>
      %mul3A_391 = arith.mulf %get3A_382, %exp3A_390 : vector<16xf32>
      %add3A_392 = arith.addf %add3A_376, %mul3A_391 : vector<16xf32>
      %mul3A_393 = arith.constant 16 : i32
      %mul3A_394 = arith.muli %mul3A_393, %scan3A_55 : i32
      %add3A_395 = arith.constant 3584 : i32
      %add3A_396 = arith.addi %add3A_395, %mul3A_394 : i32
      %get3A_397 = arith.index_cast %add3A_396 : i32 to index
      %get3A_398 = tpu.vector_load %arg11[%get3A_397] {strides = array<i32>} : memref<16384xf32, #tpu.memory_space<vmem>>, vector<16xf32>,
      %mul3A_399 = arith.constant 16 : i32
      %mul3A_400 = arith.muli %mul3A_399, %scan3A_55 : i32
      %add3A_401 = arith.constant 3584 : i32
      %add3A_402 = arith.addi %add3A_401, %mul3A_400 : i32
      %get3A_403 = arith.index_cast %add3A_402 : i32 to index
      %get3A_404 = tpu.vector_load %arg10[%get3A_403] {strides = array<i32>} : memref<16384xf32, #tpu.memory_space<vmem>>, vector<16xf32>,
      %sub3A_405 = arith.subf %get3A_404, %max3A_280 : vector<16xf32>
      %exp3A_406 = math.exp %sub3A_405 : vector<16xf32>
      %mul3A_407 = arith.mulf %get3A_398, %exp3A_406 : vector<16xf32>
      %add3A_408 = arith.addf %add3A_392, %mul3A_407 : vector<16xf32>
      %mul3A_409 = arith.constant 16 : i32
      %mul3A_410 = arith.muli %mul3A_409, %scan3A_55 : i32
      %add3A_411 = arith.constant 4096 : i32
      %add3A_412 = arith.addi %add3A_411, %mul3A_410 : i32
      %get3A_413 = arith.index_cast %add3A_412 : i32 to index
      %get3A_414 = tpu.vector_load %arg11[%get3A_413] {strides = array<i32>} : memref<16384xf32, #tpu.memory_space<vmem>>, vector<16xf32>,
      %mul3A_415 = arith.constant 16 : i32
      %mul3A_416 = arith.muli %mul3A_415, %scan3A_55 : i32
      %add3A_417 = arith.constant 4096 : i32
      %add3A_418 = arith.addi %add3A_417, %mul3A_416 : i32
      %get3A_419 = arith.index_cast %add3A_418 : i32 to index
      %get3A_420 = tpu.vector_load %arg10[%get3A_419] {strides = array<i32>} : memref<16384xf32, #tpu.memory_space<vmem>>, vector<16xf32>,
      %sub3A_421 = arith.subf %get3A_420, %max3A_280 : vector<16xf32>
      %exp3A_422 = math.exp %sub3A_421 : vector<16xf32>
      %mul3A_423 = arith.mulf %get3A_414, %exp3A_422 : vector<16xf32>
      %add3A_424 = arith.addf %add3A_408, %mul3A_423 : vector<16xf32>
      %mul3A_425 = arith.constant 16 : i32
      %mul3A_426 = arith.muli %mul3A_425, %scan3A_55 : i32
      %add3A_427 = arith.constant 4608 : i32
      %add3A_428 = arith.addi %add3A_427, %mul3A_426 : i32
      %get3A_429 = arith.index_cast %add3A_428 : i32 to index
      %get3A_430 = tpu.vector_load %arg11[%get3A_429] {strides = array<i32>} : memref<16384xf32, #tpu.memory_space<vmem>>, vector<16xf32>,
      %mul3A_431 = arith.constant 16 : i32
      %mul3A_432 = arith.muli %mul3A_431, %scan3A_55 : i32
      %add3A_433 = arith.constant 4608 : i32
      %add3A_434 = arith.addi %add3A_433, %mul3A_432 : i32
      %get3A_435 = arith.index_cast %add3A_434 : i32 to index
      %get3A_436 = tpu.vector_load %arg10[%get3A_435] {strides = array<i32>} : memref<16384xf32, #tpu.memory_space<vmem>>, vector<16xf32>,
      %sub3A_437 = arith.subf %get3A_436, %max3A_280 : vector<16xf32>
      %exp3A_438 = math.exp %sub3A_437 : vector<16xf32>
      %mul3A_439 = arith.mulf %get3A_430, %exp3A_438 : vector<16xf32>
      %add3A_440 = arith.addf %add3A_424, %mul3A_439 : vector<16xf32>
      %mul3A_441 = arith.constant 16 : i32
      %mul3A_442 = arith.muli %mul3A_441, %scan3A_55 : i32
      %add3A_443 = arith.constant 5120 : i32
      %add3A_444 = arith.addi %add3A_443, %mul3A_442 : i32
      %get3A_445 = arith.index_cast %add3A_444 : i32 to index
      %get3A_446 = tpu.vector_load %arg11[%get3A_445] {strides = array<i32>} : memref<16384xf32, #tpu.memory_space<vmem>>, vector<16xf32>,
      %mul3A_447 = arith.constant 16 : i32
      %mul3A_448 = arith.muli %mul3A_447, %scan3A_55 : i32
      %add3A_449 = arith.constant 5120 : i32
      %add3A_450 = arith.addi %add3A_449, %mul3A_448 : i32
      %get3A_451 = arith.index_cast %add3A_450 : i32 to index
      %get3A_452 = tpu.vector_load %arg10[%get3A_451] {strides = array<i32>} : memref<16384xf32, #tpu.memory_space<vmem>>, vector<16xf32>,
      %sub3A_453 = arith.subf %get3A_452, %max3A_280 : vector<16xf32>
      %exp3A_454 = math.exp %sub3A_453 : vector<16xf32>
      %mul3A_455 = arith.mulf %get3A_446, %exp3A_454 : vector<16xf32>
      %add3A_456 = arith.addf %add3A_440, %mul3A_455 : vector<16xf32>
      %mul3A_457 = arith.constant 16 : i32
      %mul3A_458 = arith.muli %mul3A_457, %scan3A_55 : i32
      %add3A_459 = arith.constant 5632 : i32
      %add3A_460 = arith.addi %add3A_459, %mul3A_458 : i32
      %get3A_461 = arith.index_cast %add3A_460 : i32 to index
      %get3A_462 = tpu.vector_load %arg11[%get3A_461] {strides = array<i32>} : memref<16384xf32, #tpu.memory_space<vmem>>, vector<16xf32>,
      %mul3A_463 = arith.constant 16 : i32
      %mul3A_464 = arith.muli %mul3A_463, %scan3A_55 : i32
      %add3A_465 = arith.constant 5632 : i32
      %add3A_466 = arith.addi %add3A_465, %mul3A_464 : i32
      %get3A_467 = arith.index_cast %add3A_466 : i32 to index
      %get3A_468 = tpu.vector_load %arg10[%get3A_467] {strides = array<i32>} : memref<16384xf32, #tpu.memory_space<vmem>>, vector<16xf32>,
      %sub3A_469 = arith.subf %get3A_468, %max3A_280 : vector<16xf32>
      %exp3A_470 = math.exp %sub3A_469 : vector<16xf32>
      %mul3A_471 = arith.mulf %get3A_462, %exp3A_470 : vector<16xf32>
      %add3A_472 = arith.addf %add3A_456, %mul3A_471 : vector<16xf32>
      %mul3A_473 = arith.constant 16 : i32
      %mul3A_474 = arith.muli %mul3A_473, %scan3A_55 : i32
      %add3A_475 = arith.constant 6144 : i32
      %add3A_476 = arith.addi %add3A_475, %mul3A_474 : i32
      %get3A_477 = arith.index_cast %add3A_476 : i32 to index
      %get3A_478 = tpu.vector_load %arg11[%get3A_477] {strides = array<i32>} : memref<16384xf32, #tpu.memory_space<vmem>>, vector<16xf32>,
      %mul3A_479 = arith.constant 16 : i32
      %mul3A_480 = arith.muli %mul3A_479, %scan3A_55 : i32
      %add3A_481 = arith.constant 6144 : i32
      %add3A_482 = arith.addi %add3A_481, %mul3A_480 : i32
      %get3A_483 = arith.index_cast %add3A_482 : i32 to index
      %get3A_484 = tpu.vector_load %arg10[%get3A_483] {strides = array<i32>} : memref<16384xf32, #tpu.memory_space<vmem>>, vector<16xf32>,
      %sub3A_485 = arith.subf %get3A_484, %max3A_280 : vector<16xf32>
      %exp3A_486 = math.exp %sub3A_485 : vector<16xf32>
      %mul3A_487 = arith.mulf %get3A_478, %exp3A_486 : vector<16xf32>
      %add3A_488 = arith.addf %add3A_472, %mul3A_487 : vector<16xf32>
      %mul3A_489 = arith.constant 16 : i32
      %mul3A_490 = arith.muli %mul3A_489, %scan3A_55 : i32
      %add3A_491 = arith.constant 6656 : i32
      %add3A_492 = arith.addi %add3A_491, %mul3A_490 : i32
      %get3A_493 = arith.index_cast %add3A_492 : i32 to index
      %get3A_494 = tpu.vector_load %arg11[%get3A_493] {strides = array<i32>} : memref<16384xf32, #tpu.memory_space<vmem>>, vector<16xf32>,
      %mul3A_495 = arith.constant 16 : i32
      %mul3A_496 = arith.muli %mul3A_495, %scan3A_55 : i32
      %add3A_497 = arith.constant 6656 : i32
      %add3A_498 = arith.addi %add3A_497, %mul3A_496 : i32
      %get3A_499 = arith.index_cast %add3A_498 : i32 to index
      %get3A_500 = tpu.vector_load %arg10[%get3A_499] {strides = array<i32>} : memref<16384xf32, #tpu.memory_space<vmem>>, vector<16xf32>,
      %sub3A_501 = arith.subf %get3A_500, %max3A_280 : vector<16xf32>
      %exp3A_502 = math.exp %sub3A_501 : vector<16xf32>
      %mul3A_503 = arith.mulf %get3A_494, %exp3A_502 : vector<16xf32>
      %add3A_504 = arith.addf %add3A_488, %mul3A_503 : vector<16xf32>
      %mul3A_505 = arith.constant 16 : i32
      %mul3A_506 = arith.muli %mul3A_505, %scan3A_55 : i32
      %add3A_507 = arith.constant 7168 : i32
      %add3A_508 = arith.addi %add3A_507, %mul3A_506 : i32
      %get3A_509 = arith.index_cast %add3A_508 : i32 to index
      %get3A_510 = tpu.vector_load %arg11[%get3A_509] {strides = array<i32>} : memref<16384xf32, #tpu.memory_space<vmem>>, vector<16xf32>,
      %mul3A_511 = arith.constant 16 : i32
      %mul3A_512 = arith.muli %mul3A_511, %scan3A_55 : i32
      %add3A_513 = arith.constant 7168 : i32
      %add3A_514 = arith.addi %add3A_513, %mul3A_512 : i32
      %get3A_515 = arith.index_cast %add3A_514 : i32 to index
      %get3A_516 = tpu.vector_load %arg10[%get3A_515] {strides = array<i32>} : memref<16384xf32, #tpu.memory_space<vmem>>, vector<16xf32>,
      %sub3A_517 = arith.subf %get3A_516, %max3A_280 : vector<16xf32>
      %exp3A_518 = math.exp %sub3A_517 : vector<16xf32>
      %mul3A_519 = arith.mulf %get3A_510, %exp3A_518 : vector<16xf32>
      %add3A_520 = arith.addf %add3A_504, %mul3A_519 : vector<16xf32>
      %mul3A_521 = arith.constant 16 : i32
      %mul3A_522 = arith.muli %mul3A_521, %scan3A_55 : i32
      %add3A_523 = arith.constant 7680 : i32
      %add3A_524 = arith.addi %add3A_523, %mul3A_522 : i32
      %get3A_525 = arith.index_cast %add3A_524 : i32 to index
      %get3A_526 = tpu.vector_load %arg11[%get3A_525] {strides = array<i32>} : memref<16384xf32, #tpu.memory_space<vmem>>, vector<16xf32>,
      %mul3A_527 = arith.constant 16 : i32
      %mul3A_528 = arith.muli %mul3A_527, %scan3A_55 : i32
      %add3A_529 = arith.constant 7680 : i32
      %add3A_530 = arith.addi %add3A_529, %mul3A_528 : i32
      %get3A_531 = arith.index_cast %add3A_530 : i32 to index
      %get3A_532 = tpu.vector_load %arg10[%get3A_531] {strides = array<i32>} : memref<16384xf32, #tpu.memory_space<vmem>>, vector<16xf32>,
      %sub3A_533 = arith.subf %get3A_532, %max3A_280 : vector<16xf32>
      %exp3A_534 = math.exp %sub3A_533 : vector<16xf32>
      %mul3A_535 = arith.mulf %get3A_526, %exp3A_534 : vector<16xf32>
      %add3A_536 = arith.addf %add3A_520, %mul3A_535 : vector<16xf32>
      %mul3A_537 = arith.constant 16 : i32
      %mul3A_538 = arith.muli %mul3A_537, %scan3A_55 : i32
      %add3A_539 = arith.constant 8192 : i32
      %add3A_540 = arith.addi %add3A_539, %mul3A_538 : i32
      %get3A_541 = arith.index_cast %add3A_540 : i32 to index
      %get3A_542 = tpu.vector_load %arg11[%get3A_541] {strides = array<i32>} : memref<16384xf32, #tpu.memory_space<vmem>>, vector<16xf32>,
      %mul3A_543 = arith.constant 16 : i32
      %mul3A_544 = arith.muli %mul3A_543, %scan3A_55 : i32
      %add3A_545 = arith.constant 8192 : i32
      %add3A_546 = arith.addi %add3A_545, %mul3A_544 : i32
      %get3A_547 = arith.index_cast %add3A_546 : i32 to index
      %get3A_548 = tpu.vector_load %arg10[%get3A_547] {strides = array<i32>} : memref<16384xf32, #tpu.memory_space<vmem>>, vector<16xf32>,
      %sub3A_549 = arith.subf %get3A_548, %max3A_280 : vector<16xf32>
      %exp3A_550 = math.exp %sub3A_549 : vector<16xf32>
      %mul3A_551 = arith.mulf %get3A_542, %exp3A_550 : vector<16xf32>
      %add3A_552 = arith.addf %add3A_536, %mul3A_551 : vector<16xf32>
      %mul3A_553 = arith.constant 16 : i32
      %mul3A_554 = arith.muli %mul3A_553, %scan3A_55 : i32
      %add3A_555 = arith.constant 8704 : i32
      %add3A_556 = arith.addi %add3A_555, %mul3A_554 : i32
      %get3A_557 = arith.index_cast %add3A_556 : i32 to index
      %get3A_558 = tpu.vector_load %arg11[%get3A_557] {strides = array<i32>} : memref<16384xf32, #tpu.memory_space<vmem>>, vector<16xf32>,
      %mul3A_559 = arith.constant 16 : i32
      %mul3A_560 = arith.muli %mul3A_559, %scan3A_55 : i32
      %add3A_561 = arith.constant 8704 : i32
      %add3A_562 = arith.addi %add3A_561, %mul3A_560 : i32
      %get3A_563 = arith.index_cast %add3A_562 : i32 to index
      %get3A_564 = tpu.vector_load %arg10[%get3A_563] {strides = array<i32>} : memref<16384xf32, #tpu.memory_space<vmem>>, vector<16xf32>,
      %sub3A_565 = arith.subf %get3A_564, %max3A_280 : vector<16xf32>
      %exp3A_566 = math.exp %sub3A_565 : vector<16xf32>
      %mul3A_567 = arith.mulf %get3A_558, %exp3A_566 : vector<16xf32>
      %add3A_568 = arith.addf %add3A_552, %mul3A_567 : vector<16xf32>
      %mul3A_569 = arith.constant 16 : i32
      %mul3A_570 = arith.muli %mul3A_569, %scan3A_55 : i32
      %add3A_571 = arith.constant 9216 : i32
      %add3A_572 = arith.addi %add3A_571, %mul3A_570 : i32
      %get3A_573 = arith.index_cast %add3A_572 : i32 to index
      %get3A_574 = tpu.vector_load %arg11[%get3A_573] {strides = array<i32>} : memref<16384xf32, #tpu.memory_space<vmem>>, vector<16xf32>,
      %mul3A_575 = arith.constant 16 : i32
      %mul3A_576 = arith.muli %mul3A_575, %scan3A_55 : i32
      %add3A_577 = arith.constant 9216 : i32
      %add3A_578 = arith.addi %add3A_577, %mul3A_576 : i32
      %get3A_579 = arith.index_cast %add3A_578 : i32 to index
      %get3A_580 = tpu.vector_load %arg10[%get3A_579] {strides = array<i32>} : memref<16384xf32, #tpu.memory_space<vmem>>, vector<16xf32>,
      %sub3A_581 = arith.subf %get3A_580, %max3A_280 : vector<16xf32>
      %exp3A_582 = math.exp %sub3A_581 : vector<16xf32>
      %mul3A_583 = arith.mulf %get3A_574, %exp3A_582 : vector<16xf32>
      %add3A_584 = arith.addf %add3A_568, %mul3A_583 : vector<16xf32>
      %mul3A_585 = arith.constant 16 : i32
      %mul3A_586 = arith.muli %mul3A_585, %scan3A_55 : i32
      %add3A_587 = arith.constant 9728 : i32
      %add3A_588 = arith.addi %add3A_587, %mul3A_586 : i32
      %get3A_589 = arith.index_cast %add3A_588 : i32 to index
      %get3A_590 = tpu.vector_load %arg11[%get3A_589] {strides = array<i32>} : memref<16384xf32, #tpu.memory_space<vmem>>, vector<16xf32>,
      %mul3A_591 = arith.constant 16 : i32
      %mul3A_592 = arith.muli %mul3A_591, %scan3A_55 : i32
      %add3A_593 = arith.constant 9728 : i32
      %add3A_594 = arith.addi %add3A_593, %mul3A_592 : i32
      %get3A_595 = arith.index_cast %add3A_594 : i32 to index
      %get3A_596 = tpu.vector_load %arg10[%get3A_595] {strides = array<i32>} : memref<16384xf32, #tpu.memory_space<vmem>>, vector<16xf32>,
      %sub3A_597 = arith.subf %get3A_596, %max3A_280 : vector<16xf32>
      %exp3A_598 = math.exp %sub3A_597 : vector<16xf32>
      %mul3A_599 = arith.mulf %get3A_590, %exp3A_598 : vector<16xf32>
      %add3A_600 = arith.addf %add3A_584, %mul3A_599 : vector<16xf32>
      %mul3A_601 = arith.constant 16 : i32
      %mul3A_602 = arith.muli %mul3A_601, %scan3A_55 : i32
      %add3A_603 = arith.constant 10240 : i32
      %add3A_604 = arith.addi %add3A_603, %mul3A_602 : i32
      %get3A_605 = arith.index_cast %add3A_604 : i32 to index
      %get3A_606 = tpu.vector_load %arg11[%get3A_605] {strides = array<i32>} : memref<16384xf32, #tpu.memory_space<vmem>>, vector<16xf32>,
      %mul3A_607 = arith.constant 16 : i32
      %mul3A_608 = arith.muli %mul3A_607, %scan3A_55 : i32
      %add3A_609 = arith.constant 10240 : i32
      %add3A_610 = arith.addi %add3A_609, %mul3A_608 : i32
      %get3A_611 = arith.index_cast %add3A_610 : i32 to index
      %get3A_612 = tpu.vector_load %arg10[%get3A_611] {strides = array<i32>} : memref<16384xf32, #tpu.memory_space<vmem>>, vector<16xf32>,
      %sub3A_613 = arith.subf %get3A_612, %max3A_280 : vector<16xf32>
      %exp3A_614 = math.exp %sub3A_613 : vector<16xf32>
      %mul3A_615 = arith.mulf %get3A_606, %exp3A_614 : vector<16xf32>
      %add3A_616 = arith.addf %add3A_600, %mul3A_615 : vector<16xf32>
      %mul3A_617 = arith.constant 16 : i32
      %mul3A_618 = arith.muli %mul3A_617, %scan3A_55 : i32
      %add3A_619 = arith.constant 10752 : i32
      %add3A_620 = arith.addi %add3A_619, %mul3A_618 : i32
      %get3A_621 = arith.index_cast %add3A_620 : i32 to index
      %get3A_622 = tpu.vector_load %arg11[%get3A_621] {strides = array<i32>} : memref<16384xf32, #tpu.memory_space<vmem>>, vector<16xf32>,
      %mul3A_623 = arith.constant 16 : i32
      %mul3A_624 = arith.muli %mul3A_623, %scan3A_55 : i32
      %add3A_625 = arith.constant 10752 : i32
      %add3A_626 = arith.addi %add3A_625, %mul3A_624 : i32
      %get3A_627 = arith.index_cast %add3A_626 : i32 to index
      %get3A_628 = tpu.vector_load %arg10[%get3A_627] {strides = array<i32>} : memref<16384xf32, #tpu.memory_space<vmem>>, vector<16xf32>,
      %sub3A_629 = arith.subf %get3A_628, %max3A_280 : vector<16xf32>
      %exp3A_630 = math.exp %sub3A_629 : vector<16xf32>
      %mul3A_631 = arith.mulf %get3A_622, %exp3A_630 : vector<16xf32>
      %add3A_632 = arith.addf %add3A_616, %mul3A_631 : vector<16xf32>
      %mul3A_633 = arith.constant 16 : i32
      %mul3A_634 = arith.muli %mul3A_633, %scan3A_55 : i32
      %add3A_635 = arith.constant 11264 : i32
      %add3A_636 = arith.addi %add3A_635, %mul3A_634 : i32
      %get3A_637 = arith.index_cast %add3A_636 : i32 to index
      %get3A_638 = tpu.vector_load %arg11[%get3A_637] {strides = array<i32>} : memref<16384xf32, #tpu.memory_space<vmem>>, vector<16xf32>,
      %mul3A_639 = arith.constant 16 : i32
      %mul3A_640 = arith.muli %mul3A_639, %scan3A_55 : i32
      %add3A_641 = arith.constant 11264 : i32
      %add3A_642 = arith.addi %add3A_641, %mul3A_640 : i32
      %get3A_643 = arith.index_cast %add3A_642 : i32 to index
      %get3A_644 = tpu.vector_load %arg10[%get3A_643] {strides = array<i32>} : memref<16384xf32, #tpu.memory_space<vmem>>, vector<16xf32>,
      %sub3A_645 = arith.subf %get3A_644, %max3A_280 : vector<16xf32>
      %exp3A_646 = math.exp %sub3A_645 : vector<16xf32>
      %mul3A_647 = arith.mulf %get3A_638, %exp3A_646 : vector<16xf32>
      %add3A_648 = arith.addf %add3A_632, %mul3A_647 : vector<16xf32>
      %mul3A_649 = arith.constant 16 : i32
      %mul3A_650 = arith.muli %mul3A_649, %scan3A_55 : i32
      %add3A_651 = arith.constant 11776 : i32
      %add3A_652 = arith.addi %add3A_651, %mul3A_650 : i32
      %get3A_653 = arith.index_cast %add3A_652 : i32 to index
      %get3A_654 = tpu.vector_load %arg11[%get3A_653] {strides = array<i32>} : memref<16384xf32, #tpu.memory_space<vmem>>, vector<16xf32>,
      %mul3A_655 = arith.constant 16 : i32
      %mul3A_656 = arith.muli %mul3A_655, %scan3A_55 : i32
      %add3A_657 = arith.constant 11776 : i32
      %add3A_658 = arith.addi %add3A_657, %mul3A_656 : i32
      %get3A_659 = arith.index_cast %add3A_658 : i32 to index
      %get3A_660 = tpu.vector_load %arg10[%get3A_659] {strides = array<i32>} : memref<16384xf32, #tpu.memory_space<vmem>>, vector<16xf32>,
      %sub3A_661 = arith.subf %get3A_660, %max3A_280 : vector<16xf32>
      %exp3A_662 = math.exp %sub3A_661 : vector<16xf32>
      %mul3A_663 = arith.mulf %get3A_654, %exp3A_662 : vector<16xf32>
      %add3A_664 = arith.addf %add3A_648, %mul3A_663 : vector<16xf32>
      %mul3A_665 = arith.constant 16 : i32
      %mul3A_666 = arith.muli %mul3A_665, %scan3A_55 : i32
      %add3A_667 = arith.constant 12288 : i32
      %add3A_668 = arith.addi %add3A_667, %mul3A_666 : i32
      %get3A_669 = arith.index_cast %add3A_668 : i32 to index
      %get3A_670 = tpu.vector_load %arg11[%get3A_669] {strides = array<i32>} : memref<16384xf32, #tpu.memory_space<vmem>>, vector<16xf32>,
      %mul3A_671 = arith.constant 16 : i32
      %mul3A_672 = arith.muli %mul3A_671, %scan3A_55 : i32
      %add3A_673 = arith.constant 12288 : i32
      %add3A_674 = arith.addi %add3A_673, %mul3A_672 : i32
      %get3A_675 = arith.index_cast %add3A_674 : i32 to index
      %get3A_676 = tpu.vector_load %arg10[%get3A_675] {strides = array<i32>} : memref<16384xf32, #tpu.memory_space<vmem>>, vector<16xf32>,
      %sub3A_677 = arith.subf %get3A_676, %max3A_280 : vector<16xf32>
      %exp3A_678 = math.exp %sub3A_677 : vector<16xf32>
      %mul3A_679 = arith.mulf %get3A_670, %exp3A_678 : vector<16xf32>
      %add3A_680 = arith.addf %add3A_664, %mul3A_679 : vector<16xf32>
      %mul3A_681 = arith.constant 16 : i32
      %mul3A_682 = arith.muli %mul3A_681, %scan3A_55 : i32
      %add3A_683 = arith.constant 12800 : i32
      %add3A_684 = arith.addi %add3A_683, %mul3A_682 : i32
      %get3A_685 = arith.index_cast %add3A_684 : i32 to index
      %get3A_686 = tpu.vector_load %arg11[%get3A_685] {strides = array<i32>} : memref<16384xf32, #tpu.memory_space<vmem>>, vector<16xf32>,
      %mul3A_687 = arith.constant 16 : i32
      %mul3A_688 = arith.muli %mul3A_687, %scan3A_55 : i32
      %add3A_689 = arith.constant 12800 : i32
      %add3A_690 = arith.addi %add3A_689, %mul3A_688 : i32
      %get3A_691 = arith.index_cast %add3A_690 : i32 to index
      %get3A_692 = tpu.vector_load %arg10[%get3A_691] {strides = array<i32>} : memref<16384xf32, #tpu.memory_space<vmem>>, vector<16xf32>,
      %sub3A_693 = arith.subf %get3A_692, %max3A_280 : vector<16xf32>
      %exp3A_694 = math.exp %sub3A_693 : vector<16xf32>
      %mul3A_695 = arith.mulf %get3A_686, %exp3A_694 : vector<16xf32>
      %add3A_696 = arith.addf %add3A_680, %mul3A_695 : vector<16xf32>
      %mul3A_697 = arith.constant 16 : i32
      %mul3A_698 = arith.muli %mul3A_697, %scan3A_55 : i32
      %add3A_699 = arith.constant 13312 : i32
      %add3A_700 = arith.addi %add3A_699, %mul3A_698 : i32
      %get3A_701 = arith.index_cast %add3A_700 : i32 to index
      %get3A_702 = tpu.vector_load %arg11[%get3A_701] {strides = array<i32>} : memref<16384xf32, #tpu.memory_space<vmem>>, vector<16xf32>,
      %mul3A_703 = arith.constant 16 : i32
      %mul3A_704 = arith.muli %mul3A_703, %scan3A_55 : i32
      %add3A_705 = arith.constant 13312 : i32
      %add3A_706 = arith.addi %add3A_705, %mul3A_704 : i32
      %get3A_707 = arith.index_cast %add3A_706 : i32 to index
      %get3A_708 = tpu.vector_load %arg10[%get3A_707] {strides = array<i32>} : memref<16384xf32, #tpu.memory_space<vmem>>, vector<16xf32>,
      %sub3A_709 = arith.subf %get3A_708, %max3A_280 : vector<16xf32>
      %exp3A_710 = math.exp %sub3A_709 : vector<16xf32>
      %mul3A_711 = arith.mulf %get3A_702, %exp3A_710 : vector<16xf32>
      %add3A_712 = arith.addf %add3A_696, %mul3A_711 : vector<16xf32>
      %mul3A_713 = arith.constant 16 : i32
      %mul3A_714 = arith.muli %mul3A_713, %scan3A_55 : i32
      %add3A_715 = arith.constant 13824 : i32
      %add3A_716 = arith.addi %add3A_715, %mul3A_714 : i32
      %get3A_717 = arith.index_cast %add3A_716 : i32 to index
      %get3A_718 = tpu.vector_load %arg11[%get3A_717] {strides = array<i32>} : memref<16384xf32, #tpu.memory_space<vmem>>, vector<16xf32>,
      %mul3A_719 = arith.constant 16 : i32
      %mul3A_720 = arith.muli %mul3A_719, %scan3A_55 : i32
      %add3A_721 = arith.constant 13824 : i32
      %add3A_722 = arith.addi %add3A_721, %mul3A_720 : i32
      %get3A_723 = arith.index_cast %add3A_722 : i32 to index
      %get3A_724 = tpu.vector_load %arg10[%get3A_723] {strides = array<i32>} : memref<16384xf32, #tpu.memory_space<vmem>>, vector<16xf32>,
      %sub3A_725 = arith.subf %get3A_724, %max3A_280 : vector<16xf32>
      %exp3A_726 = math.exp %sub3A_725 : vector<16xf32>
      %mul3A_727 = arith.mulf %get3A_718, %exp3A_726 : vector<16xf32>
      %add3A_728 = arith.addf %add3A_712, %mul3A_727 : vector<16xf32>
      %mul3A_729 = arith.constant 16 : i32
      %mul3A_730 = arith.muli %mul3A_729, %scan3A_55 : i32
      %add3A_731 = arith.constant 14336 : i32
      %add3A_732 = arith.addi %add3A_731, %mul3A_730 : i32
      %get3A_733 = arith.index_cast %add3A_732 : i32 to index
      %get3A_734 = tpu.vector_load %arg11[%get3A_733] {strides = array<i32>} : memref<16384xf32, #tpu.memory_space<vmem>>, vector<16xf32>,
      %mul3A_735 = arith.constant 16 : i32
      %mul3A_736 = arith.muli %mul3A_735, %scan3A_55 : i32
      %add3A_737 = arith.constant 14336 : i32
      %add3A_738 = arith.addi %add3A_737, %mul3A_736 : i32
      %get3A_739 = arith.index_cast %add3A_738 : i32 to index
      %get3A_740 = tpu.vector_load %arg10[%get3A_739] {strides = array<i32>} : memref<16384xf32, #tpu.memory_space<vmem>>, vector<16xf32>,
      %sub3A_741 = arith.subf %get3A_740, %max3A_280 : vector<16xf32>
      %exp3A_742 = math.exp %sub3A_741 : vector<16xf32>
      %mul3A_743 = arith.mulf %get3A_734, %exp3A_742 : vector<16xf32>
      %add3A_744 = arith.addf %add3A_728, %mul3A_743 : vector<16xf32>
      %mul3A_745 = arith.constant 16 : i32
      %mul3A_746 = arith.muli %mul3A_745, %scan3A_55 : i32
      %add3A_747 = arith.constant 14848 : i32
      %add3A_748 = arith.addi %add3A_747, %mul3A_746 : i32
      %get3A_749 = arith.index_cast %add3A_748 : i32 to index
      %get3A_750 = tpu.vector_load %arg11[%get3A_749] {strides = array<i32>} : memref<16384xf32, #tpu.memory_space<vmem>>, vector<16xf32>,
      %mul3A_751 = arith.constant 16 : i32
      %mul3A_752 = arith.muli %mul3A_751, %scan3A_55 : i32
      %add3A_753 = arith.constant 14848 : i32
      %add3A_754 = arith.addi %add3A_753, %mul3A_752 : i32
      %get3A_755 = arith.index_cast %add3A_754 : i32 to index
      %get3A_756 = tpu.vector_load %arg10[%get3A_755] {strides = array<i32>} : memref<16384xf32, #tpu.memory_space<vmem>>, vector<16xf32>,
      %sub3A_757 = arith.subf %get3A_756, %max3A_280 : vector<16xf32>
      %exp3A_758 = math.exp %sub3A_757 : vector<16xf32>
      %mul3A_759 = arith.mulf %get3A_750, %exp3A_758 : vector<16xf32>
      %add3A_760 = arith.addf %add3A_744, %mul3A_759 : vector<16xf32>
      %mul3A_761 = arith.constant 16 : i32
      %mul3A_762 = arith.muli %mul3A_761, %scan3A_55 : i32
      %add3A_763 = arith.constant 15360 : i32
      %add3A_764 = arith.addi %add3A_763, %mul3A_762 : i32
      %get3A_765 = arith.index_cast %add3A_764 : i32 to index
      %get3A_766 = tpu.vector_load %arg11[%get3A_765] {strides = array<i32>} : memref<16384xf32, #tpu.memory_space<vmem>>, vector<16xf32>,
      %mul3A_767 = arith.constant 16 : i32
      %mul3A_768 = arith.muli %mul3A_767, %scan3A_55 : i32
      %add3A_769 = arith.constant 15360 : i32
      %add3A_770 = arith.addi %add3A_769, %mul3A_768 : i32
      %get3A_771 = arith.index_cast %add3A_770 : i32 to index
      %get3A_772 = tpu.vector_load %arg10[%get3A_771] {strides = array<i32>} : memref<16384xf32, #tpu.memory_space<vmem>>, vector<16xf32>,
      %sub3A_773 = arith.subf %get3A_772, %max3A_280 : vector<16xf32>
      %exp3A_774 = math.exp %sub3A_773 : vector<16xf32>
      %mul3A_775 = arith.mulf %get3A_766, %exp3A_774 : vector<16xf32>
      %add3A_776 = arith.addf %add3A_760, %mul3A_775 : vector<16xf32>
      %mul3A_777 = arith.constant 16 : i32
      %mul3A_778 = arith.muli %mul3A_777, %scan3A_55 : i32
      %add3A_779 = arith.constant 15872 : i32
      %add3A_780 = arith.addi %add3A_779, %mul3A_778 : i32
      %get3A_781 = arith.index_cast %add3A_780 : i32 to index
      %get3A_782 = tpu.vector_load %arg11[%get3A_781] {strides = array<i32>} : memref<16384xf32, #tpu.memory_space<vmem>>, vector<16xf32>,
      %mul3A_783 = arith.constant 16 : i32
      %mul3A_784 = arith.muli %mul3A_783, %scan3A_55 : i32
      %add3A_785 = arith.constant 15872 : i32
      %add3A_786 = arith.addi %add3A_785, %mul3A_784 : i32
      %get3A_787 = arith.index_cast %add3A_786 : i32 to index
      %get3A_788 = tpu.vector_load %arg10[%get3A_787] {strides = array<i32>} : memref<16384xf32, #tpu.memory_space<vmem>>, vector<16xf32>,
      %sub3A_789 = arith.subf %get3A_788, %max3A_280 : vector<16xf32>
      %exp3A_790 = math.exp %sub3A_789 : vector<16xf32>
      %mul3A_791 = arith.mulf %get3A_782, %exp3A_790 : vector<16xf32>
      %add3A_792 = arith.addf %add3A_776, %mul3A_791 : vector<16xf32>
      %broadcast_in_dim3A_793 = arith.constant 0.000000e+00 : f32
      %broadcast_in_dim3A_794 = vector.broadcast %broadcast_in_dim3A_793 : f32 to vector<16xf32>
      %mul3A_795 = arith.constant 16 : i32
      %mul3A_796 = arith.muli %mul3A_795, %scan3A_55 : i32
      %add3A_797 = arith.constant 0 : i32
      %add3A_798 = arith.addi %add3A_797, %mul3A_796 : i32
      %get3A_799 = arith.index_cast %add3A_798 : i32 to index
      %get3A_800 = tpu.vector_load %arg12[%get3A_799] {strides = array<i32>} : memref<16384xf32, #tpu.memory_space<vmem>>, vector<16xf32>,
      %add3A_801 = arith.addf %broadcast_in_dim3A_794, %get3A_800 : vector<16xf32>
      %mul3A_802 = arith.constant 16 : i32
      %mul3A_803 = arith.muli %mul3A_802, %scan3A_55 : i32
      %add3A_804 = arith.constant 512 : i32
      %add3A_805 = arith.addi %add3A_804, %mul3A_803 : i32
      %get3A_806 = arith.index_cast %add3A_805 : i32 to index
      %get3A_807 = tpu.vector_load %arg12[%get3A_806] {strides = array<i32>} : memref<16384xf32, #tpu.memory_space<vmem>>, vector<16xf32>,
      %add3A_808 = arith.addf %add3A_801, %get3A_807 : vector<16xf32>
      %mul3A_809 = arith.constant 16 : i32
      %mul3A_810 = arith.muli %mul3A_809, %scan3A_55 : i32
      %add3A_811 = arith.constant 1024 : i32
      %add3A_812 = arith.addi %add3A_811, %mul3A_810 : i32
      %get3A_813 = arith.index_cast %add3A_812 : i32 to index
      %get3A_814 = tpu.vector_load %arg12[%get3A_813] {strides = array<i32>} : memref<16384xf32, #tpu.memory_space<vmem>>, vector<16xf32>,
      %add3A_815 = arith.addf %add3A_808, %get3A_814 : vector<16xf32>
      %mul3A_816 = arith.constant 16 : i32
      %mul3A_817 = arith.muli %mul3A_816, %scan3A_55 : i32
      %add3A_818 = arith.constant 1536 : i32
      %add3A_819 = arith.addi %add3A_818, %mul3A_817 : i32
      %get3A_820 = arith.index_cast %add3A_819 : i32 to index
      %get3A_821 = tpu.vector_load %arg12[%get3A_820] {strides = array<i32>} : memref<16384xf32, #tpu.memory_space<vmem>>, vector<16xf32>,
      %add3A_822 = arith.addf %add3A_815, %get3A_821 : vector<16xf32>
      %mul3A_823 = arith.constant 16 : i32
      %mul3A_824 = arith.muli %mul3A_823, %scan3A_55 : i32
      %add3A_825 = arith.constant 2048 : i32
      %add3A_826 = arith.addi %add3A_825, %mul3A_824 : i32
      %get3A_827 = arith.index_cast %add3A_826 : i32 to index
      %get3A_828 = tpu.vector_load %arg12[%get3A_827] {strides = array<i32>} : memref<16384xf32, #tpu.memory_space<vmem>>, vector<16xf32>,
      %add3A_829 = arith.addf %add3A_822, %get3A_828 : vector<16xf32>
      %mul3A_830 = arith.constant 16 : i32
      %mul3A_831 = arith.muli %mul3A_830, %scan3A_55 : i32
      %add3A_832 = arith.constant 2560 : i32
      %add3A_833 = arith.addi %add3A_832, %mul3A_831 : i32
      %get3A_834 = arith.index_cast %add3A_833 : i32 to index
      %get3A_835 = tpu.vector_load %arg12[%get3A_834] {strides = array<i32>} : memref<16384xf32, #tpu.memory_space<vmem>>, vector<16xf32>,
      %add3A_836 = arith.addf %add3A_829, %get3A_835 : vector<16xf32>
      %mul3A_837 = arith.constant 16 : i32
      %mul3A_838 = arith.muli %mul3A_837, %scan3A_55 : i32
      %add3A_839 = arith.constant 3072 : i32
      %add3A_840 = arith.addi %add3A_839, %mul3A_838 : i32
      %get3A_841 = arith.index_cast %add3A_840 : i32 to index
      %get3A_842 = tpu.vector_load %arg12[%get3A_841] {strides = array<i32>} : memref<16384xf32, #tpu.memory_space<vmem>>, vector<16xf32>,
      %add3A_843 = arith.addf %add3A_836, %get3A_842 : vector<16xf32>
      %mul3A_844 = arith.constant 16 : i32
      %mul3A_845 = arith.muli %mul3A_844, %scan3A_55 : i32
      %add3A_846 = arith.constant 3584 : i32
      %add3A_847 = arith.addi %add3A_846, %mul3A_845 : i32
      %get3A_848 = arith.index_cast %add3A_847 : i32 to index
      %get3A_849 = tpu.vector_load %arg12[%get3A_848] {strides = array<i32>} : memref<16384xf32, #tpu.memory_space<vmem>>, vector<16xf32>,
      %add3A_850 = arith.addf %add3A_843, %get3A_849 : vector<16xf32>
      %mul3A_851 = arith.constant 16 : i32
      %mul3A_852 = arith.muli %mul3A_851, %scan3A_55 : i32
      %add3A_853 = arith.constant 4096 : i32
      %add3A_854 = arith.addi %add3A_853, %mul3A_852 : i32
      %get3A_855 = arith.index_cast %add3A_854 : i32 to index
      %get3A_856 = tpu.vector_load %arg12[%get3A_855] {strides = array<i32>} : memref<16384xf32, #tpu.memory_space<vmem>>, vector<16xf32>,
      %add3A_857 = arith.addf %add3A_850, %get3A_856 : vector<16xf32>
      %mul3A_858 = arith.constant 16 : i32
      %mul3A_859 = arith.muli %mul3A_858, %scan3A_55 : i32
      %add3A_860 = arith.constant 4608 : i32
      %add3A_861 = arith.addi %add3A_860, %mul3A_859 : i32
      %get3A_862 = arith.index_cast %add3A_861 : i32 to index
      %get3A_863 = tpu.vector_load %arg12[%get3A_862] {strides = array<i32>} : memref<16384xf32, #tpu.memory_space<vmem>>, vector<16xf32>,
      %add3A_864 = arith.addf %add3A_857, %get3A_863 : vector<16xf32>
      %mul3A_865 = arith.constant 16 : i32
      %mul3A_866 = arith.muli %mul3A_865, %scan3A_55 : i32
      %add3A_867 = arith.constant 5120 : i32
      %add3A_868 = arith.addi %add3A_867, %mul3A_866 : i32
      %get3A_869 = arith.index_cast %add3A_868 : i32 to index
      %get3A_870 = tpu.vector_load %arg12[%get3A_869] {strides = array<i32>} : memref<16384xf32, #tpu.memory_space<vmem>>, vector<16xf32>,
      %add3A_871 = arith.addf %add3A_864, %get3A_870 : vector<16xf32>
      %mul3A_872 = arith.constant 16 : i32
      %mul3A_873 = arith.muli %mul3A_872, %scan3A_55 : i32
      %add3A_874 = arith.constant 5632 : i32
      %add3A_875 = arith.addi %add3A_874, %mul3A_873 : i32
      %get3A_876 = arith.index_cast %add3A_875 : i32 to index
      %get3A_877 = tpu.vector_load %arg12[%get3A_876] {strides = array<i32>} : memref<16384xf32, #tpu.memory_space<vmem>>, vector<16xf32>,
      %add3A_878 = arith.addf %add3A_871, %get3A_877 : vector<16xf32>
      %mul3A_879 = arith.constant 16 : i32
      %mul3A_880 = arith.muli %mul3A_879, %scan3A_55 : i32
      %add3A_881 = arith.constant 6144 : i32
      %add3A_882 = arith.addi %add3A_881, %mul3A_880 : i32
      %get3A_883 = arith.index_cast %add3A_882 : i32 to index
      %get3A_884 = tpu.vector_load %arg12[%get3A_883] {strides = array<i32>} : memref<16384xf32, #tpu.memory_space<vmem>>, vector<16xf32>,
      %add3A_885 = arith.addf %add3A_878, %get3A_884 : vector<16xf32>
      %mul3A_886 = arith.constant 16 : i32
      %mul3A_887 = arith.muli %mul3A_886, %scan3A_55 : i32
      %add3A_888 = arith.constant 6656 : i32
      %add3A_889 = arith.addi %add3A_888, %mul3A_887 : i32
      %get3A_890 = arith.index_cast %add3A_889 : i32 to index
      %get3A_891 = tpu.vector_load %arg12[%get3A_890] {strides = array<i32>} : memref<16384xf32, #tpu.memory_space<vmem>>, vector<16xf32>,
      %add3A_892 = arith.addf %add3A_885, %get3A_891 : vector<16xf32>
      %mul3A_893 = arith.constant 16 : i32
      %mul3A_894 = arith.muli %mul3A_893, %scan3A_55 : i32
      %add3A_895 = arith.constant 7168 : i32
      %add3A_896 = arith.addi %add3A_895, %mul3A_894 : i32
      %get3A_897 = arith.index_cast %add3A_896 : i32 to index
      %get3A_898 = tpu.vector_load %arg12[%get3A_897] {strides = array<i32>} : memref<16384xf32, #tpu.memory_space<vmem>>, vector<16xf32>,
      %add3A_899 = arith.addf %add3A_892, %get3A_898 : vector<16xf32>
      %mul3A_900 = arith.constant 16 : i32
      %mul3A_901 = arith.muli %mul3A_900, %scan3A_55 : i32
      %add3A_902 = arith.constant 7680 : i32
      %add3A_903 = arith.addi %add3A_902, %mul3A_901 : i32
      %get3A_904 = arith.index_cast %add3A_903 : i32 to index
      %get3A_905 = tpu.vector_load %arg12[%get3A_904] {strides = array<i32>} : memref<16384xf32, #tpu.memory_space<vmem>>, vector<16xf32>,
      %add3A_906 = arith.addf %add3A_899, %get3A_905 : vector<16xf32>
      %mul3A_907 = arith.constant 16 : i32
      %mul3A_908 = arith.muli %mul3A_907, %scan3A_55 : i32
      %add3A_909 = arith.constant 8192 : i32
      %add3A_910 = arith.addi %add3A_909, %mul3A_908 : i32
      %get3A_911 = arith.index_cast %add3A_910 : i32 to index
      %get3A_912 = tpu.vector_load %arg12[%get3A_911] {strides = array<i32>} : memref<16384xf32, #tpu.memory_space<vmem>>, vector<16xf32>,
      %add3A_913 = arith.addf %add3A_906, %get3A_912 : vector<16xf32>
      %mul3A_914 = arith.constant 16 : i32
      %mul3A_915 = arith.muli %mul3A_914, %scan3A_55 : i32
      %add3A_916 = arith.constant 8704 : i32
      %add3A_917 = arith.addi %add3A_916, %mul3A_915 : i32
      %get3A_918 = arith.index_cast %add3A_917 : i32 to index
      %get3A_919 = tpu.vector_load %arg12[%get3A_918] {strides = array<i32>} : memref<16384xf32, #tpu.memory_space<vmem>>, vector<16xf32>,
      %add3A_920 = arith.addf %add3A_913, %get3A_919 : vector<16xf32>
      %mul3A_921 = arith.constant 16 : i32
      %mul3A_922 = arith.muli %mul3A_921, %scan3A_55 : i32
      %add3A_923 = arith.constant 9216 : i32
      %add3A_924 = arith.addi %add3A_923, %mul3A_922 : i32
      %get3A_925 = arith.index_cast %add3A_924 : i32 to index
      %get3A_926 = tpu.vector_load %arg12[%get3A_925] {strides = array<i32>} : memref<16384xf32, #tpu.memory_space<vmem>>, vector<16xf32>,
      %add3A_927 = arith.addf %add3A_920, %get3A_926 : vector<16xf32>
      %mul3A_928 = arith.constant 16 : i32
      %mul3A_929 = arith.muli %mul3A_928, %scan3A_55 : i32
      %add3A_930 = arith.constant 9728 : i32
      %add3A_931 = arith.addi %add3A_930, %mul3A_929 : i32
      %get3A_932 = arith.index_cast %add3A_931 : i32 to index
      %get3A_933 = tpu.vector_load %arg12[%get3A_932] {strides = array<i32>} : memref<16384xf32, #tpu.memory_space<vmem>>, vector<16xf32>,
      %add3A_934 = arith.addf %add3A_927, %get3A_933 : vector<16xf32>
      %mul3A_935 = arith.constant 16 : i32
      %mul3A_936 = arith.muli %mul3A_935, %scan3A_55 : i32
      %add3A_937 = arith.constant 10240 : i32
      %add3A_938 = arith.addi %add3A_937, %mul3A_936 : i32
      %get3A_939 = arith.index_cast %add3A_938 : i32 to index
      %get3A_940 = tpu.vector_load %arg12[%get3A_939] {strides = array<i32>} : memref<16384xf32, #tpu.memory_space<vmem>>, vector<16xf32>,
      %add3A_941 = arith.addf %add3A_934, %get3A_940 : vector<16xf32>
      %mul3A_942 = arith.constant 16 : i32
      %mul3A_943 = arith.muli %mul3A_942, %scan3A_55 : i32
      %add3A_944 = arith.constant 10752 : i32
      %add3A_945 = arith.addi %add3A_944, %mul3A_943 : i32
      %get3A_946 = arith.index_cast %add3A_945 : i32 to index
      %get3A_947 = tpu.vector_load %arg12[%get3A_946] {strides = array<i32>} : memref<16384xf32, #tpu.memory_space<vmem>>, vector<16xf32>,
      %add3A_948 = arith.addf %add3A_941, %get3A_947 : vector<16xf32>
      %mul3A_949 = arith.constant 16 : i32
      %mul3A_950 = arith.muli %mul3A_949, %scan3A_55 : i32
      %add3A_951 = arith.constant 11264 : i32
      %add3A_952 = arith.addi %add3A_951, %mul3A_950 : i32
      %get3A_953 = arith.index_cast %add3A_952 : i32 to index
      %get3A_954 = tpu.vector_load %arg12[%get3A_953] {strides = array<i32>} : memref<16384xf32, #tpu.memory_space<vmem>>, vector<16xf32>,
      %add3A_955 = arith.addf %add3A_948, %get3A_954 : vector<16xf32>
      %mul3A_956 = arith.constant 16 : i32
      %mul3A_957 = arith.muli %mul3A_956, %scan3A_55 : i32
      %add3A_958 = arith.constant 11776 : i32
      %add3A_959 = arith.addi %add3A_958, %mul3A_957 : i32
      %get3A_960 = arith.index_cast %add3A_959 : i32 to index
      %get3A_961 = tpu.vector_load %arg12[%get3A_960] {strides = array<i32>} : memref<16384xf32, #tpu.memory_space<vmem>>, vector<16xf32>,
      %add3A_962 = arith.addf %add3A_955, %get3A_961 : vector<16xf32>
      %mul3A_963 = arith.constant 16 : i32
      %mul3A_964 = arith.muli %mul3A_963, %scan3A_55 : i32
      %add3A_965 = arith.constant 12288 : i32
      %add3A_966 = arith.addi %add3A_965, %mul3A_964 : i32
      %get3A_967 = arith.index_cast %add3A_966 : i32 to index
      %get3A_968 = tpu.vector_load %arg12[%get3A_967] {strides = array<i32>} : memref<16384xf32, #tpu.memory_space<vmem>>, vector<16xf32>,
      %add3A_969 = arith.addf %add3A_962, %get3A_968 : vector<16xf32>
      %mul3A_970 = arith.constant 16 : i32
      %mul3A_971 = arith.muli %mul3A_970, %scan3A_55 : i32
      %add3A_972 = arith.constant 12800 : i32
      %add3A_973 = arith.addi %add3A_972, %mul3A_971 : i32
      %get3A_974 = arith.index_cast %add3A_973 : i32 to index
      %get3A_975 = tpu.vector_load %arg12[%get3A_974] {strides = array<i32>} : memref<16384xf32, #tpu.memory_space<vmem>>, vector<16xf32>,
      %add3A_976 = arith.addf %add3A_969, %get3A_975 : vector<16xf32>
      %mul3A_977 = arith.constant 16 : i32
      %mul3A_978 = arith.muli %mul3A_977, %scan3A_55 : i32
      %add3A_979 = arith.constant 13312 : i32
      %add3A_980 = arith.addi %add3A_979, %mul3A_978 : i32
      %get3A_981 = arith.index_cast %add3A_980 : i32 to index
      %get3A_982 = tpu.vector_load %arg12[%get3A_981] {strides = array<i32>} : memref<16384xf32, #tpu.memory_space<vmem>>, vector<16xf32>,
      %add3A_983 = arith.addf %add3A_976, %get3A_982 : vector<16xf32>
      %mul3A_984 = arith.constant 16 : i32
      %mul3A_985 = arith.muli %mul3A_984, %scan3A_55 : i32
      %add3A_986 = arith.constant 13824 : i32
      %add3A_987 = arith.addi %add3A_986, %mul3A_985 : i32
      %get3A_988 = arith.index_cast %add3A_987 : i32 to index
      %get3A_989 = tpu.vector_load %arg12[%get3A_988] {strides = array<i32>} : memref<16384xf32, #tpu.memory_space<vmem>>, vector<16xf32>,
      %add3A_990 = arith.addf %add3A_983, %get3A_989 : vector<16xf32>
      %mul3A_991 = arith.constant 16 : i32
      %mul3A_992 = arith.muli %mul3A_991, %scan3A_55 : i32
      %add3A_993 = arith.constant 14336 : i32
      %add3A_994 = arith.addi %add3A_993, %mul3A_992 : i32
      %get3A_995 = arith.index_cast %add3A_994 : i32 to index
      %get3A_996 = tpu.vector_load %arg12[%get3A_995] {strides = array<i32>} : memref<16384xf32, #tpu.memory_space<vmem>>, vector<16xf32>,
      %add3A_997 = arith.addf %add3A_990, %get3A_996 : vector<16xf32>
      %mul3A_998 = arith.constant 16 : i32
      %mul3A_999 = arith.muli %mul3A_998, %scan3A_55 : i32
      %add3A_1000 = arith.constant 14848 : i32
      %add3A_1001 = arith.addi %add3A_1000, %mul3A_999 : i32
      %get3A_1002 = arith.index_cast %add3A_1001 : i32 to index
      %get3A_1003 = tpu.vector_load %arg12[%get3A_1002] {strides = array<i32>} : memref<16384xf32, #tpu.memory_space<vmem>>, vector<16xf32>,
      %add3A_1004 = arith.addf %add3A_997, %get3A_1003 : vector<16xf32>
      %mul3A_1005 = arith.constant 16 : i32
      %mul3A_1006 = arith.muli %mul3A_1005, %scan3A_55 : i32
      %add3A_1007 = arith.constant 15360 : i32
      %add3A_1008 = arith.addi %add3A_1007, %mul3A_1006 : i32
      %get3A_1009 = arith.index_cast %add3A_1008 : i32 to index
      %get3A_1010 = tpu.vector_load %arg12[%get3A_1009] {strides = array<i32>} : memref<16384xf32, #tpu.memory_space<vmem>>, vector<16xf32>,
      %add3A_1011 = arith.addf %add3A_1004, %get3A_1010 : vector<16xf32>
      %mul3A_1012 = arith.constant 16 : i32
      %mul3A_1013 = arith.muli %mul3A_1012, %scan3A_55 : i32
      %add3A_1014 = arith.constant 15872 : i32
      %add3A_1015 = arith.addi %add3A_1014, %mul3A_1013 : i32
      %get3A_1016 = arith.index_cast %add3A_1015 : i32 to index
      %get3A_1017 = tpu.vector_load %arg12[%get3A_1016] {strides = array<i32>} : memref<16384xf32, #tpu.memory_space<vmem>>, vector<16xf32>,
      %add3A_1018 = arith.addf %add3A_1011, %get3A_1017 : vector<16xf32>
      %mul3A_1019 = arith.constant 16 : i32
      %mul3A_1020 = arith.muli %mul3A_1019, %scan3A_55 : i32
      %swap3A = arith.index_cast %mul3A_1020 : i32 to index
      %swap3A_1021 = tpu.vector_load %arg13[%swap3A] {strides = array<i32>} : memref<512xf32, #tpu.memory_space<vmem>>, vector<16xf32>,
      tpu.vector_store %arg13[%swap3A], %max3A_280 {strides = array<i32>} : memref<512xf32, #tpu.memory_space<vmem>>, vector<16xf32>,
      %gt3A = arith.constant 0.000000e+00 : f32
      %gt3A_1022 = vector.broadcast %gt3A : f32 to vector<16xf32>
      %gt3A_1023 = arith.cmpf ogt, %add3A_792, %gt3A_1022 : vector<16xf32>
      %div3A = arith.constant 1.000000e+00 : f32
      %div3A_1024 = vector.broadcast %div3A : f32 to vector<16xf32>
      %div3A_1025 = arith.divf %div3A_1024, %add3A_792 : vector<16xf32>
      %jit3A = arith.constant 0.000000e+00 : f32
      %broadcast_in_dim3A_1026 = vector.broadcast %jit3A : f32 to vector<16xf32>
      %select_n3A = arith.select %gt3A_1023, %div3A_1025, %broadcast_in_dim3A_1026 : vector<16xi1>, vector<16xf32>
      %mul3A_1027 = arith.constant 16 : i32
      %mul3A_1028 = arith.muli %mul3A_1027, %scan3A_55 : i32
      %swap3A_1029 = arith.index_cast %mul3A_1028 : i32 to index
      %swap3A_1030 = tpu.vector_load %arg14[%swap3A_1029] {strides = array<i32>} : memref<528xf32, #tpu.memory_space<vmem>>, vector<16xf32>,
      tpu.vector_store %arg14[%swap3A_1029], %select_n3A {strides = array<i32>} : memref<528xf32, #tpu.memory_space<vmem>>, vector<16xf32>,
      %broadcast_in_dim3A_1031 = arith.constant true
      %broadcast_in_dim3A_1032 = vector.broadcast %broadcast_in_dim3A_1031 : i1 to vector<16xi1>
      %masked_cumsum3A = tpu.scan <sum>, %add3A_1018 masked %broadcast_in_dim3A_1032 : vector<16xf32>, vector<16xi1> -> vector<16xf32>
      %sub3A_1033 = arith.subf %masked_cumsum3A, %add3A_1018 : vector<16xf32>
      %broadcast_in_dim3A_1034 = vector.broadcast %scan3A_56 : f32 to vector<16xf32>
      %add3A_1035 = arith.addf %sub3A_1033, %broadcast_in_dim3A_1034 : vector<16xf32>
      %convert_element_type3A_1036 = arith.fptosi %add3A_1035 : vector<16xf32> to vector<16xi32>
      %mul3A_1037 = arith.constant 16 : i32
      %mul3A_1038 = arith.muli %mul3A_1037, %scan3A_55 : i32
      %swap3A_1039 = arith.index_cast %mul3A_1038 : i32 to index
      %swap3A_1040 = tpu.vector_load %arg15[%swap3A_1039] {strides = array<i32>} : memref<528xi32, #tpu.memory_space<vmem>>, vector<16xi32>,
      tpu.vector_store %arg15[%swap3A_1039], %convert_element_type3A_1036 {strides = array<i32>} : memref<528xi32, #tpu.memory_space<vmem>>, vector<16xi32>,
      %reduce_sum3A = arith.constant true
      %reduce_sum3A_1041 = vector.broadcast %reduce_sum3A : i1 to vector<16xi1>
      %reduce_sum3A_1042 = tpu.scan <sum>, %add3A_1018 masked %reduce_sum3A_1041 : vector<16xf32>, vector<16xi1> -> vector<16xf32>
      %reduce_sum3A_1043 = vector.extract %reduce_sum3A_1042[15] : f32 from vector<16xf32>
      %add3A_1044 = arith.addf %scan3A_56, %reduce_sum3A_1043 : f32
      scf.yield %add3A_1044 : f32
    }
    %scan3A_6 = arith.constant 32 : i32
    %broadcast_in_dim3A = arith.constant 512 : i32
    %broadcast_in_dim3A_7 = vector.broadcast %broadcast_in_dim3A : i32 to vector<16xi32>
    %convert_element_type3A = arith.fptosi %scan3A_5 : f32 to i32
    %broadcast_in_dim3A_8 = vector.broadcast %convert_element_type3A : i32 to vector<16xi32>
    %eq3A = arith.constant 0 : i32
    %eq3A_9 = vector.broadcast %eq3A : i32 to vector<16xi32>
    %eq3A_10 = arith.cmpi eq, %iota3A, %eq3A_9 : vector<16xi32>
    tpu.vector_store_idx %arg15[%broadcast_in_dim3A_7], %broadcast_in_dim3A_8 masked %eq3A_10 : memref<528xi32, #tpu.memory_space<vmem>>[vector<16xi32>], vector<16xi32>, vector<16xi1>
    %mul3A_11 = arith.constant 3136 : i32
    %mul3A_12 = arith.muli %add3A, %mul3A_11 : i32
    %min3A = arith.constant 96864 : i32
    %min3A_13 = arith.minsi %mul3A_12, %min3A : i32
    %multiple_of3A = tpu.assume_multiple %min3A_13, 8 : i32
    %dma_start3A = tpu.memref_slice %arg3[%multiple_of3A] : memref<100000xi32, #tpu.memory_space<hbm>> -> memref<3136xi32, #tpu.memory_space<hbm>>
    %dma_start3A_14 = tpu.memref_slice %arg3[%multiple_of3A] : memref<100000xi32, #tpu.memory_space<hbm>> -> memref<3136xi32, #tpu.memory_space<hbm>>
    tpu.enqueue_dma source(%dma_start3A_14 : memref<3136xi32, #tpu.memory_space<hbm>>) target(%arg16 : memref<3136xi32, #tpu.memory_space<vmem>>) target_semaphore(%arg24 : memref<!tpu.dma_semaphore, #tpu.memory_space<semaphore_mem>>)
    %dma_start3A_15 = tpu.memref_slice %arg4[%multiple_of3A] : memref<100000xf32, #tpu.memory_space<hbm>> -> memref<3136xf32, #tpu.memory_space<hbm>>
    %dma_start3A_16 = tpu.memref_slice %arg4[%multiple_of3A] : memref<100000xf32, #tpu.memory_space<hbm>> -> memref<3136xf32, #tpu.memory_space<hbm>>
    tpu.enqueue_dma source(%dma_start3A_16 : memref<3136xf32, #tpu.memory_space<hbm>>) target(%arg17 : memref<3136xf32, #tpu.memory_space<vmem>>) target_semaphore(%arg25 : memref<!tpu.dma_semaphore, #tpu.memory_space<semaphore_mem>>)
    %dma_wait3A = tpu.memref_slice %arg3[%multiple_of3A] : memref<100000xi32, #tpu.memory_space<hbm>> -> memref<3136xi32, #tpu.memory_space<hbm>>
    %dma_wait3A_17 = tpu.memref_slice %arg3[%multiple_of3A] : memref<100000xi32, #tpu.memory_space<hbm>> -> memref<3136xi32, #tpu.memory_space<hbm>>
    tpu.wait_dma2 semaphore(%arg24 : memref<!tpu.dma_semaphore, #tpu.memory_space<semaphore_mem>>) src(%dma_wait3A_17 : memref<3136xi32, #tpu.memory_space<hbm>>) dst(%arg16 : memref<3136xi32, #tpu.memory_space<vmem>>)
    %dma_wait3A_18 = tpu.memref_slice %arg4[%multiple_of3A] : memref<100000xf32, #tpu.memory_space<hbm>> -> memref<3136xf32, #tpu.memory_space<hbm>>
    %dma_wait3A_19 = tpu.memref_slice %arg4[%multiple_of3A] : memref<100000xf32, #tpu.memory_space<hbm>> -> memref<3136xf32, #tpu.memory_space<hbm>>
    tpu.wait_dma2 semaphore(%arg25 : memref<!tpu.dma_semaphore, #tpu.memory_space<semaphore_mem>>) src(%dma_wait3A_19 : memref<3136xf32, #tpu.memory_space<hbm>>) dst(%arg17 : memref<3136xf32, #tpu.memory_space<vmem>>)
    %scan3A_20 = arith.constant 0 : i32
    %scan3A_21 = arith.constant 0 : i32
    %scan3A_22 = arith.constant 196 : i32
    %scan3A_23 = arith.addi %scan3A_21, %scan3A_22 : i32
    %scan3A_24 = arith.constant 1 : i32
    %scan3A_25 = scf.for %scan3A_55 = %scan3A_21 to %scan3A_23 step %scan3A_24 iter_args(%scan3A_56 = %scan3A_20) -> (i32)  : i32 {
      %mul3A_57 = arith.constant 16 : i32
      %mul3A_58 = arith.muli %mul3A_57, %scan3A_55 : i32
      %get3A = arith.index_cast %mul3A_58 : i32 to index
      %get3A_59 = tpu.vector_load %arg16[%get3A] {strides = array<i32>} : memref<3136xi32, #tpu.memory_space<vmem>>, vector<16xi32>,
      %mul3A_60 = arith.constant 16 : i32
      %mul3A_61 = arith.muli %mul3A_60, %scan3A_55 : i32
      %get3A_62 = arith.index_cast %mul3A_61 : i32 to index
      %get3A_63 = tpu.vector_load %arg17[%get3A_62] {strides = array<i32>} : memref<3136xf32, #tpu.memory_space<vmem>>, vector<16xf32>,
      %gather3A = tpu.vector_load_idx %arg13[%get3A_59] : memref<512xf32, #tpu.memory_space<vmem>>[vector<16xi32>], vector<16xf32>,
      %gather3A_64 = tpu.vector_load_idx %arg14[%get3A_59] : memref<528xf32, #tpu.memory_space<vmem>>[vector<16xi32>], vector<16xf32>,
      %sub3A = arith.subf %get3A_63, %gather3A : vector<16xf32>
      %exp3A = math.exp %sub3A : vector<16xf32>
      %mul3A_65 = arith.mulf %exp3A, %gather3A_64 : vector<16xf32>
      %mul3A_66 = arith.constant 16 : i32
      %mul3A_67 = arith.muli %mul3A_66, %scan3A_55 : i32
      %swap3A = arith.index_cast %mul3A_67 : i32 to index
      %swap3A_68 = tpu.vector_load %arg18[%swap3A] {strides = array<i32>} : memref<3136xf32, #tpu.memory_space<vmem>>, vector<16xf32>,
      tpu.vector_store %arg18[%swap3A], %mul3A_65 {strides = array<i32>} : memref<3136xf32, #tpu.memory_space<vmem>>, vector<16xf32>,
      %scan3A_69 = arith.constant 0 : i32
      scf.yield %scan3A_69 : i32
    }
    %scan3A_26 = arith.constant 196 : i32
    "tpu.region"() ({
      %run_scoped3A = tpu.sem_alloc : memref<!tpu.dma_semaphore, #tpu.memory_space<semaphore_mem>>
      %dma_start3A_55 = tpu.memref_slice %arg8[%multiple_of3A] : memref<100000xf32, #tpu.memory_space<hbm>> -> memref<3136xf32, #tpu.memory_space<hbm>>
      %dma_start3A_56 = tpu.memref_slice %arg8[%multiple_of3A] : memref<100000xf32, #tpu.memory_space<hbm>> -> memref<3136xf32, #tpu.memory_space<hbm>>
      tpu.enqueue_dma source(%arg18 : memref<3136xf32, #tpu.memory_space<vmem>>) target(%dma_start3A_56 : memref<3136xf32, #tpu.memory_space<hbm>>) target_semaphore(%run_scoped3A : memref<!tpu.dma_semaphore, #tpu.memory_space<semaphore_mem>>)
      %dma_wait3A_57 = tpu.memref_slice %arg8[%multiple_of3A] : memref<100000xf32, #tpu.memory_space<hbm>> -> memref<3136xf32, #tpu.memory_space<hbm>>
      %dma_wait3A_58 = tpu.memref_slice %arg8[%multiple_of3A] : memref<100000xf32, #tpu.memory_space<hbm>> -> memref<3136xf32, #tpu.memory_space<hbm>>
      tpu.wait_dma2 semaphore(%run_scoped3A : memref<!tpu.dma_semaphore, #tpu.memory_space<semaphore_mem>>) src(%arg18 : memref<3136xf32, #tpu.memory_space<vmem>>) dst(%dma_wait3A_58 : memref<3136xf32, #tpu.memory_space<hbm>>)
      tpu.yield
    }) : () -> ()
    %mul3A_27 = arith.constant 16 : i32
    %mul3A_28 = arith.muli %add3A, %mul3A_27 : i32
    %broadcast_in_dim3A_29 = arith.constant 0.000000e+00 : f32
    %broadcast_in_dim3A_30 = vector.broadcast %broadcast_in_dim3A_29 : f32 to vector<16xf32>
    %broadcast_in_dim3A_31 = arith.constant 0.000000e+00 : f32
    %broadcast_in_dim3A_32 = vector.broadcast %broadcast_in_dim3A_31 : f32 to vector<16xf32>
    %broadcast_in_dim3A_33 = arith.constant 0.000000e+00 : f32
    %broadcast_in_dim3A_34 = vector.broadcast %broadcast_in_dim3A_33 : f32 to vector<16xf32>
    %broadcast_in_dim3A_35 = arith.constant 0.000000e+00 : f32
    %broadcast_in_dim3A_36 = vector.broadcast %broadcast_in_dim3A_35 : f32 to vector<16xf32>
    %broadcast_in_dim3A_37 = arith.constant 0.000000e+00 : f32
    %broadcast_in_dim3A_38 = vector.broadcast %broadcast_in_dim3A_37 : f32 to vector<16xf32>
    %broadcast_in_dim3A_39 = arith.constant 0.000000e+00 : f32
    %broadcast_in_dim3A_40 = vector.broadcast %broadcast_in_dim3A_39 : f32 to vector<16xf32>
    %broadcast_in_dim3A_41 = arith.constant 0.000000e+00 : f32
    %broadcast_in_dim3A_42 = vector.broadcast %broadcast_in_dim3A_41 : f32 to vector<16xf32>
    %broadcast_in_dim3A_43 = arith.constant 0.000000e+00 : f32
    %broadcast_in_dim3A_44 = vector.broadcast %broadcast_in_dim3A_43 : f32 to vector<16xf32>
    %broadcast_in_dim3A_45 = arith.constant 0.000000e+00 : f32
    %broadcast_in_dim3A_46 = vector.broadcast %broadcast_in_dim3A_45 : f32 to vector<16xf32>
    %scan3A_47 = arith.constant 0 : i32
    %scan3A_48 = arith.constant 0 : i32
    %scan3A_49 = arith.constant 16 : i32
    %scan3A_50 = arith.addi %scan3A_48, %scan3A_49 : i32
    %scan3A_51 = arith.constant 1 : i32
    %scan3A_52 = scf.for %scan3A_55 = %scan3A_48 to %scan3A_50 step %scan3A_51 iter_args(%scan3A_56 = %scan3A_47) -> (i32)  : i32 {
      %add3A_57 = arith.addi %mul3A_28, %scan3A_55 : i32
      %get3A = arith.index_cast %add3A_57 : i32 to index
      %get3A_58 = tpu.vector_load %arg15[%get3A] {strides = array<i32>} : memref<528xi32, #tpu.memory_space<vmem>>, vector<16xi32>,
      %slice3A = vector.extract_strided_slice %get3A_58 {offsets = [0], sizes = [1], strides = [1]} : vector<16xi32> to vector<1xi32>
      %squeeze3A = vector.extract %slice3A[0] : i32 from vector<1xi32>
      %add3A_59 = arith.constant 1 : i32
      %add3A_60 = arith.addi %add3A_57, %add3A_59 : i32
      %get3A_61 = arith.index_cast %add3A_60 : i32 to index
      %get3A_62 = tpu.vector_load %arg15[%get3A_61] {strides = array<i32>} : memref<528xi32, #tpu.memory_space<vmem>>, vector<16xi32>,
      %slice3A_63 = vector.extract_strided_slice %get3A_62 {offsets = [0], sizes = [1], strides = [1]} : vector<16xi32> to vector<1xi32>
      %squeeze3A_64 = vector.extract %slice3A_63[0] : i32 from vector<1xi32>
      %sub3A = arith.subi %squeeze3A_64, %squeeze3A : i32
      %add3A_65 = arith.constant 376 : i32
      %add3A_66 = arith.addi %sub3A, %add3A_65 : i32
      %sub3A_67 = arith.constant 1 : i32
      %sub3A_68 = arith.subi %add3A_66, %sub3A_67 : i32
      %jit3A = arith.constant 376 : i32
      %div3A = arith.divsi %sub3A_68, %jit3A : i32
      %sign3A = arith.constant 0 : i32
      %sign3A_69 = arith.cmpi sgt, %sub3A_68, %sign3A : i32
      %sign3A_70 = arith.extui %sign3A_69 : i1 to i32
      %sign3A_71 = arith.constant 0 : i32
      %sign3A_72 = arith.cmpi slt, %sub3A_68, %sign3A_71 : i32
      %sign3A_73 = arith.extui %sign3A_72 : i1 to i32
      %sign3A_74 = arith.subi %sign3A_70, %sign3A_73 : i32
      %sign3A_75 = arith.constant 0 : i32
      %sign3A_76 = arith.cmpi sgt, %jit3A, %sign3A_75 : i32
      %sign3A_77 = arith.extui %sign3A_76 : i1 to i32
      %sign3A_78 = arith.constant 0 : i32
      %sign3A_79 = arith.cmpi slt, %jit3A, %sign3A_78 : i32
      %sign3A_80 = arith.extui %sign3A_79 : i1 to i32
      %sign3A_81 = arith.subi %sign3A_77, %sign3A_80 : i32
      %ne3A = arith.cmpi ne, %sign3A_74, %sign3A_81 : i32
      %rem3A = arith.remsi %sub3A_68, %jit3A : i32
      %ne3A_82 = arith.constant 0 : i32
      %ne3A_83 = arith.cmpi ne, %rem3A, %ne3A_82 : i32
      %and3A = arith.andi %ne3A, %ne3A_83 : i1
      %sub3A_84 = arith.constant 1 : i32
      %sub3A_85 = arith.subi %div3A, %sub3A_84 : i32
      %select_n3A = arith.select %and3A, %sub3A_85, %div3A : i32
      %while3A = arith.constant 0 : i32
      %while3A_86 = arith.subi %select_n3A, %while3A : i32
      %while3A_87 = arith.addi %while3A, %while3A_86 : i32
      %while3A_88 = arith.constant 1 : i32
      %while3A_89 = arith.divsi %while3A_86, %while3A_88 : i32
      %while3A_90 = arith.muli %while3A_89, %while3A_88 : i32
      %while3A_91 = arith.addi %while3A, %while3A_90 : i32
      %while3A_92 = arith.constant 1 : i32
      %while3A_93:8 = scf.for %while3A_120 = %while3A to %while3A_91 step %while3A_92 iter_args(%while3A_121 = %broadcast_in_dim3A_32, %while3A_122 = %broadcast_in_dim3A_34, %while3A_123 = %broadcast_in_dim3A_36, %while3A_124 = %broadcast_in_dim3A_38, %while3A_125 = %broadcast_in_dim3A_40, %while3A_126 = %broadcast_in_dim3A_42, %while3A_127 = %broadcast_in_dim3A_44, %while3A_128 = %broadcast_in_dim3A_46) -> (vector<16xf32>, vector<16xf32>, vector<16xf32>, vector<16xf32>, vector<16xf32>, vector<16xf32>, vector<16xf32>, vector<16xf32>)  : i32 {
        %mul3A_129 = arith.constant 376 : i32
        %mul3A_130 = arith.muli %while3A_120, %mul3A_129 : i32
        %add3A_131 = arith.addi %squeeze3A, %mul3A_130 : i32
        %jit3A_132 = arith.constant 8 : i32
        %div3A_133 = arith.divsi %add3A_131, %jit3A_132 : i32
        %sign3A_134 = arith.constant 0 : i32
        %sign3A_135 = arith.cmpi sgt, %add3A_131, %sign3A_134 : i32
        %sign3A_136 = arith.extui %sign3A_135 : i1 to i32
        %sign3A_137 = arith.constant 0 : i32
        %sign3A_138 = arith.cmpi slt, %add3A_131, %sign3A_137 : i32
        %sign3A_139 = arith.extui %sign3A_138 : i1 to i32
        %sign3A_140 = arith.subi %sign3A_136, %sign3A_139 : i32
        %sign3A_141 = arith.constant 0 : i32
        %sign3A_142 = arith.cmpi sgt, %jit3A_132, %sign3A_141 : i32
        %sign3A_143 = arith.extui %sign3A_142 : i1 to i32
        %sign3A_144 = arith.constant 0 : i32
        %sign3A_145 = arith.cmpi slt, %jit3A_132, %sign3A_144 : i32
        %sign3A_146 = arith.extui %sign3A_145 : i1 to i32
        %sign3A_147 = arith.subi %sign3A_143, %sign3A_146 : i32
        %ne3A_148 = arith.cmpi ne, %sign3A_140, %sign3A_147 : i32
        %rem3A_149 = arith.remsi %add3A_131, %jit3A_132 : i32
        %ne3A_150 = arith.constant 0 : i32
        %ne3A_151 = arith.cmpi ne, %rem3A_149, %ne3A_150 : i32
        %and3A_152 = arith.andi %ne3A_148, %ne3A_151 : i1
        %sub3A_153 = arith.constant 1 : i32
        %sub3A_154 = arith.subi %div3A_133, %sub3A_153 : i32
        %select_n3A_155 = arith.select %and3A_152, %sub3A_154, %div3A_133 : i32
        %mul3A_156 = arith.constant 8 : i32
        %mul3A_157 = arith.muli %select_n3A_155, %mul3A_156 : i32
        %min3A_158 = arith.constant 99616 : i32
        %min3A_159 = arith.minsi %mul3A_157, %min3A_158 : i32
        %multiple_of3A_160 = tpu.assume_multiple %min3A_159, 8 : i32
        %sub3A_161 = arith.subi %add3A_131, %multiple_of3A_160 : i32
        %dma_start3A_162 = arith.constant 0 : i32
        %dma_start3A_163 = tpu.memref_slice %arg2[%multiple_of3A_160, %dma_start3A_162] : memref<100000x128xf32, #tpu.memory_space<hbm>> -> memref<384x128xf32, #tpu.memory_space<hbm>>
        %dma_start3A_164 = arith.constant 0 : i32
        %dma_start3A_165 = tpu.memref_slice %arg2[%multiple_of3A_160, %dma_start3A_164] : memref<100000x128xf32, #tpu.memory_space<hbm>> -> memref<384x128xf32, #tpu.memory_space<hbm>>
        tpu.enqueue_dma source(%dma_start3A_165 : memref<384x128xf32, #tpu.memory_space<hbm>>) target(%arg19 : memref<384x128xf32, #tpu.memory_space<vmem>>) target_semaphore(%arg24 : memref<!tpu.dma_semaphore, #tpu.memory_space<semaphore_mem>>)
        %dma_start3A_166 = arith.constant 0 : i32
        %dma_start3A_167 = tpu.memref_slice %arg20[%dma_start3A_166] : memref<400xi32, #tpu.memory_space<vmem>> -> memref<384xi32, #tpu.memory_space<vmem>>
        %dma_start3A_168 = tpu.memref_slice %arg3[%multiple_of3A_160] : memref<100000xi32, #tpu.memory_space<hbm>> -> memref<384xi32, #tpu.memory_space<hbm>>
        %dma_start3A_169 = arith.constant 0 : i32
        %dma_start3A_170 = tpu.memref_slice %arg20[%dma_start3A_169] : memref<400xi32, #tpu.memory_space<vmem>> -> memref<384xi32, #tpu.memory_space<vmem>>
        %dma_start3A_171 = tpu.memref_slice %arg3[%multiple_of3A_160] : memref<100000xi32, #tpu.memory_space<hbm>> -> memref<384xi32, #tpu.memory_space<hbm>>
        tpu.enqueue_dma source(%dma_start3A_171 : memref<384xi32, #tpu.memory_space<hbm>>) target(%dma_start3A_170 : memref<384xi32, #tpu.memory_space<vmem>>) target_semaphore(%arg25 : memref<!tpu.dma_semaphore, #tpu.memory_space<semaphore_mem>>)
        %dma_start3A_172 = arith.constant 0 : i32
        %dma_start3A_173 = tpu.memref_slice %arg21[%dma_start3A_172] : memref<400xf32, #tpu.memory_space<vmem>> -> memref<384xf32, #tpu.memory_space<vmem>>
        %dma_start3A_174 = tpu.memref_slice %arg4[%multiple_of3A_160] : memref<100000xf32, #tpu.memory_space<hbm>> -> memref<384xf32, #tpu.memory_space<hbm>>
        %dma_start3A_175 = arith.constant 0 : i32
        %dma_start3A_176 = tpu.memref_slice %arg21[%dma_start3A_175] : memref<400xf32, #tpu.memory_space<vmem>> -> memref<384xf32, #tpu.memory_space<vmem>>
        %dma_start3A_177 = tpu.memref_slice %arg4[%multiple_of3A_160] : memref<100000xf32, #tpu.memory_space<hbm>> -> memref<384xf32, #tpu.memory_space<hbm>>
        tpu.enqueue_dma source(%dma_start3A_177 : memref<384xf32, #tpu.memory_space<hbm>>) target(%dma_start3A_176 : memref<384xf32, #tpu.memory_space<vmem>>) target_semaphore(%arg26 : memref<!tpu.dma_semaphore, #tpu.memory_space<semaphore_mem>>)
        %dma_wait3A_178 = arith.constant 0 : i32
        %dma_wait3A_179 = tpu.memref_slice %arg2[%multiple_of3A_160, %dma_wait3A_178] : memref<100000x128xf32, #tpu.memory_space<hbm>> -> memref<384x128xf32, #tpu.memory_space<hbm>>
        %dma_wait3A_180 = arith.constant 0 : i32
        %dma_wait3A_181 = tpu.memref_slice %arg2[%multiple_of3A_160, %dma_wait3A_180] : memref<100000x128xf32, #tpu.memory_space<hbm>> -> memref<384x128xf32, #tpu.memory_space<hbm>>
        tpu.wait_dma2 semaphore(%arg24 : memref<!tpu.dma_semaphore, #tpu.memory_space<semaphore_mem>>) src(%dma_wait3A_181 : memref<384x128xf32, #tpu.memory_space<hbm>>) dst(%arg19 : memref<384x128xf32, #tpu.memory_space<vmem>>)
        %dma_wait3A_182 = arith.constant 0 : i32
        %dma_wait3A_183 = tpu.memref_slice %arg20[%dma_wait3A_182] : memref<400xi32, #tpu.memory_space<vmem>> -> memref<384xi32, #tpu.memory_space<vmem>>
        %dma_wait3A_184 = tpu.memref_slice %arg3[%multiple_of3A_160] : memref<100000xi32, #tpu.memory_space<hbm>> -> memref<384xi32, #tpu.memory_space<hbm>>
        %dma_wait3A_185 = arith.constant 0 : i32
        %dma_wait3A_186 = tpu.memref_slice %arg20[%dma_wait3A_185] : memref<400xi32, #tpu.memory_space<vmem>> -> memref<384xi32, #tpu.memory_space<vmem>>
        %dma_wait3A_187 = tpu.memref_slice %arg3[%multiple_of3A_160] : memref<100000xi32, #tpu.memory_space<hbm>> -> memref<384xi32, #tpu.memory_space<hbm>>
        tpu.wait_dma2 semaphore(%arg25 : memref<!tpu.dma_semaphore, #tpu.memory_space<semaphore_mem>>) src(%dma_wait3A_187 : memref<384xi32, #tpu.memory_space<hbm>>) dst(%dma_wait3A_186 : memref<384xi32, #tpu.memory_space<vmem>>)
        %dma_wait3A_188 = arith.constant 0 : i32
        %dma_wait3A_189 = tpu.memref_slice %arg21[%dma_wait3A_188] : memref<400xf32, #tpu.memory_space<vmem>> -> memref<384xf32, #tpu.memory_space<vmem>>
        %dma_wait3A_190 = tpu.memref_slice %arg4[%multiple_of3A_160] : memref<100000xf32, #tpu.memory_space<hbm>> -> memref<384xf32, #tpu.memory_space<hbm>>
        %dma_wait3A_191 = arith.constant 0 : i32
        %dma_wait3A_192 = tpu.memref_slice %arg21[%dma_wait3A_191] : memref<400xf32, #tpu.memory_space<vmem>> -> memref<384xf32, #tpu.memory_space<vmem>>
        %dma_wait3A_193 = tpu.memref_slice %arg4[%multiple_of3A_160] : memref<100000xf32, #tpu.memory_space<hbm>> -> memref<384xf32, #tpu.memory_space<hbm>>
        tpu.wait_dma2 semaphore(%arg26 : memref<!tpu.dma_semaphore, #tpu.memory_space<semaphore_mem>>) src(%dma_wait3A_193 : memref<384xf32, #tpu.memory_space<hbm>>) dst(%dma_wait3A_192 : memref<384xf32, #tpu.memory_space<vmem>>)
        %scan3A_194 = arith.constant 0 : i32
        %scan3A_195 = arith.constant 0 : i32
        %scan3A_196 = arith.constant 24 : i32
        %scan3A_197 = arith.addi %scan3A_195, %scan3A_196 : i32
        %scan3A_198 = arith.constant 1 : i32
        %scan3A_199 = scf.for %scan3A_215 = %scan3A_195 to %scan3A_197 step %scan3A_198 iter_args(%scan3A_216 = %scan3A_194) -> (i32)  : i32 {
          %mul3A_217 = arith.constant 16 : i32
          %mul3A_218 = arith.muli %mul3A_217, %scan3A_215 : i32
          %get3A_219 = arith.index_cast %mul3A_218 : i32 to index
          %get3A_220 = tpu.vector_load %arg20[%get3A_219] {strides = array<i32>} : memref<400xi32, #tpu.memory_space<vmem>>, vector<16xi32>,
          %jit3A_221 = arith.constant 0 : i32
          %jit3A_222 = arith.constant 511 : i32
          %max3A = vector.broadcast %jit3A_221 : i32 to vector<16xi32>
          %max3A_223 = arith.maxsi %max3A, %get3A_220 : vector<16xi32>
          %min3A_224 = vector.broadcast %jit3A_222 : i32 to vector<16xi32>
          %min3A_225 = arith.minsi %min3A_224, %max3A_223 : vector<16xi32>
          %mul3A_226 = arith.constant 16 : i32
          %mul3A_227 = arith.muli %mul3A_226, %scan3A_215 : i32
          %get3A_228 = arith.index_cast %mul3A_227 : i32 to index
          %get3A_229 = tpu.vector_load %arg21[%get3A_228] {strides = array<i32>} : memref<400xf32, #tpu.memory_space<vmem>>, vector<16xf32>,
          %gather3A = tpu.vector_load_idx %arg13[%min3A_225] : memref<512xf32, #tpu.memory_space<vmem>>[vector<16xi32>], vector<16xf32>,
          %gather3A_230 = tpu.vector_load_idx %arg14[%min3A_225] : memref<528xf32, #tpu.memory_space<vmem>>[vector<16xi32>], vector<16xf32>,
          %sub3A_231 = arith.subf %get3A_229, %gather3A : vector<16xf32>
          %exp3A = math.exp %sub3A_231 : vector<16xf32>
          %mul3A_232 = arith.mulf %exp3A, %gather3A_230 : vector<16xf32>
          %mul3A_233 = arith.constant 16 : i32
          %mul3A_234 = arith.muli %mul3A_233, %scan3A_215 : i32
          %swap3A_235 = arith.index_cast %mul3A_234 : i32 to index
          %swap3A_236 = tpu.vector_load %arg22[%swap3A_235] {strides = array<i32>} : memref<400xf32, #tpu.memory_space<vmem>>, vector<16xf32>,
          tpu.vector_store %arg22[%swap3A_235], %mul3A_232 {strides = array<i32>} : memref<400xf32, #tpu.memory_space<vmem>>, vector<16xf32>,
          %scan3A_237 = arith.constant 0 : i32
          scf.yield %scan3A_237 : i32
        }
        %scan3A_200 = arith.constant 24 : i32
        %sub3A_201 = arith.subi %squeeze3A_64, %add3A_131 : i32
        %min3A_202 = arith.constant 376 : i32
        %min3A_203 = arith.minsi %min3A_202, %sub3A_201 : i32
        %while3A_204 = arith.constant 0 : i32
        %while3A_205 = arith.subi %min3A_203, %while3A_204 : i32
        %while3A_206 = arith.addi %while3A_204, %while3A_205 : i32
        %while3A_207 = arith.constant 1 : i32
        %while3A_208 = arith.divsi %while3A_205, %while3A_207 : i32
        %while3A_209 = arith.muli %while3A_208, %while3A_207 : i32
        %while3A_210 = arith.addi %while3A_204, %while3A_209 : i32
        %while3A_211 = arith.constant 1 : i32
        %while3A_212:8 = scf.for %while3A_215 = %while3A_204 to %while3A_210 step %while3A_211 iter_args(%while3A_216 = %while3A_121, %while3A_217 = %while3A_122, %while3A_218 = %while3A_123, %while3A_219 = %while3A_124, %while3A_220 = %while3A_125, %while3A_221 = %while3A_126, %while3A_222 = %while3A_127, %while3A_223 = %while3A_128) -> (vector<16xf32>, vector<16xf32>, vector<16xf32>, vector<16xf32>, vector<16xf32>, vector<16xf32>, vector<16xf32>, vector<16xf32>)  : i32 {
          %add3A_224 = arith.addi %while3A_215, %sub3A_161 : i32
          %get3A_225 = arith.index_cast %add3A_224 : i32 to index
          %get3A_226 = tpu.vector_load %arg22[%get3A_225] {strides = array<i32>} : memref<400xf32, #tpu.memory_space<vmem>>, vector<16xf32>,
          %slice3A_227 = vector.extract_strided_slice %get3A_226 {offsets = [0], sizes = [1], strides = [1]} : vector<16xf32> to vector<1xf32>
          %squeeze3A_228 = vector.extract %slice3A_227[0] : f32 from vector<1xf32>
          %broadcast_in_dim3A_229 = vector.broadcast %squeeze3A_228 : f32 to vector<16xf32>
          %get3A_230 = arith.index_cast %add3A_224 : i32 to index
          %get3A_231 = arith.constant 0 : index
          %get3A_232 = tpu.vector_load %arg19[%get3A_230, %get3A_231] {strides = array<i32>} : memref<384x128xf32, #tpu.memory_space<vmem>>, vector<16xf32>,
          %mul3A_233 = arith.mulf %broadcast_in_dim3A_229, %get3A_232 : vector<16xf32>
          %add3A_234 = arith.addf %while3A_216, %mul3A_233 : vector<16xf32>
          %get3A_235 = arith.index_cast %add3A_224 : i32 to index
          %get3A_236 = arith.constant 16 : index
          %get3A_237 = tpu.vector_load %arg19[%get3A_235, %get3A_236] {strides = array<i32>} : memref<384x128xf32, #tpu.memory_space<vmem>>, vector<16xf32>,
          %mul3A_238 = arith.mulf %broadcast_in_dim3A_229, %get3A_237 : vector<16xf32>
          %add3A_239 = arith.addf %while3A_217, %mul3A_238 : vector<16xf32>
          %get3A_240 = arith.index_cast %add3A_224 : i32 to index
          %get3A_241 = arith.constant 32 : index
          %get3A_242 = tpu.vector_load %arg19[%get3A_240, %get3A_241] {strides = array<i32>} : memref<384x128xf32, #tpu.memory_space<vmem>>, vector<16xf32>,
          %mul3A_243 = arith.mulf %broadcast_in_dim3A_229, %get3A_242 : vector<16xf32>
          %add3A_244 = arith.addf %while3A_218, %mul3A_243 : vector<16xf32>
          %get3A_245 = arith.index_cast %add3A_224 : i32 to index
          %get3A_246 = arith.constant 48 : index
          %get3A_247 = tpu.vector_load %arg19[%get3A_245, %get3A_246] {strides = array<i32>} : memref<384x128xf32, #tpu.memory_space<vmem>>, vector<16xf32>,
          %mul3A_248 = arith.mulf %broadcast_in_dim3A_229, %get3A_247 : vector<16xf32>
          %add3A_249 = arith.addf %while3A_219, %mul3A_248 : vector<16xf32>
          %get3A_250 = arith.index_cast %add3A_224 : i32 to index
          %get3A_251 = arith.constant 64 : index
          %get3A_252 = tpu.vector_load %arg19[%get3A_250, %get3A_251] {strides = array<i32>} : memref<384x128xf32, #tpu.memory_space<vmem>>, vector<16xf32>,
          %mul3A_253 = arith.mulf %broadcast_in_dim3A_229, %get3A_252 : vector<16xf32>
          %add3A_254 = arith.addf %while3A_220, %mul3A_253 : vector<16xf32>
          %get3A_255 = arith.index_cast %add3A_224 : i32 to index
          %get3A_256 = arith.constant 80 : index
          %get3A_257 = tpu.vector_load %arg19[%get3A_255, %get3A_256] {strides = array<i32>} : memref<384x128xf32, #tpu.memory_space<vmem>>, vector<16xf32>,
          %mul3A_258 = arith.mulf %broadcast_in_dim3A_229, %get3A_257 : vector<16xf32>
          %add3A_259 = arith.addf %while3A_221, %mul3A_258 : vector<16xf32>
          %get3A_260 = arith.index_cast %add3A_224 : i32 to index
          %get3A_261 = arith.constant 96 : index
          %get3A_262 = tpu.vector_load %arg19[%get3A_260, %get3A_261] {strides = array<i32>} : memref<384x128xf32, #tpu.memory_space<vmem>>, vector<16xf32>,
          %mul3A_263 = arith.mulf %broadcast_in_dim3A_229, %get3A_262 : vector<16xf32>
          %add3A_264 = arith.addf %while3A_222, %mul3A_263 : vector<16xf32>
          %get3A_265 = arith.index_cast %add3A_224 : i32 to index
          %get3A_266 = arith.constant 112 : index
          %get3A_267 = tpu.vector_load %arg19[%get3A_265, %get3A_266] {strides = array<i32>} : memref<384x128xf32, #tpu.memory_space<vmem>>, vector<16xf32>,
          %mul3A_268 = arith.mulf %broadcast_in_dim3A_229, %get3A_267 : vector<16xf32>
          %add3A_269 = arith.addf %while3A_223, %mul3A_268 : vector<16xf32>
          scf.yield %add3A_234, %add3A_239, %add3A_244, %add3A_249, %add3A_254, %add3A_259, %add3A_264, %add3A_269 : vector<16xf32>, vector<16xf32>, vector<16xf32>, vector<16xf32>, vector<16xf32>, vector<16xf32>, vector<16xf32>, vector<16xf32>
        }
        %while3A_213 = arith.constant 1 : i32
        %while3A_214:8 = scf.for %while3A_215 = %while3A_210 to %while3A_206 step %while3A_213 iter_args(%while3A_216 = %while3A_212#0, %while3A_217 = %while3A_212#1, %while3A_218 = %while3A_212#2, %while3A_219 = %while3A_212#3, %while3A_220 = %while3A_212#4, %while3A_221 = %while3A_212#5, %while3A_222 = %while3A_212#6, %while3A_223 = %while3A_212#7) -> (vector<16xf32>, vector<16xf32>, vector<16xf32>, vector<16xf32>, vector<16xf32>, vector<16xf32>, vector<16xf32>, vector<16xf32>)  : i32 {
          %add3A_224 = arith.addi %while3A_215, %sub3A_161 : i32
          %get3A_225 = arith.index_cast %add3A_224 : i32 to index
          %get3A_226 = tpu.vector_load %arg22[%get3A_225] {strides = array<i32>} : memref<400xf32, #tpu.memory_space<vmem>>, vector<16xf32>,
          %slice3A_227 = vector.extract_strided_slice %get3A_226 {offsets = [0], sizes = [1], strides = [1]} : vector<16xf32> to vector<1xf32>
          %squeeze3A_228 = vector.extract %slice3A_227[0] : f32 from vector<1xf32>
          %broadcast_in_dim3A_229 = vector.broadcast %squeeze3A_228 : f32 to vector<16xf32>
          %get3A_230 = arith.index_cast %add3A_224 : i32 to index
          %get3A_231 = arith.constant 0 : index
          %get3A_232 = tpu.vector_load %arg19[%get3A_230, %get3A_231] {strides = array<i32>} : memref<384x128xf32, #tpu.memory_space<vmem>>, vector<16xf32>,
          %mul3A_233 = arith.mulf %broadcast_in_dim3A_229, %get3A_232 : vector<16xf32>
          %add3A_234 = arith.addf %while3A_216, %mul3A_233 : vector<16xf32>
          %get3A_235 = arith.index_cast %add3A_224 : i32 to index
          %get3A_236 = arith.constant 16 : index
          %get3A_237 = tpu.vector_load %arg19[%get3A_235, %get3A_236] {strides = array<i32>} : memref<384x128xf32, #tpu.memory_space<vmem>>, vector<16xf32>,
          %mul3A_238 = arith.mulf %broadcast_in_dim3A_229, %get3A_237 : vector<16xf32>
          %add3A_239 = arith.addf %while3A_217, %mul3A_238 : vector<16xf32>
          %get3A_240 = arith.index_cast %add3A_224 : i32 to index
          %get3A_241 = arith.constant 32 : index
          %get3A_242 = tpu.vector_load %arg19[%get3A_240, %get3A_241] {strides = array<i32>} : memref<384x128xf32, #tpu.memory_space<vmem>>, vector<16xf32>,
          %mul3A_243 = arith.mulf %broadcast_in_dim3A_229, %get3A_242 : vector<16xf32>
          %add3A_244 = arith.addf %while3A_218, %mul3A_243 : vector<16xf32>
          %get3A_245 = arith.index_cast %add3A_224 : i32 to index
          %get3A_246 = arith.constant 48 : index
          %get3A_247 = tpu.vector_load %arg19[%get3A_245, %get3A_246] {strides = array<i32>} : memref<384x128xf32, #tpu.memory_space<vmem>>, vector<16xf32>,
          %mul3A_248 = arith.mulf %broadcast_in_dim3A_229, %get3A_247 : vector<16xf32>
          %add3A_249 = arith.addf %while3A_219, %mul3A_248 : vector<16xf32>
          %get3A_250 = arith.index_cast %add3A_224 : i32 to index
          %get3A_251 = arith.constant 64 : index
          %get3A_252 = tpu.vector_load %arg19[%get3A_250, %get3A_251] {strides = array<i32>} : memref<384x128xf32, #tpu.memory_space<vmem>>, vector<16xf32>,
          %mul3A_253 = arith.mulf %broadcast_in_dim3A_229, %get3A_252 : vector<16xf32>
          %add3A_254 = arith.addf %while3A_220, %mul3A_253 : vector<16xf32>
          %get3A_255 = arith.index_cast %add3A_224 : i32 to index
          %get3A_256 = arith.constant 80 : index
          %get3A_257 = tpu.vector_load %arg19[%get3A_255, %get3A_256] {strides = array<i32>} : memref<384x128xf32, #tpu.memory_space<vmem>>, vector<16xf32>,
          %mul3A_258 = arith.mulf %broadcast_in_dim3A_229, %get3A_257 : vector<16xf32>
          %add3A_259 = arith.addf %while3A_221, %mul3A_258 : vector<16xf32>
          %get3A_260 = arith.index_cast %add3A_224 : i32 to index
          %get3A_261 = arith.constant 96 : index
          %get3A_262 = tpu.vector_load %arg19[%get3A_260, %get3A_261] {strides = array<i32>} : memref<384x128xf32, #tpu.memory_space<vmem>>, vector<16xf32>,
          %mul3A_263 = arith.mulf %broadcast_in_dim3A_229, %get3A_262 : vector<16xf32>
          %add3A_264 = arith.addf %while3A_222, %mul3A_263 : vector<16xf32>
          %get3A_265 = arith.index_cast %add3A_224 : i32 to index
          %get3A_266 = arith.constant 112 : index
          %get3A_267 = tpu.vector_load %arg19[%get3A_265, %get3A_266] {strides = array<i32>} : memref<384x128xf32, #tpu.memory_space<vmem>>, vector<16xf32>,
          %mul3A_268 = arith.mulf %broadcast_in_dim3A_229, %get3A_267 : vector<16xf32>
          %add3A_269 = arith.addf %while3A_223, %mul3A_268 : vector<16xf32>
          scf.yield %add3A_234, %add3A_239, %add3A_244, %add3A_249, %add3A_254, %add3A_259, %add3A_264, %add3A_269 : vector<16xf32>, vector<16xf32>, vector<16xf32>, vector<16xf32>, vector<16xf32>, vector<16xf32>, vector<16xf32>, vector<16xf32>
        }
        scf.yield %while3A_214#0, %while3A_214#1, %while3A_214#2, %while3A_214#3, %while3A_214#4, %while3A_214#5, %while3A_214#6, %while3A_214#7 : vector<16xf32>, vector<16xf32>, vector<16xf32>, vector<16xf32>, vector<16xf32>, vector<16xf32>, vector<16xf32>, vector<16xf32>
      }
      %while3A_94 = arith.constant 1 : i32
      %while3A_95:8 = scf.for %while3A_120 = %while3A_91 to %while3A_87 step %while3A_94 iter_args(%while3A_121 = %while3A_93#0, %while3A_122 = %while3A_93#1, %while3A_123 = %while3A_93#2, %while3A_124 = %while3A_93#3, %while3A_125 = %while3A_93#4, %while3A_126 = %while3A_93#5, %while3A_127 = %while3A_93#6, %while3A_128 = %while3A_93#7) -> (vector<16xf32>, vector<16xf32>, vector<16xf32>, vector<16xf32>, vector<16xf32>, vector<16xf32>, vector<16xf32>, vector<16xf32>)  : i32 {
        %mul3A_129 = arith.constant 376 : i32
        %mul3A_130 = arith.muli %while3A_120, %mul3A_129 : i32
        %add3A_131 = arith.addi %squeeze3A, %mul3A_130 : i32
        %jit3A_132 = arith.constant 8 : i32
        %div3A_133 = arith.divsi %add3A_131, %jit3A_132 : i32
        %sign3A_134 = arith.constant 0 : i32
        %sign3A_135 = arith.cmpi sgt, %add3A_131, %sign3A_134 : i32
        %sign3A_136 = arith.extui %sign3A_135 : i1 to i32
        %sign3A_137 = arith.constant 0 : i32
        %sign3A_138 = arith.cmpi slt, %add3A_131, %sign3A_137 : i32
        %sign3A_139 = arith.extui %sign3A_138 : i1 to i32
        %sign3A_140 = arith.subi %sign3A_136, %sign3A_139 : i32
        %sign3A_141 = arith.constant 0 : i32
        %sign3A_142 = arith.cmpi sgt, %jit3A_132, %sign3A_141 : i32
        %sign3A_143 = arith.extui %sign3A_142 : i1 to i32
        %sign3A_144 = arith.constant 0 : i32
        %sign3A_145 = arith.cmpi slt, %jit3A_132, %sign3A_144 : i32
        %sign3A_146 = arith.extui %sign3A_145 : i1 to i32
        %sign3A_147 = arith.subi %sign3A_143, %sign3A_146 : i32
        %ne3A_148 = arith.cmpi ne, %sign3A_140, %sign3A_147 : i32
        %rem3A_149 = arith.remsi %add3A_131, %jit3A_132 : i32
        %ne3A_150 = arith.constant 0 : i32
        %ne3A_151 = arith.cmpi ne, %rem3A_149, %ne3A_150 : i32
        %and3A_152 = arith.andi %ne3A_148, %ne3A_151 : i1
        %sub3A_153 = arith.constant 1 : i32
        %sub3A_154 = arith.subi %div3A_133, %sub3A_153 : i32
        %select_n3A_155 = arith.select %and3A_152, %sub3A_154, %div3A_133 : i32
        %mul3A_156 = arith.constant 8 : i32
        %mul3A_157 = arith.muli %select_n3A_155, %mul3A_156 : i32
        %min3A_158 = arith.constant 99616 : i32
        %min3A_159 = arith.minsi %mul3A_157, %min3A_158 : i32
        %multiple_of3A_160 = tpu.assume_multiple %min3A_159, 8 : i32
        %sub3A_161 = arith.subi %add3A_131, %multiple_of3A_160 : i32
        %dma_start3A_162 = arith.constant 0 : i32
        %dma_start3A_163 = tpu.memref_slice %arg2[%multiple_of3A_160, %dma_start3A_162] : memref<100000x128xf32, #tpu.memory_space<hbm>> -> memref<384x128xf32, #tpu.memory_space<hbm>>
        %dma_start3A_164 = arith.constant 0 : i32
        %dma_start3A_165 = tpu.memref_slice %arg2[%multiple_of3A_160, %dma_start3A_164] : memref<100000x128xf32, #tpu.memory_space<hbm>> -> memref<384x128xf32, #tpu.memory_space<hbm>>
        tpu.enqueue_dma source(%dma_start3A_165 : memref<384x128xf32, #tpu.memory_space<hbm>>) target(%arg19 : memref<384x128xf32, #tpu.memory_space<vmem>>) target_semaphore(%arg24 : memref<!tpu.dma_semaphore, #tpu.memory_space<semaphore_mem>>)
        %dma_start3A_166 = arith.constant 0 : i32
        %dma_start3A_167 = tpu.memref_slice %arg20[%dma_start3A_166] : memref<400xi32, #tpu.memory_space<vmem>> -> memref<384xi32, #tpu.memory_space<vmem>>
        %dma_start3A_168 = tpu.memref_slice %arg3[%multiple_of3A_160] : memref<100000xi32, #tpu.memory_space<hbm>> -> memref<384xi32, #tpu.memory_space<hbm>>
        %dma_start3A_169 = arith.constant 0 : i32
        %dma_start3A_170 = tpu.memref_slice %arg20[%dma_start3A_169] : memref<400xi32, #tpu.memory_space<vmem>> -> memref<384xi32, #tpu.memory_space<vmem>>
        %dma_start3A_171 = tpu.memref_slice %arg3[%multiple_of3A_160] : memref<100000xi32, #tpu.memory_space<hbm>> -> memref<384xi32, #tpu.memory_space<hbm>>
        tpu.enqueue_dma source(%dma_start3A_171 : memref<384xi32, #tpu.memory_space<hbm>>) target(%dma_start3A_170 : memref<384xi32, #tpu.memory_space<vmem>>) target_semaphore(%arg25 : memref<!tpu.dma_semaphore, #tpu.memory_space<semaphore_mem>>)
        %dma_start3A_172 = arith.constant 0 : i32
        %dma_start3A_173 = tpu.memref_slice %arg21[%dma_start3A_172] : memref<400xf32, #tpu.memory_space<vmem>> -> memref<384xf32, #tpu.memory_space<vmem>>
        %dma_start3A_174 = tpu.memref_slice %arg4[%multiple_of3A_160] : memref<100000xf32, #tpu.memory_space<hbm>> -> memref<384xf32, #tpu.memory_space<hbm>>
        %dma_start3A_175 = arith.constant 0 : i32
        %dma_start3A_176 = tpu.memref_slice %arg21[%dma_start3A_175] : memref<400xf32, #tpu.memory_space<vmem>> -> memref<384xf32, #tpu.memory_space<vmem>>
        %dma_start3A_177 = tpu.memref_slice %arg4[%multiple_of3A_160] : memref<100000xf32, #tpu.memory_space<hbm>> -> memref<384xf32, #tpu.memory_space<hbm>>
        tpu.enqueue_dma source(%dma_start3A_177 : memref<384xf32, #tpu.memory_space<hbm>>) target(%dma_start3A_176 : memref<384xf32, #tpu.memory_space<vmem>>) target_semaphore(%arg26 : memref<!tpu.dma_semaphore, #tpu.memory_space<semaphore_mem>>)
        %dma_wait3A_178 = arith.constant 0 : i32
        %dma_wait3A_179 = tpu.memref_slice %arg2[%multiple_of3A_160, %dma_wait3A_178] : memref<100000x128xf32, #tpu.memory_space<hbm>> -> memref<384x128xf32, #tpu.memory_space<hbm>>
        %dma_wait3A_180 = arith.constant 0 : i32
        %dma_wait3A_181 = tpu.memref_slice %arg2[%multiple_of3A_160, %dma_wait3A_180] : memref<100000x128xf32, #tpu.memory_space<hbm>> -> memref<384x128xf32, #tpu.memory_space<hbm>>
        tpu.wait_dma2 semaphore(%arg24 : memref<!tpu.dma_semaphore, #tpu.memory_space<semaphore_mem>>) src(%dma_wait3A_181 : memref<384x128xf32, #tpu.memory_space<hbm>>) dst(%arg19 : memref<384x128xf32, #tpu.memory_space<vmem>>)
        %dma_wait3A_182 = arith.constant 0 : i32
        %dma_wait3A_183 = tpu.memref_slice %arg20[%dma_wait3A_182] : memref<400xi32, #tpu.memory_space<vmem>> -> memref<384xi32, #tpu.memory_space<vmem>>
        %dma_wait3A_184 = tpu.memref_slice %arg3[%multiple_of3A_160] : memref<100000xi32, #tpu.memory_space<hbm>> -> memref<384xi32, #tpu.memory_space<hbm>>
        %dma_wait3A_185 = arith.constant 0 : i32
        %dma_wait3A_186 = tpu.memref_slice %arg20[%dma_wait3A_185] : memref<400xi32, #tpu.memory_space<vmem>> -> memref<384xi32, #tpu.memory_space<vmem>>
        %dma_wait3A_187 = tpu.memref_slice %arg3[%multiple_of3A_160] : memref<100000xi32, #tpu.memory_space<hbm>> -> memref<384xi32, #tpu.memory_space<hbm>>
        tpu.wait_dma2 semaphore(%arg25 : memref<!tpu.dma_semaphore, #tpu.memory_space<semaphore_mem>>) src(%dma_wait3A_187 : memref<384xi32, #tpu.memory_space<hbm>>) dst(%dma_wait3A_186 : memref<384xi32, #tpu.memory_space<vmem>>)
        %dma_wait3A_188 = arith.constant 0 : i32
        %dma_wait3A_189 = tpu.memref_slice %arg21[%dma_wait3A_188] : memref<400xf32, #tpu.memory_space<vmem>> -> memref<384xf32, #tpu.memory_space<vmem>>
        %dma_wait3A_190 = tpu.memref_slice %arg4[%multiple_of3A_160] : memref<100000xf32, #tpu.memory_space<hbm>> -> memref<384xf32, #tpu.memory_space<hbm>>
        %dma_wait3A_191 = arith.constant 0 : i32
        %dma_wait3A_192 = tpu.memref_slice %arg21[%dma_wait3A_191] : memref<400xf32, #tpu.memory_space<vmem>> -> memref<384xf32, #tpu.memory_space<vmem>>
        %dma_wait3A_193 = tpu.memref_slice %arg4[%multiple_of3A_160] : memref<100000xf32, #tpu.memory_space<hbm>> -> memref<384xf32, #tpu.memory_space<hbm>>
        tpu.wait_dma2 semaphore(%arg26 : memref<!tpu.dma_semaphore, #tpu.memory_space<semaphore_mem>>) src(%dma_wait3A_193 : memref<384xf32, #tpu.memory_space<hbm>>) dst(%dma_wait3A_192 : memref<384xf32, #tpu.memory_space<vmem>>)
        %scan3A_194 = arith.constant 0 : i32
        %scan3A_195 = arith.constant 0 : i32
        %scan3A_196 = arith.constant 24 : i32
        %scan3A_197 = arith.addi %scan3A_195, %scan3A_196 : i32
        %scan3A_198 = arith.constant 1 : i32
        %scan3A_199 = scf.for %scan3A_215 = %scan3A_195 to %scan3A_197 step %scan3A_198 iter_args(%scan3A_216 = %scan3A_194) -> (i32)  : i32 {
          %mul3A_217 = arith.constant 16 : i32
          %mul3A_218 = arith.muli %mul3A_217, %scan3A_215 : i32
          %get3A_219 = arith.index_cast %mul3A_218 : i32 to index
          %get3A_220 = tpu.vector_load %arg20[%get3A_219] {strides = array<i32>} : memref<400xi32, #tpu.memory_space<vmem>>, vector<16xi32>,
          %jit3A_221 = arith.constant 0 : i32
          %jit3A_222 = arith.constant 511 : i32
          %max3A = vector.broadcast %jit3A_221 : i32 to vector<16xi32>
          %max3A_223 = arith.maxsi %max3A, %get3A_220 : vector<16xi32>
          %min3A_224 = vector.broadcast %jit3A_222 : i32 to vector<16xi32>
          %min3A_225 = arith.minsi %min3A_224, %max3A_223 : vector<16xi32>
          %mul3A_226 = arith.constant 16 : i32
          %mul3A_227 = arith.muli %mul3A_226, %scan3A_215 : i32
          %get3A_228 = arith.index_cast %mul3A_227 : i32 to index
          %get3A_229 = tpu.vector_load %arg21[%get3A_228] {strides = array<i32>} : memref<400xf32, #tpu.memory_space<vmem>>, vector<16xf32>,
          %gather3A = tpu.vector_load_idx %arg13[%min3A_225] : memref<512xf32, #tpu.memory_space<vmem>>[vector<16xi32>], vector<16xf32>,
          %gather3A_230 = tpu.vector_load_idx %arg14[%min3A_225] : memref<528xf32, #tpu.memory_space<vmem>>[vector<16xi32>], vector<16xf32>,
          %sub3A_231 = arith.subf %get3A_229, %gather3A : vector<16xf32>
          %exp3A = math.exp %sub3A_231 : vector<16xf32>
          %mul3A_232 = arith.mulf %exp3A, %gather3A_230 : vector<16xf32>
          %mul3A_233 = arith.constant 16 : i32
          %mul3A_234 = arith.muli %mul3A_233, %scan3A_215 : i32
          %swap3A_235 = arith.index_cast %mul3A_234 : i32 to index
          %swap3A_236 = tpu.vector_load %arg22[%swap3A_235] {strides = array<i32>} : memref<400xf32, #tpu.memory_space<vmem>>, vector<16xf32>,
          tpu.vector_store %arg22[%swap3A_235], %mul3A_232 {strides = array<i32>} : memref<400xf32, #tpu.memory_space<vmem>>, vector<16xf32>,
          %scan3A_237 = arith.constant 0 : i32
          scf.yield %scan3A_237 : i32
        }
        %scan3A_200 = arith.constant 24 : i32
        %sub3A_201 = arith.subi %squeeze3A_64, %add3A_131 : i32
        %min3A_202 = arith.constant 376 : i32
        %min3A_203 = arith.minsi %min3A_202, %sub3A_201 : i32
        %while3A_204 = arith.constant 0 : i32
        %while3A_205 = arith.subi %min3A_203, %while3A_204 : i32
        %while3A_206 = arith.addi %while3A_204, %while3A_205 : i32
        %while3A_207 = arith.constant 1 : i32
        %while3A_208 = arith.divsi %while3A_205, %while3A_207 : i32
        %while3A_209 = arith.muli %while3A_208, %while3A_207 : i32
        %while3A_210 = arith.addi %while3A_204, %while3A_209 : i32
        %while3A_211 = arith.constant 1 : i32
        %while3A_212:8 = scf.for %while3A_215 = %while3A_204 to %while3A_210 step %while3A_211 iter_args(%while3A_216 = %while3A_121, %while3A_217 = %while3A_122, %while3A_218 = %while3A_123, %while3A_219 = %while3A_124, %while3A_220 = %while3A_125, %while3A_221 = %while3A_126, %while3A_222 = %while3A_127, %while3A_223 = %while3A_128) -> (vector<16xf32>, vector<16xf32>, vector<16xf32>, vector<16xf32>, vector<16xf32>, vector<16xf32>, vector<16xf32>, vector<16xf32>)  : i32 {
          %add3A_224 = arith.addi %while3A_215, %sub3A_161 : i32
          %get3A_225 = arith.index_cast %add3A_224 : i32 to index
          %get3A_226 = tpu.vector_load %arg22[%get3A_225] {strides = array<i32>} : memref<400xf32, #tpu.memory_space<vmem>>, vector<16xf32>,
          %slice3A_227 = vector.extract_strided_slice %get3A_226 {offsets = [0], sizes = [1], strides = [1]} : vector<16xf32> to vector<1xf32>
          %squeeze3A_228 = vector.extract %slice3A_227[0] : f32 from vector<1xf32>
          %broadcast_in_dim3A_229 = vector.broadcast %squeeze3A_228 : f32 to vector<16xf32>
          %get3A_230 = arith.index_cast %add3A_224 : i32 to index
          %get3A_231 = arith.constant 0 : index
          %get3A_232 = tpu.vector_load %arg19[%get3A_230, %get3A_231] {strides = array<i32>} : memref<384x128xf32, #tpu.memory_space<vmem>>, vector<16xf32>,
          %mul3A_233 = arith.mulf %broadcast_in_dim3A_229, %get3A_232 : vector<16xf32>
          %add3A_234 = arith.addf %while3A_216, %mul3A_233 : vector<16xf32>
          %get3A_235 = arith.index_cast %add3A_224 : i32 to index
          %get3A_236 = arith.constant 16 : index
          %get3A_237 = tpu.vector_load %arg19[%get3A_235, %get3A_236] {strides = array<i32>} : memref<384x128xf32, #tpu.memory_space<vmem>>, vector<16xf32>,
          %mul3A_238 = arith.mulf %broadcast_in_dim3A_229, %get3A_237 : vector<16xf32>
          %add3A_239 = arith.addf %while3A_217, %mul3A_238 : vector<16xf32>
          %get3A_240 = arith.index_cast %add3A_224 : i32 to index
          %get3A_241 = arith.constant 32 : index
          %get3A_242 = tpu.vector_load %arg19[%get3A_240, %get3A_241] {strides = array<i32>} : memref<384x128xf32, #tpu.memory_space<vmem>>, vector<16xf32>,
          %mul3A_243 = arith.mulf %broadcast_in_dim3A_229, %get3A_242 : vector<16xf32>
          %add3A_244 = arith.addf %while3A_218, %mul3A_243 : vector<16xf32>
          %get3A_245 = arith.index_cast %add3A_224 : i32 to index
          %get3A_246 = arith.constant 48 : index
          %get3A_247 = tpu.vector_load %arg19[%get3A_245, %get3A_246] {strides = array<i32>} : memref<384x128xf32, #tpu.memory_space<vmem>>, vector<16xf32>,
          %mul3A_248 = arith.mulf %broadcast_in_dim3A_229, %get3A_247 : vector<16xf32>
          %add3A_249 = arith.addf %while3A_219, %mul3A_248 : vector<16xf32>
          %get3A_250 = arith.index_cast %add3A_224 : i32 to index
          %get3A_251 = arith.constant 64 : index
          %get3A_252 = tpu.vector_load %arg19[%get3A_250, %get3A_251] {strides = array<i32>} : memref<384x128xf32, #tpu.memory_space<vmem>>, vector<16xf32>,
          %mul3A_253 = arith.mulf %broadcast_in_dim3A_229, %get3A_252 : vector<16xf32>
          %add3A_254 = arith.addf %while3A_220, %mul3A_253 : vector<16xf32>
          %get3A_255 = arith.index_cast %add3A_224 : i32 to index
          %get3A_256 = arith.constant 80 : index
          %get3A_257 = tpu.vector_load %arg19[%get3A_255, %get3A_256] {strides = array<i32>} : memref<384x128xf32, #tpu.memory_space<vmem>>, vector<16xf32>,
          %mul3A_258 = arith.mulf %broadcast_in_dim3A_229, %get3A_257 : vector<16xf32>
          %add3A_259 = arith.addf %while3A_221, %mul3A_258 : vector<16xf32>
          %get3A_260 = arith.index_cast %add3A_224 : i32 to index
          %get3A_261 = arith.constant 96 : index
          %get3A_262 = tpu.vector_load %arg19[%get3A_260, %get3A_261] {strides = array<i32>} : memref<384x128xf32, #tpu.memory_space<vmem>>, vector<16xf32>,
          %mul3A_263 = arith.mulf %broadcast_in_dim3A_229, %get3A_262 : vector<16xf32>
          %add3A_264 = arith.addf %while3A_222, %mul3A_263 : vector<16xf32>
          %get3A_265 = arith.index_cast %add3A_224 : i32 to index
          %get3A_266 = arith.constant 112 : index
          %get3A_267 = tpu.vector_load %arg19[%get3A_265, %get3A_266] {strides = array<i32>} : memref<384x128xf32, #tpu.memory_space<vmem>>, vector<16xf32>,
          %mul3A_268 = arith.mulf %broadcast_in_dim3A_229, %get3A_267 : vector<16xf32>
          %add3A_269 = arith.addf %while3A_223, %mul3A_268 : vector<16xf32>
          scf.yield %add3A_234, %add3A_239, %add3A_244, %add3A_249, %add3A_254, %add3A_259, %add3A_264, %add3A_269 : vector<16xf32>, vector<16xf32>, vector<16xf32>, vector<16xf32>, vector<16xf32>, vector<16xf32>, vector<16xf32>, vector<16xf32>
        }
        %while3A_213 = arith.constant 1 : i32
        %while3A_214:8 = scf.for %while3A_215 = %while3A_210 to %while3A_206 step %while3A_213 iter_args(%while3A_216 = %while3A_212#0, %while3A_217 = %while3A_212#1, %while3A_218 = %while3A_212#2, %while3A_219 = %while3A_212#3, %while3A_220 = %while3A_212#4, %while3A_221 = %while3A_212#5, %while3A_222 = %while3A_212#6, %while3A_223 = %while3A_212#7) -> (vector<16xf32>, vector<16xf32>, vector<16xf32>, vector<16xf32>, vector<16xf32>, vector<16xf32>, vector<16xf32>, vector<16xf32>)  : i32 {
          %add3A_224 = arith.addi %while3A_215, %sub3A_161 : i32
          %get3A_225 = arith.index_cast %add3A_224 : i32 to index
          %get3A_226 = tpu.vector_load %arg22[%get3A_225] {strides = array<i32>} : memref<400xf32, #tpu.memory_space<vmem>>, vector<16xf32>,
          %slice3A_227 = vector.extract_strided_slice %get3A_226 {offsets = [0], sizes = [1], strides = [1]} : vector<16xf32> to vector<1xf32>
          %squeeze3A_228 = vector.extract %slice3A_227[0] : f32 from vector<1xf32>
          %broadcast_in_dim3A_229 = vector.broadcast %squeeze3A_228 : f32 to vector<16xf32>
          %get3A_230 = arith.index_cast %add3A_224 : i32 to index
          %get3A_231 = arith.constant 0 : index
          %get3A_232 = tpu.vector_load %arg19[%get3A_230, %get3A_231] {strides = array<i32>} : memref<384x128xf32, #tpu.memory_space<vmem>>, vector<16xf32>,
          %mul3A_233 = arith.mulf %broadcast_in_dim3A_229, %get3A_232 : vector<16xf32>
          %add3A_234 = arith.addf %while3A_216, %mul3A_233 : vector<16xf32>
          %get3A_235 = arith.index_cast %add3A_224 : i32 to index
          %get3A_236 = arith.constant 16 : index
          %get3A_237 = tpu.vector_load %arg19[%get3A_235, %get3A_236] {strides = array<i32>} : memref<384x128xf32, #tpu.memory_space<vmem>>, vector<16xf32>,
          %mul3A_238 = arith.mulf %broadcast_in_dim3A_229, %get3A_237 : vector<16xf32>
          %add3A_239 = arith.addf %while3A_217, %mul3A_238 : vector<16xf32>
          %get3A_240 = arith.index_cast %add3A_224 : i32 to index
          %get3A_241 = arith.constant 32 : index
          %get3A_242 = tpu.vector_load %arg19[%get3A_240, %get3A_241] {strides = array<i32>} : memref<384x128xf32, #tpu.memory_space<vmem>>, vector<16xf32>,
          %mul3A_243 = arith.mulf %broadcast_in_dim3A_229, %get3A_242 : vector<16xf32>
          %add3A_244 = arith.addf %while3A_218, %mul3A_243 : vector<16xf32>
          %get3A_245 = arith.index_cast %add3A_224 : i32 to index
          %get3A_246 = arith.constant 48 : index
          %get3A_247 = tpu.vector_load %arg19[%get3A_245, %get3A_246] {strides = array<i32>} : memref<384x128xf32, #tpu.memory_space<vmem>>, vector<16xf32>,
          %mul3A_248 = arith.mulf %broadcast_in_dim3A_229, %get3A_247 : vector<16xf32>
          %add3A_249 = arith.addf %while3A_219, %mul3A_248 : vector<16xf32>
          %get3A_250 = arith.index_cast %add3A_224 : i32 to index
          %get3A_251 = arith.constant 64 : index
          %get3A_252 = tpu.vector_load %arg19[%get3A_250, %get3A_251] {strides = array<i32>} : memref<384x128xf32, #tpu.memory_space<vmem>>, vector<16xf32>,
          %mul3A_253 = arith.mulf %broadcast_in_dim3A_229, %get3A_252 : vector<16xf32>
          %add3A_254 = arith.addf %while3A_220, %mul3A_253 : vector<16xf32>
          %get3A_255 = arith.index_cast %add3A_224 : i32 to index
          %get3A_256 = arith.constant 80 : index
          %get3A_257 = tpu.vector_load %arg19[%get3A_255, %get3A_256] {strides = array<i32>} : memref<384x128xf32, #tpu.memory_space<vmem>>, vector<16xf32>,
          %mul3A_258 = arith.mulf %broadcast_in_dim3A_229, %get3A_257 : vector<16xf32>
          %add3A_259 = arith.addf %while3A_221, %mul3A_258 : vector<16xf32>
          %get3A_260 = arith.index_cast %add3A_224 : i32 to index
          %get3A_261 = arith.constant 96 : index
          %get3A_262 = tpu.vector_load %arg19[%get3A_260, %get3A_261] {strides = array<i32>} : memref<384x128xf32, #tpu.memory_space<vmem>>, vector<16xf32>,
          %mul3A_263 = arith.mulf %broadcast_in_dim3A_229, %get3A_262 : vector<16xf32>
          %add3A_264 = arith.addf %while3A_222, %mul3A_263 : vector<16xf32>
          %get3A_265 = arith.index_cast %add3A_224 : i32 to index
          %get3A_266 = arith.constant 112 : index
          %get3A_267 = tpu.vector_load %arg19[%get3A_265, %get3A_266] {strides = array<i32>} : memref<384x128xf32, #tpu.memory_space<vmem>>, vector<16xf32>,
          %mul3A_268 = arith.mulf %broadcast_in_dim3A_229, %get3A_267 : vector<16xf32>
          %add3A_269 = arith.addf %while3A_223, %mul3A_268 : vector<16xf32>
          scf.yield %add3A_234, %add3A_239, %add3A_244, %add3A_249, %add3A_254, %add3A_259, %add3A_264, %add3A_269 : vector<16xf32>, vector<16xf32>, vector<16xf32>, vector<16xf32>, vector<16xf32>, vector<16xf32>, vector<16xf32>, vector<16xf32>
        }
        scf.yield %while3A_214#0, %while3A_214#1, %while3A_214#2, %while3A_214#3, %while3A_214#4, %while3A_214#5, %while3A_214#6, %while3A_214#7 : vector<16xf32>, vector<16xf32>, vector<16xf32>, vector<16xf32>, vector<16xf32>, vector<16xf32>, vector<16xf32>, vector<16xf32>
      }
      %swap3A = arith.index_cast %scan3A_55 : i32 to index
      %swap3A_96 = arith.constant 0 : index
      %swap3A_97 = tpu.vector_load %arg23[%swap3A, %swap3A_96] {strides = array<i32>} : memref<16x128xf32, #tpu.memory_space<vmem>>, vector<16xf32>,
      tpu.vector_store %arg23[%swap3A, %swap3A_96], %while3A_95#0 {strides = array<i32>} : memref<16x128xf32, #tpu.memory_space<vmem>>, vector<16xf32>,
      %swap3A_98 = arith.index_cast %scan3A_55 : i32 to index
      %swap3A_99 = arith.constant 16 : index
      %swap3A_100 = tpu.vector_load %arg23[%swap3A_98, %swap3A_99] {strides = array<i32>} : memref<16x128xf32, #tpu.memory_space<vmem>>, vector<16xf32>,
      tpu.vector_store %arg23[%swap3A_98, %swap3A_99], %while3A_95#1 {strides = array<i32>} : memref<16x128xf32, #tpu.memory_space<vmem>>, vector<16xf32>,
      %swap3A_101 = arith.index_cast %scan3A_55 : i32 to index
      %swap3A_102 = arith.constant 32 : index
      %swap3A_103 = tpu.vector_load %arg23[%swap3A_101, %swap3A_102] {strides = array<i32>} : memref<16x128xf32, #tpu.memory_space<vmem>>, vector<16xf32>,
      tpu.vector_store %arg23[%swap3A_101, %swap3A_102], %while3A_95#2 {strides = array<i32>} : memref<16x128xf32, #tpu.memory_space<vmem>>, vector<16xf32>,
      %swap3A_104 = arith.index_cast %scan3A_55 : i32 to index
      %swap3A_105 = arith.constant 48 : index
      %swap3A_106 = tpu.vector_load %arg23[%swap3A_104, %swap3A_105] {strides = array<i32>} : memref<16x128xf32, #tpu.memory_space<vmem>>, vector<16xf32>,
      tpu.vector_store %arg23[%swap3A_104, %swap3A_105], %while3A_95#3 {strides = array<i32>} : memref<16x128xf32, #tpu.memory_space<vmem>>, vector<16xf32>,
      %swap3A_107 = arith.index_cast %scan3A_55 : i32 to index
      %swap3A_108 = arith.constant 64 : index
      %swap3A_109 = tpu.vector_load %arg23[%swap3A_107, %swap3A_108] {strides = array<i32>} : memref<16x128xf32, #tpu.memory_space<vmem>>, vector<16xf32>,
      tpu.vector_store %arg23[%swap3A_107, %swap3A_108], %while3A_95#4 {strides = array<i32>} : memref<16x128xf32, #tpu.memory_space<vmem>>, vector<16xf32>,
      %swap3A_110 = arith.index_cast %scan3A_55 : i32 to index
      %swap3A_111 = arith.constant 80 : index
      %swap3A_112 = tpu.vector_load %arg23[%swap3A_110, %swap3A_111] {strides = array<i32>} : memref<16x128xf32, #tpu.memory_space<vmem>>, vector<16xf32>,
      tpu.vector_store %arg23[%swap3A_110, %swap3A_111], %while3A_95#5 {strides = array<i32>} : memref<16x128xf32, #tpu.memory_space<vmem>>, vector<16xf32>,
      %swap3A_113 = arith.index_cast %scan3A_55 : i32 to index
      %swap3A_114 = arith.constant 96 : index
      %swap3A_115 = tpu.vector_load %arg23[%swap3A_113, %swap3A_114] {strides = array<i32>} : memref<16x128xf32, #tpu.memory_space<vmem>>, vector<16xf32>,
      tpu.vector_store %arg23[%swap3A_113, %swap3A_114], %while3A_95#6 {strides = array<i32>} : memref<16x128xf32, #tpu.memory_space<vmem>>, vector<16xf32>,
      %swap3A_116 = arith.index_cast %scan3A_55 : i32 to index
      %swap3A_117 = arith.constant 112 : index
      %swap3A_118 = tpu.vector_load %arg23[%swap3A_116, %swap3A_117] {strides = array<i32>} : memref<16x128xf32, #tpu.memory_space<vmem>>, vector<16xf32>,
      tpu.vector_store %arg23[%swap3A_116, %swap3A_117], %while3A_95#7 {strides = array<i32>} : memref<16x128xf32, #tpu.memory_space<vmem>>, vector<16xf32>,
      %scan3A_119 = arith.constant 0 : i32
      scf.yield %scan3A_119 : i32
    }
    %scan3A_53 = arith.constant 16 : i32
    %multiple_of3A_54 = tpu.assume_multiple %mul3A_28, 8 : i32
    "tpu.region"() ({
      %run_scoped3A = tpu.sem_alloc : memref<!tpu.dma_semaphore, #tpu.memory_space<semaphore_mem>>
      %dma_start3A_55 = arith.constant 0 : i32
      %dma_start3A_56 = tpu.memref_slice %arg9[%multiple_of3A_54, %dma_start3A_55] : memref<512x128xf32, #tpu.memory_space<hbm>> -> memref<16x128xf32, #tpu.memory_space<hbm>>
      %dma_start3A_57 = arith.constant 0 : i32
      %dma_start3A_58 = tpu.memref_slice %arg9[%multiple_of3A_54, %dma_start3A_57] : memref<512x128xf32, #tpu.memory_space<hbm>> -> memref<16x128xf32, #tpu.memory_space<hbm>>
      tpu.enqueue_dma source(%arg23 : memref<16x128xf32, #tpu.memory_space<vmem>>) target(%dma_start3A_58 : memref<16x128xf32, #tpu.memory_space<hbm>>) target_semaphore(%run_scoped3A : memref<!tpu.dma_semaphore, #tpu.memory_space<semaphore_mem>>)
      %dma_wait3A_59 = arith.constant 0 : i32
      %dma_wait3A_60 = tpu.memref_slice %arg9[%multiple_of3A_54, %dma_wait3A_59] : memref<512x128xf32, #tpu.memory_space<hbm>> -> memref<16x128xf32, #tpu.memory_space<hbm>>
      %dma_wait3A_61 = arith.constant 0 : i32
      %dma_wait3A_62 = tpu.memref_slice %arg9[%multiple_of3A_54, %dma_wait3A_61] : memref<512x128xf32, #tpu.memory_space<hbm>> -> memref<16x128xf32, #tpu.memory_space<hbm>>
      tpu.wait_dma2 semaphore(%run_scoped3A : memref<!tpu.dma_semaphore, #tpu.memory_space<semaphore_mem>>) src(%arg23 : memref<16x128xf32, #tpu.memory_space<vmem>>) dst(%dma_wait3A_62 : memref<16x128xf32, #tpu.memory_space<hbm>>)
      tpu.yield
    }) : () -> ()
    return
  }
}

</mosaic_0001>

<sc_bundles>
// kernel: kernel.4.cloned.1.call-start
scs
__scs_entry_jumppad:
0x0: {  	(pc) =	sbr.rel $0x88, $3  }
0x1: {  	(tag) =	ssettag $0x0;
	lr =	simm.s32 $0x1  }
0x2: {  	[smem:$0x3F9E] =	sst lr;
	_ =	strace $0xD0000000  }
0x3: {  	_ = 	snop  }
0x4: {  	_ = 	snop  }
0x5: {  	_ = 	snop  }
0x6: {  	_ = 	snop  }
0x7: {  	_ = 	snop  }
__scs_overlays_trampoline_lowered:
0x8: {  	[smem:$0x3FAD] =	sst s0  }
0x9: {  	[smem:$0x3FAE] =	sst s1  }
0xa: {  	[smem:$0x3FAF] =	sst s2  }
0xb: {  	[smem:$0x3FB0] =	sst s3  }
0xc: {  	[smem:$0x3FB1] =	sst s4  }
0xd: {  	[smem:$0x3FB2] =	sst s5  }
0xe: {  	[smem:$0x3FB3] =	sst s6  }
0xf: {  	[smem:$0x3FB4] =	sst s7  }
0x10: {  	[smem:$0x3FB5] =	sst s8  }
0x11: {  	[smem:$0x3FB6] =	sst s9;
	s0 =	simm.s32 @!p0 $0x0  }
0x12: {  	s1 =	sld [smem:$0x3F9C];
	s0 =	simm.s32 @p0 $0x1  }
0x13: {  	[smem:$0x3FB7] =	sst s0;
	s0 =	simm.s32 @!p1 $0x0  }
0x14: {  	s2 =	sld [smem:$0x3F9B];
	s0 =	simm.s32 @p1 $0x1  }
0x15: {  	[smem:$0x3FB8] =	sst s0;
	s0 =	simm.s32 @!p2 $0x0  }
0x16: {  	s3 =	sld [smem:$0x3FDB];
	s0 =	simm.s32 @p2 $0x1  }
0x17: {  	s4 =	simm.s32 $0x1BF5;
	[smem:$0x3FBA] =	sst s0  }
0x18: {  	s0 =	sld [smem:$0x3F9D];
	_ =	swait.ge [sflag:s4], $0x0  }
0x19: {  	s7 =	sld [smem:$0x3F9E]  }
0x1a: {  	s8 =	sadd.s32 $0xFFFFE003, lr  }
0x1b: {  	s9 =	sadd.s32 $0xFFFFFEF7, lr;
	s5 =	simm.s32 $0xFFFFFFFF;
	p2 =	slt.u32 s8, $0xFFFFF086  }
0x1c: {  	p1 =	slt.u32 s9, $0xF7A;
	s5 =	simm.s32 @!p2 $0x0  }
0x1d: {  	s5 =	simm.s32 @p1 $0x1;
	p0 =	seq.s32 s7, s2  }
0x1e: {  	s7 =	smul.u32 @!p0 $0xF7A, s2;
	p2 =	seq.s32 @!p0 s5, $0x0  }
0x1f: {  	s9 =	smul.u32 $0xF7A, s1;
	s8 =	simm.s32 @!p0 $0x1BF5;
	p2 =	por !p2, p0  }
0x20: {  	[sflag:s8] =	ssyncset.s32 @!p0 $0xFFFFF086;
	s6 =	sadd.s32 @!p0 s3, s7;
	s7 =	simm.s32 @!p0 $0x108  }
0x21: {  	s3 =	sadd.s32 s3, s9;
	s6 =	sadd.s32 @!p0 $0x88, s6;
	s7 =	simm.s32 @p2 $0x1082  }
0x22: {  	[simem:s7], [sflag:s8] =	dma.local @!p0 [hbm:s6], $0xF7A  }
0x23: {  	s9 =	sor.u32 $0xD0000000, s2;
	s6 =	simm.s32 $0x108;
	_ =	swait.ge @!p0 [sflag:s8], $0x0  }
0x24: {  	s3 =	sadd.s32 $0x88, s3;
	s6 =	simm.s32 @!p1 $0x1082;
	[sflag:s4] =	ssyncset.s32 $0xFFFFF086  }
0x25: {  	[simem:s6], [sflag:s4] =	dma.local [hbm:s3], $0xF7A  }
0x26: {  	[smem:$0x3F9E] =	sst s1;
	(tag) =	ssettag s2;
	_ =	strace s9  }
0x27: {  	s1 =	sld [smem:$0x3FAE]  }
0x28: {  	s2 =	sld [smem:$0x3FAF]  }
0x29: {  	s4 =	sld [smem:$0x3FB1]  }
0x2a: {  	p0 =	seq.s32 s5, $0x0;
	s5 =	sld [smem:$0x3FB2]  }
0x2b: {  	s6 =	sld [smem:$0x3FB3]  }
0x2c: {  	s7 =	sld [smem:$0x3FB4]  }
0x2d: {  	s3 =	simm.s32 $0x108;
	s8 =	sld [smem:$0x3FB5]  }
0x2e: {  	s3 =	simm.s32 @!p0 $0x1082;
	s9 =	sld [smem:$0x3FB6]  }
0x2f: {  	lr =	sadd.s32 s0, s3;
	s0 =	sld [smem:$0x3FAD]  }
0x30: {  	s3 =	sld [smem:$0x3FB0]  }
0x31: {  	[smem:$0x3FB9] =	sst s10  }
0x32: {  	s10 =	sld [smem:$0x3FB7];
	_ =	sdelay $0x3  }
0x33: {  	p0 =	seq.s32 s10, $0x1;
	s10 =	sld [smem:$0x3FB9];
	_ =	sdelay $0x3  }
0x34: {  	[smem:$0x3FB9] =	sst s10  }
0x35: {  	s10 =	sld [smem:$0x3FB8];
	_ =	sdelay $0x3  }
0x36: {  	p1 =	seq.s32 s10, $0x1;
	s10 =	sld [smem:$0x3FB9];
	_ =	sdelay $0x3  }
0x37: {  	[smem:$0x3FB9] =	sst s10  }
0x38: {  	s10 =	sld [smem:$0x3FBA]  }
0x39: {  	_ = 	snop;
	(pc) =	sbr.ind lr, $3  }
0x3a: {  	_ = 	snop  }
0x3b: {  	_ = 	snop  }
0x3c: {  	p2 =	seq.s32 s10, $0x1;
	s10 =	sld [smem:$0x3FB9]  }
0x3d: {  	_ =	shalt  }
0x3e: {  	_ =	shalt  }
0x3f: {  	_ =	shalt  }
0x40: {  	_ =	shalt  }
0x41: {  	_ =	shalt  }
0x42: {  	_ =	shalt  }
0x43: {  	_ =	shalt  }
0x44: {  	_ =	shalt  }
0x45: {  	_ =	shalt  }
0x46: {  	_ =	shalt  }
0x47: {  	_ =	shalt  }
0x48: {  	_ =	shalt  }
0x49: {  	_ =	shalt  }
0x4a: {  	_ =	shalt  }
0x4b: {  	_ =	shalt  }
0x4c: {  	_ =	shalt  }
0x4d: {  	_ =	shalt  }
0x4e: {  	_ =	shalt  }
0x4f: {  	_ =	shalt  }
0x50: {  	_ =	shalt  }
0x51: {  	_ =	shalt  }
0x52: {  	_ =	shalt  }
0x53: {  	_ =	shalt  }
0x54: {  	_ =	shalt  }
0x55: {  	_ =	shalt  }
0x56: {  	_ =	shalt  }
0x57: {  	_ =	shalt  }
0x58: {  	_ =	shalt  }
0x59: {  	_ =	shalt  }
0x5a: {  	_ =	shalt  }
0x5b: {  	_ =	shalt  }
0x5c: {  	_ =	shalt  }
0x5d: {  	_ =	shalt  }
0x5e: {  	_ =	shalt  }
0x5f: {  	_ =	shalt  }
0x60: {  	_ =	shalt  }
0x61: {  	_ =	shalt  }
0x62: {  	_ =	shalt  }
0x63: {  	_ =	shalt  }
0x64: {  	_ =	shalt  }
0x65: {  	_ =	shalt  }
0x66: {  	_ =	shalt  }
0x67: {  	_ =	shalt  }
0x68: {  	_ =	shalt  }
0x69: {  	_ =	shalt  }
0x6a: {  	_ =	shalt  }
0x6b: {  	_ =	shalt  }
0x6c: {  	_ =	shalt  }
0x6d: {  	_ =	shalt  }
0x6e: {  	_ =	shalt  }
0x6f: {  	_ =	shalt  }
0x70: {  	_ =	shalt  }
0x71: {  	_ =	shalt  }
0x72: {  	_ =	shalt  }
0x73: {  	_ =	shalt  }
0x74: {  	_ =	shalt  }
0x75: {  	_ =	shalt  }
0x76: {  	_ =	shalt  }
0x77: {  	_ =	shalt  }
0x78: {  	_ =	shalt  }
0x79: {  	_ =	shalt  }
0x7a: {  	_ =	shalt  }
0x7b: {  	_ =	shalt  }
0x7c: {  	_ =	shalt  }
0x7d: {  	_ =	shalt  }
0x7e: {  	_ =	shalt  }
0x7f: {  	_ =	shalt  }
0x80: {  	_ =	shalt  }
0x81: {  	_ =	shalt  }
0x82: {  	_ =	shalt  }
0x83: {  	_ =	shalt  }
0x84: {  	_ =	shalt  }
0x85: {  	_ =	shalt  }
0x86: {  	_ =	shalt  }
0x87: {  	_ =	shalt  }
.Lfunc_end0:
.L_simem_size_0:
called_computation_lowered:
.L_overlay_start_0:
0x88: {  	s2 =	sld [smem:$0x3FD9]  }
0x89: {  	s3 =	sld [smem:$0x3FFE];
	_ =	sdelay $0x1  }
0x8a: {  	s1 =	srdreg.scid  }
0x8b: {  	s0 =	sand.u32 $0x1, s1  }
0x8c: {  	s17 =	sshll.u32 s0, $0xA;
	s2 =	sadd.s32 s3, s2  }
0x8d: {  	s2 =	sadd.s32 s2, s17  }
0x8e: {  	[smem:$0x3FC5] =	sst s2  }
0x8f: {  	_ = 	snop  }
0x90: {  	s2 =	sld [smem:$0x3FC9]  }
0x91: {  	s18 =	sld [smem:$0x3FC8]  }
0x92: {  	s4 =	sld [smem:$0x3FC7];
	(tm) =	ssettm $0x1  }
0x93: {  	s5 =	sld [smem:$0x3FFB];
	_ =	sdelay $0x3  }
0x94: {  	_ =	strace s5  }
0x95: {  	s5 =	sld [smem:$0x3FFC];
	_ =	sdelay $0x3  }
0x96: {  	_ =	strace s5  }
0x97: {  	s5 =	sld [smem:$0x3FFD];
	_ =	sdelay $0x3  }
0x98: {  	_ =	strace s5  }
0x99: {  	_ =	strace $0x8FFFFFFF  }
0x9a: {  	s19 =	sld [smem:$0x3FDB];
	_ =	sdelay $0x1  }
0x9b: {  	s6 =	simm.s32 $_scs_section_size  }
0x9c: {  	s7 =	simm.s32 $_size__tile_overlayer_lowered;
	s8 =	simm.s32 $_tile_overlayer_lowered  }
0x9d: {  	s22 =	simm.s32 $0x1BFF;
	s21 =	sshll.u32 s8, $0x1;
	s5 =	sadd.s32 s6, s19  }
0x9e: {  	s9 =	simm.s32 $0x0;
	s20 =	sshll.u32 s7, $0x1;
	s7 =	sadd.s32 s21, s5  }
0x9f: {  	[timem:s9], [sflag:s22] =	dma.local [hbm:s7], s20  }
0xa0: {  	_ =	swait.ge [sflag:s22], s20  }
0xa1: {  	s6 =	ssub.s32 $0x0, s20;
	[sflag:s22] =	ssyncset.done $0x0  }
0xa2: {  	[sflag:s22] =	ssyncadd.s32 s6;
	_ =	sdelay $0x1  }
0xa3: {  	s23 =	simm.s32 $0x1B8B  }
0xa4: {  	_ =	swait.ge [sflag:s23], $0x1  }
0xa5: {  	[sflag:s23] =	ssyncset.done $0x0  }
0xa6: {  	s25 =	simm.s32 $0x1B8E;
	s24 =	sld [smem:$0x3FFE];
	[sflag:s23] =	ssyncadd.s32 $0xFFFFFFFF  }
0xa7: {  	s26 =	simm.s32 $execute0_lowered;
	[smem:$0x3FD2] =	sst s25  }
0xa8: {  	s7 =	sshll.u32 s26, $0x1;
	_ =	strace $0x80000046;
	[dreg:$0x1] =	wrdreg $0xFFFFFFFF  }
0xa9: {  	s28 =	simm.s32 $_size_execute0_lowered;
	s5 =	sadd.s32 s5, s7;
	[dreg:$0x0] =	wrdreg $0x0  }
0xaa: {  	s7 =	sshll.u32 s28, $0x1;
	[dreg:$0x2] =	wrdreg s5  }
0xab: {  	[dreg:$0x3] =	wrdreg s7  }
0xac: {  	[dreg:$0x4] =	wrdreg $0xC0  }
0xad: {  	_ =	task [dreg:s9], $0x5FFFF  }
0xae: {  	[dreg:$0x1] =	wrdreg $0xFFFFFFFF  }
0xaf: {  	[dreg:$0x0] =	wrdreg $0x60  }
0xb0: {  	[dreg:$0x2] =	wrdreg s2  }
0xb1: {  	[dreg:$0x3] =	wrdreg s18  }
0xb2: {  	[dreg:$0x4] =	wrdreg s4  }
0xb3: {  	[dreg:$0x5] =	wrdreg s24  }
0xb4: {  	[dreg:$0x6] =	wrdreg $0x9  }
0xb5: {  	_ =	task.clear_ibuf [dreg:s9], $0x7FFFF;
	_ =	strace $0x90000046  }
0xb6: {  	s29 =	simm.s32 $0x9;
	_ =	strace $0x80000048  }
0xb7: {  	_ =	swait.ge [sflag:s29], $0x1  }
0xb8: {  	[sflag:s29] =	ssyncadd.s32 $0xFFFFFFFF  }
0xb9: {  	_ =	strace $0x90000048  }
0xba: {  	_ =	sfence  }
0xbb: {  	s30 =	sld [smem:$0x0];
	_ =	sdelay $0x2  }
0xbc: {  	s31 =	sshll.u32 s1, $0xD;
	s1 =	sshrl.u32 s1, $0x2  }
0xbd: {  	s3 =	sand.u32 $0x4000, s31;
	s1 =	sadd.s32 s1, s30  }
0xbe: {  	s0 =	sor.u32 s3, s0;
	s1 =	sshll.u32 s1, $0x11  }
0xbf: {  	s0 =	sor.u32 s1, s0  }
0xc0: {  	s0 =	sadd.s32 $0x8F2B, s0  }
0xc1: {  	[sflag:s0] =	ssyncadd.remote.s32 $0x1  }
0xc2: {  	_ =	sfence.sel $0xFFFF  }
0xc3: {  	[dreg:$0x0] =	wrdreg $0xFFFFFFFF;
	(pc) =	sbr.abs _section_cstart, $3  }
0xc4: {  	[dreg:$0x1] =	wrdreg $0xFFFFFFFF  }
0xc5: {  	_ =	task.clear_ibuf [dreg:s9], $0x2FFFF;
	_ =	strace $0x9FFFFFFF  }
0xc6: {  	(tm) =	ssettm $0x7FFFFFFF  }
0xc7: {  	_ =	shalt  }
tec
execute0_lowered:
.L_overlay_start_1:
0x0: {  	(tag) =	ssettag $0x1  }
0x1: {  	s1 =	srdreg.scid;
	s2 =	stileid.u32  }
0x2: {  	s1 =	sand.u32 $0x1, s1;
	s2 =	sshll.u32 s2, $0x1  }
0x3: {  	s0 =	rddreg [dreg:$0x0];
	s2 =	sor.u32 s1, s2  }
0x4: {  	s5 =	rddreg [dreg:$0x2];
	s6 =	smul.u32 $0xC40, s2  }
0x5: {  	s4 =	rddreg [dreg:$0x3];
	s3 =	simm.s32 $0x0  }
0x6: {  	[smem:$0x7FF] =	sst s3;
	s2 =	sshll.u32 s2, $0x6;
	s7 =	smin.u32 s6, $0x17A60  }
0x7: {  	s2 =	sadd.s32 s2, s4;
	s8 =	sshrl.u32 s7, $0x3;
	s10 =	sshll.u32 s7, $0x4  }
0x8: {  	s9 =	sadd.s32 s8, s4;
	s4 =	sadd.s32 s0, s10;
	s14 =	sadd.s32 s5, s8  }
0x9: {  	_ =	strace $0x80000047;
	[dreg:$0x5] =	wrdreg s14;
	s15 =	sadd.s32 $0xE00, s4  }
0xa: {  	s16 =	sadd.s32 $0x1C00, s4;
	[dreg:$0x6] =	wrdreg s15  }
0xb: {  	s28 =	simm.s32 $0x7000;
	s17 =	sadd.s32 $0x2A00, s4;
	[dreg:$0x7] =	wrdreg s16  }
0xc: {  	s29 =	simm.s32 $0x1;
	s18 =	sadd.s32 $0x3800, s4;
	[dreg:$0x8] =	wrdreg s17  }
0xd: {  	s30 =	simm.s32 $0xF980;
	s19 =	sadd.s32 $0x4600, s4;
	[dreg:$0x9] =	wrdreg s18  }
0xe: {  	s31 =	simm.s32 $0x2;
	s20 =	sadd.s32 $0x5400, s4;
	[dreg:$0xa] =	wrdreg s19  }
0xf: {  	s1 =	ssub.s32 $0x2, s1;
	s21 =	sadd.s32 $0x6200, s4;
	[dreg:$0xb] =	wrdreg s20  }
0x10: {  	v0 =	vimm.f32 $-1.000000020e+30;
	s13 =	sshrl.u32 s1, $0x1;
	s22 =	sadd.s32 $0x7000, s4;
	[dreg:$0xc] =	wrdreg s21  }
0x11: {  	(xrf0) =	vmax.scan.msk.f32 $0xffff, v0;
	s1 =	ssub.s32 s1, s13;
	s23 =	sadd.s32 $0x7E00, s4;
	[dreg:$0xd] =	wrdreg s22  }
0x12: {  	s6 =	ssub.s32 s6, s7;
	s24 =	sadd.s32 $0x8C00, s4;
	[dreg:$0xe] =	wrdreg s23  }
0x13: {  	s0 =	simm.s32 $0xE080;
	s25 =	sadd.s32 $0x9A00, s4;
	[dreg:$0xf] =	wrdreg s24  }
0x14: {  	s5 =	simm.s32 $0x0;
	s26 =	sadd.s32 $0xA800, s4;
	[dreg:$0x10] =	wrdreg s25  }
0x15: {  	[dreg:$0x11] =	wrdreg s26;
	s18 =	sadd.s32 $0xB600, s4;
	s19 =	sadd.s32 $0x1000, s9  }
0x16: {  	v3 =	vlaneseq.u32;
	v4 =	vimm.f32 $0.0e+00;
	v8 =	vimm.s32 $0x0;
	s20 =	sadd.s32 $0x4200, s2;
	s21 =	sadd.s32 $0x4A00, s2;
	s22 =	sadd.s32 $0x5200, s2  }
0x17: {  	v9 =	vimm.s32 $0xC40;
	v5 =	vmul.u32 $0x10, v3;
	v6 =	vor.u32 $0x10, v3;
	s23 =	smax.u32 s1, $0x1;
	s25 =	simm.s32 $0x3;
	v2, _, _ =	vpop (xrf0);
	s1 =	simm.s32 $0x16780  }
0x18: {  	v7 =	vadd.s32 $0xF, v3;
	v1 =	vmov s6;
	s24 =	simm.s32 $0x10780;
	s26 =	simm.s32 $0x12780;
	s2 =	simm.s32 $0x14780;
	v2 =	vbroadcast v2, $0xF  }
.LBB2_1:
0x19: {  	s6 =	rddreg [dreg:$0x5];
	s7 =	simm.s32 $0xE090  }
0x1a: {  	[tilespmem:s7], [sflag:$0x3] =	stream.linear.gather [hbm4b:s6+s3], $0xC40, $0x38;
	[tilespmem:$0x17000] =	vst v63  }
0x1b: {  	_ =	swait.ge [sflag:s25], $0xC40  }
0x1c: {  	[sflag:s25] =	ssyncset.done $0x0  }
0x1d: {  	[sflag:s25] =	ssyncadd.s32 $0xFFFFF3C0  }
0x1e: {  	s17 =	simm.s32 $0xE000;
	s16 =	rddreg [dreg:$0x1]  }
0x1f: {  	[tilespmem:s17], [sflag:$0x3] =	stream.linear.gather [hbm4b:s16+s3], $0x80, $0x38;
	[tilespmem:$0x17000] =	vst v63  }
0x20: {  	_ =	swait.ge [sflag:s25], $0x80  }
0x21: {  	[sflag:s25] =	ssyncset.done $0x0  }
0x22: {  	s6 =	simm.s32 $0x40;
	s7 =	simm.s32 $0x0;
	[sflag:s25] =	ssyncadd.s32 $0xFFFFFF80  }
.LBB2_2:
0x23: {  	p0 =	sne.s32 s6, $0x7FC0;
	[tilespmem:s7+$0x14780] =	vst v4;
	s8 =	smov.u32 s6;
	s6 =	sadd.s32 $0x40, s6  }
.Ltmp0:
0x24: {  	[tilespmem:s7+$0x10780] =	vst v0;
	(pc) =	sbr.rel @p0 .LBB2_2-.Ltmp0, $2  }
0x25: {  	[tilespmem:s7+$0x12780] =	vst v4;
	_ =	sdelay $0x2  }
0x26: {  	s7 =	sshra.s32 s8, $0x2  }
0x27: {  	[tilespmem:s7+$0x14780] =	vst v4  }
0x28: {  	[tilespmem:s7+$0x10780] =	vst v0  }
0x29: {  	[tilespmem:s7+$0x12780] =	vst v4  }
0x2a: {  	v16 =	vld [tilespmem:$0xE000]  }
0x2b: {  	v17 =	vld [tilespmem:$0xE010]  }
0x2c: {  	v15 =	vld [tilespmem:$0xE020]  }
0x2d: {  	v14 =	vld [tilespmem:$0xE030]  }
0x2e: {  	v13 =	vld [tilespmem:$0xE040]  }
0x2f: {  	v12 =	vld [tilespmem:$0xE050]  }
0x30: {  	s6 =	simm.s32 $0x0;
	v11 =	vld [tilespmem:$0xE060]  }
0x31: {  	v10 =	vld [tilespmem:$0xE070];
	[tilespmem:s6], [sflag:$0x1] =	stream.linear.gather [hbm4b:s4+s6], $0x7000, $0x38  }
0x32: {  	s17 =	rddreg [dreg:$0x6]  }
0x33: {  	[tilespmem:s28], [sflag:$0x2] =	stream.linear.gather [hbm4b:s17+s6], $0x7000, $0x38;
	[tilespmem:$0x17000] =	vst v63  }
0x34: {  	_ =	swait.ge [sflag:s29], $0x7000  }
0x35: {  	[sflag:s29] =	ssyncset.done $0x0  }
0x36: {  	s8 =	simm.s32 $0x40;
	[sflag:s29] =	ssyncadd.s32 $0xFFFF9000  }
0x37: {  	v18 =	vld [tilespmem:s8+$0xFFFFFFC0]  }
0x38: {  	s9 =	simm.s32 $0x40;
	s7 =	simm.s32 $0x0;
	v19 =	vld [tilespmem:s8+$0xFFFFFFD0]  }
.LBB2_4:
0x39: {  	p0 =	sne.s32 s9, $0x37C0  }
0x3a: {  	v20 =	vld [tilespmem:s8+$0xFFFFFFE0];
	_ =	sdelay $0x1  }
0x3b: {  	v21 =	vld [tilespmem:s8+$0xFFFFFFF0]  }
0x3c: {  	v18 =	vmul.f32 v18, v16;
	v19 =	vmul.f32 v19, v17  }
0x3d: {  	v22 =	vld [tilespmem:s8+$0x0]  }
0x3e: {  	v18 =	vadd.f32 v19, v18;
	v19 =	vmul.f32 v20, v15  }
0x3f: {  	v20 =	vld [tilespmem:s8+$0x10]  }
0x40: {  	v18 =	vadd.f32 v19, v18;
	v19 =	vmul.f32 v21, v14  }
0x41: {  	v21 =	vld [tilespmem:s8+$0x20]  }
0x42: {  	v18 =	vadd.f32 v19, v18;
	v19 =	vmul.f32 v22, v13  }
0x43: {  	v22 =	vld [tilespmem:s8+$0x30]  }
0x44: {  	v18 =	vadd.f32 v19, v18;
	v19 =	vmul.f32 v20, v12;
	_ =	sdelay $0x1  }
0x45: {  	v18 =	vadd.f32 v19, v18;
	v19 =	vmul.f32 v21, v11;
	_ =	sdelay $0x1  }
0x46: {  	v18 =	vadd.f32 v19, v18;
	v19 =	vmul.f32 v22, v10;
	_ =	sdelay $0x1  }
0x47: {  	v18 =	vadd.f32 v19, v18;
	_ =	sdelay $0x1  }
0x48: {  	(xrf2) =	vadd.scan.msk.f32 $0xffff, v18;
	_ =	sdelay $0x8  }
.Ltmp1:
0x49: {  	(pc) =	sbr.rel @p0 .LBB2_4-.Ltmp1, $4  }
0x4a: {  	s10 =	sshra.s32 s7, $0x2;
	s7 =	smov.u32 s9;
	v18, _, _ =	vpop (xrf2)  }
0x4b: {  	s8 =	sadd.s32 $0x80, s8;
	[tilespmem:s10+$0xF980] =	vst v18  }
0x4c: {  	v18 =	vld [tilespmem:s8+$0xFFFFFFC0]  }
0x4d: {  	s9 =	sadd.s32 $0x40, s9;
	v19 =	vld [tilespmem:s8+$0xFFFFFFD0]  }
0x4e: {  	_ = 	snop  }
0x4f: {  	v20 =	vld [tilespmem:s8+$0xFFFFFFE0];
	_ =	sdelay $0x1  }
0x50: {  	v21 =	vld [tilespmem:s8+$0xFFFFFFF0]  }
0x51: {  	v18 =	vmul.f32 v18, v16;
	v19 =	vmul.f32 v19, v17  }
0x52: {  	v22 =	vld [tilespmem:s8+$0x0]  }
0x53: {  	v18 =	vadd.f32 v19, v18;
	v19 =	vmul.f32 v20, v15  }
0x54: {  	v20 =	vld [tilespmem:s8+$0x10]  }
0x55: {  	v18 =	vadd.f32 v19, v18;
	v19 =	vmul.f32 v21, v14  }
0x56: {  	v62 =	vld [tilespmem:s8+$0x20]  }
0x57: {  	v18 =	vadd.f32 v19, v18;
	v19 =	vmul.f32 v22, v13  }
0x58: {  	v63 =	vld [tilespmem:s8+$0x30]  }
0x59: {  	v18 =	vadd.f32 v19, v18;
	v19 =	vmul.f32 v20, v12;
	_ =	sdelay $0x1  }
0x5a: {  	v18 =	vadd.f32 v19, v18;
	v19 =	vmul.f32 v62, v11;
	_ =	sdelay $0x1  }
0x5b: {  	v18 =	vadd.f32 v19, v18;
	v19 =	vmul.f32 v63, v10;
	_ =	sdelay $0x1  }
0x5c: {  	v18 =	vadd.f32 v19, v18;
	_ =	sdelay $0x1  }
0x5d: {  	(xrf2) =	vadd.scan.msk.f32 $0xffff, v18;
	_ =	sdelay $0x3  }
0x5e: {  	v18 =	vmov s6  }
0x5f: {  	v18 =	vshll.u32 v18, $0x4  }
0x60: {  	v18 =	vor.u32 v5, v18  }
0x61: {  	v18 =	vor.u32 $0xF, v18;
	_ =	sdelay $0x2  }
0x62: {  	s15 =	sshra.s32 s7, $0x2;
	v19, _, _ =	vpop (xrf2)  }
0x63: {  	s16 =	simm.s32 $0x10;
	[tilespmem:s15+$0xF980] =	vst v19  }
0x64: {  	v20 =	vld.idx.msk [tilespmem:v18+s30+$0x0], $0xffff;
	v18 =	vmov s16  }
0x65: {  	v18 =	vshll.u32 v18, $0x4  }
0x66: {  	v18 =	vor.u32 v5, v18  }
0x67: {  	v18 =	vor.u32 $0xF, v18;
	_ =	sdelay $0x2  }
0x68: {  	s17 =	simm.s32 $0x20;
	s6 =	simm.s32 $0xED00  }
0x69: {  	s7 =	simm.s32 $0x30;
	v19 =	vmov s17;
	[tilespmem:s6+$0x0] =	vst v20  }
.LBB2_6:
0x6a: {  	p0 =	sne.s32 s7, $0xD0;
	v19 =	vshll.u32 v19, $0x4;
	v20 =	vld.idx.msk [tilespmem:v18+s30+$0x0], $0xffff  }
0x6b: {  	v18 =	vor.u32 v5, v19  }
.Ltmp2:
0x6c: {  	v18 =	vor.u32 $0xF, v18;
	(pc) =	sbr.rel @p0 .LBB2_6-.Ltmp2, $3  }
0x6d: {  	_ =	sdelay $0x1  }
0x6e: {  	s6 =	sadd.s32 $0x10, s6  }
0x6f: {  	v19 =	vmov s7;
	s7 =	sadd.s32 $0x10, s7;
	[tilespmem:s6+$0x0] =	vst v20  }
0x70: {  	_ =	sdelay $0x2  }
0x71: {  	v19 =	vshll.u32 v19, $0x4  }
0x72: {  	v18 =	vld.idx.msk [tilespmem:v18+s30+$0x0], $0xffff;
	v19 =	vor.u32 v5, v19  }
0x73: {  	v19 =	vor.u32 $0xF, v19;
	_ =	sdelay $0x2  }
0x74: {  	s6 =	sadd.s32 $0x10, s6  }
0x75: {  	[tilespmem:s6+$0x0] =	vst v18  }
0x76: {  	v18 =	vld.idx.msk [tilespmem:v19+s30+$0x0], $0xffff;
	_ =	sdelay $0x3  }
0x77: {  	s6 =	sadd.s32 $0x10, s6  }
0x78: {  	s7 =	rddreg [dreg:$0x7];
	[tilespmem:s6+$0x0] =	vst v18;
	s6 =	simm.s32 $0x0  }
0x79: {  	[tilespmem:s6], [sflag:$0x1] =	stream.linear.gather [hbm4b:s7+s6], $0x7000, $0x38;
	[tilespmem:$0x17000] =	vst v63  }
0x7a: {  	_ =	swait.ge [sflag:s31], $0x7000  }
0x7b: {  	[sflag:s31] =	ssyncset.done $0x0  }
0x7c: {  	s8 =	simm.s32 $0x7040;
	[sflag:s31] =	ssyncadd.s32 $0xFFFF9000  }
0x7d: {  	v18 =	vld [tilespmem:s8+$0xFFFFFFC0]  }
0x7e: {  	s9 =	simm.s32 $0x40;
	s7 =	simm.s32 $0x0;
	v19 =	vld [tilespmem:s8+$0xFFFFFFD0]  }
.LBB2_8:
0x7f: {  	p0 =	sne.s32 s9, $0x37C0  }
0x80: {  	v20 =	vld [tilespmem:s8+$0xFFFFFFE0];
	_ =	sdelay $0x1  }
0x81: {  	v21 =	vld [tilespmem:s8+$0xFFFFFFF0]  }
0x82: {  	v18 =	vmul.f32 v18, v16;
	v19 =	vmul.f32 v19, v17  }
0x83: {  	v22 =	vld [tilespmem:s8+$0x0]  }
0x84: {  	v18 =	vadd.f32 v19, v18;
	v19 =	vmul.f32 v20, v15  }
0x85: {  	v20 =	vld [tilespmem:s8+$0x10]  }
0x86: {  	v18 =	vadd.f32 v19, v18;
	v19 =	vmul.f32 v21, v14  }
0x87: {  	v21 =	vld [tilespmem:s8+$0x20]  }
0x88: {  	v18 =	vadd.f32 v19, v18;
	v19 =	vmul.f32 v22, v13  }
0x89: {  	v22 =	vld [tilespmem:s8+$0x30]  }
0x8a: {  	v18 =	vadd.f32 v19, v18;
	v19 =	vmul.f32 v20, v12;
	_ =	sdelay $0x1  }
0x8b: {  	v18 =	vadd.f32 v19, v18;
	v19 =	vmul.f32 v21, v11;
	_ =	sdelay $0x1  }
0x8c: {  	v18 =	vadd.f32 v19, v18;
	v19 =	vmul.f32 v22, v10;
	_ =	sdelay $0x1  }
0x8d: {  	v18 =	vadd.f32 v19, v18;
	_ =	sdelay $0x1  }
0x8e: {  	(xrf2) =	vadd.scan.msk.f32 $0xffff, v18;
	_ =	sdelay $0x8  }
.Ltmp3:
0x8f: {  	(pc) =	sbr.rel @p0 .LBB2_8-.Ltmp3, $4  }
0x90: {  	s10 =	sshra.s32 s7, $0x2;
	s7 =	smov.u32 s9;
	v18, _, _ =	vpop (xrf2)  }
0x91: {  	s8 =	sadd.s32 $0x80, s8;
	[tilespmem:s10+$0xF980] =	vst v18  }
0x92: {  	v18 =	vld [tilespmem:s8+$0xFFFFFFC0]  }
0x93: {  	s9 =	sadd.s32 $0x40, s9;
	v19 =	vld [tilespmem:s8+$0xFFFFFFD0]  }
0x94: {  	_ = 	snop  }
0x95: {  	v20 =	vld [tilespmem:s8+$0xFFFFFFE0];
	_ =	sdelay $0x1  }
0x96: {  	v21 =	vld [tilespmem:s8+$0xFFFFFFF0]  }
0x97: {  	v18 =	vmul.f32 v18, v16;
	v19 =	vmul.f32 v19, v17  }
0x98: {  	v22 =	vld [tilespmem:s8+$0x0]  }
0x99: {  	v18 =	vadd.f32 v19, v18;
	v19 =	vmul.f32 v20, v15  }
0x9a: {  	v20 =	vld [tilespmem:s8+$0x10]  }
0x9b: {  	v18 =	vadd.f32 v19, v18;
	v19 =	vmul.f32 v21, v14  }
0x9c: {  	v62 =	vld [tilespmem:s8+$0x20]  }
0x9d: {  	v18 =	vadd.f32 v19, v18;
	v19 =	vmul.f32 v22, v13  }
0x9e: {  	v63 =	vld [tilespmem:s8+$0x30]  }
0x9f: {  	v18 =	vadd.f32 v19, v18;
	v19 =	vmul.f32 v20, v12;
	_ =	sdelay $0x1  }
0xa0: {  	v18 =	vadd.f32 v19, v18;
	v19 =	vmul.f32 v62, v11;
	_ =	sdelay $0x1  }
0xa1: {  	v18 =	vadd.f32 v19, v18;
	v19 =	vmul.f32 v63, v10;
	_ =	sdelay $0x1  }
0xa2: {  	v18 =	vadd.f32 v19, v18;
	_ =	sdelay $0x1  }
0xa3: {  	(xrf2) =	vadd.scan.msk.f32 $0xffff, v18;
	_ =	sdelay $0x3  }
0xa4: {  	v18 =	vmov s6  }
0xa5: {  	v18 =	vshll.u32 v18, $0x4  }
0xa6: {  	v18 =	vor.u32 v5, v18  }
0xa7: {  	v18 =	vor.u32 $0xF, v18;
	_ =	sdelay $0x2  }
0xa8: {  	s15 =	sshra.s32 s7, $0x2;
	v19, _, _ =	vpop (xrf2)  }
0xa9: {  	s16 =	simm.s32 $0x10;
	[tilespmem:s15+$0xF980] =	vst v19  }
0xaa: {  	v20 =	vld.idx.msk [tilespmem:v18+s30+$0x0], $0xffff;
	v18 =	vmov s16  }
0xab: {  	v18 =	vshll.u32 v18, $0x4  }
0xac: {  	v18 =	vor.u32 v5, v18  }
0xad: {  	v18 =	vor.u32 $0xF, v18;
	_ =	sdelay $0x2  }
0xae: {  	s17 =	simm.s32 $0x20;
	s6 =	simm.s32 $0xEDE0  }
0xaf: {  	s7 =	simm.s32 $0x30;
	v19 =	vmov s17;
	[tilespmem:s6+$0x0] =	vst v20  }
.LBB2_10:
0xb0: {  	p0 =	sne.s32 s7, $0xD0;
	v19 =	vshll.u32 v19, $0x4;
	v20 =	vld.idx.msk [tilespmem:v18+s30+$0x0], $0xffff  }
0xb1: {  	v18 =	vor.u32 v5, v19  }
.Ltmp4:
0xb2: {  	v18 =	vor.u32 $0xF, v18;
	(pc) =	sbr.rel @p0 .LBB2_10-.Ltmp4, $3  }
0xb3: {  	_ =	sdelay $0x1  }
0xb4: {  	s6 =	sadd.s32 $0x10, s6  }
0xb5: {  	v19 =	vmov s7;
	s7 =	sadd.s32 $0x10, s7;
	[tilespmem:s6+$0x0] =	vst v20  }
0xb6: {  	_ =	sdelay $0x2  }
0xb7: {  	v19 =	vshll.u32 v19, $0x4  }
0xb8: {  	v18 =	vld.idx.msk [tilespmem:v18+s30+$0x0], $0xffff;
	v19 =	vor.u32 v5, v19  }
0xb9: {  	v19 =	vor.u32 $0xF, v19;
	_ =	sdelay $0x2  }
0xba: {  	s6 =	sadd.s32 $0x10, s6  }
0xbb: {  	[tilespmem:s6+$0x0] =	vst v18  }
0xbc: {  	v18 =	vld.idx.msk [tilespmem:v19+s30+$0x0], $0xffff;
	_ =	sdelay $0x3  }
0xbd: {  	s6 =	sadd.s32 $0x10, s6  }
0xbe: {  	s7 =	rddreg [dreg:$0x8];
	[tilespmem:s6+$0x0] =	vst v18;
	s6 =	simm.s32 $0x0  }
0xbf: {  	[tilespmem:s28], [sflag:$0x2] =	stream.linear.gather [hbm4b:s7+s6], $0x7000, $0x38;
	[tilespmem:$0x17000] =	vst v63  }
0xc0: {  	_ =	swait.ge [sflag:s29], $0x7000  }
0xc1: {  	[sflag:s29] =	ssyncset.done $0x0  }
0xc2: {  	s8 =	simm.s32 $0x40;
	[sflag:s29] =	ssyncadd.s32 $0xFFFF9000  }
0xc3: {  	v18 =	vld [tilespmem:s8+$0xFFFFFFC0]  }
0xc4: {  	s9 =	simm.s32 $0x40;
	s7 =	simm.s32 $0x0;
	v19 =	vld [tilespmem:s8+$0xFFFFFFD0]  }
.LBB2_12:
0xc5: {  	p0 =	sne.s32 s9, $0x37C0  }
0xc6: {  	v20 =	vld [tilespmem:s8+$0xFFFFFFE0];
	_ =	sdelay $0x1  }
0xc7: {  	v21 =	vld [tilespmem:s8+$0xFFFFFFF0]  }
0xc8: {  	v18 =	vmul.f32 v18, v16;
	v19 =	vmul.f32 v19, v17  }
0xc9: {  	v22 =	vld [tilespmem:s8+$0x0]  }
0xca: {  	v18 =	vadd.f32 v19, v18;
	v19 =	vmul.f32 v20, v15  }
0xcb: {  	v20 =	vld [tilespmem:s8+$0x10]  }
0xcc: {  	v18 =	vadd.f32 v19, v18;
	v19 =	vmul.f32 v21, v14  }
0xcd: {  	v21 =	vld [tilespmem:s8+$0x20]  }
0xce: {  	v18 =	vadd.f32 v19, v18;
	v19 =	vmul.f32 v22, v13  }
0xcf: {  	v22 =	vld [tilespmem:s8+$0x30]  }
0xd0: {  	v18 =	vadd.f32 v19, v18;
	v19 =	vmul.f32 v20, v12;
	_ =	sdelay $0x1  }
0xd1: {  	v18 =	vadd.f32 v19, v18;
	v19 =	vmul.f32 v21, v11;
	_ =	sdelay $0x1  }
0xd2: {  	v18 =	vadd.f32 v19, v18;
	v19 =	vmul.f32 v22, v10;
	_ =	sdelay $0x1  }
0xd3: {  	v18 =	vadd.f32 v19, v18;
	_ =	sdelay $0x1  }
0xd4: {  	(xrf2) =	vadd.scan.msk.f32 $0xffff, v18;
	_ =	sdelay $0x8  }
.Ltmp5:
0xd5: {  	(pc) =	sbr.rel @p0 .LBB2_12-.Ltmp5, $4  }
0xd6: {  	s10 =	sshra.s32 s7, $0x2;
	s7 =	smov.u32 s9;
	v18, _, _ =	vpop (xrf2)  }
0xd7: {  	s8 =	sadd.s32 $0x80, s8;
	[tilespmem:s10+$0xF980] =	vst v18  }
0xd8: {  	v18 =	vld [tilespmem:s8+$0xFFFFFFC0]  }
0xd9: {  	s9 =	sadd.s32 $0x40, s9;
	v19 =	vld [tilespmem:s8+$0xFFFFFFD0]  }
0xda: {  	_ = 	snop  }
0xdb: {  	v20 =	vld [tilespmem:s8+$0xFFFFFFE0];
	_ =	sdelay $0x1  }
0xdc: {  	v21 =	vld [tilespmem:s8+$0xFFFFFFF0]  }
0xdd: {  	v18 =	vmul.f32 v18, v16;
	v19 =	vmul.f32 v19, v17  }
0xde: {  	v22 =	vld [tilespmem:s8+$0x0]  }
0xdf: {  	v18 =	vadd.f32 v19, v18;
	v19 =	vmul.f32 v20, v15  }
0xe0: {  	v20 =	vld [tilespmem:s8+$0x10]  }
0xe1: {  	v18 =	vadd.f32 v19, v18;
	v19 =	vmul.f32 v21, v14  }
0xe2: {  	v62 =	vld [tilespmem:s8+$0x20]  }
0xe3: {  	v18 =	vadd.f32 v19, v18;
	v19 =	vmul.f32 v22, v13  }
0xe4: {  	v63 =	vld [tilespmem:s8+$0x30]  }
0xe5: {  	v18 =	vadd.f32 v19, v18;
	v19 =	vmul.f32 v20, v12;
	_ =	sdelay $0x1  }
0xe6: {  	v18 =	vadd.f32 v19, v18;
	v19 =	vmul.f32 v62, v11;
	_ =	sdelay $0x1  }
0xe7: {  	v18 =	vadd.f32 v19, v18;
	v19 =	vmul.f32 v63, v10;
	_ =	sdelay $0x1  }
0xe8: {  	v18 =	vadd.f32 v19, v18;
	_ =	sdelay $0x1  }
0xe9: {  	(xrf2) =	vadd.scan.msk.f32 $0xffff, v18;
	_ =	sdelay $0x3  }
0xea: {  	v18 =	vmov s6  }
0xeb: {  	v18 =	vshll.u32 v18, $0x4  }
0xec: {  	v18 =	vor.u32 v5, v18  }
0xed: {  	v18 =	vor.u32 $0xF, v18;
	_ =	sdelay $0x2  }
0xee: {  	s15 =	sshra.s32 s7, $0x2;
	v19, _, _ =	vpop (xrf2)  }
0xef: {  	s16 =	simm.s32 $0x10;
	[tilespmem:s15+$0xF980] =	vst v19  }
0xf0: {  	v20 =	vld.idx.msk [tilespmem:v18+s30+$0x0], $0xffff;
	v18 =	vmov s16  }
0xf1: {  	v18 =	vshll.u32 v18, $0x4  }
0xf2: {  	v18 =	vor.u32 v5, v18  }
0xf3: {  	v18 =	vor.u32 $0xF, v18;
	_ =	sdelay $0x2  }
0xf4: {  	s17 =	simm.s32 $0x20;
	s6 =	simm.s32 $0xEEC0  }
0xf5: {  	s7 =	simm.s32 $0x30;
	v19 =	vmov s17;
	[tilespmem:s6+$0x0] =	vst v20  }
.LBB2_14:
0xf6: {  	p0 =	sne.s32 s7, $0xD0;
	v19 =	vshll.u32 v19, $0x4;
	v20 =	vld.idx.msk [tilespmem:v18+s30+$0x0], $0xffff  }
0xf7: {  	v18 =	vor.u32 v5, v19  }
.Ltmp6:
0xf8: {  	v18 =	vor.u32 $0xF, v18;
	(pc) =	sbr.rel @p0 .LBB2_14-.Ltmp6, $3  }
0xf9: {  	_ =	sdelay $0x1  }
0xfa: {  	s6 =	sadd.s32 $0x10, s6  }
0xfb: {  	v19 =	vmov s7;
	s7 =	sadd.s32 $0x10, s7;
	[tilespmem:s6+$0x0] =	vst v20  }
0xfc: {  	_ =	sdelay $0x2  }
0xfd: {  	v19 =	vshll.u32 v19, $0x4  }
0xfe: {  	v18 =	vld.idx.msk [tilespmem:v18+s30+$0x0], $0xffff;
	v19 =	vor.u32 v5, v19  }
0xff: {  	v19 =	vor.u32 $0xF, v19;
	_ =	sdelay $0x2  }
0x100: {  	s6 =	sadd.s32 $0x10, s6  }
0x101: {  	[tilespmem:s6+$0x0] =	vst v18  }
0x102: {  	v18 =	vld.idx.msk [tilespmem:v19+s30+$0x0], $0xffff;
	_ =	sdelay $0x3  }
0x103: {  	s6 =	sadd.s32 $0x10, s6  }
0x104: {  	s7 =	rddreg [dreg:$0x9];
	[tilespmem:s6+$0x0] =	vst v18;
	s6 =	simm.s32 $0x0  }
0x105: {  	[tilespmem:s6], [sflag:$0x1] =	stream.linear.gather [hbm4b:s7+s6], $0x7000, $0x38;
	[tilespmem:$0x17000] =	vst v63  }
0x106: {  	_ =	swait.ge [sflag:s31], $0x7000  }
0x107: {  	[sflag:s31] =	ssyncset.done $0x0  }
0x108: {  	s8 =	simm.s32 $0x7040;
	[sflag:s31] =	ssyncadd.s32 $0xFFFF9000  }
0x109: {  	v18 =	vld [tilespmem:s8+$0xFFFFFFC0]  }
0x10a: {  	s9 =	simm.s32 $0x40;
	s7 =	simm.s32 $0x0;
	v19 =	vld [tilespmem:s8+$0xFFFFFFD0]  }
.LBB2_16:
0x10b: {  	p0 =	sne.s32 s9, $0x37C0  }
0x10c: {  	v20 =	vld [tilespmem:s8+$0xFFFFFFE0];
	_ =	sdelay $0x1  }
0x10d: {  	v21 =	vld [tilespmem:s8+$0xFFFFFFF0]  }
0x10e: {  	v18 =	vmul.f32 v18, v16;
	v19 =	vmul.f32 v19, v17  }
0x10f: {  	v22 =	vld [tilespmem:s8+$0x0]  }
0x110: {  	v18 =	vadd.f32 v19, v18;
	v19 =	vmul.f32 v20, v15  }
0x111: {  	v20 =	vld [tilespmem:s8+$0x10]  }
0x112: {  	v18 =	vadd.f32 v19, v18;
	v19 =	vmul.f32 v21, v14  }
0x113: {  	v21 =	vld [tilespmem:s8+$0x20]  }
0x114: {  	v18 =	vadd.f32 v19, v18;
	v19 =	vmul.f32 v22, v13  }
0x115: {  	v22 =	vld [tilespmem:s8+$0x30]  }
0x116: {  	v18 =	vadd.f32 v19, v18;
	v19 =	vmul.f32 v20, v12;
	_ =	sdelay $0x1  }
0x117: {  	v18 =	vadd.f32 v19, v18;
	v19 =	vmul.f32 v21, v11;
	_ =	sdelay $0x1  }
0x118: {  	v18 =	vadd.f32 v19, v18;
	v19 =	vmul.f32 v22, v10;
	_ =	sdelay $0x1  }
0x119: {  	v18 =	vadd.f32 v19, v18;
	_ =	sdelay $0x1  }
0x11a: {  	(xrf2) =	vadd.scan.msk.f32 $0xffff, v18;
	_ =	sdelay $0x8  }
.Ltmp7:
0x11b: {  	(pc) =	sbr.rel @p0 .LBB2_16-.Ltmp7, $4  }
0x11c: {  	s10 =	sshra.s32 s7, $0x2;
	s7 =	smov.u32 s9;
	v18, _, _ =	vpop (xrf2)  }
0x11d: {  	s8 =	sadd.s32 $0x80, s8;
	[tilespmem:s10+$0xF980] =	vst v18  }
0x11e: {  	v18 =	vld [tilespmem:s8+$0xFFFFFFC0]  }
0x11f: {  	s9 =	sadd.s32 $0x40, s9;
	v19 =	vld [tilespmem:s8+$0xFFFFFFD0]  }
0x120: {  	_ = 	snop  }
0x121: {  	v20 =	vld [tilespmem:s8+$0xFFFFFFE0];
	_ =	sdelay $0x1  }
0x122: {  	v21 =	vld [tilespmem:s8+$0xFFFFFFF0]  }
0x123: {  	v18 =	vmul.f32 v18, v16;
	v19 =	vmul.f32 v19, v17  }
0x124: {  	v22 =	vld [tilespmem:s8+$0x0]  }
0x125: {  	v18 =	vadd.f32 v19, v18;
	v19 =	vmul.f32 v20, v15  }
0x126: {  	v20 =	vld [tilespmem:s8+$0x10]  }
0x127: {  	v18 =	vadd.f32 v19, v18;
	v19 =	vmul.f32 v21, v14  }
0x128: {  	v62 =	vld [tilespmem:s8+$0x20]  }
0x129: {  	v18 =	vadd.f32 v19, v18;
	v19 =	vmul.f32 v22, v13  }
0x12a: {  	v63 =	vld [tilespmem:s8+$0x30]  }
0x12b: {  	v18 =	vadd.f32 v19, v18;
	v19 =	vmul.f32 v20, v12;
	_ =	sdelay $0x1  }
0x12c: {  	v18 =	vadd.f32 v19, v18;
	v19 =	vmul.f32 v62, v11;
	_ =	sdelay $0x1  }
0x12d: {  	v18 =	vadd.f32 v19, v18;
	v19 =	vmul.f32 v63, v10;
	_ =	sdelay $0x1  }
0x12e: {  	v18 =	vadd.f32 v19, v18;
	_ =	sdelay $0x1  }
0x12f: {  	(xrf2) =	vadd.scan.msk.f32 $0xffff, v18;
	_ =	sdelay $0x3  }
0x130: {  	v18 =	vmov s6  }
0x131: {  	v18 =	vshll.u32 v18, $0x4  }
0x132: {  	v18 =	vor.u32 v5, v18  }
0x133: {  	v18 =	vor.u32 $0xF, v18;
	_ =	sdelay $0x2  }
0x134: {  	s15 =	sshra.s32 s7, $0x2;
	v19, _, _ =	vpop (xrf2)  }
0x135: {  	s16 =	simm.s32 $0x10;
	[tilespmem:s15+$0xF980] =	vst v19  }
0x136: {  	v20 =	vld.idx.msk [tilespmem:v18+s30+$0x0], $0xffff;
	v18 =	vmov s16  }
0x137: {  	v18 =	vshll.u32 v18, $0x4  }
0x138: {  	v18 =	vor.u32 v5, v18  }
0x139: {  	v18 =	vor.u32 $0xF, v18;
	_ =	sdelay $0x2  }
0x13a: {  	s17 =	simm.s32 $0x20;
	s6 =	simm.s32 $0xEFA0  }
0x13b: {  	s7 =	simm.s32 $0x30;
	v19 =	vmov s17;
	[tilespmem:s6+$0x0] =	vst v20  }
.LBB2_18:
0x13c: {  	p0 =	sne.s32 s7, $0xD0;
	v19 =	vshll.u32 v19, $0x4;
	v20 =	vld.idx.msk [tilespmem:v18+s30+$0x0], $0xffff  }
0x13d: {  	v18 =	vor.u32 v5, v19  }
.Ltmp8:
0x13e: {  	v18 =	vor.u32 $0xF, v18;
	(pc) =	sbr.rel @p0 .LBB2_18-.Ltmp8, $3  }
0x13f: {  	_ =	sdelay $0x1  }
0x140: {  	s6 =	sadd.s32 $0x10, s6  }
0x141: {  	v19 =	vmov s7;
	s7 =	sadd.s32 $0x10, s7;
	[tilespmem:s6+$0x0] =	vst v20  }
0x142: {  	_ =	sdelay $0x2  }
0x143: {  	v19 =	vshll.u32 v19, $0x4  }
0x144: {  	v18 =	vld.idx.msk [tilespmem:v18+s30+$0x0], $0xffff;
	v19 =	vor.u32 v5, v19  }
0x145: {  	v19 =	vor.u32 $0xF, v19;
	_ =	sdelay $0x2  }
0x146: {  	s6 =	sadd.s32 $0x10, s6  }
0x147: {  	[tilespmem:s6+$0x0] =	vst v18  }
0x148: {  	v18 =	vld.idx.msk [tilespmem:v19+s30+$0x0], $0xffff;
	_ =	sdelay $0x3  }
0x149: {  	s6 =	sadd.s32 $0x10, s6  }
0x14a: {  	s7 =	rddreg [dreg:$0xa];
	[tilespmem:s6+$0x0] =	vst v18;
	s6 =	simm.s32 $0x0  }
0x14b: {  	[tilespmem:s28], [sflag:$0x2] =	stream.linear.gather [hbm4b:s7+s6], $0x7000, $0x38;
	[tilespmem:$0x17000] =	vst v63  }
0x14c: {  	_ =	swait.ge [sflag:s29], $0x7000  }
0x14d: {  	[sflag:s29] =	ssyncset.done $0x0  }
0x14e: {  	s8 =	simm.s32 $0x40;
	[sflag:s29] =	ssyncadd.s32 $0xFFFF9000  }
0x14f: {  	v18 =	vld [tilespmem:s8+$0xFFFFFFC0]  }
0x150: {  	s9 =	simm.s32 $0x40;
	s7 =	simm.s32 $0x0;
	v19 =	vld [tilespmem:s8+$0xFFFFFFD0]  }
.LBB2_20:
0x151: {  	p0 =	sne.s32 s9, $0x37C0  }
0x152: {  	v20 =	vld [tilespmem:s8+$0xFFFFFFE0];
	_ =	sdelay $0x1  }
0x153: {  	v21 =	vld [tilespmem:s8+$0xFFFFFFF0]  }
0x154: {  	v18 =	vmul.f32 v18, v16;
	v19 =	vmul.f32 v19, v17  }
0x155: {  	v22 =	vld [tilespmem:s8+$0x0]  }
0x156: {  	v18 =	vadd.f32 v19, v18;
	v19 =	vmul.f32 v20, v15  }
0x157: {  	v20 =	vld [tilespmem:s8+$0x10]  }
0x158: {  	v18 =	vadd.f32 v19, v18;
	v19 =	vmul.f32 v21, v14  }
0x159: {  	v21 =	vld [tilespmem:s8+$0x20]  }
0x15a: {  	v18 =	vadd.f32 v19, v18;
	v19 =	vmul.f32 v22, v13  }
0x15b: {  	v22 =	vld [tilespmem:s8+$0x30]  }
0x15c: {  	v18 =	vadd.f32 v19, v18;
	v19 =	vmul.f32 v20, v12;
	_ =	sdelay $0x1  }
0x15d: {  	v18 =	vadd.f32 v19, v18;
	v19 =	vmul.f32 v21, v11;
	_ =	sdelay $0x1  }
0x15e: {  	v18 =	vadd.f32 v19, v18;
	v19 =	vmul.f32 v22, v10;
	_ =	sdelay $0x1  }
0x15f: {  	v18 =	vadd.f32 v19, v18;
	_ =	sdelay $0x1  }
0x160: {  	(xrf2) =	vadd.scan.msk.f32 $0xffff, v18;
	_ =	sdelay $0x8  }
.Ltmp9:
0x161: {  	(pc) =	sbr.rel @p0 .LBB2_20-.Ltmp9, $4  }
0x162: {  	s10 =	sshra.s32 s7, $0x2;
	s7 =	smov.u32 s9;
	v18, _, _ =	vpop (xrf2)  }
0x163: {  	s8 =	sadd.s32 $0x80, s8;
	[tilespmem:s10+$0xF980] =	vst v18  }
0x164: {  	v18 =	vld [tilespmem:s8+$0xFFFFFFC0]  }
0x165: {  	s9 =	sadd.s32 $0x40, s9;
	v19 =	vld [tilespmem:s8+$0xFFFFFFD0]  }
0x166: {  	_ = 	snop  }
0x167: {  	v20 =	vld [tilespmem:s8+$0xFFFFFFE0];
	_ =	sdelay $0x1  }
0x168: {  	v21 =	vld [tilespmem:s8+$0xFFFFFFF0]  }
0x169: {  	v18 =	vmul.f32 v18, v16;
	v19 =	vmul.f32 v19, v17  }
0x16a: {  	v22 =	vld [tilespmem:s8+$0x0]  }
0x16b: {  	v18 =	vadd.f32 v19, v18;
	v19 =	vmul.f32 v20, v15  }
0x16c: {  	v20 =	vld [tilespmem:s8+$0x10]  }
0x16d: {  	v18 =	vadd.f32 v19, v18;
	v19 =	vmul.f32 v21, v14  }
0x16e: {  	v62 =	vld [tilespmem:s8+$0x20]  }
0x16f: {  	v18 =	vadd.f32 v19, v18;
	v19 =	vmul.f32 v22, v13  }
0x170: {  	v63 =	vld [tilespmem:s8+$0x30]  }
0x171: {  	v18 =	vadd.f32 v19, v18;
	v19 =	vmul.f32 v20, v12;
	_ =	sdelay $0x1  }
0x172: {  	v18 =	vadd.f32 v19, v18;
	v19 =	vmul.f32 v62, v11;
	_ =	sdelay $0x1  }
0x173: {  	v18 =	vadd.f32 v19, v18;
	v19 =	vmul.f32 v63, v10;
	_ =	sdelay $0x1  }
0x174: {  	v18 =	vadd.f32 v19, v18;
	_ =	sdelay $0x1  }
0x175: {  	(xrf2) =	vadd.scan.msk.f32 $0xffff, v18;
	_ =	sdelay $0x3  }
0x176: {  	v18 =	vmov s6  }
0x177: {  	v18 =	vshll.u32 v18, $0x4  }
0x178: {  	v18 =	vor.u32 v5, v18  }
0x179: {  	v18 =	vor.u32 $0xF, v18;
	_ =	sdelay $0x2  }
0x17a: {  	s17 =	sshra.s32 s7, $0x2;
	s7 =	simm.s32 $0x10;
	v19, _, _ =	vpop (xrf2)  }
0x17b: {  	s8 =	simm.s32 $0x20;
	[tilespmem:s17+$0xF980] =	vst v19;
	v19 =	vmov s7  }
.LBB2_22:
0x17c: {  	p0 =	sne.s32 s8, $0xD0;
	v19 =	vshll.u32 v19, $0x4;
	v20 =	vld.idx.msk [tilespmem:v18+s30+$0x0], $0xffff  }
0x17d: {  	v18 =	vor.u32 v5, v19  }
.Ltmp10:
0x17e: {  	v18 =	vor.u32 $0xF, v18;
	(pc) =	sbr.rel @p0 .LBB2_22-.Ltmp10, $3  }
0x17f: {  	_ =	sdelay $0x1  }
0x180: {  	s9 =	sand.u32 $0xF0, s6;
	s6 =	smov.u32 s7;
	s7 =	smov.u32 s8  }
0x181: {  	s8 =	sadd.s32 $0x10, s8;
	v19 =	vmov s7;
	[tilespmem:s9+$0xF080] =	vst v20  }
0x182: {  	_ =	sdelay $0x2  }
0x183: {  	v19 =	vshll.u32 v19, $0x4  }
0x184: {  	v18 =	vld.idx.msk [tilespmem:v18+s30+$0x0], $0xffff;
	v19 =	vor.u32 v5, v19  }
0x185: {  	v19 =	vor.u32 $0xF, v19;
	_ =	sdelay $0x2  }
0x186: {  	s6 =	sand.u32 $0xF0, s6  }
0x187: {  	[tilespmem:s6+$0xF080] =	vst v18  }
0x188: {  	v18 =	vld.idx.msk [tilespmem:v19+s30+$0x0], $0xffff;
	_ =	sdelay $0x3  }
0x189: {  	s16 =	sand.u32 $0xF0, s7  }
0x18a: {  	s17 =	rddreg [dreg:$0xb];
	s6 =	simm.s32 $0x0;
	[tilespmem:s16+$0xF080] =	vst v18  }
0x18b: {  	[tilespmem:s6], [sflag:$0x1] =	stream.linear.gather [hbm4b:s17+s6], $0x7000, $0x38;
	[tilespmem:$0x17000] =	vst v63  }
0x18c: {  	_ =	swait.ge [sflag:s31], $0x7000  }
0x18d: {  	[sflag:s31] =	ssyncset.done $0x0  }
0x18e: {  	s8 =	simm.s32 $0x7040;
	[sflag:s31] =	ssyncadd.s32 $0xFFFF9000  }
0x18f: {  	v18 =	vld [tilespmem:s8+$0xFFFFFFC0]  }
0x190: {  	s9 =	simm.s32 $0x40;
	s7 =	simm.s32 $0x0;
	v19 =	vld [tilespmem:s8+$0xFFFFFFD0]  }
.LBB2_24:
0x191: {  	p0 =	sne.s32 s9, $0x37C0  }
0x192: {  	v20 =	vld [tilespmem:s8+$0xFFFFFFE0];
	_ =	sdelay $0x1  }
0x193: {  	v21 =	vld [tilespmem:s8+$0xFFFFFFF0]  }
0x194: {  	v18 =	vmul.f32 v18, v16;
	v19 =	vmul.f32 v19, v17  }
0x195: {  	v22 =	vld [tilespmem:s8+$0x0]  }
0x196: {  	v18 =	vadd.f32 v19, v18;
	v19 =	vmul.f32 v20, v15  }
0x197: {  	v20 =	vld [tilespmem:s8+$0x10]  }
0x198: {  	v18 =	vadd.f32 v19, v18;
	v19 =	vmul.f32 v21, v14  }
0x199: {  	v21 =	vld [tilespmem:s8+$0x20]  }
0x19a: {  	v18 =	vadd.f32 v19, v18;
	v19 =	vmul.f32 v22, v13  }
0x19b: {  	v22 =	vld [tilespmem:s8+$0x30]  }
0x19c: {  	v18 =	vadd.f32 v19, v18;
	v19 =	vmul.f32 v20, v12;
	_ =	sdelay $0x1  }
0x19d: {  	v18 =	vadd.f32 v19, v18;
	v19 =	vmul.f32 v21, v11;
	_ =	sdelay $0x1  }
0x19e: {  	v18 =	vadd.f32 v19, v18;
	v19 =	vmul.f32 v22, v10;
	_ =	sdelay $0x1  }
0x19f: {  	v18 =	vadd.f32 v19, v18;
	_ =	sdelay $0x1  }
0x1a0: {  	(xrf2) =	vadd.scan.msk.f32 $0xffff, v18;
	_ =	sdelay $0x8  }
.Ltmp11:
0x1a1: {  	(pc) =	sbr.rel @p0 .LBB2_24-.Ltmp11, $4  }
0x1a2: {  	s10 =	sshra.s32 s7, $0x2;
	s7 =	smov.u32 s9;
	v18, _, _ =	vpop (xrf2)  }
0x1a3: {  	s8 =	sadd.s32 $0x80, s8;
	[tilespmem:s10+$0xF980] =	vst v18  }
0x1a4: {  	v18 =	vld [tilespmem:s8+$0xFFFFFFC0]  }
0x1a5: {  	s9 =	sadd.s32 $0x40, s9;
	v19 =	vld [tilespmem:s8+$0xFFFFFFD0]  }
0x1a6: {  	_ = 	snop  }
0x1a7: {  	v20 =	vld [tilespmem:s8+$0xFFFFFFE0];
	_ =	sdelay $0x1  }
0x1a8: {  	v21 =	vld [tilespmem:s8+$0xFFFFFFF0]  }
0x1a9: {  	v18 =	vmul.f32 v18, v16;
	v19 =	vmul.f32 v19, v17  }
0x1aa: {  	v22 =	vld [tilespmem:s8+$0x0]  }
0x1ab: {  	v18 =	vadd.f32 v19, v18;
	v19 =	vmul.f32 v20, v15  }
0x1ac: {  	v20 =	vld [tilespmem:s8+$0x10]  }
0x1ad: {  	v18 =	vadd.f32 v19, v18;
	v19 =	vmul.f32 v21, v14  }
0x1ae: {  	v62 =	vld [tilespmem:s8+$0x20]  }
0x1af: {  	v18 =	vadd.f32 v19, v18;
	v19 =	vmul.f32 v22, v13  }
0x1b0: {  	v63 =	vld [tilespmem:s8+$0x30]  }
0x1b1: {  	v18 =	vadd.f32 v19, v18;
	v19 =	vmul.f32 v20, v12;
	_ =	sdelay $0x1  }
0x1b2: {  	v18 =	vadd.f32 v19, v18;
	v19 =	vmul.f32 v62, v11;
	_ =	sdelay $0x1  }
0x1b3: {  	v18 =	vadd.f32 v19, v18;
	v19 =	vmul.f32 v63, v10;
	_ =	sdelay $0x1  }
0x1b4: {  	v18 =	vadd.f32 v19, v18;
	_ =	sdelay $0x1  }
0x1b5: {  	(xrf2) =	vadd.scan.msk.f32 $0xffff, v18;
	_ =	sdelay $0x3  }
0x1b6: {  	v18 =	vmov s6  }
0x1b7: {  	v18 =	vshll.u32 v18, $0x4  }
0x1b8: {  	v18 =	vor.u32 v5, v18  }
0x1b9: {  	v18 =	vor.u32 $0xF, v18;
	_ =	sdelay $0x2  }
0x1ba: {  	s15 =	sshra.s32 s7, $0x2;
	v19, _, _ =	vpop (xrf2)  }
0x1bb: {  	s16 =	simm.s32 $0x10;
	[tilespmem:s15+$0xF980] =	vst v19  }
0x1bc: {  	v20 =	vld.idx.msk [tilespmem:v18+s30+$0x0], $0xffff;
	v18 =	vmov s16  }
0x1bd: {  	v18 =	vshll.u32 v18, $0x4  }
0x1be: {  	v18 =	vor.u32 v5, v18  }
0x1bf: {  	v18 =	vor.u32 $0xF, v18;
	_ =	sdelay $0x2  }
0x1c0: {  	s17 =	simm.s32 $0x20;
	s6 =	simm.s32 $0xF160  }
0x1c1: {  	s7 =	simm.s32 $0x30;
	v19 =	vmov s17;
	[tilespmem:s6+$0x0] =	vst v20  }
.LBB2_26:
0x1c2: {  	p0 =	sne.s32 s7, $0xD0;
	v19 =	vshll.u32 v19, $0x4;
	v20 =	vld.idx.msk [tilespmem:v18+s30+$0x0], $0xffff  }
0x1c3: {  	v18 =	vor.u32 v5, v19  }
.Ltmp12:
0x1c4: {  	v18 =	vor.u32 $0xF, v18;
	(pc) =	sbr.rel @p0 .LBB2_26-.Ltmp12, $3  }
0x1c5: {  	_ =	sdelay $0x1  }
0x1c6: {  	s6 =	sadd.s32 $0x10, s6  }
0x1c7: {  	v19 =	vmov s7;
	s7 =	sadd.s32 $0x10, s7;
	[tilespmem:s6+$0x0] =	vst v20  }
0x1c8: {  	_ =	sdelay $0x2  }
0x1c9: {  	v19 =	vshll.u32 v19, $0x4  }
0x1ca: {  	v18 =	vld.idx.msk [tilespmem:v18+s30+$0x0], $0xffff;
	v19 =	vor.u32 v5, v19  }
0x1cb: {  	v19 =	vor.u32 $0xF, v19;
	_ =	sdelay $0x2  }
0x1cc: {  	s6 =	sadd.s32 $0x10, s6  }
0x1cd: {  	[tilespmem:s6+$0x0] =	vst v18  }
0x1ce: {  	v18 =	vld.idx.msk [tilespmem:v19+s30+$0x0], $0xffff;
	_ =	sdelay $0x3  }
0x1cf: {  	s6 =	sadd.s32 $0x10, s6  }
0x1d0: {  	s7 =	rddreg [dreg:$0xc];
	[tilespmem:s6+$0x0] =	vst v18;
	s6 =	simm.s32 $0x0  }
0x1d1: {  	[tilespmem:s28], [sflag:$0x2] =	stream.linear.gather [hbm4b:s7+s6], $0x7000, $0x38;
	[tilespmem:$0x17000] =	vst v63  }
0x1d2: {  	_ =	swait.ge [sflag:s29], $0x7000  }
0x1d3: {  	[sflag:s29] =	ssyncset.done $0x0  }
0x1d4: {  	s8 =	simm.s32 $0x40;
	[sflag:s29] =	ssyncadd.s32 $0xFFFF9000  }
0x1d5: {  	v18 =	vld [tilespmem:s8+$0xFFFFFFC0]  }
0x1d6: {  	s9 =	simm.s32 $0x40;
	s7 =	simm.s32 $0x0;
	v19 =	vld [tilespmem:s8+$0xFFFFFFD0]  }
.LBB2_28:
0x1d7: {  	p0 =	sne.s32 s9, $0x37C0  }
0x1d8: {  	v20 =	vld [tilespmem:s8+$0xFFFFFFE0];
	_ =	sdelay $0x1  }
0x1d9: {  	v21 =	vld [tilespmem:s8+$0xFFFFFFF0]  }
0x1da: {  	v18 =	vmul.f32 v18, v16;
	v19 =	vmul.f32 v19, v17  }
0x1db: {  	v22 =	vld [tilespmem:s8+$0x0]  }
0x1dc: {  	v18 =	vadd.f32 v19, v18;
	v19 =	vmul.f32 v20, v15  }
0x1dd: {  	v20 =	vld [tilespmem:s8+$0x10]  }
0x1de: {  	v18 =	vadd.f32 v19, v18;
	v19 =	vmul.f32 v21, v14  }
0x1df: {  	v21 =	vld [tilespmem:s8+$0x20]  }
0x1e0: {  	v18 =	vadd.f32 v19, v18;
	v19 =	vmul.f32 v22, v13  }
0x1e1: {  	v22 =	vld [tilespmem:s8+$0x30]  }
0x1e2: {  	v18 =	vadd.f32 v19, v18;
	v19 =	vmul.f32 v20, v12;
	_ =	sdelay $0x1  }
0x1e3: {  	v18 =	vadd.f32 v19, v18;
	v19 =	vmul.f32 v21, v11;
	_ =	sdelay $0x1  }
0x1e4: {  	v18 =	vadd.f32 v19, v18;
	v19 =	vmul.f32 v22, v10;
	_ =	sdelay $0x1  }
0x1e5: {  	v18 =	vadd.f32 v19, v18;
	_ =	sdelay $0x1  }
0x1e6: {  	(xrf2) =	vadd.scan.msk.f32 $0xffff, v18;
	_ =	sdelay $0x8  }
.Ltmp13:
0x1e7: {  	(pc) =	sbr.rel @p0 .LBB2_28-.Ltmp13, $4  }
0x1e8: {  	s10 =	sshra.s32 s7, $0x2;
	s7 =	smov.u32 s9;
	v18, _, _ =	vpop (xrf2)  }
0x1e9: {  	s8 =	sadd.s32 $0x80, s8;
	[tilespmem:s10+$0xF980] =	vst v18  }
0x1ea: {  	v18 =	vld [tilespmem:s8+$0xFFFFFFC0]  }
0x1eb: {  	s9 =	sadd.s32 $0x40, s9;
	v19 =	vld [tilespmem:s8+$0xFFFFFFD0]  }
0x1ec: {  	_ = 	snop  }
0x1ed: {  	v20 =	vld [tilespmem:s8+$0xFFFFFFE0];
	_ =	sdelay $0x1  }
0x1ee: {  	v21 =	vld [tilespmem:s8+$0xFFFFFFF0]  }
0x1ef: {  	v18 =	vmul.f32 v18, v16;
	v19 =	vmul.f32 v19, v17  }
0x1f0: {  	v22 =	vld [tilespmem:s8+$0x0]  }
0x1f1: {  	v18 =	vadd.f32 v19, v18;
	v19 =	vmul.f32 v20, v15  }
0x1f2: {  	v20 =	vld [tilespmem:s8+$0x10]  }
0x1f3: {  	v18 =	vadd.f32 v19, v18;
	v19 =	vmul.f32 v21, v14  }
0x1f4: {  	v62 =	vld [tilespmem:s8+$0x20]  }
0x1f5: {  	v18 =	vadd.f32 v19, v18;
	v19 =	vmul.f32 v22, v13  }
0x1f6: {  	v63 =	vld [tilespmem:s8+$0x30]  }
0x1f7: {  	v18 =	vadd.f32 v19, v18;
	v19 =	vmul.f32 v20, v12;
	_ =	sdelay $0x1  }
0x1f8: {  	v18 =	vadd.f32 v19, v18;
	v19 =	vmul.f32 v62, v11;
	_ =	sdelay $0x1  }
0x1f9: {  	v18 =	vadd.f32 v19, v18;
	v19 =	vmul.f32 v63, v10;
	_ =	sdelay $0x1  }
0x1fa: {  	v18 =	vadd.f32 v19, v18;
	_ =	sdelay $0x1  }
0x1fb: {  	(xrf2) =	vadd.scan.msk.f32 $0xffff, v18;
	_ =	sdelay $0x3  }
0x1fc: {  	v18 =	vmov s6  }
0x1fd: {  	v18 =	vshll.u32 v18, $0x4  }
0x1fe: {  	v18 =	vor.u32 v5, v18  }
0x1ff: {  	v18 =	vor.u32 $0xF, v18;
	_ =	sdelay $0x2  }
0x200: {  	s15 =	sshra.s32 s7, $0x2;
	v19, _, _ =	vpop (xrf2)  }
0x201: {  	s16 =	simm.s32 $0x10;
	[tilespmem:s15+$0xF980] =	vst v19  }
0x202: {  	v20 =	vld.idx.msk [tilespmem:v18+s30+$0x0], $0xffff;
	v18 =	vmov s16  }
0x203: {  	v18 =	vshll.u32 v18, $0x4  }
0x204: {  	v18 =	vor.u32 v5, v18  }
0x205: {  	v18 =	vor.u32 $0xF, v18;
	_ =	sdelay $0x2  }
0x206: {  	s17 =	simm.s32 $0x20;
	s6 =	simm.s32 $0xF240  }
0x207: {  	s7 =	simm.s32 $0x30;
	v19 =	vmov s17;
	[tilespmem:s6+$0x0] =	vst v20  }
.LBB2_30:
0x208: {  	p0 =	sne.s32 s7, $0xD0;
	v19 =	vshll.u32 v19, $0x4;
	v20 =	vld.idx.msk [tilespmem:v18+s30+$0x0], $0xffff  }
0x209: {  	v18 =	vor.u32 v5, v19  }
.Ltmp14:
0x20a: {  	v18 =	vor.u32 $0xF, v18;
	(pc) =	sbr.rel @p0 .LBB2_30-.Ltmp14, $3  }
0x20b: {  	_ =	sdelay $0x1  }
0x20c: {  	s6 =	sadd.s32 $0x10, s6  }
0x20d: {  	v19 =	vmov s7;
	s7 =	sadd.s32 $0x10, s7;
	[tilespmem:s6+$0x0] =	vst v20  }
0x20e: {  	_ =	sdelay $0x2  }
0x20f: {  	v19 =	vshll.u32 v19, $0x4  }
0x210: {  	v18 =	vld.idx.msk [tilespmem:v18+s30+$0x0], $0xffff;
	v19 =	vor.u32 v5, v19  }
0x211: {  	v19 =	vor.u32 $0xF, v19;
	_ =	sdelay $0x2  }
0x212: {  	s6 =	sadd.s32 $0x10, s6  }
0x213: {  	[tilespmem:s6+$0x0] =	vst v18  }
0x214: {  	v18 =	vld.idx.msk [tilespmem:v19+s30+$0x0], $0xffff;
	_ =	sdelay $0x3  }
0x215: {  	s6 =	sadd.s32 $0x10, s6  }
0x216: {  	s7 =	rddreg [dreg:$0xd];
	[tilespmem:s6+$0x0] =	vst v18;
	s6 =	simm.s32 $0x0  }
0x217: {  	[tilespmem:s6], [sflag:$0x1] =	stream.linear.gather [hbm4b:s7+s6], $0x7000, $0x38;
	[tilespmem:$0x17000] =	vst v63  }
0x218: {  	_ =	swait.ge [sflag:s31], $0x7000  }
0x219: {  	[sflag:s31] =	ssyncset.done $0x0  }
0x21a: {  	s8 =	simm.s32 $0x7040;
	[sflag:s31] =	ssyncadd.s32 $0xFFFF9000  }
0x21b: {  	v18 =	vld [tilespmem:s8+$0xFFFFFFC0]  }
0x21c: {  	s9 =	simm.s32 $0x40;
	s7 =	simm.s32 $0x0;
	v19 =	vld [tilespmem:s8+$0xFFFFFFD0]  }
.LBB2_32:
0x21d: {  	p0 =	sne.s32 s9, $0x37C0  }
0x21e: {  	v20 =	vld [tilespmem:s8+$0xFFFFFFE0];
	_ =	sdelay $0x1  }
0x21f: {  	v21 =	vld [tilespmem:s8+$0xFFFFFFF0]  }
0x220: {  	v18 =	vmul.f32 v18, v16;
	v19 =	vmul.f32 v19, v17  }
0x221: {  	v22 =	vld [tilespmem:s8+$0x0]  }
0x222: {  	v18 =	vadd.f32 v19, v18;
	v19 =	vmul.f32 v20, v15  }
0x223: {  	v20 =	vld [tilespmem:s8+$0x10]  }
0x224: {  	v18 =	vadd.f32 v19, v18;
	v19 =	vmul.f32 v21, v14  }
0x225: {  	v21 =	vld [tilespmem:s8+$0x20]  }
0x226: {  	v18 =	vadd.f32 v19, v18;
	v19 =	vmul.f32 v22, v13  }
0x227: {  	v22 =	vld [tilespmem:s8+$0x30]  }
0x228: {  	v18 =	vadd.f32 v19, v18;
	v19 =	vmul.f32 v20, v12;
	_ =	sdelay $0x1  }
0x229: {  	v18 =	vadd.f32 v19, v18;
	v19 =	vmul.f32 v21, v11;
	_ =	sdelay $0x1  }
0x22a: {  	v18 =	vadd.f32 v19, v18;
	v19 =	vmul.f32 v22, v10;
	_ =	sdelay $0x1  }
0x22b: {  	v18 =	vadd.f32 v19, v18;
	_ =	sdelay $0x1  }
0x22c: {  	(xrf2) =	vadd.scan.msk.f32 $0xffff, v18;
	_ =	sdelay $0x8  }
.Ltmp15:
0x22d: {  	(pc) =	sbr.rel @p0 .LBB2_32-.Ltmp15, $4  }
0x22e: {  	s10 =	sshra.s32 s7, $0x2;
	s7 =	smov.u32 s9;
	v18, _, _ =	vpop (xrf2)  }
0x22f: {  	s8 =	sadd.s32 $0x80, s8;
	[tilespmem:s10+$0xF980] =	vst v18  }
0x230: {  	v18 =	vld [tilespmem:s8+$0xFFFFFFC0]  }
0x231: {  	s9 =	sadd.s32 $0x40, s9;
	v19 =	vld [tilespmem:s8+$0xFFFFFFD0]  }
0x232: {  	_ = 	snop  }
0x233: {  	v20 =	vld [tilespmem:s8+$0xFFFFFFE0];
	_ =	sdelay $0x1  }
0x234: {  	v21 =	vld [tilespmem:s8+$0xFFFFFFF0]  }
0x235: {  	v18 =	vmul.f32 v18, v16;
	v19 =	vmul.f32 v19, v17  }
0x236: {  	v22 =	vld [tilespmem:s8+$0x0]  }
0x237: {  	v18 =	vadd.f32 v19, v18;
	v19 =	vmul.f32 v20, v15  }
0x238: {  	v20 =	vld [tilespmem:s8+$0x10]  }
0x239: {  	v18 =	vadd.f32 v19, v18;
	v19 =	vmul.f32 v21, v14  }
0x23a: {  	v62 =	vld [tilespmem:s8+$0x20]  }
0x23b: {  	v18 =	vadd.f32 v19, v18;
	v19 =	vmul.f32 v22, v13  }
0x23c: {  	v63 =	vld [tilespmem:s8+$0x30]  }
0x23d: {  	v18 =	vadd.f32 v19, v18;
	v19 =	vmul.f32 v20, v12;
	_ =	sdelay $0x1  }
0x23e: {  	v18 =	vadd.f32 v19, v18;
	v19 =	vmul.f32 v62, v11;
	_ =	sdelay $0x1  }
0x23f: {  	v18 =	vadd.f32 v19, v18;
	v19 =	vmul.f32 v63, v10;
	_ =	sdelay $0x1  }
0x240: {  	v18 =	vadd.f32 v19, v18;
	_ =	sdelay $0x1  }
0x241: {  	(xrf2) =	vadd.scan.msk.f32 $0xffff, v18;
	_ =	sdelay $0x3  }
0x242: {  	v18 =	vmov s6  }
0x243: {  	v18 =	vshll.u32 v18, $0x4  }
0x244: {  	v18 =	vor.u32 v5, v18  }
0x245: {  	v18 =	vor.u32 $0xF, v18;
	_ =	sdelay $0x2  }
0x246: {  	s15 =	sshra.s32 s7, $0x2;
	v19, _, _ =	vpop (xrf2)  }
0x247: {  	s16 =	simm.s32 $0x10;
	[tilespmem:s15+$0xF980] =	vst v19  }
0x248: {  	v20 =	vld.idx.msk [tilespmem:v18+s30+$0x0], $0xffff;
	v18 =	vmov s16  }
0x249: {  	v18 =	vshll.u32 v18, $0x4  }
0x24a: {  	v18 =	vor.u32 v5, v18  }
0x24b: {  	v18 =	vor.u32 $0xF, v18;
	_ =	sdelay $0x2  }
0x24c: {  	s17 =	simm.s32 $0x20;
	s6 =	simm.s32 $0xF320  }
0x24d: {  	s7 =	simm.s32 $0x30;
	v19 =	vmov s17;
	[tilespmem:s6+$0x0] =	vst v20  }
.LBB2_34:
0x24e: {  	p0 =	sne.s32 s7, $0xD0;
	v19 =	vshll.u32 v19, $0x4;
	v20 =	vld.idx.msk [tilespmem:v18+s30+$0x0], $0xffff  }
0x24f: {  	v18 =	vor.u32 v5, v19  }
.Ltmp16:
0x250: {  	v18 =	vor.u32 $0xF, v18;
	(pc) =	sbr.rel @p0 .LBB2_34-.Ltmp16, $3  }
0x251: {  	_ =	sdelay $0x1  }
0x252: {  	s6 =	sadd.s32 $0x10, s6  }
0x253: {  	v19 =	vmov s7;
	s7 =	sadd.s32 $0x10, s7;
	[tilespmem:s6+$0x0] =	vst v20  }
0x254: {  	_ =	sdelay $0x2  }
0x255: {  	v19 =	vshll.u32 v19, $0x4  }
0x256: {  	v18 =	vld.idx.msk [tilespmem:v18+s30+$0x0], $0xffff;
	v19 =	vor.u32 v5, v19  }
0x257: {  	v19 =	vor.u32 $0xF, v19;
	_ =	sdelay $0x2  }
0x258: {  	s6 =	sadd.s32 $0x10, s6  }
0x259: {  	[tilespmem:s6+$0x0] =	vst v18  }
0x25a: {  	v18 =	vld.idx.msk [tilespmem:v19+s30+$0x0], $0xffff;
	_ =	sdelay $0x3  }
0x25b: {  	s6 =	sadd.s32 $0x10, s6  }
0x25c: {  	s7 =	rddreg [dreg:$0xe];
	[tilespmem:s6+$0x0] =	vst v18;
	s6 =	simm.s32 $0x0  }
0x25d: {  	[tilespmem:s28], [sflag:$0x2] =	stream.linear.gather [hbm4b:s7+s6], $0x7000, $0x38;
	[tilespmem:$0x17000] =	vst v63  }
0x25e: {  	_ =	swait.ge [sflag:s29], $0x7000  }
0x25f: {  	[sflag:s29] =	ssyncset.done $0x0  }
0x260: {  	s8 =	simm.s32 $0x40;
	[sflag:s29] =	ssyncadd.s32 $0xFFFF9000  }
0x261: {  	v18 =	vld [tilespmem:s8+$0xFFFFFFC0]  }
0x262: {  	s9 =	simm.s32 $0x40;
	s7 =	simm.s32 $0x0;
	v19 =	vld [tilespmem:s8+$0xFFFFFFD0]  }
.LBB2_36:
0x263: {  	p0 =	sne.s32 s9, $0x37C0  }
0x264: {  	v20 =	vld [tilespmem:s8+$0xFFFFFFE0];
	_ =	sdelay $0x1  }
0x265: {  	v21 =	vld [tilespmem:s8+$0xFFFFFFF0]  }
0x266: {  	v18 =	vmul.f32 v18, v16;
	v19 =	vmul.f32 v19, v17  }
0x267: {  	v22 =	vld [tilespmem:s8+$0x0]  }
0x268: {  	v18 =	vadd.f32 v19, v18;
	v19 =	vmul.f32 v20, v15  }
0x269: {  	v20 =	vld [tilespmem:s8+$0x10]  }
0x26a: {  	v18 =	vadd.f32 v19, v18;
	v19 =	vmul.f32 v21, v14  }
0x26b: {  	v21 =	vld [tilespmem:s8+$0x20]  }
0x26c: {  	v18 =	vadd.f32 v19, v18;
	v19 =	vmul.f32 v22, v13  }
0x26d: {  	v22 =	vld [tilespmem:s8+$0x30]  }
0x26e: {  	v18 =	vadd.f32 v19, v18;
	v19 =	vmul.f32 v20, v12;
	_ =	sdelay $0x1  }
0x26f: {  	v18 =	vadd.f32 v19, v18;
	v19 =	vmul.f32 v21, v11;
	_ =	sdelay $0x1  }
0x270: {  	v18 =	vadd.f32 v19, v18;
	v19 =	vmul.f32 v22, v10;
	_ =	sdelay $0x1  }
0x271: {  	v18 =	vadd.f32 v19, v18;
	_ =	sdelay $0x1  }
0x272: {  	(xrf2) =	vadd.scan.msk.f32 $0xffff, v18;
	_ =	sdelay $0x8  }
.Ltmp17:
0x273: {  	(pc) =	sbr.rel @p0 .LBB2_36-.Ltmp17, $4  }
0x274: {  	s10 =	sshra.s32 s7, $0x2;
	s7 =	smov.u32 s9;
	v18, _, _ =	vpop (xrf2)  }
0x275: {  	s8 =	sadd.s32 $0x80, s8;
	[tilespmem:s10+$0xF980] =	vst v18  }
0x276: {  	v18 =	vld [tilespmem:s8+$0xFFFFFFC0]  }
0x277: {  	s9 =	sadd.s32 $0x40, s9;
	v19 =	vld [tilespmem:s8+$0xFFFFFFD0]  }
0x278: {  	_ = 	snop  }
0x279: {  	v20 =	vld [tilespmem:s8+$0xFFFFFFE0];
	_ =	sdelay $0x1  }
0x27a: {  	v21 =	vld [tilespmem:s8+$0xFFFFFFF0]  }
0x27b: {  	v18 =	vmul.f32 v18, v16;
	v19 =	vmul.f32 v19, v17  }
0x27c: {  	v22 =	vld [tilespmem:s8+$0x0]  }
0x27d: {  	v18 =	vadd.f32 v19, v18;
	v19 =	vmul.f32 v20, v15  }
0x27e: {  	v20 =	vld [tilespmem:s8+$0x10]  }
0x27f: {  	v18 =	vadd.f32 v19, v18;
	v19 =	vmul.f32 v21, v14  }
0x280: {  	v62 =	vld [tilespmem:s8+$0x20]  }
0x281: {  	v18 =	vadd.f32 v19, v18;
	v19 =	vmul.f32 v22, v13  }
0x282: {  	v63 =	vld [tilespmem:s8+$0x30]  }
0x283: {  	v18 =	vadd.f32 v19, v18;
	v19 =	vmul.f32 v20, v12;
	_ =	sdelay $0x1  }
0x284: {  	v18 =	vadd.f32 v19, v18;
	v19 =	vmul.f32 v62, v11;
	_ =	sdelay $0x1  }
0x285: {  	v18 =	vadd.f32 v19, v18;
	v19 =	vmul.f32 v63, v10;
	_ =	sdelay $0x1  }
0x286: {  	v18 =	vadd.f32 v19, v18;
	_ =	sdelay $0x1  }
0x287: {  	(xrf2) =	vadd.scan.msk.f32 $0xffff, v18;
	_ =	sdelay $0x3  }
0x288: {  	v18 =	vmov s6  }
0x289: {  	v18 =	vshll.u32 v18, $0x4  }
0x28a: {  	v18 =	vor.u32 v5, v18  }
0x28b: {  	v18 =	vor.u32 $0xF, v18;
	_ =	sdelay $0x2  }
0x28c: {  	s17 =	sshra.s32 s7, $0x2;
	s7 =	simm.s32 $0x10;
	v19, _, _ =	vpop (xrf2)  }
0x28d: {  	s8 =	simm.s32 $0x20;
	[tilespmem:s17+$0xF980] =	vst v19;
	v19 =	vmov s7  }
.LBB2_38:
0x28e: {  	p0 =	sne.s32 s8, $0xD0;
	v19 =	vshll.u32 v19, $0x4;
	v20 =	vld.idx.msk [tilespmem:v18+s30+$0x0], $0xffff  }
0x28f: {  	v18 =	vor.u32 v5, v19  }
.Ltmp18:
0x290: {  	v18 =	vor.u32 $0xF, v18;
	(pc) =	sbr.rel @p0 .LBB2_38-.Ltmp18, $3  }
0x291: {  	_ =	sdelay $0x1  }
0x292: {  	s9 =	sand.u32 $0xF0, s6;
	s6 =	smov.u32 s7;
	s7 =	smov.u32 s8  }
0x293: {  	s8 =	sadd.s32 $0x10, s8;
	v19 =	vmov s7;
	[tilespmem:s9+$0xF400] =	vst v20  }
0x294: {  	_ =	sdelay $0x2  }
0x295: {  	v19 =	vshll.u32 v19, $0x4  }
0x296: {  	v18 =	vld.idx.msk [tilespmem:v18+s30+$0x0], $0xffff;
	v19 =	vor.u32 v5, v19  }
0x297: {  	v19 =	vor.u32 $0xF, v19;
	_ =	sdelay $0x2  }
0x298: {  	s6 =	sand.u32 $0xF0, s6  }
0x299: {  	[tilespmem:s6+$0xF400] =	vst v18  }
0x29a: {  	v18 =	vld.idx.msk [tilespmem:v19+s30+$0x0], $0xffff;
	_ =	sdelay $0x3  }
0x29b: {  	s16 =	sand.u32 $0xF0, s7  }
0x29c: {  	s17 =	rddreg [dreg:$0xf];
	s6 =	simm.s32 $0x0;
	[tilespmem:s16+$0xF400] =	vst v18  }
0x29d: {  	[tilespmem:s6], [sflag:$0x1] =	stream.linear.gather [hbm4b:s17+s6], $0x7000, $0x38;
	[tilespmem:$0x17000] =	vst v63  }
0x29e: {  	_ =	swait.ge [sflag:s31], $0x7000  }
0x29f: {  	[sflag:s31] =	ssyncset.done $0x0  }
0x2a0: {  	s8 =	simm.s32 $0x7040;
	[sflag:s31] =	ssyncadd.s32 $0xFFFF9000  }
0x2a1: {  	v18 =	vld [tilespmem:s8+$0xFFFFFFC0]  }
0x2a2: {  	s9 =	simm.s32 $0x40;
	s7 =	simm.s32 $0x0;
	v19 =	vld [tilespmem:s8+$0xFFFFFFD0]  }
.LBB2_40:
0x2a3: {  	p0 =	sne.s32 s9, $0x37C0  }
0x2a4: {  	v20 =	vld [tilespmem:s8+$0xFFFFFFE0];
	_ =	sdelay $0x1  }
0x2a5: {  	v21 =	vld [tilespmem:s8+$0xFFFFFFF0]  }
0x2a6: {  	v18 =	vmul.f32 v18, v16;
	v19 =	vmul.f32 v19, v17  }
0x2a7: {  	v22 =	vld [tilespmem:s8+$0x0]  }
0x2a8: {  	v18 =	vadd.f32 v19, v18;
	v19 =	vmul.f32 v20, v15  }
0x2a9: {  	v20 =	vld [tilespmem:s8+$0x10]  }
0x2aa: {  	v18 =	vadd.f32 v19, v18;
	v19 =	vmul.f32 v21, v14  }
0x2ab: {  	v21 =	vld [tilespmem:s8+$0x20]  }
0x2ac: {  	v18 =	vadd.f32 v19, v18;
	v19 =	vmul.f32 v22, v13  }
0x2ad: {  	v22 =	vld [tilespmem:s8+$0x30]  }
0x2ae: {  	v18 =	vadd.f32 v19, v18;
	v19 =	vmul.f32 v20, v12;
	_ =	sdelay $0x1  }
0x2af: {  	v18 =	vadd.f32 v19, v18;
	v19 =	vmul.f32 v21, v11;
	_ =	sdelay $0x1  }
0x2b0: {  	v18 =	vadd.f32 v19, v18;
	v19 =	vmul.f32 v22, v10;
	_ =	sdelay $0x1  }
0x2b1: {  	v18 =	vadd.f32 v19, v18;
	_ =	sdelay $0x1  }
0x2b2: {  	(xrf2) =	vadd.scan.msk.f32 $0xffff, v18;
	_ =	sdelay $0x8  }
.Ltmp19:
0x2b3: {  	(pc) =	sbr.rel @p0 .LBB2_40-.Ltmp19, $4  }
0x2b4: {  	s10 =	sshra.s32 s7, $0x2;
	s7 =	smov.u32 s9;
	v18, _, _ =	vpop (xrf2)  }
0x2b5: {  	s8 =	sadd.s32 $0x80, s8;
	[tilespmem:s10+$0xF980] =	vst v18  }
0x2b6: {  	v18 =	vld [tilespmem:s8+$0xFFFFFFC0]  }
0x2b7: {  	s9 =	sadd.s32 $0x40, s9;
	v19 =	vld [tilespmem:s8+$0xFFFFFFD0]  }
0x2b8: {  	_ = 	snop  }
0x2b9: {  	v20 =	vld [tilespmem:s8+$0xFFFFFFE0];
	_ =	sdelay $0x1  }
0x2ba: {  	v21 =	vld [tilespmem:s8+$0xFFFFFFF0]  }
0x2bb: {  	v18 =	vmul.f32 v18, v16;
	v19 =	vmul.f32 v19, v17  }
0x2bc: {  	v22 =	vld [tilespmem:s8+$0x0]  }
0x2bd: {  	v18 =	vadd.f32 v19, v18;
	v19 =	vmul.f32 v20, v15  }
0x2be: {  	v20 =	vld [tilespmem:s8+$0x10]  }
0x2bf: {  	v18 =	vadd.f32 v19, v18;
	v19 =	vmul.f32 v21, v14  }
0x2c0: {  	v62 =	vld [tilespmem:s8+$0x20]  }
0x2c1: {  	v18 =	vadd.f32 v19, v18;
	v19 =	vmul.f32 v22, v13  }
0x2c2: {  	v63 =	vld [tilespmem:s8+$0x30]  }
0x2c3: {  	v18 =	vadd.f32 v19, v18;
	v19 =	vmul.f32 v20, v12;
	_ =	sdelay $0x1  }
0x2c4: {  	v18 =	vadd.f32 v19, v18;
	v19 =	vmul.f32 v62, v11;
	_ =	sdelay $0x1  }
0x2c5: {  	v18 =	vadd.f32 v19, v18;
	v19 =	vmul.f32 v63, v10;
	_ =	sdelay $0x1  }
0x2c6: {  	v18 =	vadd.f32 v19, v18;
	_ =	sdelay $0x1  }
0x2c7: {  	(xrf2) =	vadd.scan.msk.f32 $0xffff, v18;
	_ =	sdelay $0x3  }
0x2c8: {  	v18 =	vmov s6  }
0x2c9: {  	v18 =	vshll.u32 v18, $0x4  }
0x2ca: {  	v18 =	vor.u32 v5, v18  }
0x2cb: {  	v18 =	vor.u32 $0xF, v18;
	_ =	sdelay $0x2  }
0x2cc: {  	s15 =	sshra.s32 s7, $0x2;
	v19, _, _ =	vpop (xrf2)  }
0x2cd: {  	s16 =	simm.s32 $0x10;
	[tilespmem:s15+$0xF980] =	vst v19  }
0x2ce: {  	v20 =	vld.idx.msk [tilespmem:v18+s30+$0x0], $0xffff;
	v18 =	vmov s16  }
0x2cf: {  	v18 =	vshll.u32 v18, $0x4  }
0x2d0: {  	v18 =	vor.u32 v5, v18  }
0x2d1: {  	v18 =	vor.u32 $0xF, v18;
	_ =	sdelay $0x2  }
0x2d2: {  	s17 =	simm.s32 $0x20;
	s6 =	simm.s32 $0xF4E0  }
0x2d3: {  	s7 =	simm.s32 $0x30;
	v19 =	vmov s17;
	[tilespmem:s6+$0x0] =	vst v20  }
.LBB2_42:
0x2d4: {  	p0 =	sne.s32 s7, $0xD0;
	v19 =	vshll.u32 v19, $0x4;
	v20 =	vld.idx.msk [tilespmem:v18+s30+$0x0], $0xffff  }
0x2d5: {  	v18 =	vor.u32 v5, v19  }
.Ltmp20:
0x2d6: {  	v18 =	vor.u32 $0xF, v18;
	(pc) =	sbr.rel @p0 .LBB2_42-.Ltmp20, $3  }
0x2d7: {  	_ =	sdelay $0x1  }
0x2d8: {  	s6 =	sadd.s32 $0x10, s6  }
0x2d9: {  	v19 =	vmov s7;
	s7 =	sadd.s32 $0x10, s7;
	[tilespmem:s6+$0x0] =	vst v20  }
0x2da: {  	_ =	sdelay $0x2  }
0x2db: {  	v19 =	vshll.u32 v19, $0x4  }
0x2dc: {  	v18 =	vld.idx.msk [tilespmem:v18+s30+$0x0], $0xffff;
	v19 =	vor.u32 v5, v19  }
0x2dd: {  	v19 =	vor.u32 $0xF, v19;
	_ =	sdelay $0x2  }
0x2de: {  	s6 =	sadd.s32 $0x10, s6  }
0x2df: {  	[tilespmem:s6+$0x0] =	vst v18  }
0x2e0: {  	v18 =	vld.idx.msk [tilespmem:v19+s30+$0x0], $0xffff;
	_ =	sdelay $0x3  }
0x2e1: {  	s6 =	sadd.s32 $0x10, s6  }
0x2e2: {  	s7 =	rddreg [dreg:$0x10];
	[tilespmem:s6+$0x0] =	vst v18;
	s6 =	simm.s32 $0x0  }
0x2e3: {  	[tilespmem:s28], [sflag:$0x2] =	stream.linear.gather [hbm4b:s7+s6], $0x7000, $0x38;
	[tilespmem:$0x17000] =	vst v63  }
0x2e4: {  	_ =	swait.ge [sflag:s29], $0x7000  }
0x2e5: {  	[sflag:s29] =	ssyncset.done $0x0  }
0x2e6: {  	s8 =	simm.s32 $0x40;
	[sflag:s29] =	ssyncadd.s32 $0xFFFF9000  }
0x2e7: {  	v18 =	vld [tilespmem:s8+$0xFFFFFFC0]  }
0x2e8: {  	s9 =	simm.s32 $0x40;
	s7 =	simm.s32 $0x0;
	v19 =	vld [tilespmem:s8+$0xFFFFFFD0]  }
.LBB2_44:
0x2e9: {  	p0 =	sne.s32 s9, $0x37C0  }
0x2ea: {  	v20 =	vld [tilespmem:s8+$0xFFFFFFE0];
	_ =	sdelay $0x1  }
0x2eb: {  	v21 =	vld [tilespmem:s8+$0xFFFFFFF0]  }
0x2ec: {  	v18 =	vmul.f32 v18, v16;
	v19 =	vmul.f32 v19, v17  }
0x2ed: {  	v22 =	vld [tilespmem:s8+$0x0]  }
0x2ee: {  	v18 =	vadd.f32 v19, v18;
	v19 =	vmul.f32 v20, v15  }
0x2ef: {  	v20 =	vld [tilespmem:s8+$0x10]  }
0x2f0: {  	v18 =	vadd.f32 v19, v18;
	v19 =	vmul.f32 v21, v14  }
0x2f1: {  	v21 =	vld [tilespmem:s8+$0x20]  }
0x2f2: {  	v18 =	vadd.f32 v19, v18;
	v19 =	vmul.f32 v22, v13  }
0x2f3: {  	v22 =	vld [tilespmem:s8+$0x30]  }
0x2f4: {  	v18 =	vadd.f32 v19, v18;
	v19 =	vmul.f32 v20, v12;
	_ =	sdelay $0x1  }
0x2f5: {  	v18 =	vadd.f32 v19, v18;
	v19 =	vmul.f32 v21, v11;
	_ =	sdelay $0x1  }
0x2f6: {  	v18 =	vadd.f32 v19, v18;
	v19 =	vmul.f32 v22, v10;
	_ =	sdelay $0x1  }
0x2f7: {  	v18 =	vadd.f32 v19, v18;
	_ =	sdelay $0x1  }
0x2f8: {  	(xrf2) =	vadd.scan.msk.f32 $0xffff, v18;
	_ =	sdelay $0x8  }
.Ltmp21:
0x2f9: {  	(pc) =	sbr.rel @p0 .LBB2_44-.Ltmp21, $4  }
0x2fa: {  	s10 =	sshra.s32 s7, $0x2;
	s7 =	smov.u32 s9;
	v18, _, _ =	vpop (xrf2)  }
0x2fb: {  	s8 =	sadd.s32 $0x80, s8;
	[tilespmem:s10+$0xF980] =	vst v18  }
0x2fc: {  	v18 =	vld [tilespmem:s8+$0xFFFFFFC0]  }
0x2fd: {  	s9 =	sadd.s32 $0x40, s9;
	v19 =	vld [tilespmem:s8+$0xFFFFFFD0]  }
0x2fe: {  	_ = 	snop  }
0x2ff: {  	v20 =	vld [tilespmem:s8+$0xFFFFFFE0];
	_ =	sdelay $0x1  }
0x300: {  	v21 =	vld [tilespmem:s8+$0xFFFFFFF0]  }
0x301: {  	v18 =	vmul.f32 v18, v16;
	v19 =	vmul.f32 v19, v17  }
0x302: {  	v22 =	vld [tilespmem:s8+$0x0]  }
0x303: {  	v18 =	vadd.f32 v19, v18;
	v19 =	vmul.f32 v20, v15  }
0x304: {  	v20 =	vld [tilespmem:s8+$0x10]  }
0x305: {  	v18 =	vadd.f32 v19, v18;
	v19 =	vmul.f32 v21, v14  }
0x306: {  	v62 =	vld [tilespmem:s8+$0x20]  }
0x307: {  	v18 =	vadd.f32 v19, v18;
	v19 =	vmul.f32 v22, v13  }
0x308: {  	v63 =	vld [tilespmem:s8+$0x30]  }
0x309: {  	v18 =	vadd.f32 v19, v18;
	v19 =	vmul.f32 v20, v12;
	_ =	sdelay $0x1  }
0x30a: {  	v18 =	vadd.f32 v19, v18;
	v19 =	vmul.f32 v62, v11;
	_ =	sdelay $0x1  }
0x30b: {  	v18 =	vadd.f32 v19, v18;
	v19 =	vmul.f32 v63, v10;
	_ =	sdelay $0x1  }
0x30c: {  	v18 =	vadd.f32 v19, v18;
	_ =	sdelay $0x1  }
0x30d: {  	(xrf2) =	vadd.scan.msk.f32 $0xffff, v18;
	_ =	sdelay $0x3  }
0x30e: {  	v18 =	vmov s6  }
0x30f: {  	v18 =	vshll.u32 v18, $0x4  }
0x310: {  	v18 =	vor.u32 v5, v18  }
0x311: {  	v18 =	vor.u32 $0xF, v18;
	_ =	sdelay $0x2  }
0x312: {  	s15 =	sshra.s32 s7, $0x2;
	v19, _, _ =	vpop (xrf2)  }
0x313: {  	s16 =	simm.s32 $0x10;
	[tilespmem:s15+$0xF980] =	vst v19  }
0x314: {  	v20 =	vld.idx.msk [tilespmem:v18+s30+$0x0], $0xffff;
	v18 =	vmov s16  }
0x315: {  	v18 =	vshll.u32 v18, $0x4  }
0x316: {  	v18 =	vor.u32 v5, v18  }
0x317: {  	v18 =	vor.u32 $0xF, v18;
	_ =	sdelay $0x2  }
0x318: {  	s17 =	simm.s32 $0x20;
	s6 =	simm.s32 $0xF5C0  }
0x319: {  	s7 =	simm.s32 $0x30;
	v19 =	vmov s17;
	[tilespmem:s6+$0x0] =	vst v20  }
.LBB2_46:
0x31a: {  	p0 =	sne.s32 s7, $0xD0;
	v19 =	vshll.u32 v19, $0x4;
	v20 =	vld.idx.msk [tilespmem:v18+s30+$0x0], $0xffff  }
0x31b: {  	v18 =	vor.u32 v5, v19  }
.Ltmp22:
0x31c: {  	v18 =	vor.u32 $0xF, v18;
	(pc) =	sbr.rel @p0 .LBB2_46-.Ltmp22, $3  }
0x31d: {  	_ =	sdelay $0x1  }
0x31e: {  	s6 =	sadd.s32 $0x10, s6  }
0x31f: {  	v19 =	vmov s7;
	s7 =	sadd.s32 $0x10, s7;
	[tilespmem:s6+$0x0] =	vst v20  }
0x320: {  	_ =	sdelay $0x2  }
0x321: {  	v19 =	vshll.u32 v19, $0x4  }
0x322: {  	v18 =	vld.idx.msk [tilespmem:v18+s30+$0x0], $0xffff;
	v19 =	vor.u32 v5, v19  }
0x323: {  	v19 =	vor.u32 $0xF, v19;
	_ =	sdelay $0x2  }
0x324: {  	s6 =	sadd.s32 $0x10, s6  }
0x325: {  	[tilespmem:s6+$0x0] =	vst v18  }
0x326: {  	v18 =	vld.idx.msk [tilespmem:v19+s30+$0x0], $0xffff;
	_ =	sdelay $0x3  }
0x327: {  	s6 =	sadd.s32 $0x10, s6  }
0x328: {  	s7 =	rddreg [dreg:$0x11];
	[tilespmem:s6+$0x0] =	vst v18;
	s6 =	simm.s32 $0x0  }
0x329: {  	[tilespmem:s6], [sflag:$0x1] =	stream.linear.gather [hbm4b:s7+s6], $0x7000, $0x38;
	[tilespmem:$0x17000] =	vst v63  }
0x32a: {  	_ =	swait.ge [sflag:s31], $0x7000  }
0x32b: {  	[sflag:s31] =	ssyncset.done $0x0  }
0x32c: {  	s8 =	simm.s32 $0x7040;
	[sflag:s31] =	ssyncadd.s32 $0xFFFF9000  }
0x32d: {  	v18 =	vld [tilespmem:s8+$0xFFFFFFC0]  }
0x32e: {  	s9 =	simm.s32 $0x40;
	s7 =	simm.s32 $0x0;
	v19 =	vld [tilespmem:s8+$0xFFFFFFD0]  }
.LBB2_48:
0x32f: {  	p0 =	sne.s32 s9, $0x37C0  }
0x330: {  	v20 =	vld [tilespmem:s8+$0xFFFFFFE0];
	_ =	sdelay $0x1  }
0x331: {  	v21 =	vld [tilespmem:s8+$0xFFFFFFF0]  }
0x332: {  	v18 =	vmul.f32 v18, v16;
	v19 =	vmul.f32 v19, v17  }
0x333: {  	v22 =	vld [tilespmem:s8+$0x0]  }
0x334: {  	v18 =	vadd.f32 v19, v18;
	v19 =	vmul.f32 v20, v15  }
0x335: {  	v20 =	vld [tilespmem:s8+$0x10]  }
0x336: {  	v18 =	vadd.f32 v19, v18;
	v19 =	vmul.f32 v21, v14  }
0x337: {  	v21 =	vld [tilespmem:s8+$0x20]  }
0x338: {  	v18 =	vadd.f32 v19, v18;
	v19 =	vmul.f32 v22, v13  }
0x339: {  	v22 =	vld [tilespmem:s8+$0x30]  }
0x33a: {  	v18 =	vadd.f32 v19, v18;
	v19 =	vmul.f32 v20, v12;
	_ =	sdelay $0x1  }
0x33b: {  	v18 =	vadd.f32 v19, v18;
	v19 =	vmul.f32 v21, v11;
	_ =	sdelay $0x1  }
0x33c: {  	v18 =	vadd.f32 v19, v18;
	v19 =	vmul.f32 v22, v10;
	_ =	sdelay $0x1  }
0x33d: {  	v18 =	vadd.f32 v19, v18;
	_ =	sdelay $0x1  }
0x33e: {  	(xrf2) =	vadd.scan.msk.f32 $0xffff, v18;
	_ =	sdelay $0x8  }
.Ltmp23:
0x33f: {  	(pc) =	sbr.rel @p0 .LBB2_48-.Ltmp23, $4  }
0x340: {  	s10 =	sshra.s32 s7, $0x2;
	s7 =	smov.u32 s9;
	v18, _, _ =	vpop (xrf2)  }
0x341: {  	s8 =	sadd.s32 $0x80, s8;
	[tilespmem:s10+$0xF980] =	vst v18  }
0x342: {  	v18 =	vld [tilespmem:s8+$0xFFFFFFC0]  }
0x343: {  	s9 =	sadd.s32 $0x40, s9;
	v19 =	vld [tilespmem:s8+$0xFFFFFFD0]  }
0x344: {  	_ = 	snop  }
0x345: {  	v20 =	vld [tilespmem:s8+$0xFFFFFFE0];
	_ =	sdelay $0x1  }
0x346: {  	v21 =	vld [tilespmem:s8+$0xFFFFFFF0]  }
0x347: {  	v18 =	vmul.f32 v18, v16;
	v19 =	vmul.f32 v19, v17  }
0x348: {  	v22 =	vld [tilespmem:s8+$0x0]  }
0x349: {  	v18 =	vadd.f32 v19, v18;
	v19 =	vmul.f32 v20, v15  }
0x34a: {  	v20 =	vld [tilespmem:s8+$0x10]  }
0x34b: {  	v18 =	vadd.f32 v19, v18;
	v19 =	vmul.f32 v21, v14  }
0x34c: {  	v62 =	vld [tilespmem:s8+$0x20]  }
0x34d: {  	v18 =	vadd.f32 v19, v18;
	v19 =	vmul.f32 v22, v13  }
0x34e: {  	v63 =	vld [tilespmem:s8+$0x30]  }
0x34f: {  	v18 =	vadd.f32 v19, v18;
	v19 =	vmul.f32 v20, v12;
	_ =	sdelay $0x1  }
0x350: {  	v18 =	vadd.f32 v19, v18;
	v19 =	vmul.f32 v62, v11;
	_ =	sdelay $0x1  }
0x351: {  	v18 =	vadd.f32 v19, v18;
	v19 =	vmul.f32 v63, v10;
	_ =	sdelay $0x1  }
0x352: {  	v18 =	vadd.f32 v19, v18;
	_ =	sdelay $0x1  }
0x353: {  	(xrf2) =	vadd.scan.msk.f32 $0xffff, v18;
	_ =	sdelay $0x3  }
0x354: {  	v18 =	vmov s6  }
0x355: {  	v18 =	vshll.u32 v18, $0x4  }
0x356: {  	v18 =	vor.u32 v5, v18  }
0x357: {  	v18 =	vor.u32 $0xF, v18;
	_ =	sdelay $0x2  }
0x358: {  	s15 =	sshra.s32 s7, $0x2;
	v19, _, _ =	vpop (xrf2)  }
0x359: {  	s16 =	simm.s32 $0x10;
	[tilespmem:s15+$0xF980] =	vst v19  }
0x35a: {  	v20 =	vld.idx.msk [tilespmem:v18+s30+$0x0], $0xffff;
	v18 =	vmov s16  }
0x35b: {  	v18 =	vshll.u32 v18, $0x4  }
0x35c: {  	v18 =	vor.u32 v5, v18  }
0x35d: {  	v18 =	vor.u32 $0xF, v18;
	_ =	sdelay $0x2  }
0x35e: {  	s17 =	simm.s32 $0x20;
	s6 =	simm.s32 $0xF6A0  }
0x35f: {  	s7 =	simm.s32 $0x30;
	v19 =	vmov s17;
	[tilespmem:s6+$0x0] =	vst v20  }
.LBB2_50:
0x360: {  	p0 =	sne.s32 s7, $0xD0;
	v19 =	vshll.u32 v19, $0x4;
	v20 =	vld.idx.msk [tilespmem:v18+s30+$0x0], $0xffff  }
0x361: {  	v18 =	vor.u32 v5, v19  }
.Ltmp24:
0x362: {  	v18 =	vor.u32 $0xF, v18;
	(pc) =	sbr.rel @p0 .LBB2_50-.Ltmp24, $3  }
0x363: {  	_ =	sdelay $0x1  }
0x364: {  	s6 =	sadd.s32 $0x10, s6  }
0x365: {  	v19 =	vmov s7;
	s7 =	sadd.s32 $0x10, s7;
	[tilespmem:s6+$0x0] =	vst v20  }
0x366: {  	_ =	sdelay $0x2  }
0x367: {  	v19 =	vshll.u32 v19, $0x4  }
0x368: {  	v18 =	vld.idx.msk [tilespmem:v18+s30+$0x0], $0xffff;
	v19 =	vor.u32 v5, v19  }
0x369: {  	v19 =	vor.u32 $0xF, v19;
	_ =	sdelay $0x2  }
0x36a: {  	s6 =	sadd.s32 $0x10, s6  }
0x36b: {  	[tilespmem:s6+$0x0] =	vst v18  }
0x36c: {  	v18 =	vld.idx.msk [tilespmem:v19+s30+$0x0], $0xffff;
	_ =	sdelay $0x3  }
0x36d: {  	s6 =	sadd.s32 $0x10, s6  }
0x36e: {  	[tilespmem:s6+$0x0] =	vst v18;
	s6 =	simm.s32 $0x0  }
0x36f: {  	[tilespmem:s28], [sflag:$0x2] =	stream.linear.gather [hbm4b:s18+s6], $0x7000, $0x38;
	[tilespmem:$0x17000] =	vst v63  }
0x370: {  	_ =	swait.ge [sflag:s29], $0x7000  }
0x371: {  	[sflag:s29] =	ssyncset.done $0x0  }
0x372: {  	s8 =	simm.s32 $0x40;
	[sflag:s29] =	ssyncadd.s32 $0xFFFF9000  }
0x373: {  	v18 =	vld [tilespmem:s8+$0xFFFFFFC0]  }
0x374: {  	s9 =	simm.s32 $0x40;
	s7 =	simm.s32 $0x0;
	v19 =	vld [tilespmem:s8+$0xFFFFFFD0]  }
.LBB2_52:
0x375: {  	p0 =	sne.s32 s9, $0x37C0  }
0x376: {  	v20 =	vld [tilespmem:s8+$0xFFFFFFE0];
	_ =	sdelay $0x1  }
0x377: {  	v21 =	vld [tilespmem:s8+$0xFFFFFFF0]  }
0x378: {  	v18 =	vmul.f32 v18, v16;
	v19 =	vmul.f32 v19, v17  }
0x379: {  	v22 =	vld [tilespmem:s8+$0x0]  }
0x37a: {  	v18 =	vadd.f32 v19, v18;
	v19 =	vmul.f32 v20, v15  }
0x37b: {  	v20 =	vld [tilespmem:s8+$0x10]  }
0x37c: {  	v18 =	vadd.f32 v19, v18;
	v19 =	vmul.f32 v21, v14  }
0x37d: {  	v21 =	vld [tilespmem:s8+$0x20]  }
0x37e: {  	v18 =	vadd.f32 v19, v18;
	v19 =	vmul.f32 v22, v13  }
0x37f: {  	v22 =	vld [tilespmem:s8+$0x30]  }
0x380: {  	v18 =	vadd.f32 v19, v18;
	v19 =	vmul.f32 v20, v12;
	_ =	sdelay $0x1  }
0x381: {  	v18 =	vadd.f32 v19, v18;
	v19 =	vmul.f32 v21, v11;
	_ =	sdelay $0x1  }
0x382: {  	v18 =	vadd.f32 v19, v18;
	v19 =	vmul.f32 v22, v10;
	_ =	sdelay $0x1  }
0x383: {  	v18 =	vadd.f32 v19, v18;
	_ =	sdelay $0x1  }
0x384: {  	(xrf2) =	vadd.scan.msk.f32 $0xffff, v18;
	_ =	sdelay $0x8  }
.Ltmp25:
0x385: {  	(pc) =	sbr.rel @p0 .LBB2_52-.Ltmp25, $4  }
0x386: {  	s10 =	sshra.s32 s7, $0x2;
	s7 =	smov.u32 s9;
	v18, _, _ =	vpop (xrf2)  }
0x387: {  	s8 =	sadd.s32 $0x80, s8;
	[tilespmem:s10+$0xF980] =	vst v18  }
0x388: {  	v18 =	vld [tilespmem:s8+$0xFFFFFFC0]  }
0x389: {  	s9 =	sadd.s32 $0x40, s9;
	v19 =	vld [tilespmem:s8+$0xFFFFFFD0]  }
0x38a: {  	_ = 	snop  }
0x38b: {  	v20 =	vld [tilespmem:s8+$0xFFFFFFE0];
	_ =	sdelay $0x1  }
0x38c: {  	v21 =	vld [tilespmem:s8+$0xFFFFFFF0]  }
0x38d: {  	v18 =	vmul.f32 v18, v16;
	v19 =	vmul.f32 v19, v17  }
0x38e: {  	v22 =	vld [tilespmem:s8+$0x0]  }
0x38f: {  	v18 =	vadd.f32 v19, v18;
	v19 =	vmul.f32 v20, v15  }
0x390: {  	v20 =	vld [tilespmem:s8+$0x10]  }
0x391: {  	v18 =	vadd.f32 v19, v18;
	v19 =	vmul.f32 v21, v14  }
0x392: {  	v62 =	vld [tilespmem:s8+$0x20]  }
0x393: {  	v18 =	vadd.f32 v19, v18;
	v19 =	vmul.f32 v22, v13  }
0x394: {  	v63 =	vld [tilespmem:s8+$0x30]  }
0x395: {  	v18 =	vadd.f32 v19, v18;
	v19 =	vmul.f32 v20, v12;
	_ =	sdelay $0x1  }
0x396: {  	v18 =	vadd.f32 v19, v18;
	v19 =	vmul.f32 v62, v11;
	_ =	sdelay $0x1  }
0x397: {  	v18 =	vadd.f32 v19, v18;
	v19 =	vmul.f32 v63, v10;
	_ =	sdelay $0x1  }
0x398: {  	v18 =	vadd.f32 v19, v18;
	_ =	sdelay $0x1  }
0x399: {  	(xrf2) =	vadd.scan.msk.f32 $0xffff, v18;
	_ =	sdelay $0x3  }
0x39a: {  	v18 =	vmov s6  }
0x39b: {  	v18 =	vshll.u32 v18, $0x4  }
0x39c: {  	v18 =	vor.u32 v5, v18  }
0x39d: {  	v18 =	vor.u32 $0xF, v18;
	_ =	sdelay $0x2  }
0x39e: {  	s17 =	sshra.s32 s7, $0x2;
	s7 =	simm.s32 $0x10;
	v19, _, _ =	vpop (xrf2)  }
0x39f: {  	s8 =	simm.s32 $0x20;
	[tilespmem:s17+$0xF980] =	vst v19;
	v19 =	vmov s7  }
.LBB2_54:
0x3a0: {  	p0 =	sne.s32 s8, $0xD0;
	v19 =	vshll.u32 v19, $0x4;
	v20 =	vld.idx.msk [tilespmem:v18+s30+$0x0], $0xffff  }
0x3a1: {  	v18 =	vor.u32 v5, v19  }
.Ltmp26:
0x3a2: {  	v18 =	vor.u32 $0xF, v18;
	(pc) =	sbr.rel @p0 .LBB2_54-.Ltmp26, $3  }
0x3a3: {  	_ =	sdelay $0x1  }
0x3a4: {  	s9 =	sand.u32 $0xF0, s6;
	s6 =	smov.u32 s7;
	s7 =	smov.u32 s8  }
0x3a5: {  	s8 =	sadd.s32 $0x10, s8;
	v19 =	vmov s7;
	[tilespmem:s9+$0xF780] =	vst v20  }
0x3a6: {  	_ =	sdelay $0x2  }
0x3a7: {  	v19 =	vshll.u32 v19, $0x4  }
0x3a8: {  	v18 =	vld.idx.msk [tilespmem:v18+s30+$0x0], $0xffff;
	v19 =	vor.u32 v5, v19  }
0x3a9: {  	v19 =	vor.u32 $0xF, v19;
	_ =	sdelay $0x2  }
0x3aa: {  	s6 =	sand.u32 $0xF0, s6  }
0x3ab: {  	[tilespmem:s6+$0xF780] =	vst v18  }
0x3ac: {  	v18 =	vld.idx.msk [tilespmem:v19+s30+$0x0], $0xffff;
	_ =	sdelay $0x3  }
0x3ad: {  	s17 =	sand.u32 $0xF0, s7  }
0x3ae: {  	[tilespmem:s17+$0xF780] =	vst v18  }
0x3af: {  	_ =	swait.ge [sflag:s31], $0x7000  }
0x3b0: {  	[sflag:s31] =	ssyncset.done $0x0  }
0x3b1: {  	s8 =	simm.s32 $0x7040;
	[sflag:s31] =	ssyncadd.s32 $0xFFFF9000  }
0x3b2: {  	v18 =	vld [tilespmem:s8+$0xFFFFFFC0]  }
0x3b3: {  	s9 =	simm.s32 $0x40;
	s7 =	simm.s32 $0x0;
	s6 =	simm.s32 $0x0;
	v19 =	vld [tilespmem:s8+$0xFFFFFFD0]  }
.LBB2_56:
0x3b4: {  	p0 =	sne.s32 s9, $0x37C0  }
0x3b5: {  	v20 =	vld [tilespmem:s8+$0xFFFFFFE0];
	_ =	sdelay $0x1  }
0x3b6: {  	v21 =	vld [tilespmem:s8+$0xFFFFFFF0]  }
0x3b7: {  	v18 =	vmul.f32 v18, v16;
	v19 =	vmul.f32 v19, v17  }
0x3b8: {  	v22 =	vld [tilespmem:s8+$0x0]  }
0x3b9: {  	v18 =	vadd.f32 v19, v18;
	v19 =	vmul.f32 v20, v15  }
0x3ba: {  	v20 =	vld [tilespmem:s8+$0x10]  }
0x3bb: {  	v18 =	vadd.f32 v19, v18;
	v19 =	vmul.f32 v21, v14  }
0x3bc: {  	v21 =	vld [tilespmem:s8+$0x20]  }
0x3bd: {  	v18 =	vadd.f32 v19, v18;
	v19 =	vmul.f32 v22, v13  }
0x3be: {  	v22 =	vld [tilespmem:s8+$0x30]  }
0x3bf: {  	v18 =	vadd.f32 v19, v18;
	v19 =	vmul.f32 v20, v12;
	_ =	sdelay $0x1  }
0x3c0: {  	v18 =	vadd.f32 v19, v18;
	v19 =	vmul.f32 v21, v11;
	_ =	sdelay $0x1  }
0x3c1: {  	v18 =	vadd.f32 v19, v18;
	v19 =	vmul.f32 v22, v10;
	_ =	sdelay $0x1  }
0x3c2: {  	v18 =	vadd.f32 v19, v18;
	_ =	sdelay $0x1  }
0x3c3: {  	(xrf2) =	vadd.scan.msk.f32 $0xffff, v18;
	_ =	sdelay $0x8  }
.Ltmp27:
0x3c4: {  	(pc) =	sbr.rel @p0 .LBB2_56-.Ltmp27, $4  }
0x3c5: {  	s10 =	sshra.s32 s7, $0x2;
	s7 =	smov.u32 s9;
	v18, _, _ =	vpop (xrf2)  }
0x3c6: {  	s8 =	sadd.s32 $0x80, s8;
	[tilespmem:s10+$0xF980] =	vst v18  }
0x3c7: {  	v18 =	vld [tilespmem:s8+$0xFFFFFFC0]  }
0x3c8: {  	s9 =	sadd.s32 $0x40, s9;
	v19 =	vld [tilespmem:s8+$0xFFFFFFD0]  }
0x3c9: {  	_ = 	snop  }
0x3ca: {  	v20 =	vld [tilespmem:s8+$0xFFFFFFE0];
	_ =	sdelay $0x1  }
0x3cb: {  	v21 =	vld [tilespmem:s8+$0xFFFFFFF0]  }
0x3cc: {  	v16 =	vmul.f32 v18, v16;
	v17 =	vmul.f32 v19, v17  }
0x3cd: {  	v59 =	vld [tilespmem:s8+$0x0]  }
0x3ce: {  	v15 =	vmul.f32 v20, v15;
	v16 =	vadd.f32 v17, v16  }
0x3cf: {  	v60 =	vld [tilespmem:s8+$0x10]  }
0x3d0: {  	v14 =	vmul.f32 v21, v14;
	v15 =	vadd.f32 v15, v16  }
0x3d1: {  	v61 =	vld [tilespmem:s8+$0x20]  }
0x3d2: {  	v13 =	vmul.f32 v59, v13;
	v14 =	vadd.f32 v14, v15  }
0x3d3: {  	v62 =	vld [tilespmem:s8+$0x30]  }
0x3d4: {  	v12 =	vmul.f32 v60, v12;
	v13 =	vadd.f32 v13, v14;
	_ =	sdelay $0x1  }
0x3d5: {  	v11 =	vmul.f32 v61, v11;
	v12 =	vadd.f32 v12, v13;
	_ =	sdelay $0x1  }
0x3d6: {  	v10 =	vmul.f32 v62, v10;
	v11 =	vadd.f32 v11, v12;
	_ =	sdelay $0x1  }
0x3d7: {  	v10 =	vadd.f32 v10, v11;
	_ =	sdelay $0x1  }
0x3d8: {  	(xrf2) =	vadd.scan.msk.f32 $0xffff, v10;
	_ =	sdelay $0x3  }
0x3d9: {  	v10 =	vmov s6  }
0x3da: {  	v10 =	vshll.u32 v10, $0x4  }
0x3db: {  	v10 =	vor.u32 v5, v10  }
0x3dc: {  	v10 =	vor.u32 $0xF, v10;
	_ =	sdelay $0x2  }
0x3dd: {  	s15 =	sshra.s32 s7, $0x2;
	v11, _, _ =	vpop (xrf2)  }
0x3de: {  	s16 =	simm.s32 $0x10;
	[tilespmem:s15+$0xF980] =	vst v11  }
0x3df: {  	v63 =	vld.idx.msk [tilespmem:v10+s30+$0x0], $0xffff;
	v10 =	vmov s16  }
0x3e0: {  	v10 =	vshll.u32 v10, $0x4  }
0x3e1: {  	v10 =	vor.u32 v5, v10  }
0x3e2: {  	v10 =	vor.u32 $0xF, v10;
	_ =	sdelay $0x2  }
0x3e3: {  	s17 =	simm.s32 $0x20;
	s6 =	simm.s32 $0xF860  }
0x3e4: {  	s7 =	simm.s32 $0x30;
	v11 =	vmov s17;
	[tilespmem:s6+$0x0] =	vst v63  }
.LBB2_58:
0x3e5: {  	p0 =	sne.s32 s7, $0xD0;
	v11 =	vshll.u32 v11, $0x4;
	v12 =	vld.idx.msk [tilespmem:v10+s30+$0x0], $0xffff  }
0x3e6: {  	v10 =	vor.u32 v5, v11  }
.Ltmp28:
0x3e7: {  	v10 =	vor.u32 $0xF, v10;
	(pc) =	sbr.rel @p0 .LBB2_58-.Ltmp28, $3  }
0x3e8: {  	_ =	sdelay $0x1  }
0x3e9: {  	s6 =	sadd.s32 $0x10, s6  }
0x3ea: {  	v11 =	vmov s7;
	s7 =	sadd.s32 $0x10, s7;
	[tilespmem:s6+$0x0] =	vst v12  }
0x3eb: {  	_ =	sdelay $0x2  }
0x3ec: {  	v11 =	vshll.u32 v11, $0x4  }
0x3ed: {  	v10 =	vld.idx.msk [tilespmem:v10+s30+$0x0], $0xffff;
	v11 =	vor.u32 v5, v11  }
0x3ee: {  	v11 =	vor.u32 $0xF, v11;
	_ =	sdelay $0x2  }
0x3ef: {  	s6 =	sadd.s32 $0x10, s6  }
0x3f0: {  	[tilespmem:s6+$0x0] =	vst v10  }
0x3f1: {  	v10 =	vld.idx.msk [tilespmem:v11+s30+$0x0], $0xffff;
	_ =	sdelay $0x3  }
0x3f2: {  	s7 =	sadd.s32 $0x10, s6;
	s6 =	simm.s32 $0x0  }
0x3f3: {  	s17 =	simm.s32 $0xED00;
	[tilespmem:s7+$0x0] =	vst v10;
	v10 =	vadd.s32 s6, v7  }
0x3f4: {  	v11 =	vadd.s32 s6, v6;
	[hbm4b:s19+s6] =	stream.linear.scatter [tilespmem:s17], [sflag:$0x3], $0xC40, $0x38;
	[tilespmem:$0x17000] =	vst v63  }
0x3f5: {  	_ =	swait.ge [sflag:s25], $0xC40  }
0x3f6: {  	[sflag:s25] =	ssyncset.done $0x0  }
0x3f7: {  	[sflag:s25] =	ssyncadd.s32 $0xFFFFF3C0  }
0x3f8: {  	v12 =	vld.idx.msk [tilespmem:v10+s0+$0x0], $0xffff  }
0x3f9: {  	v11 =	vld.idx.msk [tilespmem:v11+s0+$0x0], $0xffff;
	_ =	sdelay $0x3  }
0x3fa: {  	v10 =	vor.u32 s6, v3  }
0x3fb: {  	vm1 =	veq.s32 v10, v1;
	vm0 =	vne.s32 v11, v12  }
0x3fc: {  	vm2 =	vge.u32 v10, v1;
	vm0 =	vmor vm1, vm0  }
0x3fd: {  	vm0 =	vmand vm2, vm0  }
0x3fe: {  	v11 =	vsel vm0, $0x1, v8  }
0x3ff: {  	(xrf0) =	vadd.scan.msk.s32 $0xffff, v11;
	_ =	sdelay $0x2  }
0x400: {  	v11 =	vmov s6  }
0x401: {  	v11 =	vadd.s32 $0xFFFFFFFF, v11  }
0x402: {  	v11 =	vbroadcast v11, $0x0  }
0x403: {  	v12, _, _ =	vpop (xrf0)  }
0x404: {  	s7 =	simm.s32 $0x10;
	v11 =	vadd.s32 v12, v11;
	(v2sf) =	vpush v12, $0xF  }
0x405: {  	v12 =	vadd.s32 s7, v7  }
0x406: {  	s8 =	simm.s32 $0x20;
	v13 =	vadd.s32 s7, v6  }
.LBB2_60:
0x407: {  	p0 =	sne.s32 s8, $0xC30;
	_ =	sdelay $0x1  }
0x408: {  	[tilespmem:v11+s1+$0x0] =	vst.idx.msk vm0, v10  }
0x409: {  	v11 =	vld.idx.msk [tilespmem:v12+s0+$0x0], $0xffff  }
0x40a: {  	v12 =	vld.idx.msk [tilespmem:v13+s0+$0x0], $0xffff;
	_ =	sdelay $0x4  }
0x40b: {  	v10 =	vor.u32 s7, v3;
	s7 =	smov.u32 s8  }
0x40c: {  	vm1 =	veq.s32 v10, v1;
	vm0 =	vne.s32 v12, v11  }
0x40d: {  	vm2 =	vge.u32 v10, v1;
	vm0 =	vmor vm1, vm0  }
0x40e: {  	vm0 =	vmand vm2, vm0;
	s9 =	spop (v2sf)  }
0x40f: {  	v11 =	vsel vm0, $0x1, v8;
	s6 =	sadd.s32 s6, s9  }
0x410: {  	v12 =	vmov s6;
	(xrf0) =	vadd.scan.msk.s32 $0xffff, v11  }
0x411: {  	v11 =	vadd.s32 $0xFFFFFFFF, v12  }
0x412: {  	v11 =	vbroadcast v11, $0x0;
	_ =	sdelay $0x2  }
.Ltmp29:
0x413: {  	(pc) =	sbr.rel @p0 .LBB2_60-.Ltmp29, $4  }
0x414: {  	v12, _, _ =	vpop (xrf0)  }
0x415: {  	v11 =	vadd.s32 v12, v11;
	(v2sf) =	vpush v12, $0xF  }
0x416: {  	v12 =	vadd.s32 s8, v7  }
0x417: {  	v13 =	vadd.s32 s7, v6;
	s8 =	sadd.s32 $0x10, s8  }
0x418: {  	_ =	sdelay $0x4  }
0x419: {  	[tilespmem:v11+s1+$0x0] =	vst.idx.msk vm0, v10  }
0x41a: {  	v10 =	vld.idx.msk [tilespmem:v12+s0+$0x0], $0xffff  }
0x41b: {  	v11 =	vld.idx.msk [tilespmem:v13+s0+$0x0], $0xffff;
	_ =	sdelay $0x3  }
0x41c: {  	v63 =	vor.u32 s7, v3  }
0x41d: {  	vm1 =	veq.s32 v63, v1;
	vm15 =	vne.s32 v11, v10  }
0x41e: {  	vm2 =	vge.u32 v63, v1;
	vm0 =	vmor vm1, vm15  }
0x41f: {  	vm0 =	vmand vm2, vm0  }
0x420: {  	v10 =	vsel vm0, $0x1, v8  }
0x421: {  	(xrf0) =	vadd.scan.msk.s32 $0xffff, v10;
	_ =	sdelay $0x5  }
0x422: {  	v10, _, _ =	vpop (xrf0)  }
0x423: {  	(v2sf) =	vpush v10, $0xF;
	_ =	sdelay $0x9  }
0x424: {  	s16 =	spop (v2sf)  }
0x425: {  	s6 =	sadd.s32 s6, s16  }
0x426: {  	v11 =	vmov s6  }
0x427: {  	v11 =	vadd.s32 $0xFFFFFFFF, v11  }
0x428: {  	v11 =	vbroadcast v11, $0x0  }
0x429: {  	s17 =	spop (v2sf)  }
0x42a: {  	v10 =	vadd.s32 v10, v11;
	s6 =	sadd.s32 s6, s17  }
0x42b: {  	v11 =	vmov s6;
	p0 =	slt.s32 s6, $0x1  }
.Ltmp30:
0x42c: {  	_ = 	snop;
	(pc) =	sbr.rel @!p0 .LBB2_62-.Ltmp30, $3  }
0x42d: {  	_ =	sdelay $0x1  }
0x42e: {  	[tilespmem:v10+s1+$0x0] =	vst.idx.msk vm0, v63  }
0x42f: {  	s7 =	simm.s32 $0x0;
	[tilespmem:v11+s1+$0x0] =	vst.idx.msk $0x1, v9  }
.LBB2_79:
0x430: {  	s6 =	simm.s32 $0x0  }
0x431: {  	v10 =	vmov s6  }
0x432: {  	v10 =	vshll.u32 v10, $0x4  }
0x433: {  	v10 =	vor.u32 v5, v10;
	_ =	sdelay $0x4  }
0x434: {  	v11 =	vld.idx.msk [tilespmem:v10+s24+$0x0], $0xffff;
	_ =	sdelay $0x3  }
0x435: {  	s16 =	simm.s32 $0x16A00  }
0x436: {  	[tilespmem:s16+$0x0] =	vst v11  }
0x437: {  	v11 =	vld.idx.msk [tilespmem:v10+s26+$0x0], $0xffff;
	_ =	sdelay $0x3  }
0x438: {  	s17 =	simm.s32 $0x16C00;
	s7 =	simm.s32 $0x10  }
0x439: {  	[tilespmem:s17+$0x0] =	vst v11;
	v11 =	vmov s7  }
0x43a: {  	v10 =	vld.idx.msk [tilespmem:v10+s2+$0x0], $0xffff;
	v11 =	vshll.u32 v11, $0x4  }
0x43b: {  	v12 =	vor.u32 v5, v11;
	_ =	sdelay $0x2  }
0x43c: {  	s6 =	simm.s32 $0x16E00  }
0x43d: {  	[tilespmem:s6+$0x0] =	vst v10  }
0x43e: {  	v10 =	vld.idx.msk [tilespmem:v12+s24+$0x0], $0xffff;
	_ =	sdelay $0x3  }
0x43f: {  	s7 =	simm.s32 $0x16A10  }
0x440: {  	[tilespmem:s7+$0x0] =	vst v10  }
0x441: {  	v10 =	vld.idx.msk [tilespmem:v12+s26+$0x0], $0xffff;
	_ =	sdelay $0x3  }
0x442: {  	s8 =	simm.s32 $0x16C10  }
0x443: {  	s9 =	simm.s32 $0x20;
	[tilespmem:s8+$0x0] =	vst v10  }
0x444: {  	v11 =	vmov s9;
	s9 =	simm.s32 $0x30;
	v10 =	vld.idx.msk [tilespmem:v12+s2+$0x0], $0xffff  }
.LBB2_80:
0x445: {  	p0 =	sne.s32 s9, $0x1F0;
	v11 =	vshll.u32 v11, $0x4  }
0x446: {  	v12 =	vor.u32 v5, v11;
	_ =	sdelay $0x2  }
0x447: {  	s6 =	sadd.s32 $0x10, s6  }
0x448: {  	[tilespmem:s6+$0x0] =	vst v10  }
0x449: {  	v10 =	vld.idx.msk [tilespmem:v12+s24+$0x0], $0xffff;
	_ =	sdelay $0x4  }
0x44a: {  	s7 =	sadd.s32 $0x10, s7  }
0x44b: {  	[tilespmem:s7+$0x0] =	vst v10  }
0x44c: {  	v10 =	vld.idx.msk [tilespmem:v12+s26+$0x0], $0xffff;
	_ =	sdelay $0x2  }
.Ltmp31:
0x44d: {  	(pc) =	sbr.rel @p0 .LBB2_80-.Ltmp31, $4  }
0x44e: {  	_ = 	snop  }
0x44f: {  	s8 =	sadd.s32 $0x10, s8  }
0x450: {  	[tilespmem:s8+$0x0] =	vst v10  }
0x451: {  	v11 =	vmov s9;
	s9 =	sadd.s32 $0x10, s9;
	v10 =	vld.idx.msk [tilespmem:v12+s2+$0x0], $0xffff  }
0x452: {  	v11 =	vshll.u32 v11, $0x4  }
0x453: {  	v11 =	vor.u32 v5, v11;
	_ =	sdelay $0x2  }
0x454: {  	s6 =	sadd.s32 $0x10, s6  }
0x455: {  	[tilespmem:s6+$0x0] =	vst v10  }
0x456: {  	v10 =	vld.idx.msk [tilespmem:v11+s24+$0x0], $0xffff;
	_ =	sdelay $0x3  }
0x457: {  	s7 =	sadd.s32 $0x10, s7  }
0x458: {  	[tilespmem:s7+$0x0] =	vst v10  }
0x459: {  	v10 =	vld.idx.msk [tilespmem:v11+s26+$0x0], $0xffff;
	_ =	sdelay $0x3  }
0x45a: {  	s14 =	sadd.s32 $0x10, s8  }
0x45b: {  	[tilespmem:s14+$0x0] =	vst v10  }
0x45c: {  	v10 =	vld.idx.msk [tilespmem:v11+s2+$0x0], $0xffff;
	_ =	sdelay $0x3  }
0x45d: {  	s6 =	sadd.s32 $0x10, s6  }
0x45e: {  	s15 =	simm.s32 $0x16A00;
	[tilespmem:s6+$0x0] =	vst v10  }
0x45f: {  	[hbm4b:s20+s3] =	stream.linear.scatter [tilespmem:s15], [sflag:$0x3], $0x200, $0x38;
	[tilespmem:$0x17000] =	vst v63  }
0x460: {  	_ =	swait.ge [sflag:s25], $0x200  }
0x461: {  	[sflag:s25] =	ssyncset.done $0x0  }
0x462: {  	s16 =	simm.s32 $0x16C00;
	[sflag:s25] =	ssyncadd.s32 $0xFFFFFE00  }
0x463: {  	[hbm4b:s21+s3] =	stream.linear.scatter [tilespmem:s16], [sflag:$0x3], $0x200, $0x38;
	[tilespmem:$0x17000] =	vst v63  }
0x464: {  	_ =	swait.ge [sflag:s25], $0x200  }
0x465: {  	s5 =	sadd.s32 $0x1, s5;
	[sflag:s25] =	ssyncset.done $0x0  }
0x466: {  	s17 =	simm.s32 $0x16E00;
	p0 =	sne.s32 s5, s23;
	[sflag:s25] =	ssyncadd.s32 $0xFFFFFE00  }
0x467: {  	[hbm4b:s22+s3] =	stream.linear.scatter [tilespmem:s17], [sflag:$0x3], $0x200, $0x38;
	[tilespmem:$0x17000] =	vst v63  }
.Ltmp32:
0x468: {  	_ = 	snop;
	(pc) =	sbr.rel @p0 .LBB2_1-.Ltmp32, $4  }
.Ltmp33:
0x469: {  	_ = 	snop;
	(pc) =	sbr.rel @!p0 .LBB2_82-.Ltmp33, $4  }
0x46a: {  	_ =	swait.ge [sflag:s25], $0x200  }
0x46b: {  	[sflag:s25] =	ssyncset.done $0x0  }
0x46c: {  	[sflag:s25] =	ssyncadd.s32 $0xFFFFFE00  }
0x46d: {  	_ = 	snop  }
.LBB2_68:
0x46e: {  	v14 =	vimm.f32 $0.0e+00;
	s13 =	smov.u32 s17;
	p1 =	por $0x0, $0x0;
	p2 =	por $0x0, $0x0  }
.LBB2_77:
0x46f: {  	_ =	sdelay $0x1  }
0x470: {  	v15 =	vsub.f32 v15, v12;
	_ =	sdelay $0x1  }
0x471: {  	(erf) = vpow2.f32 @p1 v16;
	s11 =	sadd.s32 @p0 $0x10, s13;
	s12 =	smov.u32 s17;
	v15 =	vmul.f32 $1.442695020e+00, v15  }
0x472: {  	s12 =	smov.u32 @p0 s11  }
0x473: {  	v16 =	vor.u32 @p2 s12, v3  }
0x474: {  	vm0 =	vge.s32 @p2 v16, v10;
	vm1 =	vlt.s32 @p2 v16, v11  }
0x475: {  	vm0 =	vmand @p2 vm0, vm1;
	(erf) = vpow2.f32 v15;
	v15 =	vpop @p2 (erf)  }
0x476: {  	s11 =	sadd.s32 @p2 $0x10, s12;
	s12 =	smov.u32 s17;
	v15 =	vnsel @p2 vm0, $0x0, v15  }
0x477: {  	v14 =	vadd.f32 @p0 v17, v14;
	s12 =	smov.u32 @p2 s11;
	v15 =	vpsel p2, v15, v0  }
0x478: {  	v16 =	vor.u32 @p1 s12, v3  }
0x479: {  	v14 =	vpsel p0, v14, v13;
	vm1 =	vlt.s32 @p1 v16, v11;
	vm0 =	vge.s32 @p1 v16, v10  }
0x47a: {  	s11 =	sadd.s32 @p1 $0x10, s12;
	vm0 =	vmand @p1 vm0, vm1;
	v14 =	vadd.f32 @p2 v15, v14;
	v15 =	vpop @p1 (erf)  }
0x47b: {  	s17 =	smov.u32 @p1 s11;
	v15 =	vnsel @p1 vm0, $0x0, v15  }
0x47c: {  	v63 =	vor.u32 s17, v3;
	v14 =	vpsel p2, v14, v13;
	v15 =	vpsel p1, v15, v0  }
0x47d: {  	vm14 =	vge.s32 v63, v10;
	vm15 =	vlt.s32 v63, v11;
	v14 =	vadd.f32 @p1 v15, v14  }
0x47e: {  	vm0 =	vmand vm14, vm15;
	v10 =	vpop (erf)  }
0x47f: {  	v10 =	vnsel vm0, $0x0, v10;
	v11 =	vpsel p1, v14, v13  }
0x480: {  	v13 =	vadd.f32 v10, v11  }
.LBB2_78:
0x481: {  	_ = 	snop  }
0x482: {  	(xrf2) =	vadd.scan.msk.f32 $0xffff, v13;
	_ =	sdelay $0x7  }
0x483: {  	s7 =	sadd.s32 $0x1, s7  }
0x484: {  	p0 =	sne.s32 s7, s6  }
.Ltmp34:
0x485: {  	s8 =	ssub.s32 s9, s8;
	v10, _, _ =	vpop (xrf2);
	(pc) =	sbr.rel @!p0 .LBB2_79-.Ltmp34, $4  }
0x486: {  	s17 =	sshll.u32 s10, $0x4;
	s8 =	scvt.s32.f32 s8;
	v10 =	vbroadcast v10, $0xF  }
0x487: {  	[tilespmem:s17+$0x10780] =	vst v12  }
0x488: {  	[tilespmem:s17+$0x12780] =	vst v10;
	v10 =	vmov s8  }
0x489: {  	[tilespmem:s17+$0x14780] =	vst v10  }
.LBB2_62:
0x48a: {  	v10 =	vld [tilespmem:s7+$0x16780];
	_ =	sdelay $0x4  }
0x48b: {  	(v2sf) =	vpush v10, $0x0;
	_ =	sdelay $0x1  }
0x48c: {  	v11 =	vld [tilespmem:s7+$0x16781];
	_ =	sdelay $0x4  }
0x48d: {  	(v2sf) =	vpush v11, $0x0;
	_ =	sdelay $0x7  }
0x48e: {  	s8 =	spop (v2sf)  }
0x48f: {  	v12 =	vld [tilespmem:s8+$0xE090];
	_ =	sdelay $0x4  }
0x490: {  	(v2sf) =	vpush v12, $0x0  }
0x491: {  	s13 =	simm.s32 $0x1;
	s10 =	sshra.s32 s8, $0x1F;
	s9 =	spop (v2sf)  }
0x492: {  	s11 =	sand.u32 $0xF, s8;
	p0 =	slt.s32 s8, $0x1;
	s10 =	sshrl.u32 s10, $0x1C  }
0x493: {  	s12 =	sadd.s32 $0xF, s9;
	p1 =	sne.s32 s11, $0x0;
	s10 =	sadd.s32 s10, s8  }
0x494: {  	s16 =	sand.u32 $0xF, s12;
	p0 =	por !p0, !p1;
	p6 =	slt.s32 s12, $0x1  }
0x495: {  	s17 =	sshra.s32 s12, $0x1F;
	p2 =	sne.s32 s16, $0x0;
	s10 =	sshra.s32 s10, $0x4  }
0x496: {  	p0 =	por !p0, !p0;
	s11 =	sshrl.u32 s17, $0x1C;
	p1 =	por !p6, !p2  }
0x497: {  	s11 =	sadd.s32 s11, s12;
	s12 =	simm.s32 $0x1;
	p1 =	por !p1, !p1  }
0x498: {  	s13 =	simm.s32 @!p0 $0x0;
	s14 =	sshra.s32 s11, $0x4;
	s12 =	simm.s32 @!p1 $0x0  }
0x499: {  	s11 =	ssub.s32 s10, s13;
	s12 =	ssub.s32 s14, s12  }
0x49a: {  	p0 =	sge.s32 s11, s12  }
.Ltmp35:
0x49b: {  	_ = 	snop;
	(pc) =	sbr.rel @p0 .LBB2_78-.Ltmp35, $2  }
0x49c: {  	_ =	sdelay $0x2  }
0x49d: {  	v13 =	vimm.f32 $0.0e+00;
	v12 =	vmov v2;
	s10 =	spop (v2sf)  }
0x49e: {  	s14 =	sadd.s32 $0x1, s11  }
0x49f: {  	p1 =	slt.s32 s14, s12  }
.Ltmp36:
0x4a0: {  	_ = 	snop;
	(pc) =	sbr.rel @!p1 .LBB2_67-.Ltmp36, $4  }
0x4a1: {  	s13 =	sshll.u32 s11, $0x6  }
0x4a2: {  	s13 =	sshra.s32 s13, $0x2  }
0x4a3: {  	v10 =	vbroadcast v10, $0x0;
	v11 =	vbroadcast v11, $0x0;
	s17 =	sshll.u32 s11, $0x4;
	p0 =	por $0x0, $0x0;
	s15 =	sadd.s32 $0xED00, s13  }
0x4a4: {  	v12 =	vimm.f32 $-1.000000020e+30;
	v13 =	vimm.f32 $-1.000000020e+30;
	p2 =	por $0x0, $0x0;
	v14 =	vor.u32 s17, v3;
	s11 =	smov.u32 s17;
	s13 =	smov.u32 s15  }
0x4a5: {  	s16 =	sadd.s32 $0x1, s14  }
0x4a6: {  	v13 =	vld [tilespmem:s15+$0x0];
	p3 =	slt.s32 s16, s12  }
.Ltmp37:
0x4a7: {  	_ = 	snop;
	(pc) =	sbr.rel @!p3 .LBB2_65-.Ltmp37, $4  }
0x4a8: {  	_ = 	snop  }
0x4a9: {  	vm0 =	vge.s32 v14, v10;
	vm1 =	vlt.s32 v14, v11  }
0x4aa: {  	vm0 =	vmand vm0, vm1  }
0x4ab: {  	s13 =	sadd.s32 $0x10, s15;
	p2 =	por $0x1, $0x1;
	s11 =	smov.u32 s17;
	v15 =	vnsel vm0, $0xF149F2CA, v13;
	v13 =	vimm.f32 $-1.000000020e+30  }
.LBB2_66:
0x4ac: {  	s16 =	sadd.s32 $0x1, s16  }
0x4ad: {  	v16 =	vld [tilespmem:s13+$0x0];
	v13 =	vmax.f32 v13, v15;
	s11 =	sadd.s32 $0x10, s11;
	p3 =	slt.s32 s16, s12  }
.Ltmp38:
0x4ae: {  	(pc) =	sbr.rel @p3 .LBB2_66-.Ltmp38, $4  }
0x4af: {  	v15 =	vor.u32 s11, v3  }
0x4b0: {  	vm0 =	vge.s32 v15, v10;
	vm1 =	vlt.s32 v15, v11  }
0x4b1: {  	vm0 =	vmand vm0, vm1  }
0x4b2: {  	s13 =	sadd.s32 $0x10, s13;
	v15 =	vnsel vm0, $0xF149F2CA, v16  }
.LBB2_67:
0x4b3: {  	v16 =	vld [tilespmem:s13+$0x0];
	s11 =	sadd.s32 @p2 $0x10, s11;
	s13 =	smov.u32 s17  }
0x4b4: {  	s13 =	smov.u32 @p2 s11  }
0x4b5: {  	v17 =	vor.u32 s13, v3  }
0x4b6: {  	vm0 =	vge.s32 v17, v10;
	vm1 =	vlt.s32 v17, v11  }
0x4b7: {  	v13 =	vmax.f32 @p2 v13, v15;
	vm0 =	vmand vm0, vm1  }
0x4b8: {  	v12 =	vpsel p2, v13, v12;
	v15 =	vnsel vm0, $0xF149F2CA, v16  }
0x4b9: {  	v12 =	vmax.f32 v12, v15  }
0x4ba: {  	(xrf0) =	vmax.scan.msk.f32 $0xffff, v12;
	_ =	sdelay $0x2  }
.Ltmp39:
0x4bb: {  	_ = 	snop;
	(pc) =	sbr.rel @!p1 .LBB2_68-.Ltmp39, $4  }
0x4bc: {  	_ = 	snop  }
0x4bd: {  	v15 =	vld [tilespmem:s15+$0x0]  }
0x4be: {  	v12, _, _ =	vpop (xrf0)  }
0x4bf: {  	v13 =	vimm.f32 $0.0e+00;
	v12 =	vbroadcast v12, $0xF  }
0x4c0: {  	s13 =	sadd.s32 $0x1, s14  }
0x4c1: {  	p2 =	slt.s32 s13, s12  }
.Ltmp40:
0x4c2: {  	_ = 	snop;
	(pc) =	sbr.rel @!p2 .LBB2_70-.Ltmp40, $3  }
0x4c3: {  	s11 =	sadd.s32 $0x10, s15  }
0x4c4: {  	v16 =	vsub.f32 v15, v12;
	v15 =	vld [tilespmem:s11+$0x0];
	_ =	sdelay $0x1  }
0x4c5: {  	p1 =	por $0x1, $0x1;
	v16 =	vmul.f32 $1.442695020e+00, v16  }
0x4c6: {  	s13 =	sadd.s32 $0x1, s13  }
0x4c7: {  	p3 =	slt.s32 s13, s12  }
.Ltmp41:
0x4c8: {  	_ = 	snop;
	(pc) =	sbr.rel @!p3 .LBB2_72-.Ltmp41, $3  }
0x4c9: {  	s11 =	sadd.s32 $0x10, s11  }
0x4ca: {  	v17 =	vsub.f32 v15, v12;
	v15 =	vld [tilespmem:s11+$0x0];
	_ =	sdelay $0x1  }
0x4cb: {  	p2 =	por $0x1, $0x1;
	(erf) = vpow2.f32 v16;
	v16 =	vmul.f32 $1.442695020e+00, v17  }
0x4cc: {  	_ =	sdelay $0x2  }
0x4cd: {  	s14 =	sadd.s32 $0x1, s13  }
0x4ce: {  	p3 =	slt.s32 s14, s12  }
.Ltmp42:
0x4cf: {  	_ = 	snop;
	(pc) =	sbr.rel @!p3 .LBB2_74-.Ltmp42, $4  }
0x4d0: {  	s15 =	sadd.s32 $0x10, s11;
	(erf) = vpow2.f32 v16  }
0x4d1: {  	vm0 =	vge.s32 v14, v10;
	vm1 =	vlt.s32 v14, v11;
	v17 =	vsub.f32 v15, v12;
	v15 =	vld [tilespmem:s15+$0x0]  }
0x4d2: {  	vm0 =	vmand vm0, vm1;
	v14 =	vpop (erf)  }
0x4d3: {  	p0 =	por $0x1, $0x1;
	s13 =	smov.u32 s17;
	v16 =	vmul.f32 $1.442695020e+00, v17;
	v17 =	vnsel vm0, $0x0, v14;
	v14 =	vimm.f32 $0.0e+00  }
.LBB2_75:
0x4d4: {  	s14 =	sadd.s32 $0x1, s14  }
0x4d5: {  	v14 =	vadd.f32 v17, v14;
	s13 =	sadd.s32 $0x10, s13;
	p3 =	slt.s32 s14, s12  }
.Ltmp43:
0x4d6: {  	(erf) = vpow2.f32 v16;
	(pc) =	sbr.rel @p3 .LBB2_75-.Ltmp43, $4  }
0x4d7: {  	v16 =	vor.u32 s13, v3  }
0x4d8: {  	s15 =	sadd.s32 $0x10, s15;
	vm0 =	vge.s32 v16, v10;
	vm1 =	vlt.s32 v16, v11;
	v17 =	vsub.f32 v15, v12  }
0x4d9: {  	vm0 =	vmand vm0, vm1;
	v15 =	vld [tilespmem:s15+$0x0];
	v18 =	vpop (erf)  }
0x4da: {  	v16 =	vmul.f32 $1.442695020e+00, v17;
	v17 =	vnsel vm0, $0x0, v18  }
.Ltmp44:
0x4db: {  	(pc) =	sbr.rel .LBB2_77-.Ltmp44, $1  }
0x4dc: {  	_ =	sdelay $0x3  }
.LBB2_65:
.Ltmp45:
0x4dd: {  	(pc) =	sbr.rel .LBB2_67-.Ltmp45, $2  }
0x4de: {  	_ =	sdelay $0x2  }
0x4df: {  	v13 =	vimm.f32 $-1.000000020e+30;
	s11 =	smov.u32 s17  }
.LBB2_70:
.Ltmp46:
0x4e0: {  	(pc) =	sbr.rel .LBB2_77-.Ltmp46, $2  }
0x4e1: {  	_ =	sdelay $0x2  }
0x4e2: {  	v14 =	vimm.f32 $0.0e+00;
	s13 =	smov.u32 s17;
	p2 =	por $0x0, $0x0  }
.LBB2_72:
.Ltmp47:
0x4e3: {  	(pc) =	sbr.rel .LBB2_77-.Ltmp47, $2  }
0x4e4: {  	_ =	sdelay $0x2  }
0x4e5: {  	v14 =	vimm.f32 $0.0e+00;
	s13 =	smov.u32 s17  }
.LBB2_74:
.Ltmp48:
0x4e6: {  	(pc) =	sbr.rel .LBB2_77-.Ltmp48, $2  }
0x4e7: {  	_ =	sdelay $0x2  }
0x4e8: {  	v14 =	vimm.f32 $0.0e+00;
	s13 =	smov.u32 s17  }
.LBB2_82:
0x4e9: {  	_ =	sfence.sel $0x180000  }
0x4ea: {  	[bflag:$0x0] =	sbarrier.arrive $0xFFFF  }
0x4eb: {  	_ =	strace $0x90000047  }
0x4ec: {  	s0 =	stileid.u32;
	[bflag:$0x2] =	sbarrier.arrive $0xFFFF  }
0x4ed: {  	p0 =	sne.s32 s0, $0x0;
	s0 =	rddreg [dreg:$0x4]  }
0x4ee: {  	s0 =	sadd.s32 @!p0 $0x100000, s0  }
0x4ef: {  	[sflag:s0] =	ssyncadd.tile.s32 @!p0 $0x1;
	_ =	shalt  }
.Lfunc_end2:
_tile_overlayer_lowered:
.L_overlay_start_2:
0x4f0: {  	(tag) =	ssettag $0x2  }
0x4f1: {  	s0 =	rddreg [dreg:$0x0];
	s2 =	stileid.u32  }
0x4f2: {  	s1 =	rddreg [dreg:$0x1];
	p0 =	sne.s32 s2, $0x0  }
0x4f3: {  	s3 =	rddreg [dreg:$0x2];
	[bflag:$0x3] =	sbarrier.arrive $0xFFFF;
	s2 =	simm.s32 @!p0 $0x1C03  }
0x4f4: {  	[timem:s3], [sflag:s2] =	dma.local @!p0 [hbm:s0], s1  }
0x4f5: {  	s0 =	simm.s32 @!p0 $0x3  }
0x4f6: {  	_ =	swait.ge @!p0 [sflag:s0], s1  }
0x4f7: {  	s1 =	ssub.s32 @!p0 $0x0, s1;
	[sflag:s0] =	ssyncset.done @!p0 $0x0  }
0x4f8: {  	[sflag:s0] =	ssyncadd.s32 @!p0 s1  }
0x4f9: {  	[bflag:$0x3] =	sbarrier.arrive $0xFFFF  }
0x4fa: {  	_ =	shalt  }

// kernel: kernel.7.cloned.1.call-start
scs
__scs_entry_jumppad:
0x0: {  	(pc) =	sbr.rel $0x88, $3  }
0x1: {  	(tag) =	ssettag $0x0;
	lr =	simm.s32 $0x1  }
0x2: {  	[smem:$0x3F9E] =	sst lr;
	_ =	strace $0xD0000000  }
0x3: {  	_ = 	snop  }
0x4: {  	_ = 	snop  }
0x5: {  	_ = 	snop  }
0x6: {  	_ = 	snop  }
0x7: {  	_ = 	snop  }
__scs_overlays_trampoline_lowered:
0x8: {  	[smem:$0x3FAD] =	sst s0  }
0x9: {  	[smem:$0x3FAE] =	sst s1  }
0xa: {  	[smem:$0x3FAF] =	sst s2  }
0xb: {  	[smem:$0x3FB0] =	sst s3  }
0xc: {  	[smem:$0x3FB1] =	sst s4  }
0xd: {  	[smem:$0x3FB2] =	sst s5  }
0xe: {  	[smem:$0x3FB3] =	sst s6  }
0xf: {  	[smem:$0x3FB4] =	sst s7  }
0x10: {  	[smem:$0x3FB5] =	sst s8  }
0x11: {  	[smem:$0x3FB6] =	sst s9;
	s0 =	simm.s32 @!p0 $0x0  }
0x12: {  	s1 =	sld [smem:$0x3F9C];
	s0 =	simm.s32 @p0 $0x1  }
0x13: {  	[smem:$0x3FB7] =	sst s0;
	s0 =	simm.s32 @!p1 $0x0  }
0x14: {  	s2 =	sld [smem:$0x3F9B];
	s0 =	simm.s32 @p1 $0x1  }
0x15: {  	[smem:$0x3FB8] =	sst s0;
	s0 =	simm.s32 @!p2 $0x0  }
0x16: {  	s3 =	sld [smem:$0x3FDB];
	s0 =	simm.s32 @p2 $0x1  }
0x17: {  	s4 =	simm.s32 $0x1BF5;
	[smem:$0x3FBA] =	sst s0  }
0x18: {  	s0 =	sld [smem:$0x3F9D];
	_ =	swait.ge [sflag:s4], $0x0  }
0x19: {  	s7 =	sld [smem:$0x3F9E]  }
0x1a: {  	s8 =	sadd.s32 $0xFFFFE003, lr  }
0x1b: {  	s9 =	sadd.s32 $0xFFFFFEF7, lr;
	s5 =	simm.s32 $0xFFFFFFFF;
	p2 =	slt.u32 s8, $0xFFFFF086  }
0x1c: {  	p1 =	slt.u32 s9, $0xF7A;
	s5 =	simm.s32 @!p2 $0x0  }
0x1d: {  	s5 =	simm.s32 @p1 $0x1;
	p0 =	seq.s32 s7, s2  }
0x1e: {  	s7 =	smul.u32 @!p0 $0xF7A, s2;
	p2 =	seq.s32 @!p0 s5, $0x0  }
0x1f: {  	s9 =	smul.u32 $0xF7A, s1;
	s8 =	simm.s32 @!p0 $0x1BF5;
	p2 =	por !p2, p0  }
0x20: {  	[sflag:s8] =	ssyncset.s32 @!p0 $0xFFFFF086;
	s6 =	sadd.s32 @!p0 s3, s7;
	s7 =	simm.s32 @!p0 $0x108  }
0x21: {  	s3 =	sadd.s32 s3, s9;
	s6 =	sadd.s32 @!p0 $0x88, s6;
	s7 =	simm.s32 @p2 $0x1082  }
0x22: {  	[simem:s7], [sflag:s8] =	dma.local @!p0 [hbm:s6], $0xF7A  }
0x23: {  	s9 =	sor.u32 $0xD0000000, s2;
	s6 =	simm.s32 $0x108;
	_ =	swait.ge @!p0 [sflag:s8], $0x0  }
0x24: {  	s3 =	sadd.s32 $0x88, s3;
	s6 =	simm.s32 @!p1 $0x1082;
	[sflag:s4] =	ssyncset.s32 $0xFFFFF086  }
0x25: {  	[simem:s6], [sflag:s4] =	dma.local [hbm:s3], $0xF7A  }
0x26: {  	[smem:$0x3F9E] =	sst s1;
	(tag) =	ssettag s2;
	_ =	strace s9  }
0x27: {  	s1 =	sld [smem:$0x3FAE]  }
0x28: {  	s2 =	sld [smem:$0x3FAF]  }
0x29: {  	s4 =	sld [smem:$0x3FB1]  }
0x2a: {  	p0 =	seq.s32 s5, $0x0;
	s5 =	sld [smem:$0x3FB2]  }
0x2b: {  	s6 =	sld [smem:$0x3FB3]  }
0x2c: {  	s7 =	sld [smem:$0x3FB4]  }
0x2d: {  	s3 =	simm.s32 $0x108;
	s8 =	sld [smem:$0x3FB5]  }
0x2e: {  	s3 =	simm.s32 @!p0 $0x1082;
	s9 =	sld [smem:$0x3FB6]  }
0x2f: {  	lr =	sadd.s32 s0, s3;
	s0 =	sld [smem:$0x3FAD]  }
0x30: {  	s3 =	sld [smem:$0x3FB0]  }
0x31: {  	[smem:$0x3FB9] =	sst s10  }
0x32: {  	s10 =	sld [smem:$0x3FB7];
	_ =	sdelay $0x3  }
0x33: {  	p0 =	seq.s32 s10, $0x1;
	s10 =	sld [smem:$0x3FB9];
	_ =	sdelay $0x3  }
0x34: {  	[smem:$0x3FB9] =	sst s10  }
0x35: {  	s10 =	sld [smem:$0x3FB8];
	_ =	sdelay $0x3  }
0x36: {  	p1 =	seq.s32 s10, $0x1;
	s10 =	sld [smem:$0x3FB9];
	_ =	sdelay $0x3  }
0x37: {  	[smem:$0x3FB9] =	sst s10  }
0x38: {  	s10 =	sld [smem:$0x3FBA]  }
0x39: {  	_ = 	snop;
	(pc) =	sbr.ind lr, $3  }
0x3a: {  	_ = 	snop  }
0x3b: {  	_ = 	snop  }
0x3c: {  	p2 =	seq.s32 s10, $0x1;
	s10 =	sld [smem:$0x3FB9]  }
0x3d: {  	_ =	shalt  }
0x3e: {  	_ =	shalt  }
0x3f: {  	_ =	shalt  }
0x40: {  	_ =	shalt  }
0x41: {  	_ =	shalt  }
0x42: {  	_ =	shalt  }
0x43: {  	_ =	shalt  }
0x44: {  	_ =	shalt  }
0x45: {  	_ =	shalt  }
0x46: {  	_ =	shalt  }
0x47: {  	_ =	shalt  }
0x48: {  	_ =	shalt  }
0x49: {  	_ =	shalt  }
0x4a: {  	_ =	shalt  }
0x4b: {  	_ =	shalt  }
0x4c: {  	_ =	shalt  }
0x4d: {  	_ =	shalt  }
0x4e: {  	_ =	shalt  }
0x4f: {  	_ =	shalt  }
0x50: {  	_ =	shalt  }
0x51: {  	_ =	shalt  }
0x52: {  	_ =	shalt  }
0x53: {  	_ =	shalt  }
0x54: {  	_ =	shalt  }
0x55: {  	_ =	shalt  }
0x56: {  	_ =	shalt  }
0x57: {  	_ =	shalt  }
0x58: {  	_ =	shalt  }
0x59: {  	_ =	shalt  }
0x5a: {  	_ =	shalt  }
0x5b: {  	_ =	shalt  }
0x5c: {  	_ =	shalt  }
0x5d: {  	_ =	shalt  }
0x5e: {  	_ =	shalt  }
0x5f: {  	_ =	shalt  }
0x60: {  	_ =	shalt  }
0x61: {  	_ =	shalt  }
0x62: {  	_ =	shalt  }
0x63: {  	_ =	shalt  }
0x64: {  	_ =	shalt  }
0x65: {  	_ =	shalt  }
0x66: {  	_ =	shalt  }
0x67: {  	_ =	shalt  }
0x68: {  	_ =	shalt  }
0x69: {  	_ =	shalt  }
0x6a: {  	_ =	shalt  }
0x6b: {  	_ =	shalt  }
0x6c: {  	_ =	shalt  }
0x6d: {  	_ =	shalt  }
0x6e: {  	_ =	shalt  }
0x6f: {  	_ =	shalt  }
0x70: {  	_ =	shalt  }
0x71: {  	_ =	shalt  }
0x72: {  	_ =	shalt  }
0x73: {  	_ =	shalt  }
0x74: {  	_ =	shalt  }
0x75: {  	_ =	shalt  }
0x76: {  	_ =	shalt  }
0x77: {  	_ =	shalt  }
0x78: {  	_ =	shalt  }
0x79: {  	_ =	shalt  }
0x7a: {  	_ =	shalt  }
0x7b: {  	_ =	shalt  }
0x7c: {  	_ =	shalt  }
0x7d: {  	_ =	shalt  }
0x7e: {  	_ =	shalt  }
0x7f: {  	_ =	shalt  }
0x80: {  	_ =	shalt  }
0x81: {  	_ =	shalt  }
0x82: {  	_ =	shalt  }
0x83: {  	_ =	shalt  }
0x84: {  	_ =	shalt  }
0x85: {  	_ =	shalt  }
0x86: {  	_ =	shalt  }
0x87: {  	_ =	shalt  }
.Lfunc_end0:
.L_simem_size_0:
called_computation.1_lowered:
.L_overlay_start_0:
0x88: {  	s2 =	sld [smem:$0x3FD9]  }
0x89: {  	s3 =	sld [smem:$0x3FFE];
	_ =	sdelay $0x1  }
0x8a: {  	s1 =	srdreg.scid  }
0x8b: {  	s0 =	sand.u32 $0x1, s1  }
0x8c: {  	s14 =	sshll.u32 s0, $0xA;
	s2 =	sadd.s32 s3, s2  }
0x8d: {  	s2 =	sadd.s32 s2, s14  }
0x8e: {  	[smem:$0x3FC5] =	sst s2  }
0x8f: {  	_ = 	snop  }
0x90: {  	s2 =	sld [smem:$0x3FD0];
	_ =	sdelay $0x1  }
0x91: {  	s15 =	sld [smem:$0x3FC9]  }
0x92: {  	s5 =	simm.s32 $0xA;
	s6 =	simm.s32 $0x10;
	s4 =	sld [smem:$0x3FC7]  }
0x93: {  	[smem:s6], [sflag:s5] =	dma.local [hbm:s2], $0x1  }
0x94: {  	_ =	swait.eq [sflag:s5], $0x1  }
0x95: {  	[sflag:s5] =	ssyncset.done $0x0  }
0x96: {  	s16 =	sld [smem:$0x10];
	[sflag:s5] =	ssyncadd.s32 $0xFFFFFFFF  }
0x97: {  	s17 =	sld [smem:$0x11];
	(tm) =	ssettm $0x1  }
0x98: {  	s18 =	sld [smem:$0x3FFB];
	_ =	sdelay $0x3  }
0x99: {  	_ =	strace s18  }
0x9a: {  	s6 =	sld [smem:$0x3FFC];
	_ =	sdelay $0x3  }
0x9b: {  	_ =	strace s6  }
0x9c: {  	s6 =	sld [smem:$0x3FFD];
	_ =	sdelay $0x3  }
0x9d: {  	_ =	strace s6  }
0x9e: {  	_ =	strace $0x8FFFFFFF  }
0x9f: {  	s19 =	sld [smem:$0x3FDB];
	_ =	sdelay $0x1  }
0xa0: {  	s7 =	simm.s32 $_scs_section_size  }
0xa1: {  	s8 =	simm.s32 $_size__tile_overlayer_lowered;
	s9 =	simm.s32 $_tile_overlayer_lowered  }
0xa2: {  	s22 =	simm.s32 $0x1BFF;
	s21 =	sshll.u32 s9, $0x1;
	s6 =	sadd.s32 s7, s19  }
0xa3: {  	s10 =	simm.s32 $0x0;
	s20 =	sshll.u32 s8, $0x1;
	s8 =	sadd.s32 s21, s6  }
0xa4: {  	[timem:s10], [sflag:s22] =	dma.local [hbm:s8], s20  }
0xa5: {  	_ =	swait.ge [sflag:s22], s20  }
0xa6: {  	s7 =	ssub.s32 $0x0, s20;
	[sflag:s22] =	ssyncset.done $0x0  }
0xa7: {  	[sflag:s22] =	ssyncadd.s32 s7;
	_ =	sdelay $0x1  }
0xa8: {  	s23 =	simm.s32 $0x1B8B  }
0xa9: {  	_ =	swait.ge [sflag:s23], $0x1  }
0xaa: {  	[sflag:s23] =	ssyncset.done $0x0  }
0xab: {  	s25 =	simm.s32 $0x1B8E;
	s24 =	sld [smem:$0x3FFE];
	[sflag:s23] =	ssyncadd.s32 $0xFFFFFFFF  }
0xac: {  	s26 =	simm.s32 $execute0_lowered;
	[smem:$0x3FD2] =	sst s25  }
0xad: {  	s8 =	sshll.u32 s26, $0x1;
	_ =	strace $0x80000049;
	[dreg:$0x1] =	wrdreg $0xFFFFFFFF  }
0xae: {  	s28 =	simm.s32 $_size_execute0_lowered;
	s6 =	sadd.s32 s6, s8;
	[dreg:$0x0] =	wrdreg $0x0  }
0xaf: {  	s8 =	sshll.u32 s28, $0x1;
	[dreg:$0x2] =	wrdreg s6  }
0xb0: {  	[dreg:$0x3] =	wrdreg s8  }
0xb1: {  	[dreg:$0x4] =	wrdreg $0xC0  }
0xb2: {  	_ =	task [dreg:s10], $0x5FFFF  }
0xb3: {  	[dreg:$0x1] =	wrdreg $0xFFFFFFFF  }
0xb4: {  	[dreg:$0x0] =	wrdreg $0x60  }
0xb5: {  	[dreg:$0x2] =	wrdreg s15  }
0xb6: {  	[dreg:$0x3] =	wrdreg s4  }
0xb7: {  	[dreg:$0x4] =	wrdreg s24  }
0xb8: {  	[dreg:$0x5] =	wrdreg s17  }
0xb9: {  	[dreg:$0x6] =	wrdreg s16  }
0xba: {  	[dreg:$0x7] =	wrdreg $0x9  }
0xbb: {  	_ =	task.clear_ibuf [dreg:s10], $0x8FFFF;
	_ =	strace $0x90000049  }
0xbc: {  	s29 =	simm.s32 $0x9;
	_ =	strace $0x8000004B  }
0xbd: {  	_ =	swait.ge [sflag:s29], $0x1  }
0xbe: {  	[sflag:s29] =	ssyncadd.s32 $0xFFFFFFFF  }
0xbf: {  	_ =	strace $0x9000004B  }
0xc0: {  	_ =	sfence  }
0xc1: {  	s30 =	sld [smem:$0x0];
	_ =	sdelay $0x2  }
0xc2: {  	s31 =	sshll.u32 s1, $0xD;
	s1 =	sshrl.u32 s1, $0x2  }
0xc3: {  	s3 =	sand.u32 $0x4000, s31;
	s1 =	sadd.s32 s1, s30  }
0xc4: {  	s0 =	sor.u32 s3, s0;
	s1 =	sshll.u32 s1, $0x11  }
0xc5: {  	s0 =	sor.u32 s1, s0  }
0xc6: {  	s0 =	sadd.s32 $0x8F2B, s0  }
0xc7: {  	[sflag:s0] =	ssyncadd.remote.s32 $0x1  }
0xc8: {  	_ =	sfence.sel $0xFFFF  }
0xc9: {  	[dreg:$0x0] =	wrdreg $0xFFFFFFFF;
	(pc) =	sbr.abs _section_cstart, $3  }
0xca: {  	[dreg:$0x1] =	wrdreg $0xFFFFFFFF  }
0xcb: {  	_ =	task.clear_ibuf [dreg:s10], $0x2FFFF;
	_ =	strace $0x9FFFFFFF  }
0xcc: {  	(tm) =	ssettm $0x7FFFFFFF  }
0xcd: {  	_ =	shalt  }
tec
execute0_lowered:
.L_overlay_start_1:
0x0: {  	(tag) =	ssettag $0x1  }
0x1: {  	s0 =	rddreg [dreg:$0x0]  }
0x2: {  	s2 =	rddreg [dreg:$0x1]  }
0x3: {  	s1 =	rddreg [dreg:$0x2]  }
0x4: {  	s3 =	rddreg [dreg:$0x3];
	s4 =	srdreg.scid  }
0x5: {  	s5 =	stileid.u32;
	s6 =	rddreg [dreg:$0x4]  }
0x6: {  	s16 =	simm.s32 $0x1;
	s17 =	simm.s32 $0x2;
	s18 =	simm.s32 $0x3  }
0x7: {  	s28 =	simm.s32 $0x1AC80;
	s29 =	simm.s32 $0x1AE80;
	s31 =	simm.s32 $0x0  }
0x8: {  	s7 =	sand.u32 $0x1, s4;
	s5 =	sshll.u32 s5, $0x1;
	s4 =	simm.s32 $0x0  }
0x9: {  	s10 =	sadd.s32 $0x4200, s1;
	s21 =	sadd.s32 $0x4A00, s1;
	s8 =	sor.u32 s7, s5  }
0xa: {  	[smem:$0x7FF] =	sst s4;
	s5 =	sadd.s32 $0x1000, s1;
	s7 =	ssub.s32 $0x2, s7  }
0xb: {  	s1 =	sadd.s32 $0x5200, s1;
	_ =	strace $0x8000004A;
	[dreg:$0x6] =	wrdreg s10  }
0xc: {  	s9 =	smul.u32 $0xC40, s8;
	[dreg:$0x7] =	wrdreg s21;
	s22 =	sshrl.u32 s7, $0x1  }
0xd: {  	[dreg:$0x8] =	wrdreg s1;
	s26 =	sshll.u32 s8, $0x4;
	s8 =	sshll.u32 s8, $0x8  }
0xe: {  	s23 =	ssub.s32 s7, s22;
	s30 =	sadd.s32 $0xC480, s26;
	s9 =	smin.u32 s9, $0x17A60  }
.Ltmp0:
0xf: {  	s12 =	sadd.s32 s6, s8;
	s9 =	sshrl.u32 s9, $0x3;
	(pc) =	sbr.rel .LBB2_1-.Ltmp0, $4  }
0x10: {  	s22 =	simm.s32 $0xC000;
	s26 =	simm.s32 $0xEC80;
	s24 =	sadd.s32 s2, s9  }
0x11: {  	s13 =	smax.u32 s23, $0x1;
	s25 =	sadd.s32 s5, s9;
	[dreg:$0x9] =	wrdreg s24  }
0x12: {  	s23 =	simm.s32 $0xC200;
	s3 =	sadd.s32 s3, s9;
	[dreg:$0xa] =	wrdreg s25  }
0x13: {  	v1 =	vimm.s32 $0x200;
	v0 =	vmov s30;
	[dreg:$0xb] =	wrdreg s3;
	s25 =	simm.s32 $0x4;
	s24 =	simm.s32 $0x0  }
.LBB2_17:
0x14: {  	s31 =	sadd.s32 $0x1, s31  }
0x15: {  	p0 =	sne.s32 s31, s13  }
.Ltmp1:
0x16: {  	s1 =	simm.s32 $0x1B280;
	(pc) =	sbr.rel @!p0 .LBB2_18-.Ltmp1, $4  }
0x17: {  	[hbm4b:s12+s4] =	stream.linear.scatter [tilespmem:s1], [sflag:$0x4], $0x800, $0x38;
	[tilespmem:$0x1BA80] =	vst v63  }
0x18: {  	_ =	swait.ge [sflag:s25], $0x800  }
0x19: {  	[sflag:s25] =	ssyncset.done $0x0  }
0x1a: {  	[sflag:s25] =	ssyncadd.s32 $0xFFFFF800  }
.LBB2_1:
0x1b: {  	s1 =	rddreg [dreg:$0x6]  }
0x1c: {  	[tilespmem:s4], [sflag:$0x1] =	stream.linear.gather [hbm4b:s1+s4], $0x4000, $0x38;
	[tilespmem:$0x1BA80] =	vst v63  }
0x1d: {  	s20 =	rddreg [dreg:$0x7];
	s3 =	simm.s32 $0x4000  }
0x1e: {  	[tilespmem:s3], [sflag:$0x2] =	stream.linear.gather [hbm4b:s20+s4], $0x4000, $0x38;
	[tilespmem:$0x1BA80] =	vst v63  }
0x1f: {  	s21 =	rddreg [dreg:$0x8];
	s30 =	simm.s32 $0x8000  }
0x20: {  	[tilespmem:s30], [sflag:$0x3] =	stream.linear.gather [hbm4b:s21+s4], $0x4000, $0x38;
	[tilespmem:$0x1BA80] =	vst v63  }
0x21: {  	_ =	swait.ge [sflag:s16], $0x4000  }
0x22: {  	[sflag:s16] =	ssyncset.done $0x0  }
0x23: {  	[sflag:s16] =	ssyncadd.s32 $0xFFFFC000  }
0x24: {  	_ =	swait.ge [sflag:s17], $0x4000  }
0x25: {  	[sflag:s17] =	ssyncset.done $0x0  }
0x26: {  	[sflag:s17] =	ssyncadd.s32 $0xFFFFC000  }
0x27: {  	_ =	swait.ge [sflag:s18], $0x4000  }
0x28: {  	[sflag:s18] =	ssyncset.done $0x0  }
0x29: {  	s3 =	simm.s32 $0x0;
	[sflag:s18] =	ssyncadd.s32 $0xFFFFC000  }
0x2a: {  	v23 =	vld [tilespmem:s3+$0x0]  }
0x2b: {  	v24 =	vld [tilespmem:s3+$0x200]  }
0x2c: {  	v25 =	vld [tilespmem:s3+$0x400]  }
0x2d: {  	v26 =	vld [tilespmem:s3+$0x600]  }
0x2e: {  	v27 =	vld [tilespmem:s3+$0x800]  }
0x2f: {  	v28 =	vld [tilespmem:s3+$0xA00];
	v2 =	vmax.f32 v23, $-1.000000020e+30  }
0x30: {  	v29 =	vld [tilespmem:s3+$0xC00];
	v2 =	vmax.f32 v2, v24  }
0x31: {  	v30 =	vld [tilespmem:s3+$0xE00];
	v2 =	vmax.f32 v2, v25  }
0x32: {  	v31 =	vld [tilespmem:s3+$0x1000];
	v2 =	vmax.f32 v2, v26  }
0x33: {  	v32 =	vld [tilespmem:s3+$0x1200];
	v2 =	vmax.f32 v2, v27  }
0x34: {  	v33 =	vld [tilespmem:s3+$0x1400];
	v2 =	vmax.f32 v2, v28  }
0x35: {  	v34 =	vld [tilespmem:s3+$0x1600];
	v2 =	vmax.f32 v2, v29  }
0x36: {  	v22 =	vld [tilespmem:s3+$0x1800];
	v2 =	vmax.f32 v2, v30  }
0x37: {  	v21 =	vld [tilespmem:s3+$0x1A00];
	v2 =	vmax.f32 v2, v31  }
0x38: {  	v20 =	vld [tilespmem:s3+$0x1C00];
	v2 =	vmax.f32 v2, v32  }
0x39: {  	v19 =	vld [tilespmem:s3+$0x1E00];
	v2 =	vmax.f32 v2, v33  }
0x3a: {  	v18 =	vld [tilespmem:s3+$0x2000];
	v2 =	vmax.f32 v2, v34  }
0x3b: {  	v17 =	vld [tilespmem:s3+$0x2200];
	v2 =	vmax.f32 v2, v22  }
0x3c: {  	v16 =	vld [tilespmem:s3+$0x2400];
	v2 =	vmax.f32 v2, v21  }
0x3d: {  	v15 =	vld [tilespmem:s3+$0x2600];
	v2 =	vmax.f32 v2, v20  }
0x3e: {  	v14 =	vld [tilespmem:s3+$0x2800];
	v2 =	vmax.f32 v2, v19  }
0x3f: {  	v13 =	vld [tilespmem:s3+$0x2A00];
	v2 =	vmax.f32 v2, v18  }
0x40: {  	v12 =	vld [tilespmem:s3+$0x2C00];
	v2 =	vmax.f32 v2, v17  }
0x41: {  	v11 =	vld [tilespmem:s3+$0x2E00];
	v2 =	vmax.f32 v2, v16  }
0x42: {  	v10 =	vld [tilespmem:s3+$0x3000];
	v2 =	vmax.f32 v2, v15  }
0x43: {  	v9 =	vld [tilespmem:s3+$0x3200];
	v2 =	vmax.f32 v2, v14  }
0x44: {  	v8 =	vld [tilespmem:s3+$0x3400];
	v2 =	vmax.f32 v2, v13  }
0x45: {  	v7 =	vld [tilespmem:s3+$0x3600];
	v2 =	vmax.f32 v2, v12  }
0x46: {  	v6 =	vld [tilespmem:s3+$0x3800];
	v2 =	vmax.f32 v2, v11  }
0x47: {  	v5 =	vld [tilespmem:s3+$0x3A00];
	v2 =	vmax.f32 v2, v10  }
0x48: {  	v3 =	vld [tilespmem:s3+$0x3C00];
	v4 =	vmax.f32 v2, v9  }
0x49: {  	v2 =	vld [tilespmem:s3+$0x3E00];
	v4 =	vmax.f32 v4, v8  }
0x4a: {  	v35 =	vld [tilespmem:s3+$0x8000];
	v4 =	vmax.f32 v4, v7  }
0x4b: {  	v4 =	vmax.f32 v4, v6  }
0x4c: {  	v36 =	vld [tilespmem:s3+$0x8200];
	v4 =	vmax.f32 v4, v5  }
0x4d: {  	v4 =	vmax.f32 v4, v3  }
0x4e: {  	v37 =	vld [tilespmem:s3+$0x8400];
	v4 =	vmax.f32 v4, v2  }
0x4f: {  	v38 =	vld [tilespmem:s3+$0x8600];
	v35 =	vadd.f32 $0.0e+00, v35;
	v23 =	vsub.f32 v23, v4  }
0x50: {  	v39 =	vld [tilespmem:s3+$0x8800]  }
0x51: {  	v40 =	vld [tilespmem:s3+$0x8A00];
	v35 =	vadd.f32 v36, v35;
	v23 =	vmul.f32 $1.442695020e+00, v23  }
0x52: {  	v41 =	vld [tilespmem:s3+$0x8C00]  }
0x53: {  	v42 =	vld [tilespmem:s3+$0x8E00];
	v24 =	vsub.f32 v24, v4;
	(erf) = vpow2.f32 v23;
	v23 =	vadd.f32 v37, v35  }
0x54: {  	v59 =	vld [tilespmem:s3+$0x9000]  }
0x55: {  	v43 =	vld [tilespmem:s3+$0x9200];
	v25 =	vsub.f32 v25, v4;
	v24 =	vmul.f32 $1.442695020e+00, v24;
	v23 =	vadd.f32 v38, v23  }
0x56: {  	v60 =	vld [tilespmem:s3+$0x9400];
	v26 =	vsub.f32 v26, v4  }
0x57: {  	v61 =	vld [tilespmem:s3+$0x9600];
	v25 =	vmul.f32 $1.442695020e+00, v25;
	(erf) = vpow2.f32 v24;
	v23 =	vadd.f32 v39, v23  }
0x58: {  	v62 =	vld [tilespmem:s3+$0x4000];
	v27 =	vsub.f32 v27, v4;
	v28 =	vsub.f32 v28, v4  }
0x59: {  	v63 =	vld [tilespmem:s3+$0x4200];
	v26 =	vmul.f32 $1.442695020e+00, v26;
	(erf) = vpow2.f32 v25;
	v23 =	vadd.f32 v40, v23  }
0x5a: {  	v45 =	vld [tilespmem:s3+$0x4400];
	v29 =	vsub.f32 v29, v4;
	v30 =	vsub.f32 v30, v4  }
0x5b: {  	v47 =	vld [tilespmem:s3+$0x4600];
	v27 =	vmul.f32 $1.442695020e+00, v27;
	(erf) = vpow2.f32 v26;
	v23 =	vadd.f32 v41, v23  }
0x5c: {  	v49 =	vld [tilespmem:s3+$0x4800];
	v31 =	vsub.f32 v31, v4;
	v32 =	vsub.f32 v32, v4  }
0x5d: {  	v52 =	vld [tilespmem:s3+$0x4A00];
	v28 =	vmul.f32 $1.442695020e+00, v28;
	(erf) = vpow2.f32 v27;
	v23 =	vadd.f32 v42, v23  }
0x5e: {  	v55 =	vld [tilespmem:s3+$0x4C00];
	v33 =	vsub.f32 v33, v4;
	v34 =	vsub.f32 v34, v4;
	v29 =	vmul.f32 $1.442695020e+00, v29;
	v46 =	vpop (erf)  }
0x5f: {  	v58 =	vld [tilespmem:s3+$0xA800];
	(erf) = vpow2.f32 v28;
	v25 =	vmul.f32 v46, v62;
	v23 =	vadd.f32 v59, v23  }
0x60: {  	v36 =	vld [tilespmem:s3+$0xAC00];
	v22 =	vsub.f32 v22, v4;
	v30 =	vmul.f32 $1.442695020e+00, v30;
	(erf) = vpow2.f32 v29;
	v48 =	vpop (erf)  }
0x61: {  	v37 =	vld [tilespmem:s3+$0x5200];
	v26 =	vmul.f32 v48, v63;
	v25 =	vadd.f32 $0.0e+00, v25;
	v23 =	vadd.f32 v43, v23  }
0x62: {  	v21 =	vsub.f32 v21, v4;
	v31 =	vmul.f32 $1.442695020e+00, v31;
	v24 =	vld [tilespmem:s3+$0x9800];
	(erf) = vpow2.f32 v30;
	v50 =	vpop (erf)  }
0x63: {  	v38 =	vld [tilespmem:s3+$0x9A00];
	v51 =	vmul.f32 v50, v45;
	v25 =	vadd.f32 v25, v26;
	v23 =	vadd.f32 v60, v23  }
0x64: {  	v20 =	vsub.f32 v20, v4;
	v32 =	vmul.f32 $1.442695020e+00, v32;
	v39 =	vld [tilespmem:s3+$0x9C00];
	v53 =	vpop (erf);
	(erf) = vpow2.f32 v31  }
0x65: {  	v27 =	vld [tilespmem:s3+$0xA400];
	v54 =	vmul.f32 v53, v47;
	v25 =	vadd.f32 v25, v51;
	v23 =	vadd.f32 v61, v23  }
0x66: {  	v19 =	vsub.f32 v19, v4;
	v33 =	vmul.f32 $1.442695020e+00, v33;
	v28 =	vld [tilespmem:s3+$0xA600];
	v56 =	vpop (erf);
	(erf) = vpow2.f32 v32  }
0x67: {  	v40 =	vld [tilespmem:s3+$0x9E00];
	v57 =	vmul.f32 v49, v56;
	v25 =	vadd.f32 v25, v54;
	v23 =	vadd.f32 v24, v23  }
0x68: {  	v18 =	vsub.f32 v18, v4;
	v34 =	vmul.f32 $1.442695020e+00, v34;
	v59 =	vld [tilespmem:s3+$0x4E00];
	v60 =	vpop (erf);
	(erf) = vpow2.f32 v33  }
0x69: {  	v41 =	vld [tilespmem:s3+$0xA000];
	v61 =	vmul.f32 v52, v60;
	v25 =	vadd.f32 v25, v57;
	v23 =	vadd.f32 v38, v23  }
0x6a: {  	v17 =	vsub.f32 v17, v4;
	v22 =	vmul.f32 $1.442695020e+00, v22;
	v63 =	vld [tilespmem:s3+$0x5000];
	v35 =	vpop (erf);
	(erf) = vpow2.f32 v34  }
0x6b: {  	v42 =	vld [tilespmem:s3+$0xA200];
	v24 =	vmul.f32 v55, v35;
	v25 =	vadd.f32 v25, v61;
	v23 =	vadd.f32 v39, v23  }
0x6c: {  	v16 =	vsub.f32 v16, v4;
	v21 =	vmul.f32 $1.442695020e+00, v21;
	v62 =	vld [tilespmem:s3+$0xAA00];
	v43 =	vpop (erf);
	(erf) = vpow2.f32 v22  }
0x6d: {  	v48 =	vld [tilespmem:s3+$0xB000];
	v44 =	vmul.f32 v59, v43;
	v24 =	vadd.f32 v25, v24;
	v23 =	vadd.f32 v40, v23  }
0x6e: {  	v15 =	vsub.f32 v15, v4;
	v20 =	vmul.f32 $1.442695020e+00, v20;
	v22 =	vld [tilespmem:s3+$0x5400];
	v46 =	vpop (erf);
	(erf) = vpow2.f32 v21  }
0x6f: {  	v45 =	vld [tilespmem:s3+$0xAE00];
	v47 =	vmul.f32 v63, v46;
	v24 =	vadd.f32 v24, v44;
	v23 =	vadd.f32 v41, v23  }
0x70: {  	v14 =	vsub.f32 v14, v4;
	v19 =	vmul.f32 $1.442695020e+00, v19;
	v21 =	vld [tilespmem:s3+$0x5600];
	v49 =	vpop (erf);
	(erf) = vpow2.f32 v20  }
0x71: {  	v20 =	vld [tilespmem:s3+$0x5800];
	v50 =	vmul.f32 v37, v49;
	v24 =	vadd.f32 v24, v47;
	v23 =	vadd.f32 v42, v23  }
0x72: {  	v13 =	vsub.f32 v13, v4;
	v12 =	vsub.f32 v12, v4;
	v18 =	vmul.f32 $1.442695020e+00, v18;
	v53 =	vld [tilespmem:s3+$0xB400];
	v52 =	vpop (erf)  }
0x73: {  	v51 =	vld [tilespmem:s3+$0xB200];
	(erf) = vpow2.f32 v19;
	v22 =	vmul.f32 v22, v52;
	v24 =	vadd.f32 v24, v50  }
0x74: {  	v17 =	vmul.f32 $1.442695020e+00, v17;
	v56 =	vmul.f32 $1.442695020e+00, v16;
	v19 =	vld [tilespmem:s3+$0x5A00];
	v54 =	vpop (erf);
	v16 =	vadd.f32 v27, v23  }
0x75: {  	v55 =	vld [tilespmem:s3+$0xB600];
	(erf) = vpow2.f32 v18;
	v21 =	vmul.f32 v21, v54;
	v22 =	vadd.f32 v24, v22;
	v23 =	vpop (erf)  }
0x76: {  	v18 =	vld [tilespmem:s3+$0x5C00];
	v20 =	vmul.f32 v20, v23;
	v23 =	vmul.f32 $1.442695020e+00, v15;
	v15 =	vadd.f32 v28, v16  }
0x77: {  	v11 =	vsub.f32 v11, v4;
	v21 =	vadd.f32 v22, v21;
	v22 =	vld [tilespmem:s3+$0xB800];
	(erf) = vpow2.f32 v17  }
0x78: {  	v10 =	vsub.f32 v10, v4;
	v57 =	vmul.f32 $1.442695020e+00, v14;
	v17 =	vld [tilespmem:s3+$0x5E00];
	v16 =	vpop (erf);
	v14 =	vadd.f32 v58, v15  }
0x79: {  	(erf) = vpow2.f32 v56;
	v20 =	vadd.f32 v21, v20;
	v19 =	vmul.f32 v19, v16;
	v16 =	vld [tilespmem:s3+$0xBA00]  }
0x7a: {  	v9 =	vsub.f32 v9, v4;
	v21 =	vld [tilespmem:s3+$0x6000];
	v15 =	vpop (erf);
	(erf) = vpow2.f32 v23;
	v23 =	vadd.f32 v62, v14  }
0x7b: {  	s14 =	simm.s32 $0x10;
	[tilespmem:s3+$0xC000] =	vst v4;
	v8 =	vsub.f32 v8, v4;
	v19 =	vadd.f32 v20, v19;
	v20 =	vld [tilespmem:s3+$0x6200];
	v18 =	vmul.f32 v18, v15  }
0x7c: {  	v13 =	vmul.f32 $1.442695020e+00, v13;
	v62 =	vsub.f32 v6, v4;
	v6 =	vld [tilespmem:s14+$0x0];
	v14 =	vpop (erf);
	v23 =	vadd.f32 v36, v23  }
0x7d: {  	v15 =	vld [tilespmem:s3+$0xBC00];
	(erf) = vpow2.f32 v57;
	v18 =	vadd.f32 v19, v18;
	v17 =	vmul.f32 v17, v14  }
0x7e: {  	v59 =	vmul.f32 $1.442695020e+00, v11;
	v58 =	vmul.f32 $1.442695020e+00, v12;
	v19 =	vld [tilespmem:s3+$0x6400];
	v12 =	vpop (erf);
	v11 =	vadd.f32 v45, v23  }
0x7f: {  	v14 =	vld [tilespmem:s3+$0xBE00];
	(erf) = vpow2.f32 v13;
	v17 =	vadd.f32 v18, v17;
	v18 =	vmul.f32 v21, v12  }
0x80: {  	v8 =	vmul.f32 $1.442695020e+00, v8;
	v13 =	vpop (erf);
	v23 =	vmul.f32 $1.442695020e+00, v10;
	v21 =	vld [tilespmem:s3+$0x6600];
	v10 =	vadd.f32 v48, v11  }
0x81: {  	(erf) = vpow2.f32 v58;
	v12 =	vld [tilespmem:s3+$0x7E00];
	v17 =	vadd.f32 v17, v18;
	v18 =	vmul.f32 v20, v13  }
0x82: {  	v60 =	vmul.f32 $1.442695020e+00, v9;
	(erf) = vpow2.f32 v59;
	v20 =	vld [tilespmem:s3+$0x6800];
	v11 =	vpop (erf);
	v9 =	vadd.f32 v51, v10  }
0x83: {  	(erf) = vpow2.f32 v23;
	v13 =	vld [tilespmem:s3+$0x7C00];
	v17 =	vadd.f32 v17, v18;
	v18 =	vmul.f32 v19, v11  }
0x84: {  	v7 =	vsub.f32 v7, v4;
	(erf) = vpow2.f32 v60;
	v19 =	vld [tilespmem:s3+$0x6A00];
	v10 =	vpop (erf)  }
0x85: {  	(erf) = vpow2.f32 v8;
	v8 =	vld [tilespmem:s14+$0x200];
	v17 =	vadd.f32 v17, v18;
	v18 =	vmul.f32 v21, v10  }
0x86: {  	v23 =	vadd.f32 v53, v9;
	v21 =	vld [tilespmem:s3+$0x6C00];
	v9 =	vpop (erf)  }
0x87: {  	v11 =	vld [tilespmem:s3+$0x7A00];
	v18 =	vadd.f32 v17, v18;
	v20 =	vmul.f32 v20, v9  }
0x88: {  	v61 =	vmul.f32 $1.442695020e+00, v7;
	v23 =	vadd.f32 v55, v23;
	v17 =	vld [tilespmem:s3+$0x6E00];
	v7 =	vpop (erf)  }
0x89: {  	v10 =	vld [tilespmem:s3+$0x7800];
	v63 =	vmul.f32 v19, v7;
	v20 =	vadd.f32 v18, v20  }
0x8a: {  	(erf) = vpow2.f32 v61;
	v7 =	vld [tilespmem:s3+$0x7000];
	v19 =	vsub.f32 v5, v4;
	v5 =	vadd.f32 v22, v23;
	v22 =	vpop (erf)  }
0x8b: {  	s15 =	simm.s32 $0x80;
	s1 =	simm.f32 $0.0e+00;
	v9 =	vld [tilespmem:s3+$0x7600];
	v18 =	vmul.f32 $1.442695020e+00, v62;
	v21 =	vmul.f32 v21, v22;
	v20 =	vadd.f32 v20, v63  }
.LBB2_2:
0x8c: {  	p0 =	sne.s32 s15, $0x7C0;
	v22 =	vld [tilespmem:s3+$0x7200];
	v19 =	vmul.f32 $1.442695020e+00, v19;
	v3 =	vsub.f32 v3, v4;
	v5 =	vadd.f32 v16, v5;
	v16 =	vpop (erf)  }
0x8d: {  	v32 =	vld [tilespmem:s14+$0x400];
	v20 =	vadd.f32 v20, v21;
	v16 =	vmul.f32 v17, v16;
	(erf) = vpow2.f32 v18  }
0x8e: {  	v2 =	vsub.f32 v2, v4;
	v17 =	vmax.f32 v6, $-1.000000020e+30;
	v18 =	vld [tilespmem:s3+$0x7400];
	v3 =	vmul.f32 $1.442695020e+00, v3;
	v4 =	vpop (erf)  }
0x8f: {  	v34 =	vld [tilespmem:s14+$0x600];
	v16 =	vadd.f32 v20, v16;
	v4 =	vmul.f32 v7, v4;
	(erf) = vpow2.f32 v19  }
0x90: {  	v2 =	vmul.f32 $1.442695020e+00, v2;
	v5 =	vadd.f32 v15, v5;
	v17 =	vmax.f32 v17, v8;
	v33 =	vld [tilespmem:s14+$0x800];
	v15 =	vpop (erf)  }
0x91: {  	v30 =	vld [tilespmem:s14+$0xA00];
	v4 =	vadd.f32 v16, v4;
	v15 =	vmul.f32 v22, v15;
	(erf) = vpow2.f32 v3  }
0x92: {  	v5 =	vadd.f32 v14, v5;
	v16 =	vmax.f32 v17, v32;
	v31 =	vld [tilespmem:s14+$0xC00];
	v7 =	vpop (erf)  }
0x93: {  	v29 =	vld [tilespmem:s14+$0xE00];
	v4 =	vadd.f32 v4, v15;
	v14 =	vmul.f32 v18, v7;
	(erf) = vpow2.f32 v2  }
0x94: {  	v2 =	vmax.f32 v16, v34;
	v28 =	vld [tilespmem:s14+$0x1000];
	v3 =	vpop (erf);
	(xrf2) =	vadd.scan.msk.f32 $0xffff, v5  }
0x95: {  	v2 =	vmax.f32 v2, v33;
	v27 =	vld [tilespmem:s14+$0x1200];
	v4 =	vadd.f32 v4, v14;
	v3 =	vmul.f32 v9, v3  }
0x96: {  	v2 =	vmax.f32 v2, v30;
	v26 =	vld [tilespmem:s14+$0x1400];
	v7 =	vpop (erf)  }
0x97: {  	v2 =	vmax.f32 v2, v31;
	v25 =	vld [tilespmem:s14+$0x1600];
	v3 =	vadd.f32 v4, v3;
	v4 =	vmul.f32 v10, v7  }
0x98: {  	v2 =	vmax.f32 v2, v29;
	v24 =	vld [tilespmem:s14+$0x1800];
	v7 =	vpop (erf)  }
0x99: {  	v2 =	vmax.f32 v2, v28;
	v23 =	vld [tilespmem:s14+$0x1A00];
	v3 =	vadd.f32 v3, v4;
	v4 =	vmul.f32 v11, v7  }
0x9a: {  	v2 =	vmax.f32 v2, v27;
	v22 =	vld [tilespmem:s14+$0x1C00];
	v7 =	vpop (erf)  }
0x9b: {  	v2 =	vmax.f32 v2, v26;
	v21 =	vld [tilespmem:s14+$0x1E00];
	v3 =	vadd.f32 v3, v4;
	v4 =	vmul.f32 v13, v7  }
0x9c: {  	v2 =	vmax.f32 v2, v25;
	v20 =	vld [tilespmem:s14+$0x2000];
	v7 =	vpop (erf)  }
0x9d: {  	v2 =	vmax.f32 v2, v24;
	v19 =	vld [tilespmem:s14+$0x2200];
	v3 =	vadd.f32 v3, v4;
	v4 =	vmul.f32 v12, v7  }
0x9e: {  	v2 =	vmax.f32 v2, v23;
	v18 =	vld [tilespmem:s14+$0x2400];
	v7, _, _ =	vpop (xrf2)  }
0x9f: {  	v2 =	vmax.f32 v2, v22;
	v17 =	vld [tilespmem:s14+$0x2600];
	v4 =	vadd.f32 v3, v4;
	(v2sf) =	vpush v7, $0xF  }
0xa0: {  	v3 =	vsub.f32 v7, v5;
	v2 =	vmax.f32 v2, v21;
	v16 =	vld [tilespmem:s14+$0x2800]  }
0xa1: {  	v2 =	vmax.f32 v2, v20;
	v15 =	vld [tilespmem:s14+$0x2A00];
	(erf) = vrcp.f32 v4  }
0xa2: {  	v3 =	vadd.f32 s1, v3;
	v2 =	vmax.f32 v2, v19;
	v14 =	vld [tilespmem:s14+$0x2C00]  }
0xa3: {  	v2 =	vmax.f32 v2, v18;
	v12 =	vld [tilespmem:s14+$0x2E00]  }
0xa4: {  	v3 =	vtrunc.f32 v3;
	v2 =	vmax.f32 v2, v17;
	v13 =	vld [tilespmem:s14+$0x3000]  }
0xa5: {  	v3 =	vcvt.f32.s32 v3;
	v2 =	vmax.f32 v2, v16;
	v11 =	vld [tilespmem:s14+$0x3200]  }
0xa6: {  	v2 =	vmax.f32 v2, v15;
	v10 =	vld [tilespmem:s14+$0x3400]  }
0xa7: {  	v2 =	vmax.f32 v2, v14;
	v9 =	vld [tilespmem:s14+$0x3600];
	[tilespmem:s3+$0xC480] =	vst v3  }
0xa8: {  	v2 =	vmax.f32 v2, v12;
	v7 =	vld [tilespmem:s14+$0x3800]  }
0xa9: {  	v2 =	vmax.f32 v2, v13;
	v5 =	vld [tilespmem:s14+$0x3A00]  }
0xaa: {  	vm0 =	vgt.f32 v4, $0.0e+00;
	v2 =	vmax.f32 v2, v11;
	v3 =	vld [tilespmem:s14+$0x3C00];
	v4 =	vpop (erf)  }
0xab: {  	v35 =	vmax.f32 v2, v10;
	v2 =	vld [tilespmem:s14+$0x3E00];
	v4 =	vnsel vm0, $0x0, v4  }
0xac: {  	v35 =	vmax.f32 v35, v9;
	v36 =	vld [tilespmem:s14+$0x8000];
	[tilespmem:s3+$0xC200] =	vst v4;
	s3 =	smov.u32 s14  }
0xad: {  	v4 =	vmax.f32 v35, v7;
	v35 =	vld [tilespmem:s3+$0x8200]  }
0xae: {  	v4 =	vmax.f32 v4, v5;
	v37 =	vld [tilespmem:s3+$0x8400];
	s6 =	spop (v2sf)  }
0xaf: {  	v4 =	vmax.f32 v4, v3;
	v38 =	vld [tilespmem:s3+$0x8600];
	s1 =	sadd.f32 s6, s1  }
0xb0: {  	v4 =	vmax.f32 v4, v2;
	v39 =	vld [tilespmem:s3+$0x8800]  }
0xb1: {  	v6 =	vsub.f32 v6, v4;
	v36 =	vadd.f32 $0.0e+00, v36;
	v40 =	vld [tilespmem:s3+$0x8A00];
	[tilespmem:s3+$0xC000] =	vst v4  }
0xb2: {  	v41 =	vld [tilespmem:s3+$0x8C00]  }
0xb3: {  	v8 =	vsub.f32 v8, v4;
	v6 =	vmul.f32 $1.442695020e+00, v6;
	v35 =	vadd.f32 v35, v36;
	v36 =	vld [tilespmem:s3+$0x8E00]  }
0xb4: {  	v42 =	vld [tilespmem:s3+$0x9000]  }
0xb5: {  	v32 =	vsub.f32 v32, v4;
	v8 =	vmul.f32 $1.442695020e+00, v8;
	v43 =	vld [tilespmem:s3+$0x9200];
	(erf) = vpow2.f32 v6  }
0xb6: {  	v6 =	vadd.f32 v37, v35;
	v35 =	vld [tilespmem:s3+$0x9400]  }
0xb7: {  	v34 =	vsub.f32 v34, v4;
	v32 =	vmul.f32 $1.442695020e+00, v32;
	v37 =	vld [tilespmem:s3+$0x9600];
	(erf) = vpow2.f32 v8  }
0xb8: {  	v6 =	vadd.f32 v38, v6;
	v8 =	vld [tilespmem:s3+$0x9800]  }
0xb9: {  	v33 =	vsub.f32 v33, v4;
	v34 =	vmul.f32 $1.442695020e+00, v34;
	v38 =	vld [tilespmem:s3+$0x9A00];
	(erf) = vpow2.f32 v32  }
0xba: {  	v6 =	vadd.f32 v39, v6;
	v32 =	vld [tilespmem:s3+$0x4000]  }
0xbb: {  	v30 =	vsub.f32 v30, v4;
	v33 =	vmul.f32 $1.442695020e+00, v33;
	v39 =	vld [tilespmem:s3+$0x9C00];
	(erf) = vpow2.f32 v34  }
0xbc: {  	v31 =	vsub.f32 v31, v4;
	v6 =	vadd.f32 v40, v6;
	v34 =	vld [tilespmem:s3+$0x4200]  }
0xbd: {  	v30 =	vmul.f32 $1.442695020e+00, v30;
	v40 =	vld [tilespmem:s3+$0x9E00];
	(erf) = vpow2.f32 v33  }
0xbe: {  	v29 =	vsub.f32 v29, v4;
	v31 =	vmul.f32 $1.442695020e+00, v31;
	v6 =	vadd.f32 v41, v6;
	v33 =	vld [tilespmem:s3+$0x4400];
	v41 =	vpop (erf)  }
0xbf: {  	v32 =	vmul.f32 v41, v32;
	v41 =	vld [tilespmem:s3+$0xA000];
	(erf) = vpow2.f32 v30  }
0xc0: {  	v28 =	vsub.f32 v28, v4;
	v29 =	vmul.f32 $1.442695020e+00, v29;
	v6 =	vadd.f32 v36, v6;
	v30 =	vld [tilespmem:s3+$0x4600];
	v36 =	vpop (erf)  }
0xc1: {  	v32 =	vadd.f32 $0.0e+00, v32;
	v34 =	vmul.f32 v36, v34;
	v36 =	vld [tilespmem:s3+$0xA200];
	(erf) = vpow2.f32 v31  }
0xc2: {  	v27 =	vsub.f32 v27, v4;
	v28 =	vmul.f32 $1.442695020e+00, v28;
	v6 =	vadd.f32 v42, v6;
	v31 =	vld [tilespmem:s3+$0x4800];
	v42 =	vpop (erf)  }
0xc3: {  	v32 =	vadd.f32 v32, v34;
	v33 =	vmul.f32 v42, v33;
	v34 =	vld [tilespmem:s3+$0xA400];
	(erf) = vpow2.f32 v29  }
0xc4: {  	v26 =	vsub.f32 v26, v4;
	v27 =	vmul.f32 $1.442695020e+00, v27;
	v6 =	vadd.f32 v43, v6;
	v29 =	vld [tilespmem:s3+$0x4A00];
	v42 =	vpop (erf)  }
0xc5: {  	v32 =	vadd.f32 v32, v33;
	v30 =	vmul.f32 v42, v30;
	v33 =	vld [tilespmem:s3+$0xA600];
	(erf) = vpow2.f32 v28  }
0xc6: {  	v25 =	vsub.f32 v25, v4;
	v26 =	vmul.f32 $1.442695020e+00, v26;
	v6 =	vadd.f32 v35, v6;
	v28 =	vld [tilespmem:s3+$0x4C00];
	v35 =	vpop (erf)  }
0xc7: {  	v30 =	vadd.f32 v32, v30;
	v31 =	vmul.f32 v31, v35;
	v32 =	vld [tilespmem:s3+$0xA800];
	(erf) = vpow2.f32 v27  }
0xc8: {  	v24 =	vsub.f32 v24, v4;
	v25 =	vmul.f32 $1.442695020e+00, v25;
	v6 =	vadd.f32 v37, v6;
	v27 =	vld [tilespmem:s3+$0x4E00];
	v35 =	vpop (erf)  }
0xc9: {  	v37 =	vadd.f32 v30, v31;
	v29 =	vmul.f32 v29, v35;
	v31 =	vld [tilespmem:s3+$0xAA00];
	(erf) = vpow2.f32 v26  }
0xca: {  	v23 =	vsub.f32 v23, v4;
	v24 =	vmul.f32 $1.442695020e+00, v24;
	v6 =	vadd.f32 v8, v6;
	v26 =	vld [tilespmem:s3+$0x5000];
	v8 =	vpop (erf)  }
0xcb: {  	v29 =	vadd.f32 v37, v29;
	v8 =	vmul.f32 v28, v8;
	v28 =	vld [tilespmem:s3+$0xAC00];
	(erf) = vpow2.f32 v25  }
0xcc: {  	v22 =	vsub.f32 v22, v4;
	v23 =	vmul.f32 $1.442695020e+00, v23;
	v6 =	vadd.f32 v38, v6;
	v25 =	vld [tilespmem:s3+$0x5200];
	v30 =	vpop (erf)  }
0xcd: {  	v8 =	vadd.f32 v29, v8;
	v27 =	vmul.f32 v27, v30;
	v29 =	vld [tilespmem:s3+$0xAE00];
	(erf) = vpow2.f32 v24  }
0xce: {  	v21 =	vsub.f32 v21, v4;
	v22 =	vmul.f32 $1.442695020e+00, v22;
	v6 =	vadd.f32 v39, v6;
	v24 =	vld [tilespmem:s3+$0x5400];
	v30 =	vpop (erf)  }
0xcf: {  	v8 =	vadd.f32 v8, v27;
	v26 =	vmul.f32 v26, v30;
	v27 =	vld [tilespmem:s3+$0xB000];
	(erf) = vpow2.f32 v23  }
0xd0: {  	v20 =	vsub.f32 v20, v4;
	v21 =	vmul.f32 $1.442695020e+00, v21;
	v6 =	vadd.f32 v40, v6;
	v23 =	vld [tilespmem:s3+$0x5600];
	v30 =	vpop (erf)  }
0xd1: {  	v8 =	vadd.f32 v8, v26;
	v25 =	vmul.f32 v25, v30;
	v26 =	vld [tilespmem:s3+$0xB200];
	(erf) = vpow2.f32 v22  }
0xd2: {  	v19 =	vsub.f32 v19, v4;
	v20 =	vmul.f32 $1.442695020e+00, v20;
	v6 =	vadd.f32 v41, v6;
	v22 =	vld [tilespmem:s3+$0x5800];
	v30 =	vpop (erf)  }
0xd3: {  	v8 =	vadd.f32 v8, v25;
	v24 =	vmul.f32 v24, v30;
	v25 =	vld [tilespmem:s3+$0xB400];
	(erf) = vpow2.f32 v21  }
0xd4: {  	v18 =	vsub.f32 v18, v4;
	v19 =	vmul.f32 $1.442695020e+00, v19;
	v6 =	vadd.f32 v36, v6;
	v21 =	vld [tilespmem:s3+$0x5A00];
	v30 =	vpop (erf)  }
0xd5: {  	v8 =	vadd.f32 v8, v24;
	v23 =	vmul.f32 v23, v30;
	v24 =	vld [tilespmem:s3+$0xB600];
	(erf) = vpow2.f32 v20  }
0xd6: {  	v17 =	vsub.f32 v17, v4;
	v18 =	vmul.f32 $1.442695020e+00, v18;
	v6 =	vadd.f32 v34, v6;
	v20 =	vld [tilespmem:s3+$0x5C00];
	v30 =	vpop (erf)  }
0xd7: {  	v8 =	vadd.f32 v8, v23;
	v22 =	vmul.f32 v22, v30;
	v23 =	vld [tilespmem:s3+$0xB800];
	(erf) = vpow2.f32 v19  }
0xd8: {  	v17 =	vmul.f32 $1.442695020e+00, v17;
	v30 =	vsub.f32 v16, v4;
	v6 =	vadd.f32 v33, v6;
	v19 =	vld [tilespmem:s3+$0x5E00];
	v16 =	vpop (erf)  }
0xd9: {  	v8 =	vadd.f32 v8, v22;
	v21 =	vmul.f32 v21, v16;
	v16 =	vld [tilespmem:s3+$0xBA00];
	(erf) = vpow2.f32 v18  }
0xda: {  	v22 =	vmul.f32 $1.442695020e+00, v30;
	v30 =	vsub.f32 v15, v4;
	v6 =	vadd.f32 v32, v6;
	v18 =	vld [tilespmem:s3+$0x6000];
	v15 =	vpop (erf)  }
0xdb: {  	v8 =	vadd.f32 v8, v21;
	v20 =	vmul.f32 v20, v15;
	v15 =	vld [tilespmem:s3+$0xBC00];
	(erf) = vpow2.f32 v17  }
0xdc: {  	v21 =	vmul.f32 $1.442695020e+00, v30;
	v30 =	vsub.f32 v14, v4;
	v6 =	vadd.f32 v31, v6;
	v17 =	vld [tilespmem:s3+$0x6200];
	v14 =	vpop (erf)  }
0xdd: {  	v8 =	vadd.f32 v8, v20;
	v19 =	vmul.f32 v19, v14;
	v14 =	vld [tilespmem:s3+$0xBE00];
	(erf) = vpow2.f32 v22  }
0xde: {  	v22 =	vmul.f32 $1.442695020e+00, v30;
	v30 =	vsub.f32 v12, v4;
	v6 =	vadd.f32 v28, v6;
	v20 =	vld [tilespmem:s3+$0x6400];
	v12 =	vpop (erf)  }
0xdf: {  	v8 =	vadd.f32 v8, v19;
	v18 =	vmul.f32 v18, v12;
	v12 =	vld [tilespmem:s3+$0x7E00];
	(erf) = vpow2.f32 v21  }
0xe0: {  	v28 =	vsub.f32 v13, v4;
	v21 =	vmul.f32 $1.442695020e+00, v30;
	v6 =	vadd.f32 v29, v6;
	v19 =	vld [tilespmem:s3+$0x6600];
	v13 =	vpop (erf)  }
0xe1: {  	v8 =	vadd.f32 v8, v18;
	v17 =	vmul.f32 v17, v13;
	v13 =	vld [tilespmem:s3+$0x7C00];
	(erf) = vpow2.f32 v22  }
0xe2: {  	v22 =	vmul.f32 $1.442695020e+00, v28;
	v28 =	vsub.f32 v11, v4;
	v6 =	vadd.f32 v27, v6;
	v18 =	vld [tilespmem:s3+$0x6800];
	v11 =	vpop (erf)  }
0xe3: {  	v8 =	vadd.f32 v8, v17;
	v17 =	vmul.f32 v20, v11;
	v11 =	vld [tilespmem:s3+$0x7A00];
	(erf) = vpow2.f32 v21  }
0xe4: {  	v27 =	vsub.f32 v10, v4;
	v21 =	vmul.f32 $1.442695020e+00, v28;
	v6 =	vadd.f32 v26, v6;
	v20 =	vld [tilespmem:s3+$0x6A00];
	v10 =	vpop (erf)  }
0xe5: {  	v8 =	vadd.f32 v8, v17;
	v17 =	vmul.f32 v19, v10;
	v10 =	vld [tilespmem:s3+$0x7800];
	(erf) = vpow2.f32 v22  }
0xe6: {  	v26 =	vsub.f32 v9, v4;
	v19 =	vmul.f32 $1.442695020e+00, v27;
	v6 =	vadd.f32 v25, v6;
	v22 =	vld [tilespmem:s3+$0x6C00];
	v9 =	vpop (erf)  }
.Ltmp2:
0xe7: {  	v8 =	vadd.f32 v8, v17;
	v18 =	vmul.f32 v18, v9;
	v9 =	vld [tilespmem:s3+$0x7600];
	(erf) = vpow2.f32 v21;
	(pc) =	sbr.rel @p0 .LBB2_2-.Ltmp2, $4  }
0xe8: {  	s14 =	sshra.s32 s15, $0x2;
	v25 =	vmul.f32 $1.442695020e+00, v26;
	v27 =	vsub.f32 v7, v4;
	v24 =	vadd.f32 v24, v6;
	v17 =	vld [tilespmem:s3+$0x6E00];
	v7 =	vpop (erf)  }
0xe9: {  	v6 =	vld [tilespmem:s14+$0x0];
	v26 =	vadd.f32 v8, v18;
	v20 =	vmul.f32 v20, v7;
	(erf) = vpow2.f32 v19  }
0xea: {  	v18 =	vmul.f32 $1.442695020e+00, v27;
	v19 =	vsub.f32 v5, v4;
	v5 =	vadd.f32 v23, v24;
	v7 =	vld [tilespmem:s3+$0x7000];
	v21 =	vpop (erf)  }
0xeb: {  	s15 =	sadd.s32 $0x40, s15;
	v8 =	vld [tilespmem:s14+$0x200];
	v20 =	vadd.f32 v26, v20;
	v21 =	vmul.f32 v22, v21;
	(erf) = vpow2.f32 v25  }
0xec: {  	v22 =	vld [tilespmem:s3+$0x7200];
	v19 =	vmul.f32 $1.442695020e+00, v19;
	v3 =	vsub.f32 v3, v4;
	v23 =	vpop (erf)  }
0xed: {  	v31 =	vld [tilespmem:s14+$0x400];
	(erf) = vpow2.f32 v18;
	v20 =	vadd.f32 v20, v21;
	v17 =	vmul.f32 v17, v23  }
0xee: {  	v24 =	vld [tilespmem:s3+$0x7400];
	v5 =	vadd.f32 v16, v5;
	v2 =	vsub.f32 v2, v4;
	v3 =	vmul.f32 $1.442695020e+00, v3;
	v36 =	vpop (erf)  }
0xef: {  	v34 =	vld [tilespmem:s14+$0x600];
	(erf) = vpow2.f32 v19;
	v37 =	vadd.f32 v20, v17;
	v4 =	vmul.f32 v7, v36  }
0xf0: {  	v35 =	vld [tilespmem:s14+$0x800];
	v2 =	vmul.f32 $1.442695020e+00, v2;
	v5 =	vadd.f32 v15, v5;
	v38 =	vpop (erf);
	(erf) = vpow2.f32 v3  }
0xf1: {  	v32 =	vld [tilespmem:s14+$0xA00];
	v3 =	vmax.f32 v6, $-1.000000020e+30;
	v4 =	vadd.f32 v37, v4;
	v7 =	vmul.f32 v22, v38  }
0xf2: {  	v33 =	vld [tilespmem:s14+$0xC00];
	v5 =	vadd.f32 v14, v5;
	v39 =	vpop (erf);
	(erf) = vpow2.f32 v2  }
0xf3: {  	v30 =	vld [tilespmem:s14+$0xE00];
	v2 =	vmax.f32 v3, v8;
	v4 =	vadd.f32 v4, v7;
	v40 =	vmul.f32 v24, v39  }
0xf4: {  	v29 =	vld [tilespmem:s14+$0x1000];
	v2 =	vmax.f32 v2, v31;
	v3 =	vpop (erf)  }
0xf5: {  	v28 =	vld [tilespmem:s14+$0x1200];
	(xrf2) =	vadd.scan.msk.f32 $0xffff, v5;
	v2 =	vmax.f32 v2, v34;
	v4 =	vadd.f32 v4, v40;
	v3 =	vmul.f32 v9, v3  }
0xf6: {  	v27 =	vld [tilespmem:s14+$0x1400];
	v41 =	vpop (erf);
	v2 =	vmax.f32 v2, v35  }
0xf7: {  	v26 =	vld [tilespmem:s14+$0x1600];
	v42 =	vmul.f32 v10, v41;
	v2 =	vmax.f32 v2, v32;
	v3 =	vadd.f32 v4, v3  }
0xf8: {  	v25 =	vld [tilespmem:s14+$0x1800];
	v43 =	vpop (erf);
	v2 =	vmax.f32 v2, v33  }
0xf9: {  	v18 =	vld [tilespmem:s14+$0x2600];
	v44 =	vmul.f32 v11, v43;
	v2 =	vmax.f32 v2, v30;
	v3 =	vadd.f32 v3, v42  }
0xfa: {  	v16 =	vld [tilespmem:s14+$0x2A00];
	v45 =	vpop (erf);
	v2 =	vmax.f32 v2, v29  }
0xfb: {  	v23 =	vld [tilespmem:s14+$0x1C00];
	v46 =	vmul.f32 v13, v45;
	v2 =	vmax.f32 v2, v28;
	v3 =	vadd.f32 v3, v44  }
0xfc: {  	v24 =	vld [tilespmem:s14+$0x1A00];
	v47 =	vpop (erf);
	v2 =	vmax.f32 v2, v27  }
0xfd: {  	v21 =	vld [tilespmem:s14+$0x2000];
	v48 =	vmul.f32 v12, v47;
	v3 =	vadd.f32 v3, v46  }
0xfe: {  	v22 =	vld [tilespmem:s14+$0x1E00]  }
0xff: {  	v19 =	vld [tilespmem:s14+$0x2400];
	v49 =	vmax.f32 v2, v26;
	v2, _, _ =	vpop (xrf2);
	v3 =	vadd.f32 v3, v48  }
0x100: {  	v20 =	vld [tilespmem:s14+$0x2200];
	v7 =	vmax.f32 v49, v25;
	v50 =	vsub.f32 v2, v5  }
0x101: {  	v15 =	vld [tilespmem:s14+$0x2C00];
	v51 =	vmax.f32 v7, v24;
	(erf) = vrcp.f32 v3  }
0x102: {  	v17 =	vld [tilespmem:s14+$0x2800];
	v5 =	vmax.f32 v51, v23;
	v4 =	vadd.f32 s1, v50  }
0x103: {  	v14 =	vld [tilespmem:s14+$0x2E00];
	v5 =	vmax.f32 v5, v22  }
0x104: {  	v10 =	vld [tilespmem:s14+$0x3600];
	v5 =	vmax.f32 v5, v21;
	v4 =	vtrunc.f32 v4  }
0x105: {  	v11 =	vld [tilespmem:s14+$0x3400];
	v5 =	vmax.f32 v5, v20;
	v4 =	vcvt.f32.s32 v4  }
0x106: {  	v13 =	vld [tilespmem:s14+$0x3000];
	v5 =	vmax.f32 v5, v19  }
0x107: {  	v12 =	vld [tilespmem:s14+$0x3200];
	v5 =	vmax.f32 v5, v18;
	[tilespmem:s3+$0xC480] =	vst v4  }
0x108: {  	v52 =	vmax.f32 v5, v17;
	v9 =	vld [tilespmem:s14+$0x3800]  }
0x109: {  	v4 =	vmax.f32 v52, v16;
	v5 =	vld [tilespmem:s14+$0x3A00]  }
0x10a: {  	vm0 =	vgt.f32 v3, $0.0e+00;
	v53 =	vmax.f32 v4, v15;
	v4 =	vld [tilespmem:s14+$0x3C00];
	v36 =	vpop (erf)  }
0x10b: {  	v37 =	vld [tilespmem:s14+$0x8000];
	v7 =	vmax.f32 v53, v14;
	v36 =	vnsel vm0, $0x0, v36  }
0x10c: {  	v3 =	vld [tilespmem:s14+$0x3E00];
	v7 =	vmax.f32 v7, v13;
	[tilespmem:s3+$0xC200] =	vst v36  }
0x10d: {  	v7 =	vmax.f32 v7, v12;
	v36 =	vld [tilespmem:s14+$0x8200]  }
0x10e: {  	v7 =	vmax.f32 v7, v11  }
0x10f: {  	v7 =	vmax.f32 v7, v10;
	v38 =	vld [tilespmem:s14+$0x8400]  }
0x110: {  	v37 =	vadd.f32 $0.0e+00, v37;
	v7 =	vmax.f32 v7, v9  }
0x111: {  	v39 =	vld [tilespmem:s14+$0x8600];
	v7 =	vmax.f32 v7, v5  }
0x112: {  	v7 =	vmax.f32 v7, v4;
	v36 =	vadd.f32 v36, v37  }
0x113: {  	v54 =	vld [tilespmem:s14+$0x8800];
	v7 =	vmax.f32 v7, v3  }
0x114: {  	v55 =	vsub.f32 v6, v7;
	v36 =	vadd.f32 v38, v36  }
0x115: {  	v56 =	vld [tilespmem:s14+$0x8A00]  }
0x116: {  	v57 =	vsub.f32 v8, v7;
	v6 =	vmul.f32 $1.442695020e+00, v55;
	v36 =	vadd.f32 v39, v36  }
0x117: {  	v58 =	vld [tilespmem:s14+$0x8C00];
	v31 =	vsub.f32 v31, v7  }
0x118: {  	v8 =	vmul.f32 $1.442695020e+00, v57;
	(erf) = vpow2.f32 v6;
	v59 =	vadd.f32 v54, v36  }
0x119: {  	v60 =	vld [tilespmem:s14+$0x8E00];
	v34 =	vsub.f32 v34, v7  }
0x11a: {  	v31 =	vmul.f32 $1.442695020e+00, v31;
	(erf) = vpow2.f32 v8;
	v6 =	vadd.f32 v56, v59  }
0x11b: {  	v61 =	vld [tilespmem:s14+$0x9000];
	v35 =	vsub.f32 v35, v7  }
0x11c: {  	v62 =	vld [tilespmem:s14+$0x4000];
	v34 =	vmul.f32 $1.442695020e+00, v34;
	(erf) = vpow2.f32 v31;
	v6 =	vadd.f32 v58, v6  }
0x11d: {  	v63 =	vld [tilespmem:s14+$0x9200];
	v32 =	vsub.f32 v32, v7  }
0x11e: {  	v40 =	vld [tilespmem:s14+$0x4200];
	v35 =	vmul.f32 $1.442695020e+00, v35;
	(erf) = vpow2.f32 v34;
	v6 =	vadd.f32 v60, v6  }
0x11f: {  	v41 =	vld [tilespmem:s14+$0x9400];
	v33 =	vsub.f32 v33, v7  }
0x120: {  	v42 =	vld [tilespmem:s14+$0x4400];
	v32 =	vmul.f32 $1.442695020e+00, v32;
	(erf) = vpow2.f32 v35;
	v6 =	vadd.f32 v61, v6  }
0x121: {  	v44 =	vld [tilespmem:s14+$0x9600];
	v30 =	vsub.f32 v30, v7;
	v33 =	vmul.f32 $1.442695020e+00, v33;
	v43 =	vpop (erf)  }
0x122: {  	v45 =	vld [tilespmem:s14+$0x4600];
	(erf) = vpow2.f32 v32;
	v31 =	vmul.f32 v43, v62;
	v6 =	vadd.f32 v63, v6  }
0x123: {  	v47 =	vld [tilespmem:s14+$0x9800];
	v29 =	vsub.f32 v29, v7;
	v30 =	vmul.f32 $1.442695020e+00, v30;
	v46 =	vpop (erf);
	(erf) = vpow2.f32 v33  }
0x124: {  	v48 =	vld [tilespmem:s14+$0x4800];
	v34 =	vmul.f32 v46, v40;
	v31 =	vadd.f32 $0.0e+00, v31;
	v6 =	vadd.f32 v41, v6  }
0x125: {  	v50 =	vld [tilespmem:s14+$0x9A00];
	v28 =	vsub.f32 v28, v7;
	v29 =	vmul.f32 $1.442695020e+00, v29;
	v49 =	vpop (erf);
	(erf) = vpow2.f32 v30  }
0x126: {  	v52 =	vld [tilespmem:s14+$0x4A00];
	v51 =	vmul.f32 v49, v42;
	v31 =	vadd.f32 v31, v34;
	v6 =	vadd.f32 v44, v6  }
0x127: {  	v27 =	vsub.f32 v27, v7;
	v28 =	vmul.f32 $1.442695020e+00, v28;
	v54 =	vld [tilespmem:s14+$0x9C00];
	v53 =	vpop (erf);
	(erf) = vpow2.f32 v29  }
0x128: {  	v55 =	vld [tilespmem:s14+$0x4C00];
	v32 =	vmul.f32 v53, v45;
	v31 =	vadd.f32 v31, v51;
	v6 =	vadd.f32 v47, v6  }
0x129: {  	v26 =	vsub.f32 v26, v7;
	v27 =	vmul.f32 $1.442695020e+00, v27;
	v57 =	vld [tilespmem:s14+$0x9E00];
	v56 =	vpop (erf);
	(erf) = vpow2.f32 v28  }
0x12a: {  	v59 =	vld [tilespmem:s14+$0x4E00];
	v58 =	vmul.f32 v48, v56;
	v31 =	vadd.f32 v31, v32;
	v6 =	vadd.f32 v50, v6  }
0x12b: {  	v25 =	vsub.f32 v25, v7;
	v26 =	vmul.f32 $1.442695020e+00, v26;
	v61 =	vld [tilespmem:s14+$0xA000];
	v60 =	vpop (erf);
	(erf) = vpow2.f32 v27  }
0x12c: {  	v36 =	vld [tilespmem:s14+$0xA200];
	v30 =	vmul.f32 v52, v60;
	v31 =	vadd.f32 v31, v58;
	v6 =	vadd.f32 v54, v6  }
0x12d: {  	v24 =	vsub.f32 v24, v7;
	v25 =	vmul.f32 $1.442695020e+00, v25;
	v62 =	vld [tilespmem:s14+$0x5000];
	v63 =	vpop (erf);
	(erf) = vpow2.f32 v26  }
0x12e: {  	v37 =	vld [tilespmem:s14+$0x5200];
	v29 =	vmul.f32 v55, v63;
	v30 =	vadd.f32 v31, v30;
	v6 =	vadd.f32 v57, v6  }
0x12f: {  	v23 =	vsub.f32 v23, v7;
	v24 =	vmul.f32 $1.442695020e+00, v24;
	v39 =	vld [tilespmem:s14+$0xA400];
	v38 =	vpop (erf);
	(erf) = vpow2.f32 v25  }
0x130: {  	v40 =	vld [tilespmem:s14+$0x5400];
	v28 =	vmul.f32 v59, v38;
	v29 =	vadd.f32 v30, v29;
	v6 =	vadd.f32 v61, v6  }
0x131: {  	v22 =	vsub.f32 v22, v7;
	v23 =	vmul.f32 $1.442695020e+00, v23;
	v42 =	vld [tilespmem:s14+$0xA600];
	v41 =	vpop (erf);
	(erf) = vpow2.f32 v24  }
0x132: {  	v43 =	vld [tilespmem:s14+$0x5600];
	v27 =	vmul.f32 v62, v41;
	v28 =	vadd.f32 v29, v28;
	v6 =	vadd.f32 v36, v6  }
0x133: {  	v21 =	vsub.f32 v21, v7;
	v22 =	vmul.f32 $1.442695020e+00, v22;
	v45 =	vld [tilespmem:s14+$0xA800];
	v44 =	vpop (erf);
	(erf) = vpow2.f32 v23  }
0x134: {  	v46 =	vld [tilespmem:s14+$0x5800];
	v26 =	vmul.f32 v37, v44;
	v27 =	vadd.f32 v28, v27;
	v6 =	vadd.f32 v39, v6  }
0x135: {  	v20 =	vsub.f32 v20, v7;
	v21 =	vmul.f32 $1.442695020e+00, v21;
	v48 =	vld [tilespmem:s14+$0xAA00];
	v47 =	vpop (erf);
	(erf) = vpow2.f32 v22  }
0x136: {  	v49 =	vld [tilespmem:s14+$0x5A00];
	v25 =	vmul.f32 v40, v47;
	v26 =	vadd.f32 v27, v26;
	v6 =	vadd.f32 v42, v6  }
0x137: {  	v19 =	vsub.f32 v19, v7;
	v20 =	vmul.f32 $1.442695020e+00, v20;
	v51 =	vld [tilespmem:s14+$0xAC00];
	v50 =	vpop (erf);
	(erf) = vpow2.f32 v21  }
0x138: {  	v52 =	vld [tilespmem:s14+$0x5C00];
	v24 =	vmul.f32 v43, v50;
	v25 =	vadd.f32 v26, v25;
	v6 =	vadd.f32 v45, v6  }
0x139: {  	v18 =	vsub.f32 v18, v7;
	v19 =	vmul.f32 $1.442695020e+00, v19;
	v54 =	vld [tilespmem:s14+$0xAE00];
	v53 =	vpop (erf);
	(erf) = vpow2.f32 v20  }
0x13a: {  	v55 =	vld [tilespmem:s14+$0x5E00];
	v23 =	vmul.f32 v46, v53;
	v24 =	vadd.f32 v25, v24;
	v6 =	vadd.f32 v48, v6  }
0x13b: {  	v17 =	vsub.f32 v17, v7;
	v18 =	vmul.f32 $1.442695020e+00, v18;
	v57 =	vld [tilespmem:s14+$0xB000];
	v56 =	vpop (erf);
	(erf) = vpow2.f32 v19  }
0x13c: {  	v60 =	vld [tilespmem:s14+$0xB200];
	v22 =	vmul.f32 v49, v56;
	v23 =	vadd.f32 v24, v23;
	v6 =	vadd.f32 v51, v6  }
0x13d: {  	v16 =	vsub.f32 v16, v7;
	v17 =	vmul.f32 $1.442695020e+00, v17;
	v58 =	vld [tilespmem:s14+$0x6000];
	v59 =	vpop (erf);
	(erf) = vpow2.f32 v18  }
0x13e: {  	v63 =	vld [tilespmem:s14+$0xB400];
	v21 =	vmul.f32 v52, v59;
	v22 =	vadd.f32 v23, v22;
	v6 =	vadd.f32 v54, v6  }
0x13f: {  	v15 =	vsub.f32 v15, v7;
	v16 =	vmul.f32 $1.442695020e+00, v16;
	v61 =	vld [tilespmem:s14+$0x6200];
	v62 =	vpop (erf);
	(erf) = vpow2.f32 v17  }
0x140: {  	v28 =	vld [tilespmem:s14+$0xB600];
	v20 =	vmul.f32 v55, v62;
	v21 =	vadd.f32 v22, v21;
	v6 =	vadd.f32 v57, v6  }
0x141: {  	v14 =	vsub.f32 v14, v7;
	v15 =	vmul.f32 $1.442695020e+00, v15;
	v24 =	vld [tilespmem:s14+$0x6400];
	v27 =	vpop (erf);
	(erf) = vpow2.f32 v16  }
0x142: {  	v31 =	vld [tilespmem:s14+$0xB800];
	v19 =	vmul.f32 v58, v27;
	v20 =	vadd.f32 v21, v20;
	v6 =	vadd.f32 v60, v6  }
0x143: {  	v13 =	vsub.f32 v13, v7;
	v14 =	vmul.f32 $1.442695020e+00, v14;
	v29 =	vld [tilespmem:s14+$0x6600];
	v30 =	vpop (erf);
	(erf) = vpow2.f32 v15  }
0x144: {  	v34 =	vld [tilespmem:s14+$0xBA00];
	v18 =	vmul.f32 v61, v30;
	v19 =	vadd.f32 v20, v19;
	v6 =	vadd.f32 v63, v6  }
0x145: {  	v12 =	vsub.f32 v12, v7;
	v13 =	vmul.f32 $1.442695020e+00, v13;
	v32 =	vld [tilespmem:s14+$0x6800];
	v33 =	vpop (erf);
	(erf) = vpow2.f32 v14  }
0x146: {  	v35 =	vld [tilespmem:s14+$0x6A00];
	v17 =	vmul.f32 v24, v33;
	v18 =	vadd.f32 v19, v18;
	v6 =	vadd.f32 v28, v6  }
0x147: {  	v11 =	vsub.f32 v11, v7;
	v12 =	vmul.f32 $1.442695020e+00, v12;
	v37 =	vld [tilespmem:s14+$0xBC00];
	v36 =	vpop (erf);
	(erf) = vpow2.f32 v13  }
0x148: {  	v38 =	vld [tilespmem:s14+$0xBE00];
	v16 =	vmul.f32 v29, v36;
	v17 =	vadd.f32 v18, v17;
	v6 =	vadd.f32 v31, v6  }
0x149: {  	v10 =	vsub.f32 v10, v7;
	v11 =	vmul.f32 $1.442695020e+00, v11;
	v40 =	vld [tilespmem:s14+$0x6C00];
	v39 =	vpop (erf);
	(erf) = vpow2.f32 v12  }
0x14a: {  	v13 =	vmul.f32 v32, v39;
	v16 =	vadd.f32 v17, v16;
	v6 =	vadd.f32 v34, v6  }
0x14b: {  	v9 =	vsub.f32 v9, v7;
	v10 =	vmul.f32 $1.442695020e+00, v10;
	v42 =	vld [tilespmem:s14+$0x6E00];
	v41 =	vpop (erf);
	(erf) = vpow2.f32 v11  }
0x14c: {  	v12 =	vmul.f32 v35, v41;
	v13 =	vadd.f32 v16, v13;
	v6 =	vadd.f32 v37, v6  }
0x14d: {  	v5 =	vsub.f32 v5, v7;
	v9 =	vmul.f32 $1.442695020e+00, v9;
	v43 =	vld [tilespmem:s14+$0x7000];
	v44 =	vpop (erf);
	(erf) = vpow2.f32 v10  }
0x14e: {  	v45 =	vmul.f32 v40, v44;
	v12 =	vadd.f32 v13, v12;
	v6 =	vadd.f32 v38, v6  }
0x14f: {  	v4 =	vsub.f32 v4, v7;
	v5 =	vmul.f32 $1.442695020e+00, v5;
	v46 =	vld [tilespmem:s14+$0x7200];
	v47 =	vpop (erf)  }
0x150: {  	(erf) = vpow2.f32 v9;
	v8 =	vmul.f32 v42, v47;
	v12 =	vadd.f32 v12, v45;
	(xrf2) =	vadd.scan.msk.f32 $0xffff, v6  }
0x151: {  	v3 =	vsub.f32 v3, v7;
	v4 =	vmul.f32 $1.442695020e+00, v4;
	v48 =	vld [tilespmem:s14+$0x7400];
	v49 =	vpop (erf)  }
0x152: {  	[tilespmem:s14+$0xC000] =	vst v7;
	(erf) = vpow2.f32 v5;
	v7 =	vmul.f32 v43, v49;
	v8 =	vadd.f32 v12, v8  }
0x153: {  	v3 =	vmul.f32 $1.442695020e+00, v3;
	v50 =	vld [tilespmem:s14+$0x7600];
	v51 =	vpop (erf)  }
0x154: {  	(erf) = vpow2.f32 v4;
	v52 =	vmul.f32 v46, v51;
	v7 =	vadd.f32 v8, v7  }
0x155: {  	v53 =	vld [tilespmem:s14+$0x7800];
	v54 =	vpop (erf)  }
0x156: {  	(erf) = vpow2.f32 v3;
	v55 =	vmul.f32 v48, v54;
	v7 =	vadd.f32 v7, v52  }
0x157: {  	(v2sf) =	vpush v2, $0xF;
	v2 =	vld [tilespmem:s14+$0x7A00];
	v3 =	vpop (erf)  }
0x158: {  	v3 =	vmul.f32 v50, v3;
	v7 =	vadd.f32 v7, v55  }
0x159: {  	v56 =	vld [tilespmem:s14+$0x7C00];
	v57 =	vpop (erf)  }
0x15a: {  	v4 =	vmul.f32 v53, v57;
	v3 =	vadd.f32 v7, v3;
	v58, _, _ =	vpop (xrf2)  }
0x15b: {  	v59 =	vld [tilespmem:s14+$0x7E00];
	v60 =	vpop (erf);
	(v2sf) =	vpush v58, $0xF  }
0x15c: {  	v2 =	vmul.f32 v2, v60;
	v3 =	vadd.f32 v3, v4  }
0x15d: {  	v61 =	vpop (erf)  }
0x15e: {  	v2 =	vadd.f32 v3, v2;
	v3 =	vmul.f32 v56, v61  }
0x15f: {  	v62 =	vpop (erf)  }
0x160: {  	v2 =	vadd.f32 v2, v3;
	v3 =	vmul.f32 v59, v62;
	_ =	sdelay $0x1  }
0x161: {  	v2 =	vadd.f32 v2, v3;
	_ =	sdelay $0x1  }
0x162: {  	(erf) = vrcp.f32 v2;
	_ =	sdelay $0x1  }
0x163: {  	s9 =	spop (v2sf)  }
0x164: {  	s10 =	sadd.f32 s9, s1;
	v3 =	vsub.f32 v58, v6;
	_ =	sdelay $0x1  }
0x165: {  	v3 =	vadd.f32 s10, v3  }
0x166: {  	s11 =	spop (v2sf)  }
0x167: {  	v3 =	vtrunc.f32 v3;
	s1 =	sadd.f32 s11, s10  }
0x168: {  	v3 =	vcvt.f32.s32 v3  }
0x169: {  	vm15 =	vgt.f32 v2, $0.0e+00;
	v2 =	vpop (erf);
	s1 =	scvt.f32.s32 s1  }
0x16a: {  	[tilespmem:s14+$0xC480] =	vst v3;
	v2 =	vnsel vm15, $0x0, v2  }
0x16b: {  	s15 =	simm.s32 $0xC480;
	[tilespmem:s14+$0xC200] =	vst v2;
	v2 =	vmov s1  }
0x16c: {  	s19 =	simm.s32 $0x0;
	s20 =	rddreg [dreg:$0x9];
	s6 =	simm.s32 $0xC700;
	[tilespmem:v1+s15+$0x0] =	vst.idx.msk $0x1, v2  }
0x16d: {  	[tilespmem:s6], [sflag:$0x1] =	stream.linear.gather [hbm4b:s20+s19], $0xC40, $0x38;
	[tilespmem:$0x1BA80] =	vst v63  }
0x16e: {  	s21 =	rddreg [dreg:$0xa];
	s30 =	simm.s32 $0xD380  }
0x16f: {  	[tilespmem:s30], [sflag:$0x2] =	stream.linear.gather [hbm4b:s21+s19], $0xC40, $0x38;
	[tilespmem:$0x1BA80] =	vst v63  }
0x170: {  	_ =	swait.ge [sflag:s16], $0xC40  }
0x171: {  	[sflag:s16] =	ssyncset.done $0x0  }
0x172: {  	[sflag:s16] =	ssyncadd.s32 $0xFFFFF3C0  }
0x173: {  	_ =	swait.ge [sflag:s17], $0xC40  }
0x174: {  	[sflag:s17] =	ssyncset.done $0x0  }
0x175: {  	s1 =	simm.s32 $0x0;
	[sflag:s17] =	ssyncadd.s32 $0xFFFFF3C0  }
0x176: {  	v2 =	vld [tilespmem:s1+$0xC700];
	_ =	sdelay $0x6  }
0x177: {  	v63 =	vld [tilespmem:s1+$0xD380]  }
0x178: {  	v3 =	vld.idx.msk [tilespmem:v2+s22+$0x0], $0xffff;
	_ =	sdelay $0x4  }
0x179: {  	v3 =	vsub.f32 v63, v3;
	_ =	sdelay $0x1  }
0x17a: {  	v3 =	vmul.f32 $1.442695020e+00, v3;
	_ =	sdelay $0x1  }
0x17b: {  	(erf) = vpow2.f32 v3;
	_ =	sdelay $0x3  }
0x17c: {  	s3 =	simm.s32 $0x80;
	s6 =	simm.s32 $0x10;
	v2 =	vld.idx.msk [tilespmem:v2+s23+$0x0], $0xffff  }
.LBB2_4:
0x17d: {  	p0 =	sne.s32 s3, $0x30C0;
	v3 =	vld [tilespmem:s6+$0xC700];
	_ =	sdelay $0x3  }
0x17e: {  	v4 =	vpop (erf)  }
0x17f: {  	v2 =	vmul.f32 v4, v2;
	_ =	sdelay $0x1  }
0x180: {  	[tilespmem:s1+$0xE000] =	vst v2;
	s1 =	smov.u32 s6  }
0x181: {  	v2 =	vld.idx.msk [tilespmem:v3+s22+$0x0], $0xffff  }
0x182: {  	v4 =	vld [tilespmem:s1+$0xD380];
	_ =	sdelay $0x4  }
0x183: {  	v2 =	vsub.f32 v4, v2;
	_ =	sdelay $0x1  }
0x184: {  	v2 =	vmul.f32 $1.442695020e+00, v2;
	_ =	sdelay $0x1  }
.Ltmp3:
0x185: {  	(erf) = vpow2.f32 v2;
	(pc) =	sbr.rel @p0 .LBB2_4-.Ltmp3, $2  }
0x186: {  	_ =	sdelay $0x2  }
0x187: {  	s6 =	sshra.s32 s3, $0x2;
	s3 =	sadd.s32 $0x40, s3;
	v2 =	vld.idx.msk [tilespmem:v3+s23+$0x0], $0xffff  }
0x188: {  	v3 =	vld [tilespmem:s6+$0xC700];
	_ =	sdelay $0x3  }
0x189: {  	v4 =	vpop (erf)  }
0x18a: {  	v2 =	vmul.f32 v4, v2;
	_ =	sdelay $0x1  }
0x18b: {  	[tilespmem:s1+$0xE000] =	vst v2  }
0x18c: {  	v2 =	vld.idx.msk [tilespmem:v3+s22+$0x0], $0xffff  }
0x18d: {  	v63 =	vld [tilespmem:s6+$0xD380];
	_ =	sdelay $0x4  }
0x18e: {  	v2 =	vsub.f32 v63, v2;
	_ =	sdelay $0x1  }
0x18f: {  	v2 =	vmul.f32 $1.442695020e+00, v2;
	_ =	sdelay $0x1  }
0x190: {  	(erf) = vpow2.f32 v2;
	_ =	sdelay $0x4  }
0x191: {  	v2 =	vld.idx.msk [tilespmem:v3+s23+$0x0], $0xffff;
	_ =	sdelay $0x3  }
0x192: {  	v3 =	vpop (erf)  }
0x193: {  	v2 =	vmul.f32 v3, v2  }
0x194: {  	s3 =	rddreg [dreg:$0xb]  }
.Ltmp4:
0x195: {  	s30 =	simm.s32 $0xE000;
	s1 =	simm.s32 $0x0;
	[tilespmem:s6+$0xE000] =	vst v2;
	(pc) =	sbr.rel .LBB2_6-.Ltmp4, $4  }
0x196: {  	[hbm4b:s3+s1] =	stream.linear.scatter [tilespmem:s30], [sflag:$0x4], $0xC40, $0x38;
	[tilespmem:$0x1BA80] =	vst v63  }
0x197: {  	_ =	swait.ge [sflag:s25], $0xC40  }
0x198: {  	[sflag:s25] =	ssyncset.done $0x0  }
0x199: {  	[sflag:s25] =	ssyncadd.s32 $0xFFFFF3C0  }
.LBB2_7:
0x19a: {  	v9 =	vimm.f32 $0.0e+00;
	v8 =	vimm.f32 $0.0e+00  }
0x19b: {  	v7 =	vimm.f32 $0.0e+00;
	v6 =	vimm.f32 $0.0e+00;
	v5 =	vimm.f32 $0.0e+00  }
0x19c: {  	v4 =	vimm.f32 $0.0e+00;
	v3 =	vimm.f32 $0.0e+00;
	v2 =	vimm.f32 $0.0e+00  }
.LBB2_16:
0x19d: {  	s3 =	sshll.u32 s1, $0x7  }
0x19e: {  	s3 =	sand.u32 $0x3FFFFF80, s3  }
0x19f: {  	[tilespmem:s3+$0x1B280] =	vst v9  }
0x1a0: {  	s1 =	sadd.s32 $0x1, s1;
	[tilespmem:s3+$0x1B290] =	vst v8  }
0x1a1: {  	p0 =	sne.s32 s1, $0x10;
	[tilespmem:s3+$0x1B2A0] =	vst v7  }
.Ltmp5:
0x1a2: {  	[tilespmem:s3+$0x1B2B0] =	vst v6;
	(pc) =	sbr.rel @!p0 .LBB2_17-.Ltmp5, $4  }
0x1a3: {  	[tilespmem:s3+$0x1B2C0] =	vst v5  }
0x1a4: {  	[tilespmem:s3+$0x1B2D0] =	vst v4  }
0x1a5: {  	[tilespmem:s3+$0x1B2E0] =	vst v3  }
0x1a6: {  	[tilespmem:s3+$0x1B2F0] =	vst v2  }
.LBB2_6:
0x1a7: {  	_ =	sdelay $0x3  }
0x1a8: {  	v2 =	vld.idx.msk [tilespmem:v0+s1+$0x0 ss:$0x1], $0xffff  }
0x1a9: {  	v3 =	vld.idx.msk [tilespmem:v0+s1+$0x1 ss:$0x1], $0xffff;
	_ =	sdelay $0x3  }
0x1aa: {  	(v2sf) =	vpush v2, $0x0  }
0x1ab: {  	(v2sf) =	vpush v3, $0x0;
	_ =	sdelay $0xd  }
0x1ac: {  	s3 =	spop (v2sf)  }
0x1ad: {  	s14 =	spop (v2sf)  }
0x1ae: {  	s15 =	ssub.s32 s14, s3  }
0x1af: {  	s6 =	sadd.s32 $0x177, s15  }
0x1b0: {  	s7 =	smulhi.u32 $0xAE4C415D, s6;
	s8 =	sshra.s32 s6, $0x1F  }
0x1b1: {  	s9 =	ssub.s32 $0xFFFFFE89, s15;
	s8 =	smul.u32 $0xAE4C415D, s8  }
0x1b2: {  	s7 =	sadd.s32 s9, s7  }
0x1b3: {  	s7 =	sadd.s32 s8, s7  }
0x1b4: {  	s7 =	sadd.s32 s6, s7  }
0x1b5: {  	s30 =	sshrl.u32 s7, $0x1F;
	s7 =	sshra.s32 s7, $0x8  }
0x1b6: {  	s7 =	sadd.s32 s30, s7  }
0x1b7: {  	s8 =	smul.u32 $0xFFFFFE88, s7;
	_ =	sdelay $0x1  }
0x1b8: {  	p0 =	slt.s32 s6, $0x1;
	p1 =	sne.s32 s8, s9  }
0x1b9: {  	p0 =	por !p0, !p1  }
0x1ba: {  	s6 =	simm.s32 $0x1;
	p0 =	por !p0, !p0  }
0x1bb: {  	s6 =	simm.s32 @!p0 $0x0  }
0x1bc: {  	s19 =	ssub.s32 s7, s6  }
0x1bd: {  	p0 =	slt.s32 s19, $0x1  }
.Ltmp6:
0x1be: {  	_ = 	snop;
	(pc) =	sbr.rel @p0 .LBB2_7-.Ltmp6, $1  }
0x1bf: {  	_ =	sdelay $0x3  }
.Ltmp7:
0x1c0: {  	(pc) =	sbr.rel .LBB2_9-.Ltmp7, $4  }
0x1c1: {  	_ = 	snop  }
0x1c2: {  	s6 =	sshll.u32 s3, $0x2;
	s7 =	sshll.u32 s3, $0x9;
	v2 =	vimm.f32 $0.0e+00;
	v3 =	vimm.f32 $0.0e+00;
	s8 =	sand.u32 $0x7, s3  }
0x1c3: {  	v4 =	vimm.f32 $0.0e+00;
	v5 =	vimm.f32 $0.0e+00;
	v6 =	vimm.f32 $0.0e+00;
	s30 =	simm.s32 $0x0;
	s6 =	sshra.s32 s6, $0x2;
	s7 =	sshra.s32 s7, $0x2  }
0x1c4: {  	v7 =	vimm.f32 $0.0e+00;
	v8 =	vimm.f32 $0.0e+00;
	v9 =	vimm.f32 $0.0e+00;
	p0 =	sne.s32 s8, $0x0;
	s20 =	sadd.s32 $0x1B080, s6;
	s21 =	sadd.s32 $0xEC80, s7  }
.LBB2_14:
0x1c5: {  	v11 =	vmul.f32 v17, v10  }
0x1c6: {  	v15 =	vmul.f32 v15, v10;
	v62 =	vmul.f32 v13, v10;
	v2 =	vadd.f32 v19, v2  }
0x1c7: {  	v63 =	vmul.f32 v14, v10;
	v9 =	vadd.f32 v18, v9;
	v8 =	vadd.f32 v11, v8  }
0x1c8: {  	v11 =	vmul.f32 v12, v10;
	v7 =	vadd.f32 v15, v7;
	v10 =	vmul.f32 v16, v10  }
0x1c9: {  	v5 =	vadd.f32 v62, v5;
	v4 =	vadd.f32 v63, v4  }
0x1ca: {  	v6 =	vadd.f32 v11, v6;
	v3 =	vadd.f32 v10, v3  }
.LBB2_15:
0x1cb: {  	s30 =	sadd.s32 $0x1, s30  }
0x1cc: {  	p1 =	sne.s32 s30, s19  }
.Ltmp8:
0x1cd: {  	_ = 	snop;
	(pc) =	sbr.rel @!p1 .LBB2_16-.Ltmp8, $2  }
0x1ce: {  	_ =	sdelay $0x2  }
0x1cf: {  	s15 =	sadd.s32 $0xFFFFFE88, s15;
	s20 =	sadd.s32 $0x178, s20;
	s21 =	sadd.s32 $0xBC00, s21  }
.LBB2_9:
0x1d0: {  	s6 =	smul.u32 $0x178, s30;
	_ =	sdelay $0x1  }
0x1d1: {  	s7 =	sadd.s32 s3, s6  }
0x1d2: {  	s6 =	sshra.s32 s7, $0x1F;
	p1 =	slt.s32 s7, $0x1  }
0x1d3: {  	s6 =	sshrl.u32 s6, $0x1D;
	p1 =	por !p0, !p1  }
0x1d4: {  	s8 =	simm.s32 $0x1;
	s6 =	sadd.s32 s6, s7;
	p1 =	por !p1, !p1  }
0x1d5: {  	s6 =	sshrl.u32 s6, $0x3;
	s8 =	simm.s32 @!p1 $0x0  }
0x1d6: {  	s6 =	ssub.s32 s6, s8  }
0x1d7: {  	s8 =	sshll.u32 s6, $0x3  }
0x1d8: {  	p1 =	slt.s32 s8, $0x18520  }
0x1d9: {  	s8 =	simm.s32 @!p1 $0x18520  }
0x1da: {  	s10 =	sshll.u32 s8, $0x4  }
0x1db: {  	s11 =	sshrl.u32 s8, $0x3;
	s6 =	sadd.s32 s0, s10  }
0x1dc: {  	[tilespmem:s26], [sflag:$0x1] =	stream.linear.gather [hbm4b:s6+s24], $0xC000, $0x38;
	[tilespmem:$0x1BA80] =	vst v63  }
0x1dd: {  	s9 =	sadd.s32 s2, s11  }
0x1de: {  	[tilespmem:s28], [sflag:$0x2] =	stream.linear.gather [hbm4b:s9+s24], $0x180, $0x38;
	[tilespmem:$0x1BA80] =	vst v63  }
0x1df: {  	s6 =	sadd.s32 s5, s11  }
0x1e0: {  	[tilespmem:s29], [sflag:$0x3] =	stream.linear.gather [hbm4b:s6+s24], $0x180, $0x38;
	[tilespmem:$0x1BA80] =	vst v63  }
0x1e1: {  	_ =	swait.ge [sflag:s16], $0xC000  }
0x1e2: {  	[sflag:s16] =	ssyncset.done $0x0  }
0x1e3: {  	[sflag:s16] =	ssyncadd.s32 $0xFFFF4000  }
0x1e4: {  	_ =	swait.ge [sflag:s17], $0x180  }
0x1e5: {  	[sflag:s17] =	ssyncset.done $0x0  }
0x1e6: {  	[sflag:s17] =	ssyncadd.s32 $0xFFFFFE80  }
0x1e7: {  	_ =	swait.ge [sflag:s18], $0x180  }
0x1e8: {  	[sflag:s18] =	ssyncset.done $0x0  }
0x1e9: {  	s9 =	simm.s32 $0x0;
	[sflag:s18] =	ssyncadd.s32 $0xFFFFFE80  }
0x1ea: {  	v10 =	vld [tilespmem:s9+$0x1AC80];
	_ =	sdelay $0x4  }
0x1eb: {  	vm0 =	vgt.s32 v10, $0x0  }
0x1ec: {  	v10 =	vnsel vm0, $0x0, v10  }
0x1ed: {  	v10 =	vmin.u32 v10, $0x1FF;
	_ =	sdelay $0x3  }
0x1ee: {  	v12 =	vld [tilespmem:s9+$0x1AE80]  }
0x1ef: {  	v11 =	vld.idx.msk [tilespmem:v10+s22+$0x0], $0xffff;
	_ =	sdelay $0x4  }
0x1f0: {  	v11 =	vsub.f32 v12, v11  }
0x1f1: {  	p1 =	sgt.s32 s15, $0x1;
	s6 =	smov.u32 s15  }
0x1f2: {  	s6 =	simm.s32 @!p1 $0x1;
	v11 =	vmul.f32 $1.442695020e+00, v11  }
0x1f3: {  	s6 =	smin.u32 s6, $0x178  }
0x1f4: {  	s10 =	simm.s32 $0x10;
	s11 =	simm.s32 $0x80;
	s6 =	sshll.u32 s6, $0x9;
	(erf) = vpow2.f32 v11  }
.LBB2_10:
0x1f5: {  	p1 =	sne.s32 s11, $0x5C0;
	v11 =	vld [tilespmem:s10+$0x1AC80];
	_ =	sdelay $0x2  }
0x1f6: {  	v12 =	vld.idx.msk [tilespmem:v10+s23+$0x0], $0xffff;
	_ =	sdelay $0x1  }
0x1f7: {  	vm0 =	vgt.s32 v11, $0x0  }
0x1f8: {  	v10 =	vnsel vm0, $0x0, v11  }
0x1f9: {  	v10 =	vmin.u32 v10, $0x1FF  }
0x1fa: {  	v11 =	vpop (erf)  }
0x1fb: {  	v11 =	vmul.f32 v11, v12;
	_ =	sdelay $0x1  }
0x1fc: {  	[tilespmem:s9+$0x1B080] =	vst v11;
	s9 =	smov.u32 s10  }
0x1fd: {  	v11 =	vld.idx.msk [tilespmem:v10+s22+$0x0], $0xffff  }
0x1fe: {  	v12 =	vld [tilespmem:s9+$0x1AE80];
	_ =	sdelay $0x4  }
.Ltmp9:
0x1ff: {  	v11 =	vsub.f32 v12, v11;
	(pc) =	sbr.rel @p1 .LBB2_10-.Ltmp9, $3  }
0x200: {  	_ = 	snop  }
0x201: {  	v11 =	vmul.f32 $1.442695020e+00, v11;
	_ =	sdelay $0x1  }
0x202: {  	s10 =	sshra.s32 s11, $0x2;
	s11 =	sadd.s32 $0x40, s11;
	(erf) = vpow2.f32 v11  }
0x203: {  	v11 =	vld [tilespmem:s10+$0x1AC80];
	_ =	sdelay $0x3  }
0x204: {  	v10 =	vld.idx.msk [tilespmem:v10+s23+$0x0], $0xffff  }
0x205: {  	vm0 =	vgt.s32 v11, $0x0  }
0x206: {  	v11 =	vnsel vm0, $0x0, v11  }
0x207: {  	v11 =	vmin.u32 v11, $0x1FF  }
0x208: {  	v12 =	vpop (erf)  }
0x209: {  	v10 =	vmul.f32 v12, v10;
	_ =	sdelay $0x1  }
0x20a: {  	[tilespmem:s9+$0x1B080] =	vst v10  }
0x20b: {  	v10 =	vld.idx.msk [tilespmem:v11+s22+$0x0], $0xffff  }
0x20c: {  	v63 =	vld [tilespmem:s10+$0x1AE80];
	_ =	sdelay $0x4  }
0x20d: {  	v10 =	vsub.f32 v63, v10;
	_ =	sdelay $0x1  }
0x20e: {  	v10 =	vmul.f32 $1.442695020e+00, v10;
	_ =	sdelay $0x1  }
0x20f: {  	(erf) = vpow2.f32 v10;
	_ =	sdelay $0x4  }
0x210: {  	v10 =	vld.idx.msk [tilespmem:v11+s23+$0x0], $0xffff  }
0x211: {  	s7 =	ssub.s32 s14, s7  }
0x212: {  	p1 =	slt.s32 s7, $0x1  }
.Ltmp10:
0x213: {  	_ = 	snop;
	(pc) =	sbr.rel @p1 .LBB2_15-.Ltmp10, $3  }
0x214: {  	v11 =	vpop (erf)  }
0x215: {  	v10 =	vmul.f32 v11, v10;
	_ =	sdelay $0x1  }
0x216: {  	[tilespmem:s10+$0x1B080] =	vst v10  }
0x217: {  	s7 =	sshll.u32 s8, $0x9  }
0x218: {  	s7 =	ssub.s32 $0x0, s7  }
0x219: {  	s7 =	sshra.s32 s7, $0x2  }
0x21a: {  	s7 =	sadd.s32 s7, s21  }
0x21b: {  	s9 =	sshll.u32 s8, $0x2;
	v11 =	vmov s7  }
0x21c: {  	s10 =	ssub.s32 $0x0, s9  }
0x21d: {  	s7 =	sshra.s32 s10, $0x2  }
0x21e: {  	s11 =	sadd.s32 s7, s20  }
0x21f: {  	s9 =	simm.s32 $0x0;
	v10 =	vld.msk [tilespmem:s11+$0x0 ss:$0x0], $0xffff  }
0x220: {  	v16 =	vld.idx.msk [tilespmem:v11+s9+$0x70 ss:$0x1], $0xffff  }
0x221: {  	v18 =	vld.idx.msk [tilespmem:v11+s9+$0x0 ss:$0x1], $0xffff  }
0x222: {  	v17 =	vld.idx.msk [tilespmem:v11+s9+$0x10 ss:$0x1], $0xffff  }
0x223: {  	p1 =	sne.s32 s6, $0x200;
	v15 =	vld.idx.msk [tilespmem:v11+s9+$0x20 ss:$0x1], $0xffff  }
.Ltmp11:
0x224: {  	v12 =	vld.idx.msk [tilespmem:v11+s9+$0x30 ss:$0x1], $0xffff;
	(pc) =	sbr.rel @!p1 .LBB2_14-.Ltmp11, $4  }
0x225: {  	v13 =	vld.idx.msk [tilespmem:v11+s9+$0x40 ss:$0x1], $0xffff  }
0x226: {  	v14 =	vld.idx.msk [tilespmem:v11+s9+$0x50 ss:$0x1], $0xffff  }
0x227: {  	v19 =	vmul.f32 v16, v10;
	v16 =	vld.idx.msk [tilespmem:v11+s9+$0x60 ss:$0x1], $0xffff  }
0x228: {  	s7 =	simm.s32 $0x200;
	s8 =	sadd.s32 $0x1, s11;
	v18 =	vmul.f32 v18, v10  }
.LBB2_13:
0x229: {  	v20 =	vld.msk [tilespmem:s8+$0x0 ss:$0x0], $0xffff;
	s9 =	sshra.s32 s7, $0x2;
	s7 =	sadd.s32 $0x200, s7;
	v17 =	vmul.f32 v17, v10;
	v2 =	vadd.f32 v19, v2  }
0x22a: {  	v9 =	vadd.f32 v18, v9;
	v15 =	vmul.f32 v15, v10;
	v19 =	vld.idx.msk [tilespmem:v11+s9+$0x70 ss:$0x1], $0xffff;
	p1 =	sne.s32 s6, s7  }
0x22b: {  	v12 =	vmul.f32 v12, v10;
	v18 =	vld.idx.msk [tilespmem:v11+s9+$0x0 ss:$0x1], $0xffff;
	v8 =	vadd.f32 v17, v8  }
0x22c: {  	v13 =	vmul.f32 v13, v10;
	v7 =	vadd.f32 v15, v7;
	v17 =	vld.idx.msk [tilespmem:v11+s9+$0x10 ss:$0x1], $0xffff  }
.Ltmp12:
0x22d: {  	v14 =	vmul.f32 v14, v10;
	v6 =	vadd.f32 v12, v6;
	v15 =	vld.idx.msk [tilespmem:v11+s9+$0x20 ss:$0x1], $0xffff;
	(pc) =	sbr.rel @p1 .LBB2_13-.Ltmp12, $4  }
0x22e: {  	v16 =	vmul.f32 v16, v10;
	v5 =	vadd.f32 v13, v5;
	v12 =	vld.idx.msk [tilespmem:v11+s9+$0x30 ss:$0x1], $0xffff  }
0x22f: {  	v4 =	vadd.f32 v14, v4;
	v10 =	vmov v20;
	v13 =	vld.idx.msk [tilespmem:v11+s9+$0x40 ss:$0x1], $0xffff  }
0x230: {  	v3 =	vadd.f32 v16, v3;
	v19 =	vmul.f32 v19, v10;
	v14 =	vld.idx.msk [tilespmem:v11+s9+$0x50 ss:$0x1], $0xffff  }
0x231: {  	s8 =	sadd.s32 $0x1, s8;
	v18 =	vmul.f32 v18, v10;
	v16 =	vld.idx.msk [tilespmem:v11+s9+$0x60 ss:$0x1], $0xffff  }
.Ltmp13:
0x232: {  	_ = 	snop;
	(pc) =	sbr.rel .LBB2_14-.Ltmp13, $1  }
0x233: {  	_ =	sdelay $0x3  }
.LBB2_18:
0x234: {  	_ =	sfence.sel $0x180000  }
0x235: {  	[bflag:$0x0] =	sbarrier.arrive $0xFFFF  }
0x236: {  	_ =	strace $0x9000004A  }
0x237: {  	s0 =	stileid.u32;
	[bflag:$0x2] =	sbarrier.arrive $0xFFFF  }
0x238: {  	p0 =	sne.s32 s0, $0x0;
	s0 =	rddreg [dreg:$0x5]  }
0x239: {  	s0 =	sadd.s32 @!p0 $0x100000, s0  }
0x23a: {  	[sflag:s0] =	ssyncadd.tile.s32 @!p0 $0x1;
	_ =	shalt  }
.Lfunc_end2:
_tile_overlayer_lowered:
.L_overlay_start_2:
0x23b: {  	(tag) =	ssettag $0x2  }
0x23c: {  	s0 =	rddreg [dreg:$0x0];
	s2 =	stileid.u32  }
0x23d: {  	s1 =	rddreg [dreg:$0x1];
	p0 =	sne.s32 s2, $0x0  }
0x23e: {  	s3 =	rddreg [dreg:$0x2];
	[bflag:$0x3] =	sbarrier.arrive $0xFFFF;
	s2 =	simm.s32 @!p0 $0x1C04  }
0x23f: {  	[timem:s3], [sflag:s2] =	dma.local @!p0 [hbm:s0], s1  }
0x240: {  	s0 =	simm.s32 @!p0 $0x4  }
0x241: {  	_ =	swait.ge @!p0 [sflag:s0], s1  }
0x242: {  	s1 =	ssub.s32 @!p0 $0x0, s1;
	[sflag:s0] =	ssyncset.done @!p0 $0x0  }
0x243: {  	[sflag:s0] =	ssyncadd.s32 @!p0 s1  }
0x244: {  	[bflag:$0x3] =	sbarrier.arrive $0xFFFF  }
0x245: {  	_ =	shalt  }

</sc_bundles>
